<compile_context>
chip_gen: v7x
topology: tpu7x:2x2x1
jax: 0.10.2.dev20260603
libtpu: 0.0.44.dev20260713+nightly
codegen_flags: <defaults>
</compile_context>

<pallas_src>
import functools

import numpy as np
import jax
import jax.numpy as jnp
from jax import lax
from jax.experimental import pallas as pl
from jax.experimental.pallas import tpu as pltpu
from jax.experimental.pallas import tpu_sc as plsc

_CONFIGS = [(3, 32, 8, 1, -1), (32, 64, 8, 2, -1), (64, 96, 8, 4, -1),
            (96, 128, 12, 4, 120), (128, 160, 12, 6, 120)]

_B, _N0 = 16, 1024
_I32MAX = np.int32(2**31 - 1)
_NW = 32
_CHUNK = 128

def _dims():
    out, N = [], _N0
    for (Cin, Cout, K, D, P) in _CONFIGS:
        Cx, Cmid = Cout // 2, Cout // 4
        dm = min(int(np.ceil(Cout / float(Cin))), 4)
        sub = 0 < P < N
        Pn = P if sub else N
        Dw = ((3 + (0 if Cin == 3 else Cx)) + 15) // 16 * 16
        out.append((K, D, Pn, N, Cx, Cmid, dm, Cmid + Cx, Cout, Dw, sub))
        N = Pn
    return out

_DIMS = _dims()
_SEL4 = np.random.RandomState(103).choice(_N0, 120, replace=False)


def _elu(x):
    return jnp.where(x > 0, x, jnp.exp(x) - 1.0)


def _full_specs(arrs):
    return [pl.BlockSpec(a.shape, lambda i, nd=a.ndim: (0,) * nd)
            for a in arrs]



def _extract_idx(d2, K, D):
    P, N = d2.shape
    bits = lax.bitcast_convert_type(d2, jnp.int32)
    enc = jnp.where(bits < 0, bits ^ np.int32(0x7FFFFFFF), bits)
    iota = lax.broadcasted_iota(jnp.int32, (P, N), 1)
    enc = (enc & np.int32(~1023)) | iota
    cols = []
    t_last = 1 + (K - 1) * D
    for t in range(t_last + 1):
        m = jnp.min(enc, axis=1, keepdims=True)
        if t < t_last:
            enc = jnp.where(enc == m, _I32MAX, enc)
        if t >= 1 and (t - 1) % D == 0:
            cols.append(m & np.int32(1023))
    return jnp.concatenate(cols, axis=1)


def _tca_body(x_ref, xT_ref, selO_ref, selT_ref, *idx_refs):
    b = pl.program_id(0)
    pts, ptsT = x_ref[0], xT_ref[0]
    for li, (K, D, P, N, *_rest) in enumerate(_DIMS):
        sub = _DIMS[li][10]
        if sub:
            rep = jnp.dot(selO_ref[...], pts, preferred_element_type=jnp.float32)
            repT = jnp.dot(ptsT, selT_ref[...], preferred_element_type=jnp.float32)
        else:
            rep, repT = pts, ptsT
        rr = jnp.sum(rep * rep, axis=1, keepdims=True)
        cc = jnp.sum(ptsT * ptsT, axis=0, keepdims=True)
        d2 = (rr - 2.0 * jnp.dot(rep, ptsT, preferred_element_type=jnp.float32)) + cc
        idx = _extract_idx(d2, K, D)
        idx_refs[li][0] = idx + b * N
        pts, ptsT = rep, repT


def _run_tca(x, xT, selO, selT):
    out_shapes = [jax.ShapeDtypeStruct((_B, d[2], d[0]), jnp.int32)
                  for d in _DIMS]
    out_specs = [pl.BlockSpec((1, d[2], d[0]), lambda i: (i, 0, 0))
                 for d in _DIMS]
    return pl.pallas_call(
        _tca_body,
        grid=(_B,),
        in_specs=[pl.BlockSpec((1, _N0, 3), lambda i: (i, 0, 0)),
                  pl.BlockSpec((1, 3, _N0), lambda i: (i, 0, 0)),
                  *_full_specs([selO, selT])],
        out_specs=out_specs,
        out_shape=out_shapes,
    )(x, xT, selO, selT)



def _sc_gather(table, idx3, n_pad, Dw):
    n_chunks = n_pad // (_NW * _CHUNK)
    mesh = plsc.VectorSubcoreMesh(core_axis_name="c", subcore_axis_name="s")

    G = 4 if n_chunks % 4 == 0 else 2

    @functools.partial(
        pl.kernel, mesh=mesh,
        compiler_params=pltpu.CompilerParams(use_tc_tiling_on_sc=False),
        out_type=jax.ShapeDtypeStruct((n_pad, Dw), jnp.float32),
        scratch_types=[
            pltpu.VMEM((n_chunks, _CHUNK), jnp.int32),
            *([pltpu.VMEM((_CHUNK, Dw), jnp.float32)] * G),
            *([pltpu.SemaphoreType.DMA] * G),
        ],
    )
    def k(table_hbm, idx_hbm, out_hbm, idx_v, *bufsem):
        bufs, sems = bufsem[:G], bufsem[G:]
        wid = lax.axis_index("s") * 2 + lax.axis_index("c")
        pltpu.sync_copy(idx_hbm.at[wid], idx_v)
        base = wid * n_chunks * _CHUNK

        def body(t, carry):
            cps = [pltpu.async_copy(table_hbm.at[idx_v.at[G * t + h]],
                                    bufs[h], sems[h]) for h in range(G)]
            for h in range(G):
                cps[h].wait()
                pltpu.sync_copy(
                    bufs[h],
                    out_hbm.at[pl.ds(base + (G * t + h) * _CHUNK, _CHUNK)])
            return carry

        lax.fori_loop(0, n_chunks // G, body, 0)

    return k(table, idx3)


def _idx_layout(idx, KP_total):
    B, P, K = idx.shape
    flat = jnp.transpose(idx, (0, 2, 1)).reshape(B * K * P)
    per_w = B * K * P // _NW
    n_pad = KP_total
    per_w_pad = n_pad // _NW
    fw = flat.reshape(_NW, per_w)
    if per_w_pad != per_w:
        fw = jnp.pad(fw, ((0, 0), (0, per_w_pad - per_w)))
    return fw.reshape(_NW, per_w_pad // _CHUNK, _CHUNK)


def _gath_unpad(g, B, P, K, Dw):
    real = B * K * P
    if g.shape[0] != real:
        per_w_pad = g.shape[0] // _NW
        per_w = real // _NW
        g = g.reshape(_NW, per_w_pad, Dw)[:, :per_w].reshape(real, Dw)
    return g.reshape(B, K * P, Dw)



def _xconv_math(gath, rep, K, P, Cx, Cmid, dm, Csep, w, lift1_b):
    (d1W, d1b, d2W, d2b, xcW, xcb, xd1W, xd1b, xd2W, xd2b,
     dwW, dwb, pwT) = w
    KP = K * P
    rep_t = jnp.broadcast_to(rep[None], (K, P, 3)).reshape(KP, 3)
    pl_all = gath[:, :3] - rep_t
    f = _elu(jnp.dot(pl_all, d1W, preferred_element_type=jnp.float32) + d1b)
    f = _elu(jnp.dot(f, d2W, preferred_element_type=jnp.float32) + d2b)
    cat_k = []
    for k in range(K):
        if lift1_b is not None:
            ftsg = jnp.broadcast_to(_elu(lift1_b), (P, Cx))
        else:
            ftsg = gath[k * P:(k + 1) * P, 3:3 + Cx]
        cat_k.append(jnp.concatenate([f[k * P:(k + 1) * P], ftsg], axis=1))
    pl_flat = jnp.concatenate([pl_all[k * P:(k + 1) * P] for k in range(K)],
                              axis=1)
    X = _elu(jnp.dot(pl_flat, xcW, preferred_element_type=jnp.float32) + xcb)
    X = _elu(jnp.dot(X, xd1W, preferred_element_type=jnp.float32) + xd1b)
    X = jnp.dot(X, xd2W, preferred_element_type=jnp.float32) + xd2b
    G = jnp.dot(X, dwW, preferred_element_type=jnp.float32)
    mids = []
    for m in range(dm):
        acc = G[:, m * K * Csep:m * K * Csep + Csep] * cat_k[0]
        for j in range(1, K):
            o = m * K * Csep + j * Csep
            acc = acc + G[:, o:o + Csep] * cat_k[j]
        mids.append(acc)
    mid = jnp.concatenate(mids, axis=1) + dwb
    return _elu(jnp.dot(mid, pwT, preferred_element_type=jnp.float32))


def _tcx_body(li, nw, x_is_last, gath_ref, rep_ref, *rest):
    (K, D, P, N, Cx, Cmid, dm, Csep, Cout, Dw, sub) = _DIMS[li]
    w_refs = rest[:nw]
    out_ref = rest[nw]
    w = [r[...] for r in w_refs[:13]]
    lift1_b = w_refs[13][...] if li == 0 else None
    gath = gath_ref[0]
    rep = rep_ref[0]
    fts = _xconv_math(gath, rep, K, P, Cx, Cmid, dm, Csep, w, lift1_b)
    if x_is_last:
        W1, b1, W2, b2, W3, b3 = (r[...] for r in w_refs[-6:])
        h = _elu(jnp.dot(fts, W1, preferred_element_type=jnp.float32) + b1)
        h = _elu(jnp.dot(h, W2, preferred_element_type=jnp.float32) + b2)
        logits = jnp.dot(h, W3, preferred_element_type=jnp.float32) + b3
        out_ref[0] = jnp.mean(logits, axis=0, keepdims=True)
    else:
        dW, db = (r[...] for r in w_refs[-2:])
        lift = _elu(jnp.dot(fts, dW, preferred_element_type=jnp.float32) + db)
        DwN = _DIMS[li + 1][9]
        pad = DwN - 3 - lift.shape[1]
        out_ref[0] = jnp.concatenate(
            [rep, lift, jnp.zeros((P, pad), jnp.float32)], axis=1)


def _run_tcx(li, gath, rep, warrs, out_shape):
    (K, D, P, N, Cx, Cmid, dm, Csep, Cout, Dw, sub) = _DIMS[li]
    x_is_last = (li == len(_DIMS) - 1)
    body = functools.partial(_tcx_body, li, len(warrs), x_is_last)
    return pl.pallas_call(
        body,
        grid=(_B,),
        in_specs=[pl.BlockSpec((1, K * P, Dw), lambda i: (i, 0, 0)),
                  pl.BlockSpec((1, P, 3), lambda i: (i, 0, 0)),
                  *_full_specs(warrs)],
        out_specs=pl.BlockSpec((1,) + out_shape[1:], lambda i: (i, 0, 0)),
        out_shape=jax.ShapeDtypeStruct(out_shape, jnp.float32),
    )(gath, rep, *warrs)


def _tcx45_body(nw, gath_ref, rep_ref, idx5_ref, *rest):
    (K4, D4, P4, N4, Cx4, Cmid4, dm4, Csep4, Cout4, Dw4, _s4) = _DIMS[3]
    (K5, D5, P5, N5, Cx5, Cmid5, dm5, Csep5, Cout5, Dw5, _s5) = _DIMS[4]
    w_refs = rest[:nw]
    out_ref = rest[nw]
    b = pl.program_id(0)
    w4 = [r[...] for r in w_refs[:13]]
    dW5, db5 = (r[...] for r in w_refs[13:15])
    w5 = [r[...] for r in w_refs[15:28]]
    W1, b1, W2, b2, W3, b3 = (r[...] for r in w_refs[28:34])
    rep = rep_ref[0]
    fts5 = _xconv_math(gath_ref[0], rep, K4, P4, Cx4, Cmid4, dm4, Csep4,
                       w4, None)
    lift5 = _elu(jnp.dot(fts5, dW5, preferred_element_type=jnp.float32) + db5)
    tbl5 = jnp.concatenate([rep, lift5], axis=1)
    idx5 = idx5_ref[0] - b * N5
    iotaN = lax.broadcasted_iota(jnp.int32, (P5, N5), 1)
    gs = []
    for k in range(K5):
        oh = (iotaN == idx5[:, k:k + 1]).astype(jnp.float32)
        gs.append(jnp.dot(oh, tbl5, preferred_element_type=jnp.float32))
    gath5 = jnp.concatenate(gs, axis=0)
    fts6 = _xconv_math(gath5, rep, K5, P5, Cx5, Cmid5, dm5, Csep5, w5, None)
    h = _elu(jnp.dot(fts6, W1, preferred_element_type=jnp.float32) + b1)
    h = _elu(jnp.dot(h, W2, preferred_element_type=jnp.float32) + b2)
    logits = jnp.dot(h, W3, preferred_element_type=jnp.float32) + b3
    out_ref[0] = jnp.mean(logits, axis=0, keepdims=True)


def _run_tcx45(gath, rep, idx5, warrs):
    (K4, D4, P4, N4, Cx4, Cmid4, dm4, Csep4, Cout4, Dw4, _s4) = _DIMS[3]
    body = functools.partial(_tcx45_body, len(warrs))
    return pl.pallas_call(
        body,
        grid=(_B,),
        in_specs=[pl.BlockSpec((1, K4 * P4, Dw4), lambda i: (i, 0, 0)),
                  pl.BlockSpec((1, P4, 3), lambda i: (i, 0, 0)),
                  pl.BlockSpec((1, 120, 12), lambda i: (i, 0, 0)),
                  *_full_specs(warrs)],
        out_specs=pl.BlockSpec((1, 1, 40), lambda i: (i, 0, 0)),
        out_shape=jax.ShapeDtypeStruct((_B, 1, 40), jnp.float32),
    )(gath, rep, idx5, *warrs)



def _layer_w(params, li):
    (K, D, P, N, Cx, Cmid, dm, Csep, Cout, Dw, sub) = _DIMS[li]
    p = params['layers'][li]
    xcW = jnp.transpose(p['xc_W'], (2, 1, 0)).reshape(3 * K, K * K)
    perm = np.arange(K * K).reshape(K, K).T.reshape(-1)
    xd2Wp = p['xd2_W'][:, perm]
    xd2bp = p['xd2_b'][perm].reshape(1, -1)
    A = jnp.transpose(p['dw_W'], (1, 2, 0))
    eye = jnp.eye(K, dtype=jnp.float32)
    BD = jnp.concatenate([jnp.kron(eye, A[m]) for m in range(dm)], axis=1)
    dwb = p['dw_b'].reshape(Csep, dm).T.reshape(1, dm * Csep)
    pwT = p['pw_W'].T.reshape(Csep, dm, Cout).transpose(1, 0, 2).reshape(dm * Csep, Cout)
    return [p['d1_W'], p['d1_b'].reshape(1, -1),
            p['d2_W'], p['d2_b'].reshape(1, -1),
            xcW, p['xc_b'].reshape(1, -1),
            p['xd1_W'], p['xd1_b'].reshape(1, -1),
            xd2Wp, xd2bp,
            BD, dwb, pwT]


def kernel(x, params):
    xT = jnp.transpose(x, (0, 2, 1))
    selO = np.zeros((120, _N0), np.float32)
    selO[np.arange(120), _SEL4] = 1.0
    selT = jnp.asarray(selO.T)
    selO = jnp.asarray(selO)
    rep45 = x[:, jnp.asarray(_SEL4), :]

    idxs = _run_tca(x, xT, selO, selT)

    n_pads = []
    for (K, D, P, N, *_r) in _DIMS:
        real = _B * K * P
        n_pads.append(-(-real // (_NW * _CHUNK)) * (_NW * _CHUNK))

    tbl = jnp.pad(x.reshape(_B * _N0, 3), ((0, 0), (0, _DIMS[0][9] - 3)))
    rep = x
    fc = params['fc']
    for li in range(4):
        (K, D, P, N, Cx, Cmid, dm, Csep, Cout, Dw, sub) = _DIMS[li]
        g = _sc_gather(tbl, _idx_layout(idxs[li], n_pads[li]), n_pads[li], Dw)
        g = _gath_unpad(g, _B, P, K, Dw)
        warrs = _layer_w(params, li)
        if li == 0:
            warrs = warrs + [params['layers'][0]['dense_b'].reshape(1, -1)]
        this_rep = rep if li < 3 else rep45
        if li < 3:
            warrs = warrs + [params['layers'][li + 1]['dense_W'],
                             params['layers'][li + 1]['dense_b'].reshape(1, -1)]
            out_shape = (_B, P, _DIMS[li + 1][9])
            res = _run_tcx(li, g, this_rep, warrs, out_shape)
            tbl = res.reshape(_B * P, _DIMS[li + 1][9])
        else:
            warrs = warrs + [params['layers'][4]['dense_W'],
                             params['layers'][4]['dense_b'].reshape(1, -1)]
            warrs = warrs + _layer_w(params, 4)
            warrs = warrs + [fc['W1'], fc['b1'].reshape(1, -1),
                             fc['W2'], fc['b2'].reshape(1, -1),
                             fc['W3'], fc['b3'].reshape(1, -1)]
            res = _run_tcx45(g, rep45, idxs[4], warrs)
            return res.reshape(_B, 40)

# --- scband reference (transcript-rebuilt; emitter-appended) ---
"""Pipeline reference for scband-classifier-22651657519678 (READ-ONLY COPY).

The authoritative reference and input builder live on the scoring server;
editing this copy changes nothing except your own understanding.
"""

import jax, jax.numpy as jnp
import numpy as np

# (C_in, C_out, K, D, P) for pcnn1 + the 4 layers of pcnn2
CONFIGS = [(3, 32, 8, 1, -1), (32, 64, 8, 2, -1), (64, 96, 8, 4, -1), (96, 128, 12, 4, 120), (128, 160, 12, 6, 120)]


def _w(rng, *s):
    return jnp.asarray(rng.normal(0.0, 0.05, s).astype(np.float32))


def make_params():
    rng = np.random.RandomState(42)
    layers = []
    for (Cin, Cout, K, D, P) in CONFIGS:
        Cx = Cout // 2          # feature-lift Dense output / XConv C_in
        Cmid = Cout // 4        # XConv C_mid
        dm = min(int(np.ceil(Cout / float(Cin))), 4)  # depth_multiplier
        Csep = Cmid + Cx        # sep-conv in_channels
        layers.append({
            'dense_W': _w(rng, Cin, Cx), 'dense_b': _w(rng, Cx),
            'd1_W': _w(rng, 3, Cmid), 'd1_b': _w(rng, Cmid),
            'd2_W': _w(rng, Cmid, Cmid), 'd2_b': _w(rng, Cmid),
            'xc_W': _w(rng, K * K, 3, K), 'xc_b': _w(rng, K * K),
            'xd1_W': _w(rng, K * K, K * K), 'xd1_b': _w(rng, K * K),
            'xd2_W': _w(rng, K * K, K * K), 'xd2_b': _w(rng, K * K),
            'dw_W': _w(rng, Csep, dm, K), 'dw_b': _w(rng, Csep * dm),
            'pw_W': _w(rng, Cout, Csep * dm),
        })
    fc = {'W1': _w(rng, 160, 128), 'b1': _w(rng, 128),
          'W2': _w(rng, 128, 64), 'b2': _w(rng, 64),
          'W3': _w(rng, 64, 40), 'b3': _w(rng, 40)}
    return {'layers': layers, 'fc': fc}


def _dense(x, W, b, act=True):
    y = x @ W + b
    return jax.nn.elu(y) if act else y


def _knn_idx(rep, pts, K, D):
    # dilated KNN: take K*D+1 nearest, drop self (index 0), stride D -> K neighbors
    d2 = (jnp.sum(rep * rep, -1)[:, :, None]
          - 2.0 * jnp.einsum('bpd,bnd->bpn', rep, pts)
          + jnp.sum(pts * pts, -1)[:, None, :])
    _, idx = jax.lax.top_k(-d2, K * D + 1)
    return idx[:, :, 1::D][:, :, :K]


def _gather(a, idx):
    return jax.vmap(lambda t, i: t[i])(a, idx)


def _xconv(rep, pts_reg, fts_reg, p, K, dm):
    pts_local = pts_reg - rep[:, :, None, :]            # [B,P,K,3]
    f = _dense(_dense(pts_local, p['d1_W'], p['d1_b']), p['d2_W'], p['d2_b'])
    fts_cat = jnp.concatenate([f, fts_reg], axis=-1)    # [B,P,K,Cmid+Cin]
    # X-transform: Conv2d(3 -> K*K, kernel (1,K)) + ELU, then two dense layers
    X = jax.nn.elu(jnp.einsum('bpkc,ock->bpo', pts_local, p['xc_W']) + p['xc_b'])
    X = _dense(X, p['xd1_W'], p['xd1_b'])
    X = _dense(X, p['xd2_W'], p['xd2_b'], act=False)
    B, P = X.shape[0], X.shape[1]
    X = X.reshape(B, P, K, K)
    fX = jnp.einsum('bpij,bpjc->bpic', X, fts_cat)      # [B,P,K,C]
    C = fX.shape[-1]
    # separable conv: depthwise (1,K) with depth_multiplier dm, then pointwise (BN=identity at init eval)
    mid = jnp.einsum('bpkc,cmk->bpcm', fX, p['dw_W']).reshape(B, P, C * dm) + p['dw_b']
    out = jnp.einsum('bpi,oi->bpo', mid, p['pw_W'])
    return jax.nn.elu(out)


def _forward(x, params):
    pts = x
    fts = jnp.zeros_like(x)  # Classifier.forward wraps x as (x, zeros_like(x))
    for li, (Cin, Cout, K, D, P) in enumerate(CONFIGS):
        p = params['layers'][li]
        dm = min(int(np.ceil(Cout / float(Cin))), 4)
        fts = _dense(fts, p['dense_W'], p['dense_b'])
        N = pts.shape[1]
        if 0 < P < N:
            sel = np.random.RandomState(100 + li).choice(N, P, replace=False)
            rep = pts[:, jnp.asarray(sel), :]
        else:
            rep = pts
        idx = _knn_idx(rep, pts, K, D)
        pts_reg = _gather(pts, idx)
        fts_reg = _gather(fts, idx)
        fts = _xconv(rep, pts_reg, fts_reg, p, K, dm)
        pts = rep
    fc = params['fc']
    h = _dense(fts, fc['W1'], fc['b1'])
    h = _dense(h, fc['W2'], fc['b2'])   # dropout 0.5 is identity in eval
    logits = _dense(h, fc['W3'], fc['b3'], act=False)
    return jnp.mean(logits, axis=1)


def setup_inputs(seed: int = 0):
    key = jax.random.key(seed)
    x = jax.random.normal(key, (16, 1024, 3), dtype=jnp.float32)
    return {'x': x, 'params': make_params()}


def reference(x, params):
    return _forward(x, params)

if __name__ == "__main__":
    import jax
    _d = setup_inputs()
    print(jax.jit(kernel)(*tuple(_d.values())))

</pallas_src>

<mosaic_0001>
#map = affine_map<(d0, d1) -> (0, 0)>
#map1 = affine_map<(d0, d1) -> (0, 0, 0)>
module attributes {stable_mosaic.version = 14 : i64} {
  func.func @k(%arg0: i32, %arg1: i32, %arg2: memref<16384x48xf32, #tpu.memory_space<hbm>>, %arg3: memref<32x32x128xi32, #tpu.memory_space<hbm>>, %arg4: memref<131072x48xf32, #tpu.memory_space<hbm>>, %arg5: memref<32x128xi32, #tpu.memory_space<vmem>>, %arg6: memref<128x48xf32, #tpu.memory_space<vmem>>, %arg7: memref<128x48xf32, #tpu.memory_space<vmem>>, %arg8: memref<128x48xf32, #tpu.memory_space<vmem>>, %arg9: memref<128x48xf32, #tpu.memory_space<vmem>>, %arg10: memref<!tpu.dma_semaphore, #tpu.memory_space<semaphore_mem>>, %arg11: memref<!tpu.dma_semaphore, #tpu.memory_space<semaphore_mem>>, %arg12: memref<!tpu.dma_semaphore, #tpu.memory_space<semaphore_mem>>, %arg13: memref<!tpu.dma_semaphore, #tpu.memory_space<semaphore_mem>>) attributes {dimension_semantics = [#tpu.dimension_semantics<core_parallel>, #tpu.dimension_semantics<subcore_parallel>], iteration_bounds = array<i64: 2, 16>, scalar_prefetch = 0 : i64, scratch_operands = 9 : i64, tpu.core_type = #tpu.core_type<sc_vector_subcore>, window_params = [{transform_indices = #map}, {transform_indices = #map1}, {transform_indices = #map}]} {
    %mul3A = arith.constant 2 : i32
    %mul3A_0 = arith.muli %arg1, %mul3A : i32
    %add3A = arith.addi %mul3A_0, %arg0 : i32
    "tpu.region"() ({
      %run_scoped3A = tpu.sem_alloc : memref<!tpu.dma_semaphore, #tpu.memory_space<semaphore_mem>>
      %dma_start3A = arith.constant 0 : i32
      %dma_start3A_10 = arith.constant 0 : i32
      %dma_start3A_11 = tpu.memref_slice %arg3[%add3A, %dma_start3A, %dma_start3A_10] : memref<32x32x128xi32, #tpu.memory_space<hbm>> -> memref<1x32x128xi32, #tpu.memory_space<hbm>>
      %dma_start3A_12 = tpu.memref_squeeze %dma_start3A_11 : memref<1x32x128xi32, #tpu.memory_space<hbm>> -> memref<32x128xi32, #tpu.memory_space<hbm>>
      %dma_start3A_13 = arith.constant 0 : i32
      %dma_start3A_14 = arith.constant 0 : i32
      %dma_start3A_15 = tpu.memref_slice %arg3[%add3A, %dma_start3A_13, %dma_start3A_14] : memref<32x32x128xi32, #tpu.memory_space<hbm>> -> memref<1x32x128xi32, #tpu.memory_space<hbm>>
      %dma_start3A_16 = tpu.memref_squeeze %dma_start3A_15 : memref<1x32x128xi32, #tpu.memory_space<hbm>> -> memref<32x128xi32, #tpu.memory_space<hbm>>
      tpu.enqueue_dma source(%dma_start3A_16 : memref<32x128xi32, #tpu.memory_space<hbm>>) target(%arg5 : memref<32x128xi32, #tpu.memory_space<vmem>>) target_semaphore(%run_scoped3A : memref<!tpu.dma_semaphore, #tpu.memory_space<semaphore_mem>>)
      %dma_wait3A = arith.constant 0 : i32
      %dma_wait3A_17 = arith.constant 0 : i32
      %dma_wait3A_18 = tpu.memref_slice %arg3[%add3A, %dma_wait3A, %dma_wait3A_17] : memref<32x32x128xi32, #tpu.memory_space<hbm>> -> memref<1x32x128xi32, #tpu.memory_space<hbm>>
      %dma_wait3A_19 = tpu.memref_squeeze %dma_wait3A_18 : memref<1x32x128xi32, #tpu.memory_space<hbm>> -> memref<32x128xi32, #tpu.memory_space<hbm>>
      %dma_wait3A_20 = arith.constant 0 : i32
      %dma_wait3A_21 = arith.constant 0 : i32
      %dma_wait3A_22 = tpu.memref_slice %arg3[%add3A, %dma_wait3A_20, %dma_wait3A_21] : memref<32x32x128xi32, #tpu.memory_space<hbm>> -> memref<1x32x128xi32, #tpu.memory_space<hbm>>
      %dma_wait3A_23 = tpu.memref_squeeze %dma_wait3A_22 : memref<1x32x128xi32, #tpu.memory_space<hbm>> -> memref<32x128xi32, #tpu.memory_space<hbm>>
      tpu.wait_dma2 semaphore(%run_scoped3A : memref<!tpu.dma_semaphore, #tpu.memory_space<semaphore_mem>>) src(%dma_wait3A_23 : memref<32x128xi32, #tpu.memory_space<hbm>>) dst(%arg5 : memref<32x128xi32, #tpu.memory_space<vmem>>)
      tpu.yield
    }) : () -> ()
    %mul3A_1 = arith.constant 32 : i32
    %mul3A_2 = arith.muli %add3A, %mul3A_1 : i32
    %mul3A_3 = arith.constant 128 : i32
    %mul3A_4 = arith.muli %mul3A_2, %mul3A_3 : i32
    %scan3A = arith.constant 0 : i32
    %scan3A_5 = arith.constant 0 : i32
    %scan3A_6 = arith.constant 8 : i32
    %scan3A_7 = arith.addi %scan3A_5, %scan3A_6 : i32
    %scan3A_8 = arith.constant 1 : i32
    scf.for %scan3A_10 = %scan3A_5 to %scan3A_7 step %scan3A_8  : i32 {
      %mul3A_11 = arith.constant 4 : i32
      %mul3A_12 = arith.muli %mul3A_11, %scan3A_10 : i32
      %add3A_13 = arith.constant 0 : i32
      %add3A_14 = arith.addi %mul3A_12, %add3A_13 : i32
      %dma_start3A = arith.constant 0 : i32
      %dma_start3A_15 = tpu.memref_slice %arg5[%add3A_14, %dma_start3A] : memref<32x128xi32, #tpu.memory_space<vmem>> -> memref<1x128xi32, #tpu.memory_space<vmem>>
      %dma_start3A_16 = tpu.memref_squeeze %dma_start3A_15 : memref<1x128xi32, #tpu.memory_space<vmem>> -> memref<128xi32, #tpu.memory_space<vmem>>
      %dma_start3A_17 = arith.constant 0 : i32
      %dma_start3A_18 = arith.constant 0 : i32
      %dma_start3A_19 = tpu.memref_slice %arg2[%dma_start3A_17, %dma_start3A_18] : memref<16384x48xf32, #tpu.memory_space<hbm>> -> memref<16384x48xf32, #tpu.memory_space<hbm>>
      tpu.enqueue_indirect_dma source(%dma_start3A_19 : memref<16384x48xf32, #tpu.memory_space<hbm>>) target(%arg6 : memref<128x48xf32, #tpu.memory_space<vmem>>) offsets(%dma_start3A_16 : memref<128xi32, #tpu.memory_space<vmem>>) semaphore(%arg10 : memref<!tpu.dma_semaphore, #tpu.memory_space<semaphore_mem>>)
      %mul3A_20 = arith.constant 4 : i32
      %mul3A_21 = arith.muli %mul3A_20, %scan3A_10 : i32
      %add3A_22 = arith.constant 1 : i32
      %add3A_23 = arith.addi %mul3A_21, %add3A_22 : i32
      %dma_start3A_24 = arith.constant 0 : i32
      %dma_start3A_25 = tpu.memref_slice %arg5[%add3A_23, %dma_start3A_24] : memref<32x128xi32, #tpu.memory_space<vmem>> -> memref<1x128xi32, #tpu.memory_space<vmem>>
      %dma_start3A_26 = tpu.memref_squeeze %dma_start3A_25 : memref<1x128xi32, #tpu.memory_space<vmem>> -> memref<128xi32, #tpu.memory_space<vmem>>
      %dma_start3A_27 = arith.constant 0 : i32
      %dma_start3A_28 = arith.constant 0 : i32
      %dma_start3A_29 = tpu.memref_slice %arg2[%dma_start3A_27, %dma_start3A_28] : memref<16384x48xf32, #tpu.memory_space<hbm>> -> memref<16384x48xf32, #tpu.memory_space<hbm>>
      tpu.enqueue_indirect_dma source(%dma_start3A_29 : memref<16384x48xf32, #tpu.memory_space<hbm>>) target(%arg7 : memref<128x48xf32, #tpu.memory_space<vmem>>) offsets(%dma_start3A_26 : memref<128xi32, #tpu.memory_space<vmem>>) semaphore(%arg11 : memref<!tpu.dma_semaphore, #tpu.memory_space<semaphore_mem>>)
      %mul3A_30 = arith.constant 4 : i32
      %mul3A_31 = arith.muli %mul3A_30, %scan3A_10 : i32
      %add3A_32 = arith.constant 2 : i32
      %add3A_33 = arith.addi %mul3A_31, %add3A_32 : i32
      %dma_start3A_34 = arith.constant 0 : i32
      %dma_start3A_35 = tpu.memref_slice %arg5[%add3A_33, %dma_start3A_34] : memref<32x128xi32, #tpu.memory_space<vmem>> -> memref<1x128xi32, #tpu.memory_space<vmem>>
      %dma_start3A_36 = tpu.memref_squeeze %dma_start3A_35 : memref<1x128xi32, #tpu.memory_space<vmem>> -> memref<128xi32, #tpu.memory_space<vmem>>
      %dma_start3A_37 = arith.constant 0 : i32
      %dma_start3A_38 = arith.constant 0 : i32
      %dma_start3A_39 = tpu.memref_slice %arg2[%dma_start3A_37, %dma_start3A_38] : memref<16384x48xf32, #tpu.memory_space<hbm>> -> memref<16384x48xf32, #tpu.memory_space<hbm>>
      tpu.enqueue_indirect_dma source(%dma_start3A_39 : memref<16384x48xf32, #tpu.memory_space<hbm>>) target(%arg8 : memref<128x48xf32, #tpu.memory_space<vmem>>) offsets(%dma_start3A_36 : memref<128xi32, #tpu.memory_space<vmem>>) semaphore(%arg12 : memref<!tpu.dma_semaphore, #tpu.memory_space<semaphore_mem>>)
      %mul3A_40 = arith.constant 4 : i32
      %mul3A_41 = arith.muli %mul3A_40, %scan3A_10 : i32
      %add3A_42 = arith.constant 3 : i32
      %add3A_43 = arith.addi %mul3A_41, %add3A_42 : i32
      %dma_start3A_44 = arith.constant 0 : i32
      %dma_start3A_45 = tpu.memref_slice %arg5[%add3A_43, %dma_start3A_44] : memref<32x128xi32, #tpu.memory_space<vmem>> -> memref<1x128xi32, #tpu.memory_space<vmem>>
      %dma_start3A_46 = tpu.memref_squeeze %dma_start3A_45 : memref<1x128xi32, #tpu.memory_space<vmem>> -> memref<128xi32, #tpu.memory_space<vmem>>
      %dma_start3A_47 = arith.constant 0 : i32
      %dma_start3A_48 = arith.constant 0 : i32
      %dma_start3A_49 = tpu.memref_slice %arg2[%dma_start3A_47, %dma_start3A_48] : memref<16384x48xf32, #tpu.memory_space<hbm>> -> memref<16384x48xf32, #tpu.memory_space<hbm>>
      tpu.enqueue_indirect_dma source(%dma_start3A_49 : memref<16384x48xf32, #tpu.memory_space<hbm>>) target(%arg9 : memref<128x48xf32, #tpu.memory_space<vmem>>) offsets(%dma_start3A_46 : memref<128xi32, #tpu.memory_space<vmem>>) semaphore(%arg13 : memref<!tpu.dma_semaphore, #tpu.memory_space<semaphore_mem>>)
      %dma_wait3A = arith.constant 0 : i32
      %dma_wait3A_50 = tpu.memref_slice %arg5[%add3A_14, %dma_wait3A] : memref<32x128xi32, #tpu.memory_space<vmem>> -> memref<1x128xi32, #tpu.memory_space<vmem>>
      %dma_wait3A_51 = tpu.memref_squeeze %dma_wait3A_50 : memref<1x128xi32, #tpu.memory_space<vmem>> -> memref<128xi32, #tpu.memory_space<vmem>>
      %dma_wait3A_52 = arith.constant 0 : i32
      %dma_wait3A_53 = arith.constant 0 : i32
      %dma_wait3A_54 = tpu.memref_slice %arg2[%dma_wait3A_52, %dma_wait3A_53] : memref<16384x48xf32, #tpu.memory_space<hbm>> -> memref<16384x48xf32, #tpu.memory_space<hbm>>
      tpu.wait_indirect_dma semaphore(%arg10 : memref<!tpu.dma_semaphore, #tpu.memory_space<semaphore_mem>>) src(%dma_wait3A_54 : memref<16384x48xf32, #tpu.memory_space<hbm>>) dst(%arg6 : memref<128x48xf32, #tpu.memory_space<vmem>>)
      %mul3A_55 = arith.constant 4 : i32
      %mul3A_56 = arith.muli %mul3A_55, %scan3A_10 : i32
      %add3A_57 = arith.constant 0 : i32
      %add3A_58 = arith.addi %mul3A_56, %add3A_57 : i32
      %mul3A_59 = arith.constant 128 : i32
      %mul3A_60 = arith.muli %add3A_58, %mul3A_59 : i32
      %add3A_61 = arith.addi %mul3A_4, %mul3A_60 : i32
      "tpu.region"() ({
        %run_scoped3A = tpu.sem_alloc : memref<!tpu.dma_semaphore, #tpu.memory_space<semaphore_mem>>
        %dma_start3A_101 = arith.constant 0 : i32
        %dma_start3A_102 = tpu.memref_slice %arg4[%add3A_61, %dma_start3A_101] : memref<131072x48xf32, #tpu.memory_space<hbm>> -> memref<128x48xf32, #tpu.memory_space<hbm>>
        %dma_start3A_103 = arith.constant 0 : i32
        %dma_start3A_104 = tpu.memref_slice %arg4[%add3A_61, %dma_start3A_103] : memref<131072x48xf32, #tpu.memory_space<hbm>> -> memref<128x48xf32, #tpu.memory_space<hbm>>
        tpu.enqueue_dma source(%arg6 : memref<128x48xf32, #tpu.memory_space<vmem>>) target(%dma_start3A_104 : memref<128x48xf32, #tpu.memory_space<hbm>>) target_semaphore(%run_scoped3A : memref<!tpu.dma_semaphore, #tpu.memory_space<semaphore_mem>>)
        %dma_wait3A_105 = arith.constant 0 : i32
        %dma_wait3A_106 = tpu.memref_slice %arg4[%add3A_61, %dma_wait3A_105] : memref<131072x48xf32, #tpu.memory_space<hbm>> -> memref<128x48xf32, #tpu.memory_space<hbm>>
        %dma_wait3A_107 = arith.constant 0 : i32
        %dma_wait3A_108 = tpu.memref_slice %arg4[%add3A_61, %dma_wait3A_107] : memref<131072x48xf32, #tpu.memory_space<hbm>> -> memref<128x48xf32, #tpu.memory_space<hbm>>
        tpu.wait_dma2 semaphore(%run_scoped3A : memref<!tpu.dma_semaphore, #tpu.memory_space<semaphore_mem>>) src(%arg6 : memref<128x48xf32, #tpu.memory_space<vmem>>) dst(%dma_wait3A_108 : memref<128x48xf32, #tpu.memory_space<hbm>>)
        tpu.yield
      }) : () -> ()
      %dma_wait3A_62 = arith.constant 0 : i32
      %dma_wait3A_63 = tpu.memref_slice %arg5[%add3A_23, %dma_wait3A_62] : memref<32x128xi32, #tpu.memory_space<vmem>> -> memref<1x128xi32, #tpu.memory_space<vmem>>
      %dma_wait3A_64 = tpu.memref_squeeze %dma_wait3A_63 : memref<1x128xi32, #tpu.memory_space<vmem>> -> memref<128xi32, #tpu.memory_space<vmem>>
      %dma_wait3A_65 = arith.constant 0 : i32
      %dma_wait3A_66 = arith.constant 0 : i32
      %dma_wait3A_67 = tpu.memref_slice %arg2[%dma_wait3A_65, %dma_wait3A_66] : memref<16384x48xf32, #tpu.memory_space<hbm>> -> memref<16384x48xf32, #tpu.memory_space<hbm>>
      tpu.wait_indirect_dma semaphore(%arg11 : memref<!tpu.dma_semaphore, #tpu.memory_space<semaphore_mem>>) src(%dma_wait3A_67 : memref<16384x48xf32, #tpu.memory_space<hbm>>) dst(%arg7 : memref<128x48xf32, #tpu.memory_space<vmem>>)
      %mul3A_68 = arith.constant 4 : i32
      %mul3A_69 = arith.muli %mul3A_68, %scan3A_10 : i32
      %add3A_70 = arith.constant 1 : i32
      %add3A_71 = arith.addi %mul3A_69, %add3A_70 : i32
      %mul3A_72 = arith.constant 128 : i32
      %mul3A_73 = arith.muli %add3A_71, %mul3A_72 : i32
      %add3A_74 = arith.addi %mul3A_4, %mul3A_73 : i32
      "tpu.region"() ({
        %run_scoped3A = tpu.sem_alloc : memref<!tpu.dma_semaphore, #tpu.memory_space<semaphore_mem>>
        %dma_start3A_101 = arith.constant 0 : i32
        %dma_start3A_102 = tpu.memref_slice %arg4[%add3A_74, %dma_start3A_101] : memref<131072x48xf32, #tpu.memory_space<hbm>> -> memref<128x48xf32, #tpu.memory_space<hbm>>
        %dma_start3A_103 = arith.constant 0 : i32
        %dma_start3A_104 = tpu.memref_slice %arg4[%add3A_74, %dma_start3A_103] : memref<131072x48xf32, #tpu.memory_space<hbm>> -> memref<128x48xf32, #tpu.memory_space<hbm>>
        tpu.enqueue_dma source(%arg7 : memref<128x48xf32, #tpu.memory_space<vmem>>) target(%dma_start3A_104 : memref<128x48xf32, #tpu.memory_space<hbm>>) target_semaphore(%run_scoped3A : memref<!tpu.dma_semaphore, #tpu.memory_space<semaphore_mem>>)
        %dma_wait3A_105 = arith.constant 0 : i32
        %dma_wait3A_106 = tpu.memref_slice %arg4[%add3A_74, %dma_wait3A_105] : memref<131072x48xf32, #tpu.memory_space<hbm>> -> memref<128x48xf32, #tpu.memory_space<hbm>>
        %dma_wait3A_107 = arith.constant 0 : i32
        %dma_wait3A_108 = tpu.memref_slice %arg4[%add3A_74, %dma_wait3A_107] : memref<131072x48xf32, #tpu.memory_space<hbm>> -> memref<128x48xf32, #tpu.memory_space<hbm>>
        tpu.wait_dma2 semaphore(%run_scoped3A : memref<!tpu.dma_semaphore, #tpu.memory_space<semaphore_mem>>) src(%arg7 : memref<128x48xf32, #tpu.memory_space<vmem>>) dst(%dma_wait3A_108 : memref<128x48xf32, #tpu.memory_space<hbm>>)
        tpu.yield
      }) : () -> ()
      %dma_wait3A_75 = arith.constant 0 : i32
      %dma_wait3A_76 = tpu.memref_slice %arg5[%add3A_33, %dma_wait3A_75] : memref<32x128xi32, #tpu.memory_space<vmem>> -> memref<1x128xi32, #tpu.memory_space<vmem>>
      %dma_wait3A_77 = tpu.memref_squeeze %dma_wait3A_76 : memref<1x128xi32, #tpu.memory_space<vmem>> -> memref<128xi32, #tpu.memory_space<vmem>>
      %dma_wait3A_78 = arith.constant 0 : i32
      %dma_wait3A_79 = arith.constant 0 : i32
      %dma_wait3A_80 = tpu.memref_slice %arg2[%dma_wait3A_78, %dma_wait3A_79] : memref<16384x48xf32, #tpu.memory_space<hbm>> -> memref<16384x48xf32, #tpu.memory_space<hbm>>
      tpu.wait_indirect_dma semaphore(%arg12 : memref<!tpu.dma_semaphore, #tpu.memory_space<semaphore_mem>>) src(%dma_wait3A_80 : memref<16384x48xf32, #tpu.memory_space<hbm>>) dst(%arg8 : memref<128x48xf32, #tpu.memory_space<vmem>>)
      %mul3A_81 = arith.constant 4 : i32
      %mul3A_82 = arith.muli %mul3A_81, %scan3A_10 : i32
      %add3A_83 = arith.constant 2 : i32
      %add3A_84 = arith.addi %mul3A_82, %add3A_83 : i32
      %mul3A_85 = arith.constant 128 : i32
      %mul3A_86 = arith.muli %add3A_84, %mul3A_85 : i32
      %add3A_87 = arith.addi %mul3A_4, %mul3A_86 : i32
      "tpu.region"() ({
        %run_scoped3A = tpu.sem_alloc : memref<!tpu.dma_semaphore, #tpu.memory_space<semaphore_mem>>
        %dma_start3A_101 = arith.constant 0 : i32
        %dma_start3A_102 = tpu.memref_slice %arg4[%add3A_87, %dma_start3A_101] : memref<131072x48xf32, #tpu.memory_space<hbm>> -> memref<128x48xf32, #tpu.memory_space<hbm>>
        %dma_start3A_103 = arith.constant 0 : i32
        %dma_start3A_104 = tpu.memref_slice %arg4[%add3A_87, %dma_start3A_103] : memref<131072x48xf32, #tpu.memory_space<hbm>> -> memref<128x48xf32, #tpu.memory_space<hbm>>
        tpu.enqueue_dma source(%arg8 : memref<128x48xf32, #tpu.memory_space<vmem>>) target(%dma_start3A_104 : memref<128x48xf32, #tpu.memory_space<hbm>>) target_semaphore(%run_scoped3A : memref<!tpu.dma_semaphore, #tpu.memory_space<semaphore_mem>>)
        %dma_wait3A_105 = arith.constant 0 : i32
        %dma_wait3A_106 = tpu.memref_slice %arg4[%add3A_87, %dma_wait3A_105] : memref<131072x48xf32, #tpu.memory_space<hbm>> -> memref<128x48xf32, #tpu.memory_space<hbm>>
        %dma_wait3A_107 = arith.constant 0 : i32
        %dma_wait3A_108 = tpu.memref_slice %arg4[%add3A_87, %dma_wait3A_107] : memref<131072x48xf32, #tpu.memory_space<hbm>> -> memref<128x48xf32, #tpu.memory_space<hbm>>
        tpu.wait_dma2 semaphore(%run_scoped3A : memref<!tpu.dma_semaphore, #tpu.memory_space<semaphore_mem>>) src(%arg8 : memref<128x48xf32, #tpu.memory_space<vmem>>) dst(%dma_wait3A_108 : memref<128x48xf32, #tpu.memory_space<hbm>>)
        tpu.yield
      }) : () -> ()
      %dma_wait3A_88 = arith.constant 0 : i32
      %dma_wait3A_89 = tpu.memref_slice %arg5[%add3A_43, %dma_wait3A_88] : memref<32x128xi32, #tpu.memory_space<vmem>> -> memref<1x128xi32, #tpu.memory_space<vmem>>
      %dma_wait3A_90 = tpu.memref_squeeze %dma_wait3A_89 : memref<1x128xi32, #tpu.memory_space<vmem>> -> memref<128xi32, #tpu.memory_space<vmem>>
      %dma_wait3A_91 = arith.constant 0 : i32
      %dma_wait3A_92 = arith.constant 0 : i32
      %dma_wait3A_93 = tpu.memref_slice %arg2[%dma_wait3A_91, %dma_wait3A_92] : memref<16384x48xf32, #tpu.memory_space<hbm>> -> memref<16384x48xf32, #tpu.memory_space<hbm>>
      tpu.wait_indirect_dma semaphore(%arg13 : memref<!tpu.dma_semaphore, #tpu.memory_space<semaphore_mem>>) src(%dma_wait3A_93 : memref<16384x48xf32, #tpu.memory_space<hbm>>) dst(%arg9 : memref<128x48xf32, #tpu.memory_space<vmem>>)
      %mul3A_94 = arith.constant 4 : i32
      %mul3A_95 = arith.muli %mul3A_94, %scan3A_10 : i32
      %add3A_96 = arith.constant 3 : i32
      %add3A_97 = arith.addi %mul3A_95, %add3A_96 : i32
      %mul3A_98 = arith.constant 128 : i32
      %mul3A_99 = arith.muli %add3A_97, %mul3A_98 : i32
      %add3A_100 = arith.addi %mul3A_4, %mul3A_99 : i32
      "tpu.region"() ({
        %run_scoped3A = tpu.sem_alloc : memref<!tpu.dma_semaphore, #tpu.memory_space<semaphore_mem>>
        %dma_start3A_101 = arith.constant 0 : i32
        %dma_start3A_102 = tpu.memref_slice %arg4[%add3A_100, %dma_start3A_101] : memref<131072x48xf32, #tpu.memory_space<hbm>> -> memref<128x48xf32, #tpu.memory_space<hbm>>
        %dma_start3A_103 = arith.constant 0 : i32
        %dma_start3A_104 = tpu.memref_slice %arg4[%add3A_100, %dma_start3A_103] : memref<131072x48xf32, #tpu.memory_space<hbm>> -> memref<128x48xf32, #tpu.memory_space<hbm>>
        tpu.enqueue_dma source(%arg9 : memref<128x48xf32, #tpu.memory_space<vmem>>) target(%dma_start3A_104 : memref<128x48xf32, #tpu.memory_space<hbm>>) target_semaphore(%run_scoped3A : memref<!tpu.dma_semaphore, #tpu.memory_space<semaphore_mem>>)
        %dma_wait3A_105 = arith.constant 0 : i32
        %dma_wait3A_106 = tpu.memref_slice %arg4[%add3A_100, %dma_wait3A_105] : memref<131072x48xf32, #tpu.memory_space<hbm>> -> memref<128x48xf32, #tpu.memory_space<hbm>>
        %dma_wait3A_107 = arith.constant 0 : i32
        %dma_wait3A_108 = tpu.memref_slice %arg4[%add3A_100, %dma_wait3A_107] : memref<131072x48xf32, #tpu.memory_space<hbm>> -> memref<128x48xf32, #tpu.memory_space<hbm>>
        tpu.wait_dma2 semaphore(%run_scoped3A : memref<!tpu.dma_semaphore, #tpu.memory_space<semaphore_mem>>) src(%arg9 : memref<128x48xf32, #tpu.memory_space<vmem>>) dst(%dma_wait3A_108 : memref<128x48xf32, #tpu.memory_space<hbm>>)
        tpu.yield
      }) : () -> ()
    }
    %scan3A_9 = arith.constant 8 : i32
    return
  }
}

#map = affine_map<(d0, d1) -> (0, 0)>
#map1 = affine_map<(d0, d1) -> (0, 0, 0)>
module attributes {stable_mosaic.version = 14 : i64} {
  func.func @k(%arg0: i32, %arg1: i32, %arg2: memref<16384x16xf32, #tpu.memory_space<hbm>>, %arg3: memref<32x32x128xi32, #tpu.memory_space<hbm>>, %arg4: memref<131072x16xf32, #tpu.memory_space<hbm>>, %arg5: memref<32x128xi32, #tpu.memory_space<vmem>>, %arg6: memref<128x16xf32, #tpu.memory_space<vmem>>, %arg7: memref<128x16xf32, #tpu.memory_space<vmem>>, %arg8: memref<128x16xf32, #tpu.memory_space<vmem>>, %arg9: memref<128x16xf32, #tpu.memory_space<vmem>>, %arg10: memref<!tpu.dma_semaphore, #tpu.memory_space<semaphore_mem>>, %arg11: memref<!tpu.dma_semaphore, #tpu.memory_space<semaphore_mem>>, %arg12: memref<!tpu.dma_semaphore, #tpu.memory_space<semaphore_mem>>, %arg13: memref<!tpu.dma_semaphore, #tpu.memory_space<semaphore_mem>>) attributes {dimension_semantics = [#tpu.dimension_semantics<core_parallel>, #tpu.dimension_semantics<subcore_parallel>], iteration_bounds = array<i64: 2, 16>, scalar_prefetch = 0 : i64, scratch_operands = 9 : i64, tpu.core_type = #tpu.core_type<sc_vector_subcore>, window_params = [{transform_indices = #map}, {transform_indices = #map1}, {transform_indices = #map}]} {
    %mul3A = arith.constant 2 : i32
    %mul3A_0 = arith.muli %arg1, %mul3A : i32
    %add3A = arith.addi %mul3A_0, %arg0 : i32
    "tpu.region"() ({
      %run_scoped3A = tpu.sem_alloc : memref<!tpu.dma_semaphore, #tpu.memory_space<semaphore_mem>>
      %dma_start3A = arith.constant 0 : i32
      %dma_start3A_10 = arith.constant 0 : i32
      %dma_start3A_11 = tpu.memref_slice %arg3[%add3A, %dma_start3A, %dma_start3A_10] : memref<32x32x128xi32, #tpu.memory_space<hbm>> -> memref<1x32x128xi32, #tpu.memory_space<hbm>>
      %dma_start3A_12 = tpu.memref_squeeze %dma_start3A_11 : memref<1x32x128xi32, #tpu.memory_space<hbm>> -> memref<32x128xi32, #tpu.memory_space<hbm>>
      %dma_start3A_13 = arith.constant 0 : i32
      %dma_start3A_14 = arith.constant 0 : i32
      %dma_start3A_15 = tpu.memref_slice %arg3[%add3A, %dma_start3A_13, %dma_start3A_14] : memref<32x32x128xi32, #tpu.memory_space<hbm>> -> memref<1x32x128xi32, #tpu.memory_space<hbm>>
      %dma_start3A_16 = tpu.memref_squeeze %dma_start3A_15 : memref<1x32x128xi32, #tpu.memory_space<hbm>> -> memref<32x128xi32, #tpu.memory_space<hbm>>
      tpu.enqueue_dma source(%dma_start3A_16 : memref<32x128xi32, #tpu.memory_space<hbm>>) target(%arg5 : memref<32x128xi32, #tpu.memory_space<vmem>>) target_semaphore(%run_scoped3A : memref<!tpu.dma_semaphore, #tpu.memory_space<semaphore_mem>>)
      %dma_wait3A = arith.constant 0 : i32
      %dma_wait3A_17 = arith.constant 0 : i32
      %dma_wait3A_18 = tpu.memref_slice %arg3[%add3A, %dma_wait3A, %dma_wait3A_17] : memref<32x32x128xi32, #tpu.memory_space<hbm>> -> memref<1x32x128xi32, #tpu.memory_space<hbm>>
      %dma_wait3A_19 = tpu.memref_squeeze %dma_wait3A_18 : memref<1x32x128xi32, #tpu.memory_space<hbm>> -> memref<32x128xi32, #tpu.memory_space<hbm>>
      %dma_wait3A_20 = arith.constant 0 : i32
      %dma_wait3A_21 = arith.constant 0 : i32
      %dma_wait3A_22 = tpu.memref_slice %arg3[%add3A, %dma_wait3A_20, %dma_wait3A_21] : memref<32x32x128xi32, #tpu.memory_space<hbm>> -> memref<1x32x128xi32, #tpu.memory_space<hbm>>
      %dma_wait3A_23 = tpu.memref_squeeze %dma_wait3A_22 : memref<1x32x128xi32, #tpu.memory_space<hbm>> -> memref<32x128xi32, #tpu.memory_space<hbm>>
      tpu.wait_dma2 semaphore(%run_scoped3A : memref<!tpu.dma_semaphore, #tpu.memory_space<semaphore_mem>>) src(%dma_wait3A_23 : memref<32x128xi32, #tpu.memory_space<hbm>>) dst(%arg5 : memref<32x128xi32, #tpu.memory_space<vmem>>)
      tpu.yield
    }) : () -> ()
    %mul3A_1 = arith.constant 32 : i32
    %mul3A_2 = arith.muli %add3A, %mul3A_1 : i32
    %mul3A_3 = arith.constant 128 : i32
    %mul3A_4 = arith.muli %mul3A_2, %mul3A_3 : i32
    %scan3A = arith.constant 0 : i32
    %scan3A_5 = arith.constant 0 : i32
    %scan3A_6 = arith.constant 8 : i32
    %scan3A_7 = arith.addi %scan3A_5, %scan3A_6 : i32
    %scan3A_8 = arith.constant 1 : i32
    scf.for %scan3A_10 = %scan3A_5 to %scan3A_7 step %scan3A_8  : i32 {
      %mul3A_11 = arith.constant 4 : i32
      %mul3A_12 = arith.muli %mul3A_11, %scan3A_10 : i32
      %add3A_13 = arith.constant 0 : i32
      %add3A_14 = arith.addi %mul3A_12, %add3A_13 : i32
      %dma_start3A = arith.constant 0 : i32
      %dma_start3A_15 = tpu.memref_slice %arg5[%add3A_14, %dma_start3A] : memref<32x128xi32, #tpu.memory_space<vmem>> -> memref<1x128xi32, #tpu.memory_space<vmem>>
      %dma_start3A_16 = tpu.memref_squeeze %dma_start3A_15 : memref<1x128xi32, #tpu.memory_space<vmem>> -> memref<128xi32, #tpu.memory_space<vmem>>
      %dma_start3A_17 = arith.constant 0 : i32
      %dma_start3A_18 = arith.constant 0 : i32
      %dma_start3A_19 = tpu.memref_slice %arg2[%dma_start3A_17, %dma_start3A_18] : memref<16384x16xf32, #tpu.memory_space<hbm>> -> memref<16384x16xf32, #tpu.memory_space<hbm>>
      tpu.enqueue_indirect_dma source(%dma_start3A_19 : memref<16384x16xf32, #tpu.memory_space<hbm>>) target(%arg6 : memref<128x16xf32, #tpu.memory_space<vmem>>) offsets(%dma_start3A_16 : memref<128xi32, #tpu.memory_space<vmem>>) semaphore(%arg10 : memref<!tpu.dma_semaphore, #tpu.memory_space<semaphore_mem>>)
      %mul3A_20 = arith.constant 4 : i32
      %mul3A_21 = arith.muli %mul3A_20, %scan3A_10 : i32
      %add3A_22 = arith.constant 1 : i32
      %add3A_23 = arith.addi %mul3A_21, %add3A_22 : i32
      %dma_start3A_24 = arith.constant 0 : i32
      %dma_start3A_25 = tpu.memref_slice %arg5[%add3A_23, %dma_start3A_24] : memref<32x128xi32, #tpu.memory_space<vmem>> -> memref<1x128xi32, #tpu.memory_space<vmem>>
      %dma_start3A_26 = tpu.memref_squeeze %dma_start3A_25 : memref<1x128xi32, #tpu.memory_space<vmem>> -> memref<128xi32, #tpu.memory_space<vmem>>
      %dma_start3A_27 = arith.constant 0 : i32
      %dma_start3A_28 = arith.constant 0 : i32
      %dma_start3A_29 = tpu.memref_slice %arg2[%dma_start3A_27, %dma_start3A_28] : memref<16384x16xf32, #tpu.memory_space<hbm>> -> memref<16384x16xf32, #tpu.memory_space<hbm>>
      tpu.enqueue_indirect_dma source(%dma_start3A_29 : memref<16384x16xf32, #tpu.memory_space<hbm>>) target(%arg7 : memref<128x16xf32, #tpu.memory_space<vmem>>) offsets(%dma_start3A_26 : memref<128xi32, #tpu.memory_space<vmem>>) semaphore(%arg11 : memref<!tpu.dma_semaphore, #tpu.memory_space<semaphore_mem>>)
      %mul3A_30 = arith.constant 4 : i32
      %mul3A_31 = arith.muli %mul3A_30, %scan3A_10 : i32
      %add3A_32 = arith.constant 2 : i32
      %add3A_33 = arith.addi %mul3A_31, %add3A_32 : i32
      %dma_start3A_34 = arith.constant 0 : i32
      %dma_start3A_35 = tpu.memref_slice %arg5[%add3A_33, %dma_start3A_34] : memref<32x128xi32, #tpu.memory_space<vmem>> -> memref<1x128xi32, #tpu.memory_space<vmem>>
      %dma_start3A_36 = tpu.memref_squeeze %dma_start3A_35 : memref<1x128xi32, #tpu.memory_space<vmem>> -> memref<128xi32, #tpu.memory_space<vmem>>
      %dma_start3A_37 = arith.constant 0 : i32
      %dma_start3A_38 = arith.constant 0 : i32
      %dma_start3A_39 = tpu.memref_slice %arg2[%dma_start3A_37, %dma_start3A_38] : memref<16384x16xf32, #tpu.memory_space<hbm>> -> memref<16384x16xf32, #tpu.memory_space<hbm>>
      tpu.enqueue_indirect_dma source(%dma_start3A_39 : memref<16384x16xf32, #tpu.memory_space<hbm>>) target(%arg8 : memref<128x16xf32, #tpu.memory_space<vmem>>) offsets(%dma_start3A_36 : memref<128xi32, #tpu.memory_space<vmem>>) semaphore(%arg12 : memref<!tpu.dma_semaphore, #tpu.memory_space<semaphore_mem>>)
      %mul3A_40 = arith.constant 4 : i32
      %mul3A_41 = arith.muli %mul3A_40, %scan3A_10 : i32
      %add3A_42 = arith.constant 3 : i32
      %add3A_43 = arith.addi %mul3A_41, %add3A_42 : i32
      %dma_start3A_44 = arith.constant 0 : i32
      %dma_start3A_45 = tpu.memref_slice %arg5[%add3A_43, %dma_start3A_44] : memref<32x128xi32, #tpu.memory_space<vmem>> -> memref<1x128xi32, #tpu.memory_space<vmem>>
      %dma_start3A_46 = tpu.memref_squeeze %dma_start3A_45 : memref<1x128xi32, #tpu.memory_space<vmem>> -> memref<128xi32, #tpu.memory_space<vmem>>
      %dma_start3A_47 = arith.constant 0 : i32
      %dma_start3A_48 = arith.constant 0 : i32
      %dma_start3A_49 = tpu.memref_slice %arg2[%dma_start3A_47, %dma_start3A_48] : memref<16384x16xf32, #tpu.memory_space<hbm>> -> memref<16384x16xf32, #tpu.memory_space<hbm>>
      tpu.enqueue_indirect_dma source(%dma_start3A_49 : memref<16384x16xf32, #tpu.memory_space<hbm>>) target(%arg9 : memref<128x16xf32, #tpu.memory_space<vmem>>) offsets(%dma_start3A_46 : memref<128xi32, #tpu.memory_space<vmem>>) semaphore(%arg13 : memref<!tpu.dma_semaphore, #tpu.memory_space<semaphore_mem>>)
      %dma_wait3A = arith.constant 0 : i32
      %dma_wait3A_50 = tpu.memref_slice %arg5[%add3A_14, %dma_wait3A] : memref<32x128xi32, #tpu.memory_space<vmem>> -> memref<1x128xi32, #tpu.memory_space<vmem>>
      %dma_wait3A_51 = tpu.memref_squeeze %dma_wait3A_50 : memref<1x128xi32, #tpu.memory_space<vmem>> -> memref<128xi32, #tpu.memory_space<vmem>>
      %dma_wait3A_52 = arith.constant 0 : i32
      %dma_wait3A_53 = arith.constant 0 : i32
      %dma_wait3A_54 = tpu.memref_slice %arg2[%dma_wait3A_52, %dma_wait3A_53] : memref<16384x16xf32, #tpu.memory_space<hbm>> -> memref<16384x16xf32, #tpu.memory_space<hbm>>
      tpu.wait_indirect_dma semaphore(%arg10 : memref<!tpu.dma_semaphore, #tpu.memory_space<semaphore_mem>>) src(%dma_wait3A_54 : memref<16384x16xf32, #tpu.memory_space<hbm>>) dst(%arg6 : memref<128x16xf32, #tpu.memory_space<vmem>>)
      %mul3A_55 = arith.constant 4 : i32
      %mul3A_56 = arith.muli %mul3A_55, %scan3A_10 : i32
      %add3A_57 = arith.constant 0 : i32
      %add3A_58 = arith.addi %mul3A_56, %add3A_57 : i32
      %mul3A_59 = arith.constant 128 : i32
      %mul3A_60 = arith.muli %add3A_58, %mul3A_59 : i32
      %add3A_61 = arith.addi %mul3A_4, %mul3A_60 : i32
      "tpu.region"() ({
        %run_scoped3A = tpu.sem_alloc : memref<!tpu.dma_semaphore, #tpu.memory_space<semaphore_mem>>
        %dma_start3A_101 = arith.constant 0 : i32
        %dma_start3A_102 = tpu.memref_slice %arg4[%add3A_61, %dma_start3A_101] : memref<131072x16xf32, #tpu.memory_space<hbm>> -> memref<128x16xf32, #tpu.memory_space<hbm>>
        %dma_start3A_103 = arith.constant 0 : i32
        %dma_start3A_104 = tpu.memref_slice %arg4[%add3A_61, %dma_start3A_103] : memref<131072x16xf32, #tpu.memory_space<hbm>> -> memref<128x16xf32, #tpu.memory_space<hbm>>
        tpu.enqueue_dma source(%arg6 : memref<128x16xf32, #tpu.memory_space<vmem>>) target(%dma_start3A_104 : memref<128x16xf32, #tpu.memory_space<hbm>>) target_semaphore(%run_scoped3A : memref<!tpu.dma_semaphore, #tpu.memory_space<semaphore_mem>>)
        %dma_wait3A_105 = arith.constant 0 : i32
        %dma_wait3A_106 = tpu.memref_slice %arg4[%add3A_61, %dma_wait3A_105] : memref<131072x16xf32, #tpu.memory_space<hbm>> -> memref<128x16xf32, #tpu.memory_space<hbm>>
        %dma_wait3A_107 = arith.constant 0 : i32
        %dma_wait3A_108 = tpu.memref_slice %arg4[%add3A_61, %dma_wait3A_107] : memref<131072x16xf32, #tpu.memory_space<hbm>> -> memref<128x16xf32, #tpu.memory_space<hbm>>
        tpu.wait_dma2 semaphore(%run_scoped3A : memref<!tpu.dma_semaphore, #tpu.memory_space<semaphore_mem>>) src(%arg6 : memref<128x16xf32, #tpu.memory_space<vmem>>) dst(%dma_wait3A_108 : memref<128x16xf32, #tpu.memory_space<hbm>>)
        tpu.yield
      }) : () -> ()
      %dma_wait3A_62 = arith.constant 0 : i32
      %dma_wait3A_63 = tpu.memref_slice %arg5[%add3A_23, %dma_wait3A_62] : memref<32x128xi32, #tpu.memory_space<vmem>> -> memref<1x128xi32, #tpu.memory_space<vmem>>
      %dma_wait3A_64 = tpu.memref_squeeze %dma_wait3A_63 : memref<1x128xi32, #tpu.memory_space<vmem>> -> memref<128xi32, #tpu.memory_space<vmem>>
      %dma_wait3A_65 = arith.constant 0 : i32
      %dma_wait3A_66 = arith.constant 0 : i32
      %dma_wait3A_67 = tpu.memref_slice %arg2[%dma_wait3A_65, %dma_wait3A_66] : memref<16384x16xf32, #tpu.memory_space<hbm>> -> memref<16384x16xf32, #tpu.memory_space<hbm>>
      tpu.wait_indirect_dma semaphore(%arg11 : memref<!tpu.dma_semaphore, #tpu.memory_space<semaphore_mem>>) src(%dma_wait3A_67 : memref<16384x16xf32, #tpu.memory_space<hbm>>) dst(%arg7 : memref<128x16xf32, #tpu.memory_space<vmem>>)
      %mul3A_68 = arith.constant 4 : i32
      %mul3A_69 = arith.muli %mul3A_68, %scan3A_10 : i32
      %add3A_70 = arith.constant 1 : i32
      %add3A_71 = arith.addi %mul3A_69, %add3A_70 : i32
      %mul3A_72 = arith.constant 128 : i32
      %mul3A_73 = arith.muli %add3A_71, %mul3A_72 : i32
      %add3A_74 = arith.addi %mul3A_4, %mul3A_73 : i32
      "tpu.region"() ({
        %run_scoped3A = tpu.sem_alloc : memref<!tpu.dma_semaphore, #tpu.memory_space<semaphore_mem>>
        %dma_start3A_101 = arith.constant 0 : i32
        %dma_start3A_102 = tpu.memref_slice %arg4[%add3A_74, %dma_start3A_101] : memref<131072x16xf32, #tpu.memory_space<hbm>> -> memref<128x16xf32, #tpu.memory_space<hbm>>
        %dma_start3A_103 = arith.constant 0 : i32
        %dma_start3A_104 = tpu.memref_slice %arg4[%add3A_74, %dma_start3A_103] : memref<131072x16xf32, #tpu.memory_space<hbm>> -> memref<128x16xf32, #tpu.memory_space<hbm>>
        tpu.enqueue_dma source(%arg7 : memref<128x16xf32, #tpu.memory_space<vmem>>) target(%dma_start3A_104 : memref<128x16xf32, #tpu.memory_space<hbm>>) target_semaphore(%run_scoped3A : memref<!tpu.dma_semaphore, #tpu.memory_space<semaphore_mem>>)
        %dma_wait3A_105 = arith.constant 0 : i32
        %dma_wait3A_106 = tpu.memref_slice %arg4[%add3A_74, %dma_wait3A_105] : memref<131072x16xf32, #tpu.memory_space<hbm>> -> memref<128x16xf32, #tpu.memory_space<hbm>>
        %dma_wait3A_107 = arith.constant 0 : i32
        %dma_wait3A_108 = tpu.memref_slice %arg4[%add3A_74, %dma_wait3A_107] : memref<131072x16xf32, #tpu.memory_space<hbm>> -> memref<128x16xf32, #tpu.memory_space<hbm>>
        tpu.wait_dma2 semaphore(%run_scoped3A : memref<!tpu.dma_semaphore, #tpu.memory_space<semaphore_mem>>) src(%arg7 : memref<128x16xf32, #tpu.memory_space<vmem>>) dst(%dma_wait3A_108 : memref<128x16xf32, #tpu.memory_space<hbm>>)
        tpu.yield
      }) : () -> ()
      %dma_wait3A_75 = arith.constant 0 : i32
      %dma_wait3A_76 = tpu.memref_slice %arg5[%add3A_33, %dma_wait3A_75] : memref<32x128xi32, #tpu.memory_space<vmem>> -> memref<1x128xi32, #tpu.memory_space<vmem>>
      %dma_wait3A_77 = tpu.memref_squeeze %dma_wait3A_76 : memref<1x128xi32, #tpu.memory_space<vmem>> -> memref<128xi32, #tpu.memory_space<vmem>>
      %dma_wait3A_78 = arith.constant 0 : i32
      %dma_wait3A_79 = arith.constant 0 : i32
      %dma_wait3A_80 = tpu.memref_slice %arg2[%dma_wait3A_78, %dma_wait3A_79] : memref<16384x16xf32, #tpu.memory_space<hbm>> -> memref<16384x16xf32, #tpu.memory_space<hbm>>
      tpu.wait_indirect_dma semaphore(%arg12 : memref<!tpu.dma_semaphore, #tpu.memory_space<semaphore_mem>>) src(%dma_wait3A_80 : memref<16384x16xf32, #tpu.memory_space<hbm>>) dst(%arg8 : memref<128x16xf32, #tpu.memory_space<vmem>>)
      %mul3A_81 = arith.constant 4 : i32
      %mul3A_82 = arith.muli %mul3A_81, %scan3A_10 : i32
      %add3A_83 = arith.constant 2 : i32
      %add3A_84 = arith.addi %mul3A_82, %add3A_83 : i32
      %mul3A_85 = arith.constant 128 : i32
      %mul3A_86 = arith.muli %add3A_84, %mul3A_85 : i32
      %add3A_87 = arith.addi %mul3A_4, %mul3A_86 : i32
      "tpu.region"() ({
        %run_scoped3A = tpu.sem_alloc : memref<!tpu.dma_semaphore, #tpu.memory_space<semaphore_mem>>
        %dma_start3A_101 = arith.constant 0 : i32
        %dma_start3A_102 = tpu.memref_slice %arg4[%add3A_87, %dma_start3A_101] : memref<131072x16xf32, #tpu.memory_space<hbm>> -> memref<128x16xf32, #tpu.memory_space<hbm>>
        %dma_start3A_103 = arith.constant 0 : i32
        %dma_start3A_104 = tpu.memref_slice %arg4[%add3A_87, %dma_start3A_103] : memref<131072x16xf32, #tpu.memory_space<hbm>> -> memref<128x16xf32, #tpu.memory_space<hbm>>
        tpu.enqueue_dma source(%arg8 : memref<128x16xf32, #tpu.memory_space<vmem>>) target(%dma_start3A_104 : memref<128x16xf32, #tpu.memory_space<hbm>>) target_semaphore(%run_scoped3A : memref<!tpu.dma_semaphore, #tpu.memory_space<semaphore_mem>>)
        %dma_wait3A_105 = arith.constant 0 : i32
        %dma_wait3A_106 = tpu.memref_slice %arg4[%add3A_87, %dma_wait3A_105] : memref<131072x16xf32, #tpu.memory_space<hbm>> -> memref<128x16xf32, #tpu.memory_space<hbm>>
        %dma_wait3A_107 = arith.constant 0 : i32
        %dma_wait3A_108 = tpu.memref_slice %arg4[%add3A_87, %dma_wait3A_107] : memref<131072x16xf32, #tpu.memory_space<hbm>> -> memref<128x16xf32, #tpu.memory_space<hbm>>
        tpu.wait_dma2 semaphore(%run_scoped3A : memref<!tpu.dma_semaphore, #tpu.memory_space<semaphore_mem>>) src(%arg8 : memref<128x16xf32, #tpu.memory_space<vmem>>) dst(%dma_wait3A_108 : memref<128x16xf32, #tpu.memory_space<hbm>>)
        tpu.yield
      }) : () -> ()
      %dma_wait3A_88 = arith.constant 0 : i32
      %dma_wait3A_89 = tpu.memref_slice %arg5[%add3A_43, %dma_wait3A_88] : memref<32x128xi32, #tpu.memory_space<vmem>> -> memref<1x128xi32, #tpu.memory_space<vmem>>
      %dma_wait3A_90 = tpu.memref_squeeze %dma_wait3A_89 : memref<1x128xi32, #tpu.memory_space<vmem>> -> memref<128xi32, #tpu.memory_space<vmem>>
      %dma_wait3A_91 = arith.constant 0 : i32
      %dma_wait3A_92 = arith.constant 0 : i32
      %dma_wait3A_93 = tpu.memref_slice %arg2[%dma_wait3A_91, %dma_wait3A_92] : memref<16384x16xf32, #tpu.memory_space<hbm>> -> memref<16384x16xf32, #tpu.memory_space<hbm>>
      tpu.wait_indirect_dma semaphore(%arg13 : memref<!tpu.dma_semaphore, #tpu.memory_space<semaphore_mem>>) src(%dma_wait3A_93 : memref<16384x16xf32, #tpu.memory_space<hbm>>) dst(%arg9 : memref<128x16xf32, #tpu.memory_space<vmem>>)
      %mul3A_94 = arith.constant 4 : i32
      %mul3A_95 = arith.muli %mul3A_94, %scan3A_10 : i32
      %add3A_96 = arith.constant 3 : i32
      %add3A_97 = arith.addi %mul3A_95, %add3A_96 : i32
      %mul3A_98 = arith.constant 128 : i32
      %mul3A_99 = arith.muli %add3A_97, %mul3A_98 : i32
      %add3A_100 = arith.addi %mul3A_4, %mul3A_99 : i32
      "tpu.region"() ({
        %run_scoped3A = tpu.sem_alloc : memref<!tpu.dma_semaphore, #tpu.memory_space<semaphore_mem>>
        %dma_start3A_101 = arith.constant 0 : i32
        %dma_start3A_102 = tpu.memref_slice %arg4[%add3A_100, %dma_start3A_101] : memref<131072x16xf32, #tpu.memory_space<hbm>> -> memref<128x16xf32, #tpu.memory_space<hbm>>
        %dma_start3A_103 = arith.constant 0 : i32
        %dma_start3A_104 = tpu.memref_slice %arg4[%add3A_100, %dma_start3A_103] : memref<131072x16xf32, #tpu.memory_space<hbm>> -> memref<128x16xf32, #tpu.memory_space<hbm>>
        tpu.enqueue_dma source(%arg9 : memref<128x16xf32, #tpu.memory_space<vmem>>) target(%dma_start3A_104 : memref<128x16xf32, #tpu.memory_space<hbm>>) target_semaphore(%run_scoped3A : memref<!tpu.dma_semaphore, #tpu.memory_space<semaphore_mem>>)
        %dma_wait3A_105 = arith.constant 0 : i32
        %dma_wait3A_106 = tpu.memref_slice %arg4[%add3A_100, %dma_wait3A_105] : memref<131072x16xf32, #tpu.memory_space<hbm>> -> memref<128x16xf32, #tpu.memory_space<hbm>>
        %dma_wait3A_107 = arith.constant 0 : i32
        %dma_wait3A_108 = tpu.memref_slice %arg4[%add3A_100, %dma_wait3A_107] : memref<131072x16xf32, #tpu.memory_space<hbm>> -> memref<128x16xf32, #tpu.memory_space<hbm>>
        tpu.wait_dma2 semaphore(%run_scoped3A : memref<!tpu.dma_semaphore, #tpu.memory_space<semaphore_mem>>) src(%arg9 : memref<128x16xf32, #tpu.memory_space<vmem>>) dst(%dma_wait3A_108 : memref<128x16xf32, #tpu.memory_space<hbm>>)
        tpu.yield
      }) : () -> ()
    }
    %scan3A_9 = arith.constant 8 : i32
    return
  }
}

#map = affine_map<(d0, d1) -> (0, 0)>
#map1 = affine_map<(d0, d1) -> (0, 0, 0)>
module attributes {stable_mosaic.version = 14 : i64} {
  func.func @k(%arg0: i32, %arg1: i32, %arg2: memref<16384x64xf32, #tpu.memory_space<hbm>>, %arg3: memref<32x32x128xi32, #tpu.memory_space<hbm>>, %arg4: memref<131072x64xf32, #tpu.memory_space<hbm>>, %arg5: memref<32x128xi32, #tpu.memory_space<vmem>>, %arg6: memref<128x64xf32, #tpu.memory_space<vmem>>, %arg7: memref<128x64xf32, #tpu.memory_space<vmem>>, %arg8: memref<128x64xf32, #tpu.memory_space<vmem>>, %arg9: memref<128x64xf32, #tpu.memory_space<vmem>>, %arg10: memref<!tpu.dma_semaphore, #tpu.memory_space<semaphore_mem>>, %arg11: memref<!tpu.dma_semaphore, #tpu.memory_space<semaphore_mem>>, %arg12: memref<!tpu.dma_semaphore, #tpu.memory_space<semaphore_mem>>, %arg13: memref<!tpu.dma_semaphore, #tpu.memory_space<semaphore_mem>>) attributes {dimension_semantics = [#tpu.dimension_semantics<core_parallel>, #tpu.dimension_semantics<subcore_parallel>], iteration_bounds = array<i64: 2, 16>, scalar_prefetch = 0 : i64, scratch_operands = 9 : i64, tpu.core_type = #tpu.core_type<sc_vector_subcore>, window_params = [{transform_indices = #map}, {transform_indices = #map1}, {transform_indices = #map}]} {
    %mul3A = arith.constant 2 : i32
    %mul3A_0 = arith.muli %arg1, %mul3A : i32
    %add3A = arith.addi %mul3A_0, %arg0 : i32
    "tpu.region"() ({
      %run_scoped3A = tpu.sem_alloc : memref<!tpu.dma_semaphore, #tpu.memory_space<semaphore_mem>>
      %dma_start3A = arith.constant 0 : i32
      %dma_start3A_10 = arith.constant 0 : i32
      %dma_start3A_11 = tpu.memref_slice %arg3[%add3A, %dma_start3A, %dma_start3A_10] : memref<32x32x128xi32, #tpu.memory_space<hbm>> -> memref<1x32x128xi32, #tpu.memory_space<hbm>>
      %dma_start3A_12 = tpu.memref_squeeze %dma_start3A_11 : memref<1x32x128xi32, #tpu.memory_space<hbm>> -> memref<32x128xi32, #tpu.memory_space<hbm>>
      %dma_start3A_13 = arith.constant 0 : i32
      %dma_start3A_14 = arith.constant 0 : i32
      %dma_start3A_15 = tpu.memref_slice %arg3[%add3A, %dma_start3A_13, %dma_start3A_14] : memref<32x32x128xi32, #tpu.memory_space<hbm>> -> memref<1x32x128xi32, #tpu.memory_space<hbm>>
      %dma_start3A_16 = tpu.memref_squeeze %dma_start3A_15 : memref<1x32x128xi32, #tpu.memory_space<hbm>> -> memref<32x128xi32, #tpu.memory_space<hbm>>
      tpu.enqueue_dma source(%dma_start3A_16 : memref<32x128xi32, #tpu.memory_space<hbm>>) target(%arg5 : memref<32x128xi32, #tpu.memory_space<vmem>>) target_semaphore(%run_scoped3A : memref<!tpu.dma_semaphore, #tpu.memory_space<semaphore_mem>>)
      %dma_wait3A = arith.constant 0 : i32
      %dma_wait3A_17 = arith.constant 0 : i32
      %dma_wait3A_18 = tpu.memref_slice %arg3[%add3A, %dma_wait3A, %dma_wait3A_17] : memref<32x32x128xi32, #tpu.memory_space<hbm>> -> memref<1x32x128xi32, #tpu.memory_space<hbm>>
      %dma_wait3A_19 = tpu.memref_squeeze %dma_wait3A_18 : memref<1x32x128xi32, #tpu.memory_space<hbm>> -> memref<32x128xi32, #tpu.memory_space<hbm>>
      %dma_wait3A_20 = arith.constant 0 : i32
      %dma_wait3A_21 = arith.constant 0 : i32
      %dma_wait3A_22 = tpu.memref_slice %arg3[%add3A, %dma_wait3A_20, %dma_wait3A_21] : memref<32x32x128xi32, #tpu.memory_space<hbm>> -> memref<1x32x128xi32, #tpu.memory_space<hbm>>
      %dma_wait3A_23 = tpu.memref_squeeze %dma_wait3A_22 : memref<1x32x128xi32, #tpu.memory_space<hbm>> -> memref<32x128xi32, #tpu.memory_space<hbm>>
      tpu.wait_dma2 semaphore(%run_scoped3A : memref<!tpu.dma_semaphore, #tpu.memory_space<semaphore_mem>>) src(%dma_wait3A_23 : memref<32x128xi32, #tpu.memory_space<hbm>>) dst(%arg5 : memref<32x128xi32, #tpu.memory_space<vmem>>)
      tpu.yield
    }) : () -> ()
    %mul3A_1 = arith.constant 32 : i32
    %mul3A_2 = arith.muli %add3A, %mul3A_1 : i32
    %mul3A_3 = arith.constant 128 : i32
    %mul3A_4 = arith.muli %mul3A_2, %mul3A_3 : i32
    %scan3A = arith.constant 0 : i32
    %scan3A_5 = arith.constant 0 : i32
    %scan3A_6 = arith.constant 8 : i32
    %scan3A_7 = arith.addi %scan3A_5, %scan3A_6 : i32
    %scan3A_8 = arith.constant 1 : i32
    scf.for %scan3A_10 = %scan3A_5 to %scan3A_7 step %scan3A_8  : i32 {
      %mul3A_11 = arith.constant 4 : i32
      %mul3A_12 = arith.muli %mul3A_11, %scan3A_10 : i32
      %add3A_13 = arith.constant 0 : i32
      %add3A_14 = arith.addi %mul3A_12, %add3A_13 : i32
      %dma_start3A = arith.constant 0 : i32
      %dma_start3A_15 = tpu.memref_slice %arg5[%add3A_14, %dma_start3A] : memref<32x128xi32, #tpu.memory_space<vmem>> -> memref<1x128xi32, #tpu.memory_space<vmem>>
      %dma_start3A_16 = tpu.memref_squeeze %dma_start3A_15 : memref<1x128xi32, #tpu.memory_space<vmem>> -> memref<128xi32, #tpu.memory_space<vmem>>
      %dma_start3A_17 = arith.constant 0 : i32
      %dma_start3A_18 = arith.constant 0 : i32
      %dma_start3A_19 = tpu.memref_slice %arg2[%dma_start3A_17, %dma_start3A_18] : memref<16384x64xf32, #tpu.memory_space<hbm>> -> memref<16384x64xf32, #tpu.memory_space<hbm>>
      tpu.enqueue_indirect_dma source(%dma_start3A_19 : memref<16384x64xf32, #tpu.memory_space<hbm>>) target(%arg6 : memref<128x64xf32, #tpu.memory_space<vmem>>) offsets(%dma_start3A_16 : memref<128xi32, #tpu.memory_space<vmem>>) semaphore(%arg10 : memref<!tpu.dma_semaphore, #tpu.memory_space<semaphore_mem>>)
      %mul3A_20 = arith.constant 4 : i32
      %mul3A_21 = arith.muli %mul3A_20, %scan3A_10 : i32
      %add3A_22 = arith.constant 1 : i32
      %add3A_23 = arith.addi %mul3A_21, %add3A_22 : i32
      %dma_start3A_24 = arith.constant 0 : i32
      %dma_start3A_25 = tpu.memref_slice %arg5[%add3A_23, %dma_start3A_24] : memref<32x128xi32, #tpu.memory_space<vmem>> -> memref<1x128xi32, #tpu.memory_space<vmem>>
      %dma_start3A_26 = tpu.memref_squeeze %dma_start3A_25 : memref<1x128xi32, #tpu.memory_space<vmem>> -> memref<128xi32, #tpu.memory_space<vmem>>
      %dma_start3A_27 = arith.constant 0 : i32
      %dma_start3A_28 = arith.constant 0 : i32
      %dma_start3A_29 = tpu.memref_slice %arg2[%dma_start3A_27, %dma_start3A_28] : memref<16384x64xf32, #tpu.memory_space<hbm>> -> memref<16384x64xf32, #tpu.memory_space<hbm>>
      tpu.enqueue_indirect_dma source(%dma_start3A_29 : memref<16384x64xf32, #tpu.memory_space<hbm>>) target(%arg7 : memref<128x64xf32, #tpu.memory_space<vmem>>) offsets(%dma_start3A_26 : memref<128xi32, #tpu.memory_space<vmem>>) semaphore(%arg11 : memref<!tpu.dma_semaphore, #tpu.memory_space<semaphore_mem>>)
      %mul3A_30 = arith.constant 4 : i32
      %mul3A_31 = arith.muli %mul3A_30, %scan3A_10 : i32
      %add3A_32 = arith.constant 2 : i32
      %add3A_33 = arith.addi %mul3A_31, %add3A_32 : i32
      %dma_start3A_34 = arith.constant 0 : i32
      %dma_start3A_35 = tpu.memref_slice %arg5[%add3A_33, %dma_start3A_34] : memref<32x128xi32, #tpu.memory_space<vmem>> -> memref<1x128xi32, #tpu.memory_space<vmem>>
      %dma_start3A_36 = tpu.memref_squeeze %dma_start3A_35 : memref<1x128xi32, #tpu.memory_space<vmem>> -> memref<128xi32, #tpu.memory_space<vmem>>
      %dma_start3A_37 = arith.constant 0 : i32
      %dma_start3A_38 = arith.constant 0 : i32
      %dma_start3A_39 = tpu.memref_slice %arg2[%dma_start3A_37, %dma_start3A_38] : memref<16384x64xf32, #tpu.memory_space<hbm>> -> memref<16384x64xf32, #tpu.memory_space<hbm>>
      tpu.enqueue_indirect_dma source(%dma_start3A_39 : memref<16384x64xf32, #tpu.memory_space<hbm>>) target(%arg8 : memref<128x64xf32, #tpu.memory_space<vmem>>) offsets(%dma_start3A_36 : memref<128xi32, #tpu.memory_space<vmem>>) semaphore(%arg12 : memref<!tpu.dma_semaphore, #tpu.memory_space<semaphore_mem>>)
      %mul3A_40 = arith.constant 4 : i32
      %mul3A_41 = arith.muli %mul3A_40, %scan3A_10 : i32
      %add3A_42 = arith.constant 3 : i32
      %add3A_43 = arith.addi %mul3A_41, %add3A_42 : i32
      %dma_start3A_44 = arith.constant 0 : i32
      %dma_start3A_45 = tpu.memref_slice %arg5[%add3A_43, %dma_start3A_44] : memref<32x128xi32, #tpu.memory_space<vmem>> -> memref<1x128xi32, #tpu.memory_space<vmem>>
      %dma_start3A_46 = tpu.memref_squeeze %dma_start3A_45 : memref<1x128xi32, #tpu.memory_space<vmem>> -> memref<128xi32, #tpu.memory_space<vmem>>
      %dma_start3A_47 = arith.constant 0 : i32
      %dma_start3A_48 = arith.constant 0 : i32
      %dma_start3A_49 = tpu.memref_slice %arg2[%dma_start3A_47, %dma_start3A_48] : memref<16384x64xf32, #tpu.memory_space<hbm>> -> memref<16384x64xf32, #tpu.memory_space<hbm>>
      tpu.enqueue_indirect_dma source(%dma_start3A_49 : memref<16384x64xf32, #tpu.memory_space<hbm>>) target(%arg9 : memref<128x64xf32, #tpu.memory_space<vmem>>) offsets(%dma_start3A_46 : memref<128xi32, #tpu.memory_space<vmem>>) semaphore(%arg13 : memref<!tpu.dma_semaphore, #tpu.memory_space<semaphore_mem>>)
      %dma_wait3A = arith.constant 0 : i32
      %dma_wait3A_50 = tpu.memref_slice %arg5[%add3A_14, %dma_wait3A] : memref<32x128xi32, #tpu.memory_space<vmem>> -> memref<1x128xi32, #tpu.memory_space<vmem>>
      %dma_wait3A_51 = tpu.memref_squeeze %dma_wait3A_50 : memref<1x128xi32, #tpu.memory_space<vmem>> -> memref<128xi32, #tpu.memory_space<vmem>>
      %dma_wait3A_52 = arith.constant 0 : i32
      %dma_wait3A_53 = arith.constant 0 : i32
      %dma_wait3A_54 = tpu.memref_slice %arg2[%dma_wait3A_52, %dma_wait3A_53] : memref<16384x64xf32, #tpu.memory_space<hbm>> -> memref<16384x64xf32, #tpu.memory_space<hbm>>
      tpu.wait_indirect_dma semaphore(%arg10 : memref<!tpu.dma_semaphore, #tpu.memory_space<semaphore_mem>>) src(%dma_wait3A_54 : memref<16384x64xf32, #tpu.memory_space<hbm>>) dst(%arg6 : memref<128x64xf32, #tpu.memory_space<vmem>>)
      %mul3A_55 = arith.constant 4 : i32
      %mul3A_56 = arith.muli %mul3A_55, %scan3A_10 : i32
      %add3A_57 = arith.constant 0 : i32
      %add3A_58 = arith.addi %mul3A_56, %add3A_57 : i32
      %mul3A_59 = arith.constant 128 : i32
      %mul3A_60 = arith.muli %add3A_58, %mul3A_59 : i32
      %add3A_61 = arith.addi %mul3A_4, %mul3A_60 : i32
      "tpu.region"() ({
        %run_scoped3A = tpu.sem_alloc : memref<!tpu.dma_semaphore, #tpu.memory_space<semaphore_mem>>
        %dma_start3A_101 = arith.constant 0 : i32
        %dma_start3A_102 = tpu.memref_slice %arg4[%add3A_61, %dma_start3A_101] : memref<131072x64xf32, #tpu.memory_space<hbm>> -> memref<128x64xf32, #tpu.memory_space<hbm>>
        %dma_start3A_103 = arith.constant 0 : i32
        %dma_start3A_104 = tpu.memref_slice %arg4[%add3A_61, %dma_start3A_103] : memref<131072x64xf32, #tpu.memory_space<hbm>> -> memref<128x64xf32, #tpu.memory_space<hbm>>
        tpu.enqueue_dma source(%arg6 : memref<128x64xf32, #tpu.memory_space<vmem>>) target(%dma_start3A_104 : memref<128x64xf32, #tpu.memory_space<hbm>>) target_semaphore(%run_scoped3A : memref<!tpu.dma_semaphore, #tpu.memory_space<semaphore_mem>>)
        %dma_wait3A_105 = arith.constant 0 : i32
        %dma_wait3A_106 = tpu.memref_slice %arg4[%add3A_61, %dma_wait3A_105] : memref<131072x64xf32, #tpu.memory_space<hbm>> -> memref<128x64xf32, #tpu.memory_space<hbm>>
        %dma_wait3A_107 = arith.constant 0 : i32
        %dma_wait3A_108 = tpu.memref_slice %arg4[%add3A_61, %dma_wait3A_107] : memref<131072x64xf32, #tpu.memory_space<hbm>> -> memref<128x64xf32, #tpu.memory_space<hbm>>
        tpu.wait_dma2 semaphore(%run_scoped3A : memref<!tpu.dma_semaphore, #tpu.memory_space<semaphore_mem>>) src(%arg6 : memref<128x64xf32, #tpu.memory_space<vmem>>) dst(%dma_wait3A_108 : memref<128x64xf32, #tpu.memory_space<hbm>>)
        tpu.yield
      }) : () -> ()
      %dma_wait3A_62 = arith.constant 0 : i32
      %dma_wait3A_63 = tpu.memref_slice %arg5[%add3A_23, %dma_wait3A_62] : memref<32x128xi32, #tpu.memory_space<vmem>> -> memref<1x128xi32, #tpu.memory_space<vmem>>
      %dma_wait3A_64 = tpu.memref_squeeze %dma_wait3A_63 : memref<1x128xi32, #tpu.memory_space<vmem>> -> memref<128xi32, #tpu.memory_space<vmem>>
      %dma_wait3A_65 = arith.constant 0 : i32
      %dma_wait3A_66 = arith.constant 0 : i32
      %dma_wait3A_67 = tpu.memref_slice %arg2[%dma_wait3A_65, %dma_wait3A_66] : memref<16384x64xf32, #tpu.memory_space<hbm>> -> memref<16384x64xf32, #tpu.memory_space<hbm>>
      tpu.wait_indirect_dma semaphore(%arg11 : memref<!tpu.dma_semaphore, #tpu.memory_space<semaphore_mem>>) src(%dma_wait3A_67 : memref<16384x64xf32, #tpu.memory_space<hbm>>) dst(%arg7 : memref<128x64xf32, #tpu.memory_space<vmem>>)
      %mul3A_68 = arith.constant 4 : i32
      %mul3A_69 = arith.muli %mul3A_68, %scan3A_10 : i32
      %add3A_70 = arith.constant 1 : i32
      %add3A_71 = arith.addi %mul3A_69, %add3A_70 : i32
      %mul3A_72 = arith.constant 128 : i32
      %mul3A_73 = arith.muli %add3A_71, %mul3A_72 : i32
      %add3A_74 = arith.addi %mul3A_4, %mul3A_73 : i32
      "tpu.region"() ({
        %run_scoped3A = tpu.sem_alloc : memref<!tpu.dma_semaphore, #tpu.memory_space<semaphore_mem>>
        %dma_start3A_101 = arith.constant 0 : i32
        %dma_start3A_102 = tpu.memref_slice %arg4[%add3A_74, %dma_start3A_101] : memref<131072x64xf32, #tpu.memory_space<hbm>> -> memref<128x64xf32, #tpu.memory_space<hbm>>
        %dma_start3A_103 = arith.constant 0 : i32
        %dma_start3A_104 = tpu.memref_slice %arg4[%add3A_74, %dma_start3A_103] : memref<131072x64xf32, #tpu.memory_space<hbm>> -> memref<128x64xf32, #tpu.memory_space<hbm>>
        tpu.enqueue_dma source(%arg7 : memref<128x64xf32, #tpu.memory_space<vmem>>) target(%dma_start3A_104 : memref<128x64xf32, #tpu.memory_space<hbm>>) target_semaphore(%run_scoped3A : memref<!tpu.dma_semaphore, #tpu.memory_space<semaphore_mem>>)
        %dma_wait3A_105 = arith.constant 0 : i32
        %dma_wait3A_106 = tpu.memref_slice %arg4[%add3A_74, %dma_wait3A_105] : memref<131072x64xf32, #tpu.memory_space<hbm>> -> memref<128x64xf32, #tpu.memory_space<hbm>>
        %dma_wait3A_107 = arith.constant 0 : i32
        %dma_wait3A_108 = tpu.memref_slice %arg4[%add3A_74, %dma_wait3A_107] : memref<131072x64xf32, #tpu.memory_space<hbm>> -> memref<128x64xf32, #tpu.memory_space<hbm>>
        tpu.wait_dma2 semaphore(%run_scoped3A : memref<!tpu.dma_semaphore, #tpu.memory_space<semaphore_mem>>) src(%arg7 : memref<128x64xf32, #tpu.memory_space<vmem>>) dst(%dma_wait3A_108 : memref<128x64xf32, #tpu.memory_space<hbm>>)
        tpu.yield
      }) : () -> ()
      %dma_wait3A_75 = arith.constant 0 : i32
      %dma_wait3A_76 = tpu.memref_slice %arg5[%add3A_33, %dma_wait3A_75] : memref<32x128xi32, #tpu.memory_space<vmem>> -> memref<1x128xi32, #tpu.memory_space<vmem>>
      %dma_wait3A_77 = tpu.memref_squeeze %dma_wait3A_76 : memref<1x128xi32, #tpu.memory_space<vmem>> -> memref<128xi32, #tpu.memory_space<vmem>>
      %dma_wait3A_78 = arith.constant 0 : i32
      %dma_wait3A_79 = arith.constant 0 : i32
      %dma_wait3A_80 = tpu.memref_slice %arg2[%dma_wait3A_78, %dma_wait3A_79] : memref<16384x64xf32, #tpu.memory_space<hbm>> -> memref<16384x64xf32, #tpu.memory_space<hbm>>
      tpu.wait_indirect_dma semaphore(%arg12 : memref<!tpu.dma_semaphore, #tpu.memory_space<semaphore_mem>>) src(%dma_wait3A_80 : memref<16384x64xf32, #tpu.memory_space<hbm>>) dst(%arg8 : memref<128x64xf32, #tpu.memory_space<vmem>>)
      %mul3A_81 = arith.constant 4 : i32
      %mul3A_82 = arith.muli %mul3A_81, %scan3A_10 : i32
      %add3A_83 = arith.constant 2 : i32
      %add3A_84 = arith.addi %mul3A_82, %add3A_83 : i32
      %mul3A_85 = arith.constant 128 : i32
      %mul3A_86 = arith.muli %add3A_84, %mul3A_85 : i32
      %add3A_87 = arith.addi %mul3A_4, %mul3A_86 : i32
      "tpu.region"() ({
        %run_scoped3A = tpu.sem_alloc : memref<!tpu.dma_semaphore, #tpu.memory_space<semaphore_mem>>
        %dma_start3A_101 = arith.constant 0 : i32
        %dma_start3A_102 = tpu.memref_slice %arg4[%add3A_87, %dma_start3A_101] : memref<131072x64xf32, #tpu.memory_space<hbm>> -> memref<128x64xf32, #tpu.memory_space<hbm>>
        %dma_start3A_103 = arith.constant 0 : i32
        %dma_start3A_104 = tpu.memref_slice %arg4[%add3A_87, %dma_start3A_103] : memref<131072x64xf32, #tpu.memory_space<hbm>> -> memref<128x64xf32, #tpu.memory_space<hbm>>
        tpu.enqueue_dma source(%arg8 : memref<128x64xf32, #tpu.memory_space<vmem>>) target(%dma_start3A_104 : memref<128x64xf32, #tpu.memory_space<hbm>>) target_semaphore(%run_scoped3A : memref<!tpu.dma_semaphore, #tpu.memory_space<semaphore_mem>>)
        %dma_wait3A_105 = arith.constant 0 : i32
        %dma_wait3A_106 = tpu.memref_slice %arg4[%add3A_87, %dma_wait3A_105] : memref<131072x64xf32, #tpu.memory_space<hbm>> -> memref<128x64xf32, #tpu.memory_space<hbm>>
        %dma_wait3A_107 = arith.constant 0 : i32
        %dma_wait3A_108 = tpu.memref_slice %arg4[%add3A_87, %dma_wait3A_107] : memref<131072x64xf32, #tpu.memory_space<hbm>> -> memref<128x64xf32, #tpu.memory_space<hbm>>
        tpu.wait_dma2 semaphore(%run_scoped3A : memref<!tpu.dma_semaphore, #tpu.memory_space<semaphore_mem>>) src(%arg8 : memref<128x64xf32, #tpu.memory_space<vmem>>) dst(%dma_wait3A_108 : memref<128x64xf32, #tpu.memory_space<hbm>>)
        tpu.yield
      }) : () -> ()
      %dma_wait3A_88 = arith.constant 0 : i32
      %dma_wait3A_89 = tpu.memref_slice %arg5[%add3A_43, %dma_wait3A_88] : memref<32x128xi32, #tpu.memory_space<vmem>> -> memref<1x128xi32, #tpu.memory_space<vmem>>
      %dma_wait3A_90 = tpu.memref_squeeze %dma_wait3A_89 : memref<1x128xi32, #tpu.memory_space<vmem>> -> memref<128xi32, #tpu.memory_space<vmem>>
      %dma_wait3A_91 = arith.constant 0 : i32
      %dma_wait3A_92 = arith.constant 0 : i32
      %dma_wait3A_93 = tpu.memref_slice %arg2[%dma_wait3A_91, %dma_wait3A_92] : memref<16384x64xf32, #tpu.memory_space<hbm>> -> memref<16384x64xf32, #tpu.memory_space<hbm>>
      tpu.wait_indirect_dma semaphore(%arg13 : memref<!tpu.dma_semaphore, #tpu.memory_space<semaphore_mem>>) src(%dma_wait3A_93 : memref<16384x64xf32, #tpu.memory_space<hbm>>) dst(%arg9 : memref<128x64xf32, #tpu.memory_space<vmem>>)
      %mul3A_94 = arith.constant 4 : i32
      %mul3A_95 = arith.muli %mul3A_94, %scan3A_10 : i32
      %add3A_96 = arith.constant 3 : i32
      %add3A_97 = arith.addi %mul3A_95, %add3A_96 : i32
      %mul3A_98 = arith.constant 128 : i32
      %mul3A_99 = arith.muli %add3A_97, %mul3A_98 : i32
      %add3A_100 = arith.addi %mul3A_4, %mul3A_99 : i32
      "tpu.region"() ({
        %run_scoped3A = tpu.sem_alloc : memref<!tpu.dma_semaphore, #tpu.memory_space<semaphore_mem>>
        %dma_start3A_101 = arith.constant 0 : i32
        %dma_start3A_102 = tpu.memref_slice %arg4[%add3A_100, %dma_start3A_101] : memref<131072x64xf32, #tpu.memory_space<hbm>> -> memref<128x64xf32, #tpu.memory_space<hbm>>
        %dma_start3A_103 = arith.constant 0 : i32
        %dma_start3A_104 = tpu.memref_slice %arg4[%add3A_100, %dma_start3A_103] : memref<131072x64xf32, #tpu.memory_space<hbm>> -> memref<128x64xf32, #tpu.memory_space<hbm>>
        tpu.enqueue_dma source(%arg9 : memref<128x64xf32, #tpu.memory_space<vmem>>) target(%dma_start3A_104 : memref<128x64xf32, #tpu.memory_space<hbm>>) target_semaphore(%run_scoped3A : memref<!tpu.dma_semaphore, #tpu.memory_space<semaphore_mem>>)
        %dma_wait3A_105 = arith.constant 0 : i32
        %dma_wait3A_106 = tpu.memref_slice %arg4[%add3A_100, %dma_wait3A_105] : memref<131072x64xf32, #tpu.memory_space<hbm>> -> memref<128x64xf32, #tpu.memory_space<hbm>>
        %dma_wait3A_107 = arith.constant 0 : i32
        %dma_wait3A_108 = tpu.memref_slice %arg4[%add3A_100, %dma_wait3A_107] : memref<131072x64xf32, #tpu.memory_space<hbm>> -> memref<128x64xf32, #tpu.memory_space<hbm>>
        tpu.wait_dma2 semaphore(%run_scoped3A : memref<!tpu.dma_semaphore, #tpu.memory_space<semaphore_mem>>) src(%arg9 : memref<128x64xf32, #tpu.memory_space<vmem>>) dst(%dma_wait3A_108 : memref<128x64xf32, #tpu.memory_space<hbm>>)
        tpu.yield
      }) : () -> ()
    }
    %scan3A_9 = arith.constant 8 : i32
    return
  }
}

#map = affine_map<(d0, d1) -> (0, 0)>
#map1 = affine_map<(d0, d1) -> (0, 0, 0)>
module attributes {stable_mosaic.version = 14 : i64} {
  func.func @k(%arg0: i32, %arg1: i32, %arg2: memref<16384x80xf32, #tpu.memory_space<hbm>>, %arg3: memref<32x6x128xi32, #tpu.memory_space<hbm>>, %arg4: memref<24576x80xf32, #tpu.memory_space<hbm>>, %arg5: memref<6x128xi32, #tpu.memory_space<vmem>>, %arg6: memref<128x80xf32, #tpu.memory_space<vmem>>, %arg7: memref<128x80xf32, #tpu.memory_space<vmem>>, %arg8: memref<!tpu.dma_semaphore, #tpu.memory_space<semaphore_mem>>, %arg9: memref<!tpu.dma_semaphore, #tpu.memory_space<semaphore_mem>>) attributes {dimension_semantics = [#tpu.dimension_semantics<core_parallel>, #tpu.dimension_semantics<subcore_parallel>], iteration_bounds = array<i64: 2, 16>, scalar_prefetch = 0 : i64, scratch_operands = 5 : i64, tpu.core_type = #tpu.core_type<sc_vector_subcore>, window_params = [{transform_indices = #map}, {transform_indices = #map1}, {transform_indices = #map}]} {
    %mul3A = arith.constant 2 : i32
    %mul3A_0 = arith.muli %arg1, %mul3A : i32
    %add3A = arith.addi %mul3A_0, %arg0 : i32
    "tpu.region"() ({
      %run_scoped3A = tpu.sem_alloc : memref<!tpu.dma_semaphore, #tpu.memory_space<semaphore_mem>>
      %dma_start3A = arith.constant 0 : i32
      %dma_start3A_10 = arith.constant 0 : i32
      %dma_start3A_11 = tpu.memref_slice %arg3[%add3A, %dma_start3A, %dma_start3A_10] : memref<32x6x128xi32, #tpu.memory_space<hbm>> -> memref<1x6x128xi32, #tpu.memory_space<hbm>>
      %dma_start3A_12 = tpu.memref_squeeze %dma_start3A_11 : memref<1x6x128xi32, #tpu.memory_space<hbm>> -> memref<6x128xi32, #tpu.memory_space<hbm>>
      %dma_start3A_13 = arith.constant 0 : i32
      %dma_start3A_14 = arith.constant 0 : i32
      %dma_start3A_15 = tpu.memref_slice %arg3[%add3A, %dma_start3A_13, %dma_start3A_14] : memref<32x6x128xi32, #tpu.memory_space<hbm>> -> memref<1x6x128xi32, #tpu.memory_space<hbm>>
      %dma_start3A_16 = tpu.memref_squeeze %dma_start3A_15 : memref<1x6x128xi32, #tpu.memory_space<hbm>> -> memref<6x128xi32, #tpu.memory_space<hbm>>
      tpu.enqueue_dma source(%dma_start3A_16 : memref<6x128xi32, #tpu.memory_space<hbm>>) target(%arg5 : memref<6x128xi32, #tpu.memory_space<vmem>>) target_semaphore(%run_scoped3A : memref<!tpu.dma_semaphore, #tpu.memory_space<semaphore_mem>>)
      %dma_wait3A = arith.constant 0 : i32
      %dma_wait3A_17 = arith.constant 0 : i32
      %dma_wait3A_18 = tpu.memref_slice %arg3[%add3A, %dma_wait3A, %dma_wait3A_17] : memref<32x6x128xi32, #tpu.memory_space<hbm>> -> memref<1x6x128xi32, #tpu.memory_space<hbm>>
      %dma_wait3A_19 = tpu.memref_squeeze %dma_wait3A_18 : memref<1x6x128xi32, #tpu.memory_space<hbm>> -> memref<6x128xi32, #tpu.memory_space<hbm>>
      %dma_wait3A_20 = arith.constant 0 : i32
      %dma_wait3A_21 = arith.constant 0 : i32
      %dma_wait3A_22 = tpu.memref_slice %arg3[%add3A, %dma_wait3A_20, %dma_wait3A_21] : memref<32x6x128xi32, #tpu.memory_space<hbm>> -> memref<1x6x128xi32, #tpu.memory_space<hbm>>
      %dma_wait3A_23 = tpu.memref_squeeze %dma_wait3A_22 : memref<1x6x128xi32, #tpu.memory_space<hbm>> -> memref<6x128xi32, #tpu.memory_space<hbm>>
      tpu.wait_dma2 semaphore(%run_scoped3A : memref<!tpu.dma_semaphore, #tpu.memory_space<semaphore_mem>>) src(%dma_wait3A_23 : memref<6x128xi32, #tpu.memory_space<hbm>>) dst(%arg5 : memref<6x128xi32, #tpu.memory_space<vmem>>)
      tpu.yield
    }) : () -> ()
    %mul3A_1 = arith.constant 6 : i32
    %mul3A_2 = arith.muli %add3A, %mul3A_1 : i32
    %mul3A_3 = arith.constant 128 : i32
    %mul3A_4 = arith.muli %mul3A_2, %mul3A_3 : i32
    %scan3A = arith.constant 0 : i32
    %scan3A_5 = arith.constant 0 : i32
    %scan3A_6 = arith.constant 3 : i32
    %scan3A_7 = arith.addi %scan3A_5, %scan3A_6 : i32
    %scan3A_8 = arith.constant 1 : i32
    scf.for %scan3A_10 = %scan3A_5 to %scan3A_7 step %scan3A_8  : i32 {
      %mul3A_11 = arith.constant 2 : i32
      %mul3A_12 = arith.muli %mul3A_11, %scan3A_10 : i32
      %add3A_13 = arith.constant 0 : i32
      %add3A_14 = arith.addi %mul3A_12, %add3A_13 : i32
      %dma_start3A = arith.constant 0 : i32
      %dma_start3A_15 = tpu.memref_slice %arg5[%add3A_14, %dma_start3A] : memref<6x128xi32, #tpu.memory_space<vmem>> -> memref<1x128xi32, #tpu.memory_space<vmem>>
      %dma_start3A_16 = tpu.memref_squeeze %dma_start3A_15 : memref<1x128xi32, #tpu.memory_space<vmem>> -> memref<128xi32, #tpu.memory_space<vmem>>
      %dma_start3A_17 = arith.constant 0 : i32
      %dma_start3A_18 = arith.constant 0 : i32
      %dma_start3A_19 = tpu.memref_slice %arg2[%dma_start3A_17, %dma_start3A_18] : memref<16384x80xf32, #tpu.memory_space<hbm>> -> memref<16384x80xf32, #tpu.memory_space<hbm>>
      tpu.enqueue_indirect_dma source(%dma_start3A_19 : memref<16384x80xf32, #tpu.memory_space<hbm>>) target(%arg6 : memref<128x80xf32, #tpu.memory_space<vmem>>) offsets(%dma_start3A_16 : memref<128xi32, #tpu.memory_space<vmem>>) semaphore(%arg8 : memref<!tpu.dma_semaphore, #tpu.memory_space<semaphore_mem>>)
      %mul3A_20 = arith.constant 2 : i32
      %mul3A_21 = arith.muli %mul3A_20, %scan3A_10 : i32
      %add3A_22 = arith.constant 1 : i32
      %add3A_23 = arith.addi %mul3A_21, %add3A_22 : i32
      %dma_start3A_24 = arith.constant 0 : i32
      %dma_start3A_25 = tpu.memref_slice %arg5[%add3A_23, %dma_start3A_24] : memref<6x128xi32, #tpu.memory_space<vmem>> -> memref<1x128xi32, #tpu.memory_space<vmem>>
      %dma_start3A_26 = tpu.memref_squeeze %dma_start3A_25 : memref<1x128xi32, #tpu.memory_space<vmem>> -> memref<128xi32, #tpu.memory_space<vmem>>
      %dma_start3A_27 = arith.constant 0 : i32
      %dma_start3A_28 = arith.constant 0 : i32
      %dma_start3A_29 = tpu.memref_slice %arg2[%dma_start3A_27, %dma_start3A_28] : memref<16384x80xf32, #tpu.memory_space<hbm>> -> memref<16384x80xf32, #tpu.memory_space<hbm>>
      tpu.enqueue_indirect_dma source(%dma_start3A_29 : memref<16384x80xf32, #tpu.memory_space<hbm>>) target(%arg7 : memref<128x80xf32, #tpu.memory_space<vmem>>) offsets(%dma_start3A_26 : memref<128xi32, #tpu.memory_space<vmem>>) semaphore(%arg9 : memref<!tpu.dma_semaphore, #tpu.memory_space<semaphore_mem>>)
      %dma_wait3A = arith.constant 0 : i32
      %dma_wait3A_30 = tpu.memref_slice %arg5[%add3A_14, %dma_wait3A] : memref<6x128xi32, #tpu.memory_space<vmem>> -> memref<1x128xi32, #tpu.memory_space<vmem>>
      %dma_wait3A_31 = tpu.memref_squeeze %dma_wait3A_30 : memref<1x128xi32, #tpu.memory_space<vmem>> -> memref<128xi32, #tpu.memory_space<vmem>>
      %dma_wait3A_32 = arith.constant 0 : i32
      %dma_wait3A_33 = arith.constant 0 : i32
      %dma_wait3A_34 = tpu.memref_slice %arg2[%dma_wait3A_32, %dma_wait3A_33] : memref<16384x80xf32, #tpu.memory_space<hbm>> -> memref<16384x80xf32, #tpu.memory_space<hbm>>
      tpu.wait_indirect_dma semaphore(%arg8 : memref<!tpu.dma_semaphore, #tpu.memory_space<semaphore_mem>>) src(%dma_wait3A_34 : memref<16384x80xf32, #tpu.memory_space<hbm>>) dst(%arg6 : memref<128x80xf32, #tpu.memory_space<vmem>>)
      %mul3A_35 = arith.constant 2 : i32
      %mul3A_36 = arith.muli %mul3A_35, %scan3A_10 : i32
      %add3A_37 = arith.constant 0 : i32
      %add3A_38 = arith.addi %mul3A_36, %add3A_37 : i32
      %mul3A_39 = arith.constant 128 : i32
      %mul3A_40 = arith.muli %add3A_38, %mul3A_39 : i32
      %add3A_41 = arith.addi %mul3A_4, %mul3A_40 : i32
      "tpu.region"() ({
        %run_scoped3A = tpu.sem_alloc : memref<!tpu.dma_semaphore, #tpu.memory_space<semaphore_mem>>
        %dma_start3A_55 = arith.constant 0 : i32
        %dma_start3A_56 = tpu.memref_slice %arg4[%add3A_41, %dma_start3A_55] : memref<24576x80xf32, #tpu.memory_space<hbm>> -> memref<128x80xf32, #tpu.memory_space<hbm>>
        %dma_start3A_57 = arith.constant 0 : i32
        %dma_start3A_58 = tpu.memref_slice %arg4[%add3A_41, %dma_start3A_57] : memref<24576x80xf32, #tpu.memory_space<hbm>> -> memref<128x80xf32, #tpu.memory_space<hbm>>
        tpu.enqueue_dma source(%arg6 : memref<128x80xf32, #tpu.memory_space<vmem>>) target(%dma_start3A_58 : memref<128x80xf32, #tpu.memory_space<hbm>>) target_semaphore(%run_scoped3A : memref<!tpu.dma_semaphore, #tpu.memory_space<semaphore_mem>>)
        %dma_wait3A_59 = arith.constant 0 : i32
        %dma_wait3A_60 = tpu.memref_slice %arg4[%add3A_41, %dma_wait3A_59] : memref<24576x80xf32, #tpu.memory_space<hbm>> -> memref<128x80xf32, #tpu.memory_space<hbm>>
        %dma_wait3A_61 = arith.constant 0 : i32
        %dma_wait3A_62 = tpu.memref_slice %arg4[%add3A_41, %dma_wait3A_61] : memref<24576x80xf32, #tpu.memory_space<hbm>> -> memref<128x80xf32, #tpu.memory_space<hbm>>
        tpu.wait_dma2 semaphore(%run_scoped3A : memref<!tpu.dma_semaphore, #tpu.memory_space<semaphore_mem>>) src(%arg6 : memref<128x80xf32, #tpu.memory_space<vmem>>) dst(%dma_wait3A_62 : memref<128x80xf32, #tpu.memory_space<hbm>>)
        tpu.yield
      }) : () -> ()
      %dma_wait3A_42 = arith.constant 0 : i32
      %dma_wait3A_43 = tpu.memref_slice %arg5[%add3A_23, %dma_wait3A_42] : memref<6x128xi32, #tpu.memory_space<vmem>> -> memref<1x128xi32, #tpu.memory_space<vmem>>
      %dma_wait3A_44 = tpu.memref_squeeze %dma_wait3A_43 : memref<1x128xi32, #tpu.memory_space<vmem>> -> memref<128xi32, #tpu.memory_space<vmem>>
      %dma_wait3A_45 = arith.constant 0 : i32
      %dma_wait3A_46 = arith.constant 0 : i32
      %dma_wait3A_47 = tpu.memref_slice %arg2[%dma_wait3A_45, %dma_wait3A_46] : memref<16384x80xf32, #tpu.memory_space<hbm>> -> memref<16384x80xf32, #tpu.memory_space<hbm>>
      tpu.wait_indirect_dma semaphore(%arg9 : memref<!tpu.dma_semaphore, #tpu.memory_space<semaphore_mem>>) src(%dma_wait3A_47 : memref<16384x80xf32, #tpu.memory_space<hbm>>) dst(%arg7 : memref<128x80xf32, #tpu.memory_space<vmem>>)
      %mul3A_48 = arith.constant 2 : i32
      %mul3A_49 = arith.muli %mul3A_48, %scan3A_10 : i32
      %add3A_50 = arith.constant 1 : i32
      %add3A_51 = arith.addi %mul3A_49, %add3A_50 : i32
      %mul3A_52 = arith.constant 128 : i32
      %mul3A_53 = arith.muli %add3A_51, %mul3A_52 : i32
      %add3A_54 = arith.addi %mul3A_4, %mul3A_53 : i32
      "tpu.region"() ({
        %run_scoped3A = tpu.sem_alloc : memref<!tpu.dma_semaphore, #tpu.memory_space<semaphore_mem>>
        %dma_start3A_55 = arith.constant 0 : i32
        %dma_start3A_56 = tpu.memref_slice %arg4[%add3A_54, %dma_start3A_55] : memref<24576x80xf32, #tpu.memory_space<hbm>> -> memref<128x80xf32, #tpu.memory_space<hbm>>
        %dma_start3A_57 = arith.constant 0 : i32
        %dma_start3A_58 = tpu.memref_slice %arg4[%add3A_54, %dma_start3A_57] : memref<24576x80xf32, #tpu.memory_space<hbm>> -> memref<128x80xf32, #tpu.memory_space<hbm>>
        tpu.enqueue_dma source(%arg7 : memref<128x80xf32, #tpu.memory_space<vmem>>) target(%dma_start3A_58 : memref<128x80xf32, #tpu.memory_space<hbm>>) target_semaphore(%run_scoped3A : memref<!tpu.dma_semaphore, #tpu.memory_space<semaphore_mem>>)
        %dma_wait3A_59 = arith.constant 0 : i32
        %dma_wait3A_60 = tpu.memref_slice %arg4[%add3A_54, %dma_wait3A_59] : memref<24576x80xf32, #tpu.memory_space<hbm>> -> memref<128x80xf32, #tpu.memory_space<hbm>>
        %dma_wait3A_61 = arith.constant 0 : i32
        %dma_wait3A_62 = tpu.memref_slice %arg4[%add3A_54, %dma_wait3A_61] : memref<24576x80xf32, #tpu.memory_space<hbm>> -> memref<128x80xf32, #tpu.memory_space<hbm>>
        tpu.wait_dma2 semaphore(%run_scoped3A : memref<!tpu.dma_semaphore, #tpu.memory_space<semaphore_mem>>) src(%arg7 : memref<128x80xf32, #tpu.memory_space<vmem>>) dst(%dma_wait3A_62 : memref<128x80xf32, #tpu.memory_space<hbm>>)
        tpu.yield
      }) : () -> ()
    }
    %scan3A_9 = arith.constant 3 : i32
    return
  }
}

module attributes {stable_mosaic.version = 14 : i64} {
  func.func @_tca_body(%arg0: i32, %arg1: memref<1x1024x3xf32, #tpu.memory_space<vmem>>, %arg2: memref<1x3x1024xf32, #tpu.memory_space<vmem>>, %arg3: memref<120x1024xf32, #tpu.memory_space<vmem>>, %arg4: memref<1024x120xf32, #tpu.memory_space<vmem>>, %arg5: memref<1x1024x8xi32, #tpu.memory_space<vmem>>, %arg6: memref<1x1024x8xi32, #tpu.memory_space<vmem>>, %arg7: memref<1x1024x8xi32, #tpu.memory_space<vmem>>, %arg8: memref<1x120x12xi32, #tpu.memory_space<vmem>>, %arg9: memref<1x120x12xi32, #tpu.memory_space<vmem>>) attributes {dimension_semantics = [#tpu.dimension_semantics<arbitrary>], iteration_bounds = array<i64: 16>, scalar_prefetch = 0 : i64, scratch_operands = 0 : i64, tpu.core_type = #tpu.core_type<tc>, window_params = [{transform_indices = @transform_0, window_bounds = array<i64: 1, 1024, 3>}, {transform_indices = @transform_1, window_bounds = array<i64: 1, 3, 1024>}, {pipeline_mode = #tpu.pipeline_mode<synchronous>, transform_indices = @transform_2, window_bounds = array<i64: 120, 1024>}, {pipeline_mode = #tpu.pipeline_mode<synchronous>, transform_indices = @transform_3, window_bounds = array<i64: 1024, 120>}, {transform_indices = @transform_4, window_bounds = array<i64: 1, 1024, 8>}, {transform_indices = @transform_5, window_bounds = array<i64: 1, 1024, 8>}, {transform_indices = @transform_6, window_bounds = array<i64: 1, 1024, 8>}, {transform_indices = @transform_7, window_bounds = array<i64: 1, 120, 12>}, {transform_indices = @transform_8, window_bounds = array<i64: 1, 120, 12>}]} {
    %get3A = arith.constant 0 : index
    %get3A_0 = arith.constant 0 : index
    %get3A_1 = arith.constant 0 : index
    %get3A_2 = vector.load %arg1[%get3A, %get3A_0, %get3A_1] : memref<1x1024x3xf32, #tpu.memory_space<vmem>>, vector<1x1024x3xf32>
    %get3A_3 = vector.shape_cast %get3A_2 : vector<1x1024x3xf32> to vector<1024x3xf32>
    %get3A_4 = arith.constant 0 : index
    %get3A_5 = arith.constant 0 : index
    %get3A_6 = arith.constant 0 : index
    %get3A_7 = vector.load %arg2[%get3A_4, %get3A_5, %get3A_6] : memref<1x3x1024xf32, #tpu.memory_space<vmem>>, vector<1x3x1024xf32>
    %get3A_8 = vector.shape_cast %get3A_7 : vector<1x3x1024xf32> to vector<3x1024xf32>
    %mul3A = arith.mulf %get3A_3, %get3A_3 : vector<1024x3xf32>
    %reduce_sum3A = arith.constant dense<0.000000e+00> : vector<1024xf32>
    %reduce_sum3A_9 = vector.multi_reduction <add>, %mul3A, %reduce_sum3A [1] : vector<1024x3xf32> to vector<1024xf32>
    %broadcast_in_dim3A = vector.shape_cast %reduce_sum3A_9 : vector<1024xf32> to vector<1024x1xf32>
    %mul3A_10 = arith.mulf %get3A_8, %get3A_8 : vector<3x1024xf32>
    %reduce_sum3A_11 = arith.constant dense<0.000000e+00> : vector<1024xf32>
    %reduce_sum3A_12 = vector.multi_reduction <add>, %mul3A_10, %reduce_sum3A_11 [0] : vector<3x1024xf32> to vector<1024xf32>
    %broadcast_in_dim3A_13 = vector.shape_cast %reduce_sum3A_12 : vector<1024xf32> to vector<1x1024xf32>
    %dot_general3A = arith.constant dense<0.000000e+00> : vector<1024x1024xf32>
    %dot_general3A_14 = tpu.matmul %get3A_3, %get3A_8, %dot_general3A {dimension_numbers = #tpu.dot_dimension_numbers<[1], [0], [0], [1], [0, 0, 1, 1], [], []>, transpose_lhs_hint = false} : vector<1024x3xf32>, vector<3x1024xf32>, vector<1024x1024xf32> -> vector<1024x1024xf32>
    %mul3A_15 = arith.constant 2.000000e+00 : f32
    %mul3A_16 = vector.broadcast %mul3A_15 : f32 to vector<1024x1024xf32>
    %mul3A_17 = arith.mulf %mul3A_16, %dot_general3A_14 : vector<1024x1024xf32>
    %sub3A = vector.broadcast %broadcast_in_dim3A : vector<1024x1xf32> to vector<1024x1024xf32>
    %sub3A_18 = arith.subf %sub3A, %mul3A_17 : vector<1024x1024xf32>
    %add3A = vector.broadcast %broadcast_in_dim3A_13 : vector<1x1024xf32> to vector<1024x1024xf32>
    %add3A_19 = arith.addf %sub3A_18, %add3A : vector<1024x1024xf32>
    %bitcast_convert_type3A = tpu.bitcast %add3A_19 : vector<1024x1024xf32> -> vector<1024x1024xi32>
    %lt3A = arith.constant 0 : i32
    %lt3A_20 = vector.broadcast %lt3A : i32 to vector<1024x1024xi32>
    %lt3A_21 = arith.cmpi slt, %bitcast_convert_type3A, %lt3A_20 : vector<1024x1024xi32>
    %xor3A = arith.constant 2147483647 : i32
    %xor3A_22 = vector.broadcast %xor3A : i32 to vector<1024x1024xi32>
    %xor3A_23 = arith.xori %bitcast_convert_type3A, %xor3A_22 : vector<1024x1024xi32>
    %select_n3A = arith.select %lt3A_21, %xor3A_23, %bitcast_convert_type3A : vector<1024x1024xi1>, vector<1024x1024xi32>
    %iota3A = tpu.iota {dimensions = array<i32: 1>} : vector<1024x1024xi32>
    %and3A = arith.constant -1024 : i32
    %and3A_24 = vector.broadcast %and3A : i32 to vector<1024x1024xi32>
    %and3A_25 = arith.andi %select_n3A, %and3A_24 : vector<1024x1024xi32>
    %or3A = arith.ori %and3A_25, %iota3A : vector<1024x1024xi32>
    %reduce_min3A = arith.constant dense<2147483647> : vector<1024xi32>
    %reduce_min3A_26 = vector.multi_reduction <minsi>, %or3A, %reduce_min3A [1] : vector<1024x1024xi32> to vector<1024xi32>
    %broadcast_in_dim3A_27 = vector.shape_cast %reduce_min3A_26 : vector<1024xi32> to vector<1024x1xi32>
    %eq3A = vector.broadcast %broadcast_in_dim3A_27 : vector<1024x1xi32> to vector<1024x1024xi32>
    %eq3A_28 = arith.cmpi eq, %or3A, %eq3A : vector<1024x1024xi32>
    %jit3A = arith.constant 2147483647 : i32
    %broadcast_in_dim3A_29 = vector.broadcast %jit3A : i32 to vector<1024x1024xi32>
    %select_n3A_30 = arith.select %eq3A_28, %broadcast_in_dim3A_29, %or3A : vector<1024x1024xi1>, vector<1024x1024xi32>
    %reduce_min3A_31 = arith.constant dense<2147483647> : vector<1024xi32>
    %reduce_min3A_32 = vector.multi_reduction <minsi>, %select_n3A_30, %reduce_min3A_31 [1] : vector<1024x1024xi32> to vector<1024xi32>
    %broadcast_in_dim3A_33 = vector.shape_cast %reduce_min3A_32 : vector<1024xi32> to vector<1024x1xi32>
    %eq3A_34 = vector.broadcast %broadcast_in_dim3A_33 : vector<1024x1xi32> to vector<1024x1024xi32>
    %eq3A_35 = arith.cmpi eq, %select_n3A_30, %eq3A_34 : vector<1024x1024xi32>
    %jit3A_36 = arith.constant 2147483647 : i32
    %broadcast_in_dim3A_37 = vector.broadcast %jit3A_36 : i32 to vector<1024x1024xi32>
    %select_n3A_38 = arith.select %eq3A_35, %broadcast_in_dim3A_37, %select_n3A_30 : vector<1024x1024xi1>, vector<1024x1024xi32>
    %and3A_39 = arith.constant 1023 : i32
    %and3A_40 = vector.broadcast %and3A_39 : i32 to vector<1024x1xi32>
    %and3A_41 = arith.andi %broadcast_in_dim3A_33, %and3A_40 : vector<1024x1xi32>
    %reduce_min3A_42 = arith.constant dense<2147483647> : vector<1024xi32>
    %reduce_min3A_43 = vector.multi_reduction <minsi>, %select_n3A_38, %reduce_min3A_42 [1] : vector<1024x1024xi32> to vector<1024xi32>
    %broadcast_in_dim3A_44 = vector.shape_cast %reduce_min3A_43 : vector<1024xi32> to vector<1024x1xi32>
    %eq3A_45 = vector.broadcast %broadcast_in_dim3A_44 : vector<1024x1xi32> to vector<1024x1024xi32>
    %eq3A_46 = arith.cmpi eq, %select_n3A_38, %eq3A_45 : vector<1024x1024xi32>
    %jit3A_47 = arith.constant 2147483647 : i32
    %broadcast_in_dim3A_48 = vector.broadcast %jit3A_47 : i32 to vector<1024x1024xi32>
    %select_n3A_49 = arith.select %eq3A_46, %broadcast_in_dim3A_48, %select_n3A_38 : vector<1024x1024xi1>, vector<1024x1024xi32>
    %and3A_50 = arith.constant 1023 : i32
    %and3A_51 = vector.broadcast %and3A_50 : i32 to vector<1024x1xi32>
    %and3A_52 = arith.andi %broadcast_in_dim3A_44, %and3A_51 : vector<1024x1xi32>
    %reduce_min3A_53 = arith.constant dense<2147483647> : vector<1024xi32>
    %reduce_min3A_54 = vector.multi_reduction <minsi>, %select_n3A_49, %reduce_min3A_53 [1] : vector<1024x1024xi32> to vector<1024xi32>
    %broadcast_in_dim3A_55 = vector.shape_cast %reduce_min3A_54 : vector<1024xi32> to vector<1024x1xi32>
    %eq3A_56 = vector.broadcast %broadcast_in_dim3A_55 : vector<1024x1xi32> to vector<1024x1024xi32>
    %eq3A_57 = arith.cmpi eq, %select_n3A_49, %eq3A_56 : vector<1024x1024xi32>
    %jit3A_58 = arith.constant 2147483647 : i32
    %broadcast_in_dim3A_59 = vector.broadcast %jit3A_58 : i32 to vector<1024x1024xi32>
    %select_n3A_60 = arith.select %eq3A_57, %broadcast_in_dim3A_59, %select_n3A_49 : vector<1024x1024xi1>, vector<1024x1024xi32>
    %and3A_61 = arith.constant 1023 : i32
    %and3A_62 = vector.broadcast %and3A_61 : i32 to vector<1024x1xi32>
    %and3A_63 = arith.andi %broadcast_in_dim3A_55, %and3A_62 : vector<1024x1xi32>
    %reduce_min3A_64 = arith.constant dense<2147483647> : vector<1024xi32>
    %reduce_min3A_65 = vector.multi_reduction <minsi>, %select_n3A_60, %reduce_min3A_64 [1] : vector<1024x1024xi32> to vector<1024xi32>
    %broadcast_in_dim3A_66 = vector.shape_cast %reduce_min3A_65 : vector<1024xi32> to vector<1024x1xi32>
    %eq3A_67 = vector.broadcast %broadcast_in_dim3A_66 : vector<1024x1xi32> to vector<1024x1024xi32>
    %eq3A_68 = arith.cmpi eq, %select_n3A_60, %eq3A_67 : vector<1024x1024xi32>
    %jit3A_69 = arith.constant 2147483647 : i32
    %broadcast_in_dim3A_70 = vector.broadcast %jit3A_69 : i32 to vector<1024x1024xi32>
    %select_n3A_71 = arith.select %eq3A_68, %broadcast_in_dim3A_70, %select_n3A_60 : vector<1024x1024xi1>, vector<1024x1024xi32>
    %and3A_72 = arith.constant 1023 : i32
    %and3A_73 = vector.broadcast %and3A_72 : i32 to vector<1024x1xi32>
    %and3A_74 = arith.andi %broadcast_in_dim3A_66, %and3A_73 : vector<1024x1xi32>
    %reduce_min3A_75 = arith.constant dense<2147483647> : vector<1024xi32>
    %reduce_min3A_76 = vector.multi_reduction <minsi>, %select_n3A_71, %reduce_min3A_75 [1] : vector<1024x1024xi32> to vector<1024xi32>
    %broadcast_in_dim3A_77 = vector.shape_cast %reduce_min3A_76 : vector<1024xi32> to vector<1024x1xi32>
    %eq3A_78 = vector.broadcast %broadcast_in_dim3A_77 : vector<1024x1xi32> to vector<1024x1024xi32>
    %eq3A_79 = arith.cmpi eq, %select_n3A_71, %eq3A_78 : vector<1024x1024xi32>
    %jit3A_80 = arith.constant 2147483647 : i32
    %broadcast_in_dim3A_81 = vector.broadcast %jit3A_80 : i32 to vector<1024x1024xi32>
    %select_n3A_82 = arith.select %eq3A_79, %broadcast_in_dim3A_81, %select_n3A_71 : vector<1024x1024xi1>, vector<1024x1024xi32>
    %and3A_83 = arith.constant 1023 : i32
    %and3A_84 = vector.broadcast %and3A_83 : i32 to vector<1024x1xi32>
    %and3A_85 = arith.andi %broadcast_in_dim3A_77, %and3A_84 : vector<1024x1xi32>
    %reduce_min3A_86 = arith.constant dense<2147483647> : vector<1024xi32>
    %reduce_min3A_87 = vector.multi_reduction <minsi>, %select_n3A_82, %reduce_min3A_86 [1] : vector<1024x1024xi32> to vector<1024xi32>
    %broadcast_in_dim3A_88 = vector.shape_cast %reduce_min3A_87 : vector<1024xi32> to vector<1024x1xi32>
    %eq3A_89 = vector.broadcast %broadcast_in_dim3A_88 : vector<1024x1xi32> to vector<1024x1024xi32>
    %eq3A_90 = arith.cmpi eq, %select_n3A_82, %eq3A_89 : vector<1024x1024xi32>
    %jit3A_91 = arith.constant 2147483647 : i32
    %broadcast_in_dim3A_92 = vector.broadcast %jit3A_91 : i32 to vector<1024x1024xi32>
    %select_n3A_93 = arith.select %eq3A_90, %broadcast_in_dim3A_92, %select_n3A_82 : vector<1024x1024xi1>, vector<1024x1024xi32>
    %and3A_94 = arith.constant 1023 : i32
    %and3A_95 = vector.broadcast %and3A_94 : i32 to vector<1024x1xi32>
    %and3A_96 = arith.andi %broadcast_in_dim3A_88, %and3A_95 : vector<1024x1xi32>
    %reduce_min3A_97 = arith.constant dense<2147483647> : vector<1024xi32>
    %reduce_min3A_98 = vector.multi_reduction <minsi>, %select_n3A_93, %reduce_min3A_97 [1] : vector<1024x1024xi32> to vector<1024xi32>
    %broadcast_in_dim3A_99 = vector.shape_cast %reduce_min3A_98 : vector<1024xi32> to vector<1024x1xi32>
    %eq3A_100 = vector.broadcast %broadcast_in_dim3A_99 : vector<1024x1xi32> to vector<1024x1024xi32>
    %eq3A_101 = arith.cmpi eq, %select_n3A_93, %eq3A_100 : vector<1024x1024xi32>
    %jit3A_102 = arith.constant 2147483647 : i32
    %broadcast_in_dim3A_103 = vector.broadcast %jit3A_102 : i32 to vector<1024x1024xi32>
    %select_n3A_104 = arith.select %eq3A_101, %broadcast_in_dim3A_103, %select_n3A_93 : vector<1024x1024xi1>, vector<1024x1024xi32>
    %and3A_105 = arith.constant 1023 : i32
    %and3A_106 = vector.broadcast %and3A_105 : i32 to vector<1024x1xi32>
    %and3A_107 = arith.andi %broadcast_in_dim3A_99, %and3A_106 : vector<1024x1xi32>
    %reduce_min3A_108 = arith.constant dense<2147483647> : vector<1024xi32>
    %reduce_min3A_109 = vector.multi_reduction <minsi>, %select_n3A_104, %reduce_min3A_108 [1] : vector<1024x1024xi32> to vector<1024xi32>
    %broadcast_in_dim3A_110 = vector.shape_cast %reduce_min3A_109 : vector<1024xi32> to vector<1024x1xi32>
    %and3A_111 = arith.constant 1023 : i32
    %and3A_112 = vector.broadcast %and3A_111 : i32 to vector<1024x1xi32>
    %and3A_113 = arith.andi %broadcast_in_dim3A_110, %and3A_112 : vector<1024x1xi32>
    %concatenate3A = tpu.concatenate %and3A_41, %and3A_52, %and3A_63, %and3A_74, %and3A_85, %and3A_96, %and3A_107, %and3A_113 in 1 : vector<1024x1xi32>, vector<1024x1xi32>, vector<1024x1xi32>, vector<1024x1xi32>, vector<1024x1xi32>, vector<1024x1xi32>, vector<1024x1xi32>, vector<1024x1xi32> -> vector<1024x8xi32>
    %mul3A_114 = arith.constant 1024 : i32
    %mul3A_115 = arith.muli %arg0, %mul3A_114 : i32
    %add3A_116 = vector.broadcast %mul3A_115 : i32 to vector<1024x8xi32>
    %add3A_117 = arith.addi %concatenate3A, %add3A_116 : vector<1024x8xi32>
    %swap3A = arith.constant 0 : index
    %swap3A_118 = arith.constant 0 : index
    %swap3A_119 = arith.constant 0 : index
    %swap3A_120 = vector.load %arg5[%swap3A, %swap3A_118, %swap3A_119] : memref<1x1024x8xi32, #tpu.memory_space<vmem>>, vector<1x1024x8xi32>
    %swap3A_121 = vector.shape_cast %swap3A_120 : vector<1x1024x8xi32> to vector<1024x8xi32>
    %swap3A_122 = vector.shape_cast %add3A_117 : vector<1024x8xi32> to vector<1x1024x8xi32>
    tpu.vector_store %arg5[%swap3A, %swap3A_118, %swap3A_119], %swap3A_122 {strides = array<i32>} : memref<1x1024x8xi32, #tpu.memory_space<vmem>>, vector<1x1024x8xi32>,
    %mul3A_123 = arith.mulf %get3A_3, %get3A_3 : vector<1024x3xf32>
    %reduce_sum3A_124 = arith.constant dense<0.000000e+00> : vector<1024xf32>
    %reduce_sum3A_125 = vector.multi_reduction <add>, %mul3A_123, %reduce_sum3A_124 [1] : vector<1024x3xf32> to vector<1024xf32>
    %broadcast_in_dim3A_126 = vector.shape_cast %reduce_sum3A_125 : vector<1024xf32> to vector<1024x1xf32>
    %mul3A_127 = arith.mulf %get3A_8, %get3A_8 : vector<3x1024xf32>
    %reduce_sum3A_128 = arith.constant dense<0.000000e+00> : vector<1024xf32>
    %reduce_sum3A_129 = vector.multi_reduction <add>, %mul3A_127, %reduce_sum3A_128 [0] : vector<3x1024xf32> to vector<1024xf32>
    %broadcast_in_dim3A_130 = vector.shape_cast %reduce_sum3A_129 : vector<1024xf32> to vector<1x1024xf32>
    %dot_general3A_131 = arith.constant dense<0.000000e+00> : vector<1024x1024xf32>
    %dot_general3A_132 = tpu.matmul %get3A_3, %get3A_8, %dot_general3A_131 {dimension_numbers = #tpu.dot_dimension_numbers<[1], [0], [0], [1], [0, 0, 1, 1], [], []>, transpose_lhs_hint = false} : vector<1024x3xf32>, vector<3x1024xf32>, vector<1024x1024xf32> -> vector<1024x1024xf32>
    %mul3A_133 = arith.constant 2.000000e+00 : f32
    %mul3A_134 = vector.broadcast %mul3A_133 : f32 to vector<1024x1024xf32>
    %mul3A_135 = arith.mulf %mul3A_134, %dot_general3A_132 : vector<1024x1024xf32>
    %sub3A_136 = vector.broadcast %broadcast_in_dim3A_126 : vector<1024x1xf32> to vector<1024x1024xf32>
    %sub3A_137 = arith.subf %sub3A_136, %mul3A_135 : vector<1024x1024xf32>
    %add3A_138 = vector.broadcast %broadcast_in_dim3A_130 : vector<1x1024xf32> to vector<1024x1024xf32>
    %add3A_139 = arith.addf %sub3A_137, %add3A_138 : vector<1024x1024xf32>
    %bitcast_convert_type3A_140 = tpu.bitcast %add3A_139 : vector<1024x1024xf32> -> vector<1024x1024xi32>
    %lt3A_141 = arith.constant 0 : i32
    %lt3A_142 = vector.broadcast %lt3A_141 : i32 to vector<1024x1024xi32>
    %lt3A_143 = arith.cmpi slt, %bitcast_convert_type3A_140, %lt3A_142 : vector<1024x1024xi32>
    %xor3A_144 = arith.constant 2147483647 : i32
    %xor3A_145 = vector.broadcast %xor3A_144 : i32 to vector<1024x1024xi32>
    %xor3A_146 = arith.xori %bitcast_convert_type3A_140, %xor3A_145 : vector<1024x1024xi32>
    %select_n3A_147 = arith.select %lt3A_143, %xor3A_146, %bitcast_convert_type3A_140 : vector<1024x1024xi1>, vector<1024x1024xi32>
    %iota3A_148 = tpu.iota {dimensions = array<i32: 1>} : vector<1024x1024xi32>
    %and3A_149 = arith.constant -1024 : i32
    %and3A_150 = vector.broadcast %and3A_149 : i32 to vector<1024x1024xi32>
    %and3A_151 = arith.andi %select_n3A_147, %and3A_150 : vector<1024x1024xi32>
    %or3A_152 = arith.ori %and3A_151, %iota3A_148 : vector<1024x1024xi32>
    %reduce_min3A_153 = arith.constant dense<2147483647> : vector<1024xi32>
    %reduce_min3A_154 = vector.multi_reduction <minsi>, %or3A_152, %reduce_min3A_153 [1] : vector<1024x1024xi32> to vector<1024xi32>
    %broadcast_in_dim3A_155 = vector.shape_cast %reduce_min3A_154 : vector<1024xi32> to vector<1024x1xi32>
    %eq3A_156 = vector.broadcast %broadcast_in_dim3A_155 : vector<1024x1xi32> to vector<1024x1024xi32>
    %eq3A_157 = arith.cmpi eq, %or3A_152, %eq3A_156 : vector<1024x1024xi32>
    %jit3A_158 = arith.constant 2147483647 : i32
    %broadcast_in_dim3A_159 = vector.broadcast %jit3A_158 : i32 to vector<1024x1024xi32>
    %select_n3A_160 = arith.select %eq3A_157, %broadcast_in_dim3A_159, %or3A_152 : vector<1024x1024xi1>, vector<1024x1024xi32>
    %reduce_min3A_161 = arith.constant dense<2147483647> : vector<1024xi32>
    %reduce_min3A_162 = vector.multi_reduction <minsi>, %select_n3A_160, %reduce_min3A_161 [1] : vector<1024x1024xi32> to vector<1024xi32>
    %broadcast_in_dim3A_163 = vector.shape_cast %reduce_min3A_162 : vector<1024xi32> to vector<1024x1xi32>
    %eq3A_164 = vector.broadcast %broadcast_in_dim3A_163 : vector<1024x1xi32> to vector<1024x1024xi32>
    %eq3A_165 = arith.cmpi eq, %select_n3A_160, %eq3A_164 : vector<1024x1024xi32>
    %jit3A_166 = arith.constant 2147483647 : i32
    %broadcast_in_dim3A_167 = vector.broadcast %jit3A_166 : i32 to vector<1024x1024xi32>
    %select_n3A_168 = arith.select %eq3A_165, %broadcast_in_dim3A_167, %select_n3A_160 : vector<1024x1024xi1>, vector<1024x1024xi32>
    %and3A_169 = arith.constant 1023 : i32
    %and3A_170 = vector.broadcast %and3A_169 : i32 to vector<1024x1xi32>
    %and3A_171 = arith.andi %broadcast_in_dim3A_163, %and3A_170 : vector<1024x1xi32>
    %reduce_min3A_172 = arith.constant dense<2147483647> : vector<1024xi32>
    %reduce_min3A_173 = vector.multi_reduction <minsi>, %select_n3A_168, %reduce_min3A_172 [1] : vector<1024x1024xi32> to vector<1024xi32>
    %broadcast_in_dim3A_174 = vector.shape_cast %reduce_min3A_173 : vector<1024xi32> to vector<1024x1xi32>
    %eq3A_175 = vector.broadcast %broadcast_in_dim3A_174 : vector<1024x1xi32> to vector<1024x1024xi32>
    %eq3A_176 = arith.cmpi eq, %select_n3A_168, %eq3A_175 : vector<1024x1024xi32>
    %jit3A_177 = arith.constant 2147483647 : i32
    %broadcast_in_dim3A_178 = vector.broadcast %jit3A_177 : i32 to vector<1024x1024xi32>
    %select_n3A_179 = arith.select %eq3A_176, %broadcast_in_dim3A_178, %select_n3A_168 : vector<1024x1024xi1>, vector<1024x1024xi32>
    %reduce_min3A_180 = arith.constant dense<2147483647> : vector<1024xi32>
    %reduce_min3A_181 = vector.multi_reduction <minsi>, %select_n3A_179, %reduce_min3A_180 [1] : vector<1024x1024xi32> to vector<1024xi32>
    %broadcast_in_dim3A_182 = vector.shape_cast %reduce_min3A_181 : vector<1024xi32> to vector<1024x1xi32>
    %eq3A_183 = vector.broadcast %broadcast_in_dim3A_182 : vector<1024x1xi32> to vector<1024x1024xi32>
    %eq3A_184 = arith.cmpi eq, %select_n3A_179, %eq3A_183 : vector<1024x1024xi32>
    %jit3A_185 = arith.constant 2147483647 : i32
    %broadcast_in_dim3A_186 = vector.broadcast %jit3A_185 : i32 to vector<1024x1024xi32>
    %select_n3A_187 = arith.select %eq3A_184, %broadcast_in_dim3A_186, %select_n3A_179 : vector<1024x1024xi1>, vector<1024x1024xi32>
    %and3A_188 = arith.constant 1023 : i32
    %and3A_189 = vector.broadcast %and3A_188 : i32 to vector<1024x1xi32>
    %and3A_190 = arith.andi %broadcast_in_dim3A_182, %and3A_189 : vector<1024x1xi32>
    %reduce_min3A_191 = arith.constant dense<2147483647> : vector<1024xi32>
    %reduce_min3A_192 = vector.multi_reduction <minsi>, %select_n3A_187, %reduce_min3A_191 [1] : vector<1024x1024xi32> to vector<1024xi32>
    %broadcast_in_dim3A_193 = vector.shape_cast %reduce_min3A_192 : vector<1024xi32> to vector<1024x1xi32>
    %eq3A_194 = vector.broadcast %broadcast_in_dim3A_193 : vector<1024x1xi32> to vector<1024x1024xi32>
    %eq3A_195 = arith.cmpi eq, %select_n3A_187, %eq3A_194 : vector<1024x1024xi32>
    %jit3A_196 = arith.constant 2147483647 : i32
    %broadcast_in_dim3A_197 = vector.broadcast %jit3A_196 : i32 to vector<1024x1024xi32>
    %select_n3A_198 = arith.select %eq3A_195, %broadcast_in_dim3A_197, %select_n3A_187 : vector<1024x1024xi1>, vector<1024x1024xi32>
    %reduce_min3A_199 = arith.constant dense<2147483647> : vector<1024xi32>
    %reduce_min3A_200 = vector.multi_reduction <minsi>, %select_n3A_198, %reduce_min3A_199 [1] : vector<1024x1024xi32> to vector<1024xi32>
    %broadcast_in_dim3A_201 = vector.shape_cast %reduce_min3A_200 : vector<1024xi32> to vector<1024x1xi32>
    %eq3A_202 = vector.broadcast %broadcast_in_dim3A_201 : vector<1024x1xi32> to vector<1024x1024xi32>
    %eq3A_203 = arith.cmpi eq, %select_n3A_198, %eq3A_202 : vector<1024x1024xi32>
    %jit3A_204 = arith.constant 2147483647 : i32
    %broadcast_in_dim3A_205 = vector.broadcast %jit3A_204 : i32 to vector<1024x1024xi32>
    %select_n3A_206 = arith.select %eq3A_203, %broadcast_in_dim3A_205, %select_n3A_198 : vector<1024x1024xi1>, vector<1024x1024xi32>
    %and3A_207 = arith.constant 1023 : i32
    %and3A_208 = vector.broadcast %and3A_207 : i32 to vector<1024x1xi32>
    %and3A_209 = arith.andi %broadcast_in_dim3A_201, %and3A_208 : vector<1024x1xi32>
    %reduce_min3A_210 = arith.constant dense<2147483647> : vector<1024xi32>
    %reduce_min3A_211 = vector.multi_reduction <minsi>, %select_n3A_206, %reduce_min3A_210 [1] : vector<1024x1024xi32> to vector<1024xi32>
    %broadcast_in_dim3A_212 = vector.shape_cast %reduce_min3A_211 : vector<1024xi32> to vector<1024x1xi32>
    %eq3A_213 = vector.broadcast %broadcast_in_dim3A_212 : vector<1024x1xi32> to vector<1024x1024xi32>
    %eq3A_214 = arith.cmpi eq, %select_n3A_206, %eq3A_213 : vector<1024x1024xi32>
    %jit3A_215 = arith.constant 2147483647 : i32
    %broadcast_in_dim3A_216 = vector.broadcast %jit3A_215 : i32 to vector<1024x1024xi32>
    %select_n3A_217 = arith.select %eq3A_214, %broadcast_in_dim3A_216, %select_n3A_206 : vector<1024x1024xi1>, vector<1024x1024xi32>
    %reduce_min3A_218 = arith.constant dense<2147483647> : vector<1024xi32>
    %reduce_min3A_219 = vector.multi_reduction <minsi>, %select_n3A_217, %reduce_min3A_218 [1] : vector<1024x1024xi32> to vector<1024xi32>
    %broadcast_in_dim3A_220 = vector.shape_cast %reduce_min3A_219 : vector<1024xi32> to vector<1024x1xi32>
    %eq3A_221 = vector.broadcast %broadcast_in_dim3A_220 : vector<1024x1xi32> to vector<1024x1024xi32>
    %eq3A_222 = arith.cmpi eq, %select_n3A_217, %eq3A_221 : vector<1024x1024xi32>
    %jit3A_223 = arith.constant 2147483647 : i32
    %broadcast_in_dim3A_224 = vector.broadcast %jit3A_223 : i32 to vector<1024x1024xi32>
    %select_n3A_225 = arith.select %eq3A_222, %broadcast_in_dim3A_224, %select_n3A_217 : vector<1024x1024xi1>, vector<1024x1024xi32>
    %and3A_226 = arith.constant 1023 : i32
    %and3A_227 = vector.broadcast %and3A_226 : i32 to vector<1024x1xi32>
    %and3A_228 = arith.andi %broadcast_in_dim3A_220, %and3A_227 : vector<1024x1xi32>
    %reduce_min3A_229 = arith.constant dense<2147483647> : vector<1024xi32>
    %reduce_min3A_230 = vector.multi_reduction <minsi>, %select_n3A_225, %reduce_min3A_229 [1] : vector<1024x1024xi32> to vector<1024xi32>
    %broadcast_in_dim3A_231 = vector.shape_cast %reduce_min3A_230 : vector<1024xi32> to vector<1024x1xi32>
    %eq3A_232 = vector.broadcast %broadcast_in_dim3A_231 : vector<1024x1xi32> to vector<1024x1024xi32>
    %eq3A_233 = arith.cmpi eq, %select_n3A_225, %eq3A_232 : vector<1024x1024xi32>
    %jit3A_234 = arith.constant 2147483647 : i32
    %broadcast_in_dim3A_235 = vector.broadcast %jit3A_234 : i32 to vector<1024x1024xi32>
    %select_n3A_236 = arith.select %eq3A_233, %broadcast_in_dim3A_235, %select_n3A_225 : vector<1024x1024xi1>, vector<1024x1024xi32>
    %reduce_min3A_237 = arith.constant dense<2147483647> : vector<1024xi32>
    %reduce_min3A_238 = vector.multi_reduction <minsi>, %select_n3A_236, %reduce_min3A_237 [1] : vector<1024x1024xi32> to vector<1024xi32>
    %broadcast_in_dim3A_239 = vector.shape_cast %reduce_min3A_238 : vector<1024xi32> to vector<1024x1xi32>
    %eq3A_240 = vector.broadcast %broadcast_in_dim3A_239 : vector<1024x1xi32> to vector<1024x1024xi32>
    %eq3A_241 = arith.cmpi eq, %select_n3A_236, %eq3A_240 : vector<1024x1024xi32>
    %jit3A_242 = arith.constant 2147483647 : i32
    %broadcast_in_dim3A_243 = vector.broadcast %jit3A_242 : i32 to vector<1024x1024xi32>
    %select_n3A_244 = arith.select %eq3A_241, %broadcast_in_dim3A_243, %select_n3A_236 : vector<1024x1024xi1>, vector<1024x1024xi32>
    %and3A_245 = arith.constant 1023 : i32
    %and3A_246 = vector.broadcast %and3A_245 : i32 to vector<1024x1xi32>
    %and3A_247 = arith.andi %broadcast_in_dim3A_239, %and3A_246 : vector<1024x1xi32>
    %reduce_min3A_248 = arith.constant dense<2147483647> : vector<1024xi32>
    %reduce_min3A_249 = vector.multi_reduction <minsi>, %select_n3A_244, %reduce_min3A_248 [1] : vector<1024x1024xi32> to vector<1024xi32>
    %broadcast_in_dim3A_250 = vector.shape_cast %reduce_min3A_249 : vector<1024xi32> to vector<1024x1xi32>
    %eq3A_251 = vector.broadcast %broadcast_in_dim3A_250 : vector<1024x1xi32> to vector<1024x1024xi32>
    %eq3A_252 = arith.cmpi eq, %select_n3A_244, %eq3A_251 : vector<1024x1024xi32>
    %jit3A_253 = arith.constant 2147483647 : i32
    %broadcast_in_dim3A_254 = vector.broadcast %jit3A_253 : i32 to vector<1024x1024xi32>
    %select_n3A_255 = arith.select %eq3A_252, %broadcast_in_dim3A_254, %select_n3A_244 : vector<1024x1024xi1>, vector<1024x1024xi32>
    %reduce_min3A_256 = arith.constant dense<2147483647> : vector<1024xi32>
    %reduce_min3A_257 = vector.multi_reduction <minsi>, %select_n3A_255, %reduce_min3A_256 [1] : vector<1024x1024xi32> to vector<1024xi32>
    %broadcast_in_dim3A_258 = vector.shape_cast %reduce_min3A_257 : vector<1024xi32> to vector<1024x1xi32>
    %eq3A_259 = vector.broadcast %broadcast_in_dim3A_258 : vector<1024x1xi32> to vector<1024x1024xi32>
    %eq3A_260 = arith.cmpi eq, %select_n3A_255, %eq3A_259 : vector<1024x1024xi32>
    %jit3A_261 = arith.constant 2147483647 : i32
    %broadcast_in_dim3A_262 = vector.broadcast %jit3A_261 : i32 to vector<1024x1024xi32>
    %select_n3A_263 = arith.select %eq3A_260, %broadcast_in_dim3A_262, %select_n3A_255 : vector<1024x1024xi1>, vector<1024x1024xi32>
    %and3A_264 = arith.constant 1023 : i32
    %and3A_265 = vector.broadcast %and3A_264 : i32 to vector<1024x1xi32>
    %and3A_266 = arith.andi %broadcast_in_dim3A_258, %and3A_265 : vector<1024x1xi32>
    %reduce_min3A_267 = arith.constant dense<2147483647> : vector<1024xi32>
    %reduce_min3A_268 = vector.multi_reduction <minsi>, %select_n3A_263, %reduce_min3A_267 [1] : vector<1024x1024xi32> to vector<1024xi32>
    %broadcast_in_dim3A_269 = vector.shape_cast %reduce_min3A_268 : vector<1024xi32> to vector<1024x1xi32>
    %eq3A_270 = vector.broadcast %broadcast_in_dim3A_269 : vector<1024x1xi32> to vector<1024x1024xi32>
    %eq3A_271 = arith.cmpi eq, %select_n3A_263, %eq3A_270 : vector<1024x1024xi32>
    %jit3A_272 = arith.constant 2147483647 : i32
    %broadcast_in_dim3A_273 = vector.broadcast %jit3A_272 : i32 to vector<1024x1024xi32>
    %select_n3A_274 = arith.select %eq3A_271, %broadcast_in_dim3A_273, %select_n3A_263 : vector<1024x1024xi1>, vector<1024x1024xi32>
    %reduce_min3A_275 = arith.constant dense<2147483647> : vector<1024xi32>
    %reduce_min3A_276 = vector.multi_reduction <minsi>, %select_n3A_274, %reduce_min3A_275 [1] : vector<1024x1024xi32> to vector<1024xi32>
    %broadcast_in_dim3A_277 = vector.shape_cast %reduce_min3A_276 : vector<1024xi32> to vector<1024x1xi32>
    %eq3A_278 = vector.broadcast %broadcast_in_dim3A_277 : vector<1024x1xi32> to vector<1024x1024xi32>
    %eq3A_279 = arith.cmpi eq, %select_n3A_274, %eq3A_278 : vector<1024x1024xi32>
    %jit3A_280 = arith.constant 2147483647 : i32
    %broadcast_in_dim3A_281 = vector.broadcast %jit3A_280 : i32 to vector<1024x1024xi32>
    %select_n3A_282 = arith.select %eq3A_279, %broadcast_in_dim3A_281, %select_n3A_274 : vector<1024x1024xi1>, vector<1024x1024xi32>
    %and3A_283 = arith.constant 1023 : i32
    %and3A_284 = vector.broadcast %and3A_283 : i32 to vector<1024x1xi32>
    %and3A_285 = arith.andi %broadcast_in_dim3A_277, %and3A_284 : vector<1024x1xi32>
    %reduce_min3A_286 = arith.constant dense<2147483647> : vector<1024xi32>
    %reduce_min3A_287 = vector.multi_reduction <minsi>, %select_n3A_282, %reduce_min3A_286 [1] : vector<1024x1024xi32> to vector<1024xi32>
    %broadcast_in_dim3A_288 = vector.shape_cast %reduce_min3A_287 : vector<1024xi32> to vector<1024x1xi32>
    %eq3A_289 = vector.broadcast %broadcast_in_dim3A_288 : vector<1024x1xi32> to vector<1024x1024xi32>
    %eq3A_290 = arith.cmpi eq, %select_n3A_282, %eq3A_289 : vector<1024x1024xi32>
    %jit3A_291 = arith.constant 2147483647 : i32
    %broadcast_in_dim3A_292 = vector.broadcast %jit3A_291 : i32 to vector<1024x1024xi32>
    %select_n3A_293 = arith.select %eq3A_290, %broadcast_in_dim3A_292, %select_n3A_282 : vector<1024x1024xi1>, vector<1024x1024xi32>
    %reduce_min3A_294 = arith.constant dense<2147483647> : vector<1024xi32>
    %reduce_min3A_295 = vector.multi_reduction <minsi>, %select_n3A_293, %reduce_min3A_294 [1] : vector<1024x1024xi32> to vector<1024xi32>
    %broadcast_in_dim3A_296 = vector.shape_cast %reduce_min3A_295 : vector<1024xi32> to vector<1024x1xi32>
    %and3A_297 = arith.constant 1023 : i32
    %and3A_298 = vector.broadcast %and3A_297 : i32 to vector<1024x1xi32>
    %and3A_299 = arith.andi %broadcast_in_dim3A_296, %and3A_298 : vector<1024x1xi32>
    %concatenate3A_300 = tpu.concatenate %and3A_171, %and3A_190, %and3A_209, %and3A_228, %and3A_247, %and3A_266, %and3A_285, %and3A_299 in 1 : vector<1024x1xi32>, vector<1024x1xi32>, vector<1024x1xi32>, vector<1024x1xi32>, vector<1024x1xi32>, vector<1024x1xi32>, vector<1024x1xi32>, vector<1024x1xi32> -> vector<1024x8xi32>
    %mul3A_301 = arith.constant 1024 : i32
    %mul3A_302 = arith.muli %arg0, %mul3A_301 : i32
    %add3A_303 = vector.broadcast %mul3A_302 : i32 to vector<1024x8xi32>
    %add3A_304 = arith.addi %concatenate3A_300, %add3A_303 : vector<1024x8xi32>
    %swap3A_305 = arith.constant 0 : index
    %swap3A_306 = arith.constant 0 : index
    %swap3A_307 = arith.constant 0 : index
    %swap3A_308 = vector.load %arg6[%swap3A_305, %swap3A_306, %swap3A_307] : memref<1x1024x8xi32, #tpu.memory_space<vmem>>, vector<1x1024x8xi32>
    %swap3A_309 = vector.shape_cast %swap3A_308 : vector<1x1024x8xi32> to vector<1024x8xi32>
    %swap3A_310 = vector.shape_cast %add3A_304 : vector<1024x8xi32> to vector<1x1024x8xi32>
    tpu.vector_store %arg6[%swap3A_305, %swap3A_306, %swap3A_307], %swap3A_310 {strides = array<i32>} : memref<1x1024x8xi32, #tpu.memory_space<vmem>>, vector<1x1024x8xi32>,
    %mul3A_311 = arith.mulf %get3A_3, %get3A_3 : vector<1024x3xf32>
    %reduce_sum3A_312 = arith.constant dense<0.000000e+00> : vector<1024xf32>
    %reduce_sum3A_313 = vector.multi_reduction <add>, %mul3A_311, %reduce_sum3A_312 [1] : vector<1024x3xf32> to vector<1024xf32>
    %broadcast_in_dim3A_314 = vector.shape_cast %reduce_sum3A_313 : vector<1024xf32> to vector<1024x1xf32>
    %mul3A_315 = arith.mulf %get3A_8, %get3A_8 : vector<3x1024xf32>
    %reduce_sum3A_316 = arith.constant dense<0.000000e+00> : vector<1024xf32>
    %reduce_sum3A_317 = vector.multi_reduction <add>, %mul3A_315, %reduce_sum3A_316 [0] : vector<3x1024xf32> to vector<1024xf32>
    %broadcast_in_dim3A_318 = vector.shape_cast %reduce_sum3A_317 : vector<1024xf32> to vector<1x1024xf32>
    %dot_general3A_319 = arith.constant dense<0.000000e+00> : vector<1024x1024xf32>
    %dot_general3A_320 = tpu.matmul %get3A_3, %get3A_8, %dot_general3A_319 {dimension_numbers = #tpu.dot_dimension_numbers<[1], [0], [0], [1], [0, 0, 1, 1], [], []>, transpose_lhs_hint = false} : vector<1024x3xf32>, vector<3x1024xf32>, vector<1024x1024xf32> -> vector<1024x1024xf32>
    %mul3A_321 = arith.constant 2.000000e+00 : f32
    %mul3A_322 = vector.broadcast %mul3A_321 : f32 to vector<1024x1024xf32>
    %mul3A_323 = arith.mulf %mul3A_322, %dot_general3A_320 : vector<1024x1024xf32>
    %sub3A_324 = vector.broadcast %broadcast_in_dim3A_314 : vector<1024x1xf32> to vector<1024x1024xf32>
    %sub3A_325 = arith.subf %sub3A_324, %mul3A_323 : vector<1024x1024xf32>
    %add3A_326 = vector.broadcast %broadcast_in_dim3A_318 : vector<1x1024xf32> to vector<1024x1024xf32>
    %add3A_327 = arith.addf %sub3A_325, %add3A_326 : vector<1024x1024xf32>
    %bitcast_convert_type3A_328 = tpu.bitcast %add3A_327 : vector<1024x1024xf32> -> vector<1024x1024xi32>
    %lt3A_329 = arith.constant 0 : i32
    %lt3A_330 = vector.broadcast %lt3A_329 : i32 to vector<1024x1024xi32>
    %lt3A_331 = arith.cmpi slt, %bitcast_convert_type3A_328, %lt3A_330 : vector<1024x1024xi32>
    %xor3A_332 = arith.constant 2147483647 : i32
    %xor3A_333 = vector.broadcast %xor3A_332 : i32 to vector<1024x1024xi32>
    %xor3A_334 = arith.xori %bitcast_convert_type3A_328, %xor3A_333 : vector<1024x1024xi32>
    %select_n3A_335 = arith.select %lt3A_331, %xor3A_334, %bitcast_convert_type3A_328 : vector<1024x1024xi1>, vector<1024x1024xi32>
    %iota3A_336 = tpu.iota {dimensions = array<i32: 1>} : vector<1024x1024xi32>
    %and3A_337 = arith.constant -1024 : i32
    %and3A_338 = vector.broadcast %and3A_337 : i32 to vector<1024x1024xi32>
    %and3A_339 = arith.andi %select_n3A_335, %and3A_338 : vector<1024x1024xi32>
    %or3A_340 = arith.ori %and3A_339, %iota3A_336 : vector<1024x1024xi32>
    %reduce_min3A_341 = arith.constant dense<2147483647> : vector<1024xi32>
    %reduce_min3A_342 = vector.multi_reduction <minsi>, %or3A_340, %reduce_min3A_341 [1] : vector<1024x1024xi32> to vector<1024xi32>
    %broadcast_in_dim3A_343 = vector.shape_cast %reduce_min3A_342 : vector<1024xi32> to vector<1024x1xi32>
    %eq3A_344 = vector.broadcast %broadcast_in_dim3A_343 : vector<1024x1xi32> to vector<1024x1024xi32>
    %eq3A_345 = arith.cmpi eq, %or3A_340, %eq3A_344 : vector<1024x1024xi32>
    %jit3A_346 = arith.constant 2147483647 : i32
    %broadcast_in_dim3A_347 = vector.broadcast %jit3A_346 : i32 to vector<1024x1024xi32>
    %select_n3A_348 = arith.select %eq3A_345, %broadcast_in_dim3A_347, %or3A_340 : vector<1024x1024xi1>, vector<1024x1024xi32>
    %reduce_min3A_349 = arith.constant dense<2147483647> : vector<1024xi32>
    %reduce_min3A_350 = vector.multi_reduction <minsi>, %select_n3A_348, %reduce_min3A_349 [1] : vector<1024x1024xi32> to vector<1024xi32>
    %broadcast_in_dim3A_351 = vector.shape_cast %reduce_min3A_350 : vector<1024xi32> to vector<1024x1xi32>
    %eq3A_352 = vector.broadcast %broadcast_in_dim3A_351 : vector<1024x1xi32> to vector<1024x1024xi32>
    %eq3A_353 = arith.cmpi eq, %select_n3A_348, %eq3A_352 : vector<1024x1024xi32>
    %jit3A_354 = arith.constant 2147483647 : i32
    %broadcast_in_dim3A_355 = vector.broadcast %jit3A_354 : i32 to vector<1024x1024xi32>
    %select_n3A_356 = arith.select %eq3A_353, %broadcast_in_dim3A_355, %select_n3A_348 : vector<1024x1024xi1>, vector<1024x1024xi32>
    %and3A_357 = arith.constant 1023 : i32
    %and3A_358 = vector.broadcast %and3A_357 : i32 to vector<1024x1xi32>
    %and3A_359 = arith.andi %broadcast_in_dim3A_351, %and3A_358 : vector<1024x1xi32>
    %reduce_min3A_360 = arith.constant dense<2147483647> : vector<1024xi32>
    %reduce_min3A_361 = vector.multi_reduction <minsi>, %select_n3A_356, %reduce_min3A_360 [1] : vector<1024x1024xi32> to vector<1024xi32>
    %broadcast_in_dim3A_362 = vector.shape_cast %reduce_min3A_361 : vector<1024xi32> to vector<1024x1xi32>
    %eq3A_363 = vector.broadcast %broadcast_in_dim3A_362 : vector<1024x1xi32> to vector<1024x1024xi32>
    %eq3A_364 = arith.cmpi eq, %select_n3A_356, %eq3A_363 : vector<1024x1024xi32>
    %jit3A_365 = arith.constant 2147483647 : i32
    %broadcast_in_dim3A_366 = vector.broadcast %jit3A_365 : i32 to vector<1024x1024xi32>
    %select_n3A_367 = arith.select %eq3A_364, %broadcast_in_dim3A_366, %select_n3A_356 : vector<1024x1024xi1>, vector<1024x1024xi32>
    %reduce_min3A_368 = arith.constant dense<2147483647> : vector<1024xi32>
    %reduce_min3A_369 = vector.multi_reduction <minsi>, %select_n3A_367, %reduce_min3A_368 [1] : vector<1024x1024xi32> to vector<1024xi32>
    %broadcast_in_dim3A_370 = vector.shape_cast %reduce_min3A_369 : vector<1024xi32> to vector<1024x1xi32>
    %eq3A_371 = vector.broadcast %broadcast_in_dim3A_370 : vector<1024x1xi32> to vector<1024x1024xi32>
    %eq3A_372 = arith.cmpi eq, %select_n3A_367, %eq3A_371 : vector<1024x1024xi32>
    %jit3A_373 = arith.constant 2147483647 : i32
    %broadcast_in_dim3A_374 = vector.broadcast %jit3A_373 : i32 to vector<1024x1024xi32>
    %select_n3A_375 = arith.select %eq3A_372, %broadcast_in_dim3A_374, %select_n3A_367 : vector<1024x1024xi1>, vector<1024x1024xi32>
    %reduce_min3A_376 = arith.constant dense<2147483647> : vector<1024xi32>
    %reduce_min3A_377 = vector.multi_reduction <minsi>, %select_n3A_375, %reduce_min3A_376 [1] : vector<1024x1024xi32> to vector<1024xi32>
    %broadcast_in_dim3A_378 = vector.shape_cast %reduce_min3A_377 : vector<1024xi32> to vector<1024x1xi32>
    %eq3A_379 = vector.broadcast %broadcast_in_dim3A_378 : vector<1024x1xi32> to vector<1024x1024xi32>
    %eq3A_380 = arith.cmpi eq, %select_n3A_375, %eq3A_379 : vector<1024x1024xi32>
    %jit3A_381 = arith.constant 2147483647 : i32
    %broadcast_in_dim3A_382 = vector.broadcast %jit3A_381 : i32 to vector<1024x1024xi32>
    %select_n3A_383 = arith.select %eq3A_380, %broadcast_in_dim3A_382, %select_n3A_375 : vector<1024x1024xi1>, vector<1024x1024xi32>
    %reduce_min3A_384 = arith.constant dense<2147483647> : vector<1024xi32>
    %reduce_min3A_385 = vector.multi_reduction <minsi>, %select_n3A_383, %reduce_min3A_384 [1] : vector<1024x1024xi32> to vector<1024xi32>
    %broadcast_in_dim3A_386 = vector.shape_cast %reduce_min3A_385 : vector<1024xi32> to vector<1024x1xi32>
    %eq3A_387 = vector.broadcast %broadcast_in_dim3A_386 : vector<1024x1xi32> to vector<1024x1024xi32>
    %eq3A_388 = arith.cmpi eq, %select_n3A_383, %eq3A_387 : vector<1024x1024xi32>
    %jit3A_389 = arith.constant 2147483647 : i32
    %broadcast_in_dim3A_390 = vector.broadcast %jit3A_389 : i32 to vector<1024x1024xi32>
    %select_n3A_391 = arith.select %eq3A_388, %broadcast_in_dim3A_390, %select_n3A_383 : vector<1024x1024xi1>, vector<1024x1024xi32>
    %and3A_392 = arith.constant 1023 : i32
    %and3A_393 = vector.broadcast %and3A_392 : i32 to vector<1024x1xi32>
    %and3A_394 = arith.andi %broadcast_in_dim3A_386, %and3A_393 : vector<1024x1xi32>
    %reduce_min3A_395 = arith.constant dense<2147483647> : vector<1024xi32>
    %reduce_min3A_396 = vector.multi_reduction <minsi>, %select_n3A_391, %reduce_min3A_395 [1] : vector<1024x1024xi32> to vector<1024xi32>
    %broadcast_in_dim3A_397 = vector.shape_cast %reduce_min3A_396 : vector<1024xi32> to vector<1024x1xi32>
    %eq3A_398 = vector.broadcast %broadcast_in_dim3A_397 : vector<1024x1xi32> to vector<1024x1024xi32>
    %eq3A_399 = arith.cmpi eq, %select_n3A_391, %eq3A_398 : vector<1024x1024xi32>
    %jit3A_400 = arith.constant 2147483647 : i32
    %broadcast_in_dim3A_401 = vector.broadcast %jit3A_400 : i32 to vector<1024x1024xi32>
    %select_n3A_402 = arith.select %eq3A_399, %broadcast_in_dim3A_401, %select_n3A_391 : vector<1024x1024xi1>, vector<1024x1024xi32>
    %reduce_min3A_403 = arith.constant dense<2147483647> : vector<1024xi32>
    %reduce_min3A_404 = vector.multi_reduction <minsi>, %select_n3A_402, %reduce_min3A_403 [1] : vector<1024x1024xi32> to vector<1024xi32>
    %broadcast_in_dim3A_405 = vector.shape_cast %reduce_min3A_404 : vector<1024xi32> to vector<1024x1xi32>
    %eq3A_406 = vector.broadcast %broadcast_in_dim3A_405 : vector<1024x1xi32> to vector<1024x1024xi32>
    %eq3A_407 = arith.cmpi eq, %select_n3A_402, %eq3A_406 : vector<1024x1024xi32>
    %jit3A_408 = arith.constant 2147483647 : i32
    %broadcast_in_dim3A_409 = vector.broadcast %jit3A_408 : i32 to vector<1024x1024xi32>
    %select_n3A_410 = arith.select %eq3A_407, %broadcast_in_dim3A_409, %select_n3A_402 : vector<1024x1024xi1>, vector<1024x1024xi32>
    %reduce_min3A_411 = arith.constant dense<2147483647> : vector<1024xi32>
    %reduce_min3A_412 = vector.multi_reduction <minsi>, %select_n3A_410, %reduce_min3A_411 [1] : vector<1024x1024xi32> to vector<1024xi32>
    %broadcast_in_dim3A_413 = vector.shape_cast %reduce_min3A_412 : vector<1024xi32> to vector<1024x1xi32>
    %eq3A_414 = vector.broadcast %broadcast_in_dim3A_413 : vector<1024x1xi32> to vector<1024x1024xi32>
    %eq3A_415 = arith.cmpi eq, %select_n3A_410, %eq3A_414 : vector<1024x1024xi32>
    %jit3A_416 = arith.constant 2147483647 : i32
    %broadcast_in_dim3A_417 = vector.broadcast %jit3A_416 : i32 to vector<1024x1024xi32>
    %select_n3A_418 = arith.select %eq3A_415, %broadcast_in_dim3A_417, %select_n3A_410 : vector<1024x1024xi1>, vector<1024x1024xi32>
    %reduce_min3A_419 = arith.constant dense<2147483647> : vector<1024xi32>
    %reduce_min3A_420 = vector.multi_reduction <minsi>, %select_n3A_418, %reduce_min3A_419 [1] : vector<1024x1024xi32> to vector<1024xi32>
    %broadcast_in_dim3A_421 = vector.shape_cast %reduce_min3A_420 : vector<1024xi32> to vector<1024x1xi32>
    %eq3A_422 = vector.broadcast %broadcast_in_dim3A_421 : vector<1024x1xi32> to vector<1024x1024xi32>
    %eq3A_423 = arith.cmpi eq, %select_n3A_418, %eq3A_422 : vector<1024x1024xi32>
    %jit3A_424 = arith.constant 2147483647 : i32
    %broadcast_in_dim3A_425 = vector.broadcast %jit3A_424 : i32 to vector<1024x1024xi32>
    %select_n3A_426 = arith.select %eq3A_423, %broadcast_in_dim3A_425, %select_n3A_418 : vector<1024x1024xi1>, vector<1024x1024xi32>
    %and3A_427 = arith.constant 1023 : i32
    %and3A_428 = vector.broadcast %and3A_427 : i32 to vector<1024x1xi32>
    %and3A_429 = arith.andi %broadcast_in_dim3A_421, %and3A_428 : vector<1024x1xi32>
    %reduce_min3A_430 = arith.constant dense<2147483647> : vector<1024xi32>
    %reduce_min3A_431 = vector.multi_reduction <minsi>, %select_n3A_426, %reduce_min3A_430 [1] : vector<1024x1024xi32> to vector<1024xi32>
    %broadcast_in_dim3A_432 = vector.shape_cast %reduce_min3A_431 : vector<1024xi32> to vector<1024x1xi32>
    %eq3A_433 = vector.broadcast %broadcast_in_dim3A_432 : vector<1024x1xi32> to vector<1024x1024xi32>
    %eq3A_434 = arith.cmpi eq, %select_n3A_426, %eq3A_433 : vector<1024x1024xi32>
    %jit3A_435 = arith.constant 2147483647 : i32
    %broadcast_in_dim3A_436 = vector.broadcast %jit3A_435 : i32 to vector<1024x1024xi32>
    %select_n3A_437 = arith.select %eq3A_434, %broadcast_in_dim3A_436, %select_n3A_426 : vector<1024x1024xi1>, vector<1024x1024xi32>
    %reduce_min3A_438 = arith.constant dense<2147483647> : vector<1024xi32>
    %reduce_min3A_439 = vector.multi_reduction <minsi>, %select_n3A_437, %reduce_min3A_438 [1] : vector<1024x1024xi32> to vector<1024xi32>
    %broadcast_in_dim3A_440 = vector.shape_cast %reduce_min3A_439 : vector<1024xi32> to vector<1024x1xi32>
    %eq3A_441 = vector.broadcast %broadcast_in_dim3A_440 : vector<1024x1xi32> to vector<1024x1024xi32>
    %eq3A_442 = arith.cmpi eq, %select_n3A_437, %eq3A_441 : vector<1024x1024xi32>
    %jit3A_443 = arith.constant 2147483647 : i32
    %broadcast_in_dim3A_444 = vector.broadcast %jit3A_443 : i32 to vector<1024x1024xi32>
    %select_n3A_445 = arith.select %eq3A_442, %broadcast_in_dim3A_444, %select_n3A_437 : vector<1024x1024xi1>, vector<1024x1024xi32>
    %reduce_min3A_446 = arith.constant dense<2147483647> : vector<1024xi32>
    %reduce_min3A_447 = vector.multi_reduction <minsi>, %select_n3A_445, %reduce_min3A_446 [1] : vector<1024x1024xi32> to vector<1024xi32>
    %broadcast_in_dim3A_448 = vector.shape_cast %reduce_min3A_447 : vector<1024xi32> to vector<1024x1xi32>
    %eq3A_449 = vector.broadcast %broadcast_in_dim3A_448 : vector<1024x1xi32> to vector<1024x1024xi32>
    %eq3A_450 = arith.cmpi eq, %select_n3A_445, %eq3A_449 : vector<1024x1024xi32>
    %jit3A_451 = arith.constant 2147483647 : i32
    %broadcast_in_dim3A_452 = vector.broadcast %jit3A_451 : i32 to vector<1024x1024xi32>
    %select_n3A_453 = arith.select %eq3A_450, %broadcast_in_dim3A_452, %select_n3A_445 : vector<1024x1024xi1>, vector<1024x1024xi32>
    %reduce_min3A_454 = arith.constant dense<2147483647> : vector<1024xi32>
    %reduce_min3A_455 = vector.multi_reduction <minsi>, %select_n3A_453, %reduce_min3A_454 [1] : vector<1024x1024xi32> to vector<1024xi32>
    %broadcast_in_dim3A_456 = vector.shape_cast %reduce_min3A_455 : vector<1024xi32> to vector<1024x1xi32>
    %eq3A_457 = vector.broadcast %broadcast_in_dim3A_456 : vector<1024x1xi32> to vector<1024x1024xi32>
    %eq3A_458 = arith.cmpi eq, %select_n3A_453, %eq3A_457 : vector<1024x1024xi32>
    %jit3A_459 = arith.constant 2147483647 : i32
    %broadcast_in_dim3A_460 = vector.broadcast %jit3A_459 : i32 to vector<1024x1024xi32>
    %select_n3A_461 = arith.select %eq3A_458, %broadcast_in_dim3A_460, %select_n3A_453 : vector<1024x1024xi1>, vector<1024x1024xi32>
    %and3A_462 = arith.constant 1023 : i32
    %and3A_463 = vector.broadcast %and3A_462 : i32 to vector<1024x1xi32>
    %and3A_464 = arith.andi %broadcast_in_dim3A_456, %and3A_463 : vector<1024x1xi32>
    %reduce_min3A_465 = arith.constant dense<2147483647> : vector<1024xi32>
    %reduce_min3A_466 = vector.multi_reduction <minsi>, %select_n3A_461, %reduce_min3A_465 [1] : vector<1024x1024xi32> to vector<1024xi32>
    %broadcast_in_dim3A_467 = vector.shape_cast %reduce_min3A_466 : vector<1024xi32> to vector<1024x1xi32>
    %eq3A_468 = vector.broadcast %broadcast_in_dim3A_467 : vector<1024x1xi32> to vector<1024x1024xi32>
    %eq3A_469 = arith.cmpi eq, %select_n3A_461, %eq3A_468 : vector<1024x1024xi32>
    %jit3A_470 = arith.constant 2147483647 : i32
    %broadcast_in_dim3A_471 = vector.broadcast %jit3A_470 : i32 to vector<1024x1024xi32>
    %select_n3A_472 = arith.select %eq3A_469, %broadcast_in_dim3A_471, %select_n3A_461 : vector<1024x1024xi1>, vector<1024x1024xi32>
    %reduce_min3A_473 = arith.constant dense<2147483647> : vector<1024xi32>
    %reduce_min3A_474 = vector.multi_reduction <minsi>, %select_n3A_472, %reduce_min3A_473 [1] : vector<1024x1024xi32> to vector<1024xi32>
    %broadcast_in_dim3A_475 = vector.shape_cast %reduce_min3A_474 : vector<1024xi32> to vector<1024x1xi32>
    %eq3A_476 = vector.broadcast %broadcast_in_dim3A_475 : vector<1024x1xi32> to vector<1024x1024xi32>
    %eq3A_477 = arith.cmpi eq, %select_n3A_472, %eq3A_476 : vector<1024x1024xi32>
    %jit3A_478 = arith.constant 2147483647 : i32
    %broadcast_in_dim3A_479 = vector.broadcast %jit3A_478 : i32 to vector<1024x1024xi32>
    %select_n3A_480 = arith.select %eq3A_477, %broadcast_in_dim3A_479, %select_n3A_472 : vector<1024x1024xi1>, vector<1024x1024xi32>
    %reduce_min3A_481 = arith.constant dense<2147483647> : vector<1024xi32>
    %reduce_min3A_482 = vector.multi_reduction <minsi>, %select_n3A_480, %reduce_min3A_481 [1] : vector<1024x1024xi32> to vector<1024xi32>
    %broadcast_in_dim3A_483 = vector.shape_cast %reduce_min3A_482 : vector<1024xi32> to vector<1024x1xi32>
    %eq3A_484 = vector.broadcast %broadcast_in_dim3A_483 : vector<1024x1xi32> to vector<1024x1024xi32>
    %eq3A_485 = arith.cmpi eq, %select_n3A_480, %eq3A_484 : vector<1024x1024xi32>
    %jit3A_486 = arith.constant 2147483647 : i32
    %broadcast_in_dim3A_487 = vector.broadcast %jit3A_486 : i32 to vector<1024x1024xi32>
    %select_n3A_488 = arith.select %eq3A_485, %broadcast_in_dim3A_487, %select_n3A_480 : vector<1024x1024xi1>, vector<1024x1024xi32>
    %reduce_min3A_489 = arith.constant dense<2147483647> : vector<1024xi32>
    %reduce_min3A_490 = vector.multi_reduction <minsi>, %select_n3A_488, %reduce_min3A_489 [1] : vector<1024x1024xi32> to vector<1024xi32>
    %broadcast_in_dim3A_491 = vector.shape_cast %reduce_min3A_490 : vector<1024xi32> to vector<1024x1xi32>
    %eq3A_492 = vector.broadcast %broadcast_in_dim3A_491 : vector<1024x1xi32> to vector<1024x1024xi32>
    %eq3A_493 = arith.cmpi eq, %select_n3A_488, %eq3A_492 : vector<1024x1024xi32>
    %jit3A_494 = arith.constant 2147483647 : i32
    %broadcast_in_dim3A_495 = vector.broadcast %jit3A_494 : i32 to vector<1024x1024xi32>
    %select_n3A_496 = arith.select %eq3A_493, %broadcast_in_dim3A_495, %select_n3A_488 : vector<1024x1024xi1>, vector<1024x1024xi32>
    %and3A_497 = arith.constant 1023 : i32
    %and3A_498 = vector.broadcast %and3A_497 : i32 to vector<1024x1xi32>
    %and3A_499 = arith.andi %broadcast_in_dim3A_491, %and3A_498 : vector<1024x1xi32>
    %reduce_min3A_500 = arith.constant dense<2147483647> : vector<1024xi32>
    %reduce_min3A_501 = vector.multi_reduction <minsi>, %select_n3A_496, %reduce_min3A_500 [1] : vector<1024x1024xi32> to vector<1024xi32>
    %broadcast_in_dim3A_502 = vector.shape_cast %reduce_min3A_501 : vector<1024xi32> to vector<1024x1xi32>
    %eq3A_503 = vector.broadcast %broadcast_in_dim3A_502 : vector<1024x1xi32> to vector<1024x1024xi32>
    %eq3A_504 = arith.cmpi eq, %select_n3A_496, %eq3A_503 : vector<1024x1024xi32>
    %jit3A_505 = arith.constant 2147483647 : i32
    %broadcast_in_dim3A_506 = vector.broadcast %jit3A_505 : i32 to vector<1024x1024xi32>
    %select_n3A_507 = arith.select %eq3A_504, %broadcast_in_dim3A_506, %select_n3A_496 : vector<1024x1024xi1>, vector<1024x1024xi32>
    %reduce_min3A_508 = arith.constant dense<2147483647> : vector<1024xi32>
    %reduce_min3A_509 = vector.multi_reduction <minsi>, %select_n3A_507, %reduce_min3A_508 [1] : vector<1024x1024xi32> to vector<1024xi32>
    %broadcast_in_dim3A_510 = vector.shape_cast %reduce_min3A_509 : vector<1024xi32> to vector<1024x1xi32>
    %eq3A_511 = vector.broadcast %broadcast_in_dim3A_510 : vector<1024x1xi32> to vector<1024x1024xi32>
    %eq3A_512 = arith.cmpi eq, %select_n3A_507, %eq3A_511 : vector<1024x1024xi32>
    %jit3A_513 = arith.constant 2147483647 : i32
    %broadcast_in_dim3A_514 = vector.broadcast %jit3A_513 : i32 to vector<1024x1024xi32>
    %select_n3A_515 = arith.select %eq3A_512, %broadcast_in_dim3A_514, %select_n3A_507 : vector<1024x1024xi1>, vector<1024x1024xi32>
    %reduce_min3A_516 = arith.constant dense<2147483647> : vector<1024xi32>
    %reduce_min3A_517 = vector.multi_reduction <minsi>, %select_n3A_515, %reduce_min3A_516 [1] : vector<1024x1024xi32> to vector<1024xi32>
    %broadcast_in_dim3A_518 = vector.shape_cast %reduce_min3A_517 : vector<1024xi32> to vector<1024x1xi32>
    %eq3A_519 = vector.broadcast %broadcast_in_dim3A_518 : vector<1024x1xi32> to vector<1024x1024xi32>
    %eq3A_520 = arith.cmpi eq, %select_n3A_515, %eq3A_519 : vector<1024x1024xi32>
    %jit3A_521 = arith.constant 2147483647 : i32
    %broadcast_in_dim3A_522 = vector.broadcast %jit3A_521 : i32 to vector<1024x1024xi32>
    %select_n3A_523 = arith.select %eq3A_520, %broadcast_in_dim3A_522, %select_n3A_515 : vector<1024x1024xi1>, vector<1024x1024xi32>
    %reduce_min3A_524 = arith.constant dense<2147483647> : vector<1024xi32>
    %reduce_min3A_525 = vector.multi_reduction <minsi>, %select_n3A_523, %reduce_min3A_524 [1] : vector<1024x1024xi32> to vector<1024xi32>
    %broadcast_in_dim3A_526 = vector.shape_cast %reduce_min3A_525 : vector<1024xi32> to vector<1024x1xi32>
    %eq3A_527 = vector.broadcast %broadcast_in_dim3A_526 : vector<1024x1xi32> to vector<1024x1024xi32>
    %eq3A_528 = arith.cmpi eq, %select_n3A_523, %eq3A_527 : vector<1024x1024xi32>
    %jit3A_529 = arith.constant 2147483647 : i32
    %broadcast_in_dim3A_530 = vector.broadcast %jit3A_529 : i32 to vector<1024x1024xi32>
    %select_n3A_531 = arith.select %eq3A_528, %broadcast_in_dim3A_530, %select_n3A_523 : vector<1024x1024xi1>, vector<1024x1024xi32>
    %and3A_532 = arith.constant 1023 : i32
    %and3A_533 = vector.broadcast %and3A_532 : i32 to vector<1024x1xi32>
    %and3A_534 = arith.andi %broadcast_in_dim3A_526, %and3A_533 : vector<1024x1xi32>
    %reduce_min3A_535 = arith.constant dense<2147483647> : vector<1024xi32>
    %reduce_min3A_536 = vector.multi_reduction <minsi>, %select_n3A_531, %reduce_min3A_535 [1] : vector<1024x1024xi32> to vector<1024xi32>
    %broadcast_in_dim3A_537 = vector.shape_cast %reduce_min3A_536 : vector<1024xi32> to vector<1024x1xi32>
    %eq3A_538 = vector.broadcast %broadcast_in_dim3A_537 : vector<1024x1xi32> to vector<1024x1024xi32>
    %eq3A_539 = arith.cmpi eq, %select_n3A_531, %eq3A_538 : vector<1024x1024xi32>
    %jit3A_540 = arith.constant 2147483647 : i32
    %broadcast_in_dim3A_541 = vector.broadcast %jit3A_540 : i32 to vector<1024x1024xi32>
    %select_n3A_542 = arith.select %eq3A_539, %broadcast_in_dim3A_541, %select_n3A_531 : vector<1024x1024xi1>, vector<1024x1024xi32>
    %reduce_min3A_543 = arith.constant dense<2147483647> : vector<1024xi32>
    %reduce_min3A_544 = vector.multi_reduction <minsi>, %select_n3A_542, %reduce_min3A_543 [1] : vector<1024x1024xi32> to vector<1024xi32>
    %broadcast_in_dim3A_545 = vector.shape_cast %reduce_min3A_544 : vector<1024xi32> to vector<1024x1xi32>
    %eq3A_546 = vector.broadcast %broadcast_in_dim3A_545 : vector<1024x1xi32> to vector<1024x1024xi32>
    %eq3A_547 = arith.cmpi eq, %select_n3A_542, %eq3A_546 : vector<1024x1024xi32>
    %jit3A_548 = arith.constant 2147483647 : i32
    %broadcast_in_dim3A_549 = vector.broadcast %jit3A_548 : i32 to vector<1024x1024xi32>
    %select_n3A_550 = arith.select %eq3A_547, %broadcast_in_dim3A_549, %select_n3A_542 : vector<1024x1024xi1>, vector<1024x1024xi32>
    %reduce_min3A_551 = arith.constant dense<2147483647> : vector<1024xi32>
    %reduce_min3A_552 = vector.multi_reduction <minsi>, %select_n3A_550, %reduce_min3A_551 [1] : vector<1024x1024xi32> to vector<1024xi32>
    %broadcast_in_dim3A_553 = vector.shape_cast %reduce_min3A_552 : vector<1024xi32> to vector<1024x1xi32>
    %eq3A_554 = vector.broadcast %broadcast_in_dim3A_553 : vector<1024x1xi32> to vector<1024x1024xi32>
    %eq3A_555 = arith.cmpi eq, %select_n3A_550, %eq3A_554 : vector<1024x1024xi32>
    %jit3A_556 = arith.constant 2147483647 : i32
    %broadcast_in_dim3A_557 = vector.broadcast %jit3A_556 : i32 to vector<1024x1024xi32>
    %select_n3A_558 = arith.select %eq3A_555, %broadcast_in_dim3A_557, %select_n3A_550 : vector<1024x1024xi1>, vector<1024x1024xi32>
    %reduce_min3A_559 = arith.constant dense<2147483647> : vector<1024xi32>
    %reduce_min3A_560 = vector.multi_reduction <minsi>, %select_n3A_558, %reduce_min3A_559 [1] : vector<1024x1024xi32> to vector<1024xi32>
    %broadcast_in_dim3A_561 = vector.shape_cast %reduce_min3A_560 : vector<1024xi32> to vector<1024x1xi32>
    %eq3A_562 = vector.broadcast %broadcast_in_dim3A_561 : vector<1024x1xi32> to vector<1024x1024xi32>
    %eq3A_563 = arith.cmpi eq, %select_n3A_558, %eq3A_562 : vector<1024x1024xi32>
    %jit3A_564 = arith.constant 2147483647 : i32
    %broadcast_in_dim3A_565 = vector.broadcast %jit3A_564 : i32 to vector<1024x1024xi32>
    %select_n3A_566 = arith.select %eq3A_563, %broadcast_in_dim3A_565, %select_n3A_558 : vector<1024x1024xi1>, vector<1024x1024xi32>
    %and3A_567 = arith.constant 1023 : i32
    %and3A_568 = vector.broadcast %and3A_567 : i32 to vector<1024x1xi32>
    %and3A_569 = arith.andi %broadcast_in_dim3A_561, %and3A_568 : vector<1024x1xi32>
    %reduce_min3A_570 = arith.constant dense<2147483647> : vector<1024xi32>
    %reduce_min3A_571 = vector.multi_reduction <minsi>, %select_n3A_566, %reduce_min3A_570 [1] : vector<1024x1024xi32> to vector<1024xi32>
    %broadcast_in_dim3A_572 = vector.shape_cast %reduce_min3A_571 : vector<1024xi32> to vector<1024x1xi32>
    %eq3A_573 = vector.broadcast %broadcast_in_dim3A_572 : vector<1024x1xi32> to vector<1024x1024xi32>
    %eq3A_574 = arith.cmpi eq, %select_n3A_566, %eq3A_573 : vector<1024x1024xi32>
    %jit3A_575 = arith.constant 2147483647 : i32
    %broadcast_in_dim3A_576 = vector.broadcast %jit3A_575 : i32 to vector<1024x1024xi32>
    %select_n3A_577 = arith.select %eq3A_574, %broadcast_in_dim3A_576, %select_n3A_566 : vector<1024x1024xi1>, vector<1024x1024xi32>
    %reduce_min3A_578 = arith.constant dense<2147483647> : vector<1024xi32>
    %reduce_min3A_579 = vector.multi_reduction <minsi>, %select_n3A_577, %reduce_min3A_578 [1] : vector<1024x1024xi32> to vector<1024xi32>
    %broadcast_in_dim3A_580 = vector.shape_cast %reduce_min3A_579 : vector<1024xi32> to vector<1024x1xi32>
    %eq3A_581 = vector.broadcast %broadcast_in_dim3A_580 : vector<1024x1xi32> to vector<1024x1024xi32>
    %eq3A_582 = arith.cmpi eq, %select_n3A_577, %eq3A_581 : vector<1024x1024xi32>
    %jit3A_583 = arith.constant 2147483647 : i32
    %broadcast_in_dim3A_584 = vector.broadcast %jit3A_583 : i32 to vector<1024x1024xi32>
    %select_n3A_585 = arith.select %eq3A_582, %broadcast_in_dim3A_584, %select_n3A_577 : vector<1024x1024xi1>, vector<1024x1024xi32>
    %reduce_min3A_586 = arith.constant dense<2147483647> : vector<1024xi32>
    %reduce_min3A_587 = vector.multi_reduction <minsi>, %select_n3A_585, %reduce_min3A_586 [1] : vector<1024x1024xi32> to vector<1024xi32>
    %broadcast_in_dim3A_588 = vector.shape_cast %reduce_min3A_587 : vector<1024xi32> to vector<1024x1xi32>
    %eq3A_589 = vector.broadcast %broadcast_in_dim3A_588 : vector<1024x1xi32> to vector<1024x1024xi32>
    %eq3A_590 = arith.cmpi eq, %select_n3A_585, %eq3A_589 : vector<1024x1024xi32>
    %jit3A_591 = arith.constant 2147483647 : i32
    %broadcast_in_dim3A_592 = vector.broadcast %jit3A_591 : i32 to vector<1024x1024xi32>
    %select_n3A_593 = arith.select %eq3A_590, %broadcast_in_dim3A_592, %select_n3A_585 : vector<1024x1024xi1>, vector<1024x1024xi32>
    %reduce_min3A_594 = arith.constant dense<2147483647> : vector<1024xi32>
    %reduce_min3A_595 = vector.multi_reduction <minsi>, %select_n3A_593, %reduce_min3A_594 [1] : vector<1024x1024xi32> to vector<1024xi32>
    %broadcast_in_dim3A_596 = vector.shape_cast %reduce_min3A_595 : vector<1024xi32> to vector<1024x1xi32>
    %and3A_597 = arith.constant 1023 : i32
    %and3A_598 = vector.broadcast %and3A_597 : i32 to vector<1024x1xi32>
    %and3A_599 = arith.andi %broadcast_in_dim3A_596, %and3A_598 : vector<1024x1xi32>
    %concatenate3A_600 = tpu.concatenate %and3A_359, %and3A_394, %and3A_429, %and3A_464, %and3A_499, %and3A_534, %and3A_569, %and3A_599 in 1 : vector<1024x1xi32>, vector<1024x1xi32>, vector<1024x1xi32>, vector<1024x1xi32>, vector<1024x1xi32>, vector<1024x1xi32>, vector<1024x1xi32>, vector<1024x1xi32> -> vector<1024x8xi32>
    %mul3A_601 = arith.constant 1024 : i32
    %mul3A_602 = arith.muli %arg0, %mul3A_601 : i32
    %add3A_603 = vector.broadcast %mul3A_602 : i32 to vector<1024x8xi32>
    %add3A_604 = arith.addi %concatenate3A_600, %add3A_603 : vector<1024x8xi32>
    %swap3A_605 = arith.constant 0 : index
    %swap3A_606 = arith.constant 0 : index
    %swap3A_607 = arith.constant 0 : index
    %swap3A_608 = vector.load %arg7[%swap3A_605, %swap3A_606, %swap3A_607] : memref<1x1024x8xi32, #tpu.memory_space<vmem>>, vector<1x1024x8xi32>
    %swap3A_609 = vector.shape_cast %swap3A_608 : vector<1x1024x8xi32> to vector<1024x8xi32>
    %swap3A_610 = vector.shape_cast %add3A_604 : vector<1024x8xi32> to vector<1x1024x8xi32>
    tpu.vector_store %arg7[%swap3A_605, %swap3A_606, %swap3A_607], %swap3A_610 {strides = array<i32>} : memref<1x1024x8xi32, #tpu.memory_space<vmem>>, vector<1x1024x8xi32>,
    %get3A_611 = arith.constant 0 : index
    %get3A_612 = arith.constant 0 : index
    %get3A_613 = vector.load %arg3[%get3A_611, %get3A_612] : memref<120x1024xf32, #tpu.memory_space<vmem>>, vector<120x1024xf32>
    %dot_general3A_614 = arith.constant dense<0.000000e+00> : vector<120x3xf32>
    %dot_general3A_615 = tpu.matmul %get3A_613, %get3A_3, %dot_general3A_614 {dimension_numbers = #tpu.dot_dimension_numbers<[1], [0], [0], [1], [0, 0, 1, 1], [], []>, transpose_lhs_hint = false} : vector<120x1024xf32>, vector<1024x3xf32>, vector<120x3xf32> -> vector<120x3xf32>
    %get3A_616 = arith.constant 0 : index
    %get3A_617 = arith.constant 0 : index
    %get3A_618 = vector.load %arg4[%get3A_616, %get3A_617] : memref<1024x120xf32, #tpu.memory_space<vmem>>, vector<1024x120xf32>
    %dot_general3A_619 = arith.constant dense<0.000000e+00> : vector<3x120xf32>
    %dot_general3A_620 = tpu.matmul %get3A_8, %get3A_618, %dot_general3A_619 {dimension_numbers = #tpu.dot_dimension_numbers<[1], [0], [0], [1], [0, 0, 1, 1], [], []>, transpose_lhs_hint = false} : vector<3x1024xf32>, vector<1024x120xf32>, vector<3x120xf32> -> vector<3x120xf32>
    %mul3A_621 = arith.mulf %dot_general3A_615, %dot_general3A_615 : vector<120x3xf32>
    %reduce_sum3A_622 = arith.constant dense<0.000000e+00> : vector<120xf32>
    %reduce_sum3A_623 = vector.multi_reduction <add>, %mul3A_621, %reduce_sum3A_622 [1] : vector<120x3xf32> to vector<120xf32>
    %broadcast_in_dim3A_624 = vector.shape_cast %reduce_sum3A_623 : vector<120xf32> to vector<120x1xf32>
    %mul3A_625 = arith.mulf %get3A_8, %get3A_8 : vector<3x1024xf32>
    %reduce_sum3A_626 = arith.constant dense<0.000000e+00> : vector<1024xf32>
    %reduce_sum3A_627 = vector.multi_reduction <add>, %mul3A_625, %reduce_sum3A_626 [0] : vector<3x1024xf32> to vector<1024xf32>
    %broadcast_in_dim3A_628 = vector.shape_cast %reduce_sum3A_627 : vector<1024xf32> to vector<1x1024xf32>
    %dot_general3A_629 = arith.constant dense<0.000000e+00> : vector<120x1024xf32>
    %dot_general3A_630 = tpu.matmul %dot_general3A_615, %get3A_8, %dot_general3A_629 {dimension_numbers = #tpu.dot_dimension_numbers<[1], [0], [0], [1], [0, 0, 1, 1], [], []>, transpose_lhs_hint = false} : vector<120x3xf32>, vector<3x1024xf32>, vector<120x1024xf32> -> vector<120x1024xf32>
    %mul3A_631 = arith.constant 2.000000e+00 : f32
    %mul3A_632 = vector.broadcast %mul3A_631 : f32 to vector<120x1024xf32>
    %mul3A_633 = arith.mulf %mul3A_632, %dot_general3A_630 : vector<120x1024xf32>
    %sub3A_634 = vector.broadcast %broadcast_in_dim3A_624 : vector<120x1xf32> to vector<120x1024xf32>
    %sub3A_635 = arith.subf %sub3A_634, %mul3A_633 : vector<120x1024xf32>
    %add3A_636 = vector.broadcast %broadcast_in_dim3A_628 : vector<1x1024xf32> to vector<120x1024xf32>
    %add3A_637 = arith.addf %sub3A_635, %add3A_636 : vector<120x1024xf32>
    %bitcast_convert_type3A_638 = tpu.bitcast %add3A_637 : vector<120x1024xf32> -> vector<120x1024xi32>
    %lt3A_639 = arith.constant 0 : i32
    %lt3A_640 = vector.broadcast %lt3A_639 : i32 to vector<120x1024xi32>
    %lt3A_641 = arith.cmpi slt, %bitcast_convert_type3A_638, %lt3A_640 : vector<120x1024xi32>
    %xor3A_642 = arith.constant 2147483647 : i32
    %xor3A_643 = vector.broadcast %xor3A_642 : i32 to vector<120x1024xi32>
    %xor3A_644 = arith.xori %bitcast_convert_type3A_638, %xor3A_643 : vector<120x1024xi32>
    %select_n3A_645 = arith.select %lt3A_641, %xor3A_644, %bitcast_convert_type3A_638 : vector<120x1024xi1>, vector<120x1024xi32>
    %iota3A_646 = tpu.iota {dimensions = array<i32: 1>} : vector<120x1024xi32>
    %and3A_647 = arith.constant -1024 : i32
    %and3A_648 = vector.broadcast %and3A_647 : i32 to vector<120x1024xi32>
    %and3A_649 = arith.andi %select_n3A_645, %and3A_648 : vector<120x1024xi32>
    %or3A_650 = arith.ori %and3A_649, %iota3A_646 : vector<120x1024xi32>
    %reduce_min3A_651 = arith.constant dense<2147483647> : vector<120xi32>
    %reduce_min3A_652 = vector.multi_reduction <minsi>, %or3A_650, %reduce_min3A_651 [1] : vector<120x1024xi32> to vector<120xi32>
    %broadcast_in_dim3A_653 = vector.shape_cast %reduce_min3A_652 : vector<120xi32> to vector<120x1xi32>
    %eq3A_654 = vector.broadcast %broadcast_in_dim3A_653 : vector<120x1xi32> to vector<120x1024xi32>
    %eq3A_655 = arith.cmpi eq, %or3A_650, %eq3A_654 : vector<120x1024xi32>
    %jit3A_656 = arith.constant 2147483647 : i32
    %broadcast_in_dim3A_657 = vector.broadcast %jit3A_656 : i32 to vector<120x1024xi32>
    %select_n3A_658 = arith.select %eq3A_655, %broadcast_in_dim3A_657, %or3A_650 : vector<120x1024xi1>, vector<120x1024xi32>
    %reduce_min3A_659 = arith.constant dense<2147483647> : vector<120xi32>
    %reduce_min3A_660 = vector.multi_reduction <minsi>, %select_n3A_658, %reduce_min3A_659 [1] : vector<120x1024xi32> to vector<120xi32>
    %broadcast_in_dim3A_661 = vector.shape_cast %reduce_min3A_660 : vector<120xi32> to vector<120x1xi32>
    %eq3A_662 = vector.broadcast %broadcast_in_dim3A_661 : vector<120x1xi32> to vector<120x1024xi32>
    %eq3A_663 = arith.cmpi eq, %select_n3A_658, %eq3A_662 : vector<120x1024xi32>
    %jit3A_664 = arith.constant 2147483647 : i32
    %broadcast_in_dim3A_665 = vector.broadcast %jit3A_664 : i32 to vector<120x1024xi32>
    %select_n3A_666 = arith.select %eq3A_663, %broadcast_in_dim3A_665, %select_n3A_658 : vector<120x1024xi1>, vector<120x1024xi32>
    %and3A_667 = arith.constant 1023 : i32
    %and3A_668 = vector.broadcast %and3A_667 : i32 to vector<120x1xi32>
    %and3A_669 = arith.andi %broadcast_in_dim3A_661, %and3A_668 : vector<120x1xi32>
    %reduce_min3A_670 = arith.constant dense<2147483647> : vector<120xi32>
    %reduce_min3A_671 = vector.multi_reduction <minsi>, %select_n3A_666, %reduce_min3A_670 [1] : vector<120x1024xi32> to vector<120xi32>
    %broadcast_in_dim3A_672 = vector.shape_cast %reduce_min3A_671 : vector<120xi32> to vector<120x1xi32>
    %eq3A_673 = vector.broadcast %broadcast_in_dim3A_672 : vector<120x1xi32> to vector<120x1024xi32>
    %eq3A_674 = arith.cmpi eq, %select_n3A_666, %eq3A_673 : vector<120x1024xi32>
    %jit3A_675 = arith.constant 2147483647 : i32
    %broadcast_in_dim3A_676 = vector.broadcast %jit3A_675 : i32 to vector<120x1024xi32>
    %select_n3A_677 = arith.select %eq3A_674, %broadcast_in_dim3A_676, %select_n3A_666 : vector<120x1024xi1>, vector<120x1024xi32>
    %reduce_min3A_678 = arith.constant dense<2147483647> : vector<120xi32>
    %reduce_min3A_679 = vector.multi_reduction <minsi>, %select_n3A_677, %reduce_min3A_678 [1] : vector<120x1024xi32> to vector<120xi32>
    %broadcast_in_dim3A_680 = vector.shape_cast %reduce_min3A_679 : vector<120xi32> to vector<120x1xi32>
    %eq3A_681 = vector.broadcast %broadcast_in_dim3A_680 : vector<120x1xi32> to vector<120x1024xi32>
    %eq3A_682 = arith.cmpi eq, %select_n3A_677, %eq3A_681 : vector<120x1024xi32>
    %jit3A_683 = arith.constant 2147483647 : i32
    %broadcast_in_dim3A_684 = vector.broadcast %jit3A_683 : i32 to vector<120x1024xi32>
    %select_n3A_685 = arith.select %eq3A_682, %broadcast_in_dim3A_684, %select_n3A_677 : vector<120x1024xi1>, vector<120x1024xi32>
    %reduce_min3A_686 = arith.constant dense<2147483647> : vector<120xi32>
    %reduce_min3A_687 = vector.multi_reduction <minsi>, %select_n3A_685, %reduce_min3A_686 [1] : vector<120x1024xi32> to vector<120xi32>
    %broadcast_in_dim3A_688 = vector.shape_cast %reduce_min3A_687 : vector<120xi32> to vector<120x1xi32>
    %eq3A_689 = vector.broadcast %broadcast_in_dim3A_688 : vector<120x1xi32> to vector<120x1024xi32>
    %eq3A_690 = arith.cmpi eq, %select_n3A_685, %eq3A_689 : vector<120x1024xi32>
    %jit3A_691 = arith.constant 2147483647 : i32
    %broadcast_in_dim3A_692 = vector.broadcast %jit3A_691 : i32 to vector<120x1024xi32>
    %select_n3A_693 = arith.select %eq3A_690, %broadcast_in_dim3A_692, %select_n3A_685 : vector<120x1024xi1>, vector<120x1024xi32>
    %reduce_min3A_694 = arith.constant dense<2147483647> : vector<120xi32>
    %reduce_min3A_695 = vector.multi_reduction <minsi>, %select_n3A_693, %reduce_min3A_694 [1] : vector<120x1024xi32> to vector<120xi32>
    %broadcast_in_dim3A_696 = vector.shape_cast %reduce_min3A_695 : vector<120xi32> to vector<120x1xi32>
    %eq3A_697 = vector.broadcast %broadcast_in_dim3A_696 : vector<120x1xi32> to vector<120x1024xi32>
    %eq3A_698 = arith.cmpi eq, %select_n3A_693, %eq3A_697 : vector<120x1024xi32>
    %jit3A_699 = arith.constant 2147483647 : i32
    %broadcast_in_dim3A_700 = vector.broadcast %jit3A_699 : i32 to vector<120x1024xi32>
    %select_n3A_701 = arith.select %eq3A_698, %broadcast_in_dim3A_700, %select_n3A_693 : vector<120x1024xi1>, vector<120x1024xi32>
    %and3A_702 = arith.constant 1023 : i32
    %and3A_703 = vector.broadcast %and3A_702 : i32 to vector<120x1xi32>
    %and3A_704 = arith.andi %broadcast_in_dim3A_696, %and3A_703 : vector<120x1xi32>
    %reduce_min3A_705 = arith.constant dense<2147483647> : vector<120xi32>
    %reduce_min3A_706 = vector.multi_reduction <minsi>, %select_n3A_701, %reduce_min3A_705 [1] : vector<120x1024xi32> to vector<120xi32>
    %broadcast_in_dim3A_707 = vector.shape_cast %reduce_min3A_706 : vector<120xi32> to vector<120x1xi32>
    %eq3A_708 = vector.broadcast %broadcast_in_dim3A_707 : vector<120x1xi32> to vector<120x1024xi32>
    %eq3A_709 = arith.cmpi eq, %select_n3A_701, %eq3A_708 : vector<120x1024xi32>
    %jit3A_710 = arith.constant 2147483647 : i32
    %broadcast_in_dim3A_711 = vector.broadcast %jit3A_710 : i32 to vector<120x1024xi32>
    %select_n3A_712 = arith.select %eq3A_709, %broadcast_in_dim3A_711, %select_n3A_701 : vector<120x1024xi1>, vector<120x1024xi32>
    %reduce_min3A_713 = arith.constant dense<2147483647> : vector<120xi32>
    %reduce_min3A_714 = vector.multi_reduction <minsi>, %select_n3A_712, %reduce_min3A_713 [1] : vector<120x1024xi32> to vector<120xi32>
    %broadcast_in_dim3A_715 = vector.shape_cast %reduce_min3A_714 : vector<120xi32> to vector<120x1xi32>
    %eq3A_716 = vector.broadcast %broadcast_in_dim3A_715 : vector<120x1xi32> to vector<120x1024xi32>
    %eq3A_717 = arith.cmpi eq, %select_n3A_712, %eq3A_716 : vector<120x1024xi32>
    %jit3A_718 = arith.constant 2147483647 : i32
    %broadcast_in_dim3A_719 = vector.broadcast %jit3A_718 : i32 to vector<120x1024xi32>
    %select_n3A_720 = arith.select %eq3A_717, %broadcast_in_dim3A_719, %select_n3A_712 : vector<120x1024xi1>, vector<120x1024xi32>
    %reduce_min3A_721 = arith.constant dense<2147483647> : vector<120xi32>
    %reduce_min3A_722 = vector.multi_reduction <minsi>, %select_n3A_720, %reduce_min3A_721 [1] : vector<120x1024xi32> to vector<120xi32>
    %broadcast_in_dim3A_723 = vector.shape_cast %reduce_min3A_722 : vector<120xi32> to vector<120x1xi32>
    %eq3A_724 = vector.broadcast %broadcast_in_dim3A_723 : vector<120x1xi32> to vector<120x1024xi32>
    %eq3A_725 = arith.cmpi eq, %select_n3A_720, %eq3A_724 : vector<120x1024xi32>
    %jit3A_726 = arith.constant 2147483647 : i32
    %broadcast_in_dim3A_727 = vector.broadcast %jit3A_726 : i32 to vector<120x1024xi32>
    %select_n3A_728 = arith.select %eq3A_725, %broadcast_in_dim3A_727, %select_n3A_720 : vector<120x1024xi1>, vector<120x1024xi32>
    %reduce_min3A_729 = arith.constant dense<2147483647> : vector<120xi32>
    %reduce_min3A_730 = vector.multi_reduction <minsi>, %select_n3A_728, %reduce_min3A_729 [1] : vector<120x1024xi32> to vector<120xi32>
    %broadcast_in_dim3A_731 = vector.shape_cast %reduce_min3A_730 : vector<120xi32> to vector<120x1xi32>
    %eq3A_732 = vector.broadcast %broadcast_in_dim3A_731 : vector<120x1xi32> to vector<120x1024xi32>
    %eq3A_733 = arith.cmpi eq, %select_n3A_728, %eq3A_732 : vector<120x1024xi32>
    %jit3A_734 = arith.constant 2147483647 : i32
    %broadcast_in_dim3A_735 = vector.broadcast %jit3A_734 : i32 to vector<120x1024xi32>
    %select_n3A_736 = arith.select %eq3A_733, %broadcast_in_dim3A_735, %select_n3A_728 : vector<120x1024xi1>, vector<120x1024xi32>
    %and3A_737 = arith.constant 1023 : i32
    %and3A_738 = vector.broadcast %and3A_737 : i32 to vector<120x1xi32>
    %and3A_739 = arith.andi %broadcast_in_dim3A_731, %and3A_738 : vector<120x1xi32>
    %reduce_min3A_740 = arith.constant dense<2147483647> : vector<120xi32>
    %reduce_min3A_741 = vector.multi_reduction <minsi>, %select_n3A_736, %reduce_min3A_740 [1] : vector<120x1024xi32> to vector<120xi32>
    %broadcast_in_dim3A_742 = vector.shape_cast %reduce_min3A_741 : vector<120xi32> to vector<120x1xi32>
    %eq3A_743 = vector.broadcast %broadcast_in_dim3A_742 : vector<120x1xi32> to vector<120x1024xi32>
    %eq3A_744 = arith.cmpi eq, %select_n3A_736, %eq3A_743 : vector<120x1024xi32>
    %jit3A_745 = arith.constant 2147483647 : i32
    %broadcast_in_dim3A_746 = vector.broadcast %jit3A_745 : i32 to vector<120x1024xi32>
    %select_n3A_747 = arith.select %eq3A_744, %broadcast_in_dim3A_746, %select_n3A_736 : vector<120x1024xi1>, vector<120x1024xi32>
    %reduce_min3A_748 = arith.constant dense<2147483647> : vector<120xi32>
    %reduce_min3A_749 = vector.multi_reduction <minsi>, %select_n3A_747, %reduce_min3A_748 [1] : vector<120x1024xi32> to vector<120xi32>
    %broadcast_in_dim3A_750 = vector.shape_cast %reduce_min3A_749 : vector<120xi32> to vector<120x1xi32>
    %eq3A_751 = vector.broadcast %broadcast_in_dim3A_750 : vector<120x1xi32> to vector<120x1024xi32>
    %eq3A_752 = arith.cmpi eq, %select_n3A_747, %eq3A_751 : vector<120x1024xi32>
    %jit3A_753 = arith.constant 2147483647 : i32
    %broadcast_in_dim3A_754 = vector.broadcast %jit3A_753 : i32 to vector<120x1024xi32>
    %select_n3A_755 = arith.select %eq3A_752, %broadcast_in_dim3A_754, %select_n3A_747 : vector<120x1024xi1>, vector<120x1024xi32>
    %reduce_min3A_756 = arith.constant dense<2147483647> : vector<120xi32>
    %reduce_min3A_757 = vector.multi_reduction <minsi>, %select_n3A_755, %reduce_min3A_756 [1] : vector<120x1024xi32> to vector<120xi32>
    %broadcast_in_dim3A_758 = vector.shape_cast %reduce_min3A_757 : vector<120xi32> to vector<120x1xi32>
    %eq3A_759 = vector.broadcast %broadcast_in_dim3A_758 : vector<120x1xi32> to vector<120x1024xi32>
    %eq3A_760 = arith.cmpi eq, %select_n3A_755, %eq3A_759 : vector<120x1024xi32>
    %jit3A_761 = arith.constant 2147483647 : i32
    %broadcast_in_dim3A_762 = vector.broadcast %jit3A_761 : i32 to vector<120x1024xi32>
    %select_n3A_763 = arith.select %eq3A_760, %broadcast_in_dim3A_762, %select_n3A_755 : vector<120x1024xi1>, vector<120x1024xi32>
    %reduce_min3A_764 = arith.constant dense<2147483647> : vector<120xi32>
    %reduce_min3A_765 = vector.multi_reduction <minsi>, %select_n3A_763, %reduce_min3A_764 [1] : vector<120x1024xi32> to vector<120xi32>
    %broadcast_in_dim3A_766 = vector.shape_cast %reduce_min3A_765 : vector<120xi32> to vector<120x1xi32>
    %eq3A_767 = vector.broadcast %broadcast_in_dim3A_766 : vector<120x1xi32> to vector<120x1024xi32>
    %eq3A_768 = arith.cmpi eq, %select_n3A_763, %eq3A_767 : vector<120x1024xi32>
    %jit3A_769 = arith.constant 2147483647 : i32
    %broadcast_in_dim3A_770 = vector.broadcast %jit3A_769 : i32 to vector<120x1024xi32>
    %select_n3A_771 = arith.select %eq3A_768, %broadcast_in_dim3A_770, %select_n3A_763 : vector<120x1024xi1>, vector<120x1024xi32>
    %and3A_772 = arith.constant 1023 : i32
    %and3A_773 = vector.broadcast %and3A_772 : i32 to vector<120x1xi32>
    %and3A_774 = arith.andi %broadcast_in_dim3A_766, %and3A_773 : vector<120x1xi32>
    %reduce_min3A_775 = arith.constant dense<2147483647> : vector<120xi32>
    %reduce_min3A_776 = vector.multi_reduction <minsi>, %select_n3A_771, %reduce_min3A_775 [1] : vector<120x1024xi32> to vector<120xi32>
    %broadcast_in_dim3A_777 = vector.shape_cast %reduce_min3A_776 : vector<120xi32> to vector<120x1xi32>
    %eq3A_778 = vector.broadcast %broadcast_in_dim3A_777 : vector<120x1xi32> to vector<120x1024xi32>
    %eq3A_779 = arith.cmpi eq, %select_n3A_771, %eq3A_778 : vector<120x1024xi32>
    %jit3A_780 = arith.constant 2147483647 : i32
    %broadcast_in_dim3A_781 = vector.broadcast %jit3A_780 : i32 to vector<120x1024xi32>
    %select_n3A_782 = arith.select %eq3A_779, %broadcast_in_dim3A_781, %select_n3A_771 : vector<120x1024xi1>, vector<120x1024xi32>
    %reduce_min3A_783 = arith.constant dense<2147483647> : vector<120xi32>
    %reduce_min3A_784 = vector.multi_reduction <minsi>, %select_n3A_782, %reduce_min3A_783 [1] : vector<120x1024xi32> to vector<120xi32>
    %broadcast_in_dim3A_785 = vector.shape_cast %reduce_min3A_784 : vector<120xi32> to vector<120x1xi32>
    %eq3A_786 = vector.broadcast %broadcast_in_dim3A_785 : vector<120x1xi32> to vector<120x1024xi32>
    %eq3A_787 = arith.cmpi eq, %select_n3A_782, %eq3A_786 : vector<120x1024xi32>
    %jit3A_788 = arith.constant 2147483647 : i32
    %broadcast_in_dim3A_789 = vector.broadcast %jit3A_788 : i32 to vector<120x1024xi32>
    %select_n3A_790 = arith.select %eq3A_787, %broadcast_in_dim3A_789, %select_n3A_782 : vector<120x1024xi1>, vector<120x1024xi32>
    %reduce_min3A_791 = arith.constant dense<2147483647> : vector<120xi32>
    %reduce_min3A_792 = vector.multi_reduction <minsi>, %select_n3A_790, %reduce_min3A_791 [1] : vector<120x1024xi32> to vector<120xi32>
    %broadcast_in_dim3A_793 = vector.shape_cast %reduce_min3A_792 : vector<120xi32> to vector<120x1xi32>
    %eq3A_794 = vector.broadcast %broadcast_in_dim3A_793 : vector<120x1xi32> to vector<120x1024xi32>
    %eq3A_795 = arith.cmpi eq, %select_n3A_790, %eq3A_794 : vector<120x1024xi32>
    %jit3A_796 = arith.constant 2147483647 : i32
    %broadcast_in_dim3A_797 = vector.broadcast %jit3A_796 : i32 to vector<120x1024xi32>
    %select_n3A_798 = arith.select %eq3A_795, %broadcast_in_dim3A_797, %select_n3A_790 : vector<120x1024xi1>, vector<120x1024xi32>
    %reduce_min3A_799 = arith.constant dense<2147483647> : vector<120xi32>
    %reduce_min3A_800 = vector.multi_reduction <minsi>, %select_n3A_798, %reduce_min3A_799 [1] : vector<120x1024xi32> to vector<120xi32>
    %broadcast_in_dim3A_801 = vector.shape_cast %reduce_min3A_800 : vector<120xi32> to vector<120x1xi32>
    %eq3A_802 = vector.broadcast %broadcast_in_dim3A_801 : vector<120x1xi32> to vector<120x1024xi32>
    %eq3A_803 = arith.cmpi eq, %select_n3A_798, %eq3A_802 : vector<120x1024xi32>
    %jit3A_804 = arith.constant 2147483647 : i32
    %broadcast_in_dim3A_805 = vector.broadcast %jit3A_804 : i32 to vector<120x1024xi32>
    %select_n3A_806 = arith.select %eq3A_803, %broadcast_in_dim3A_805, %select_n3A_798 : vector<120x1024xi1>, vector<120x1024xi32>
    %and3A_807 = arith.constant 1023 : i32
    %and3A_808 = vector.broadcast %and3A_807 : i32 to vector<120x1xi32>
    %and3A_809 = arith.andi %broadcast_in_dim3A_801, %and3A_808 : vector<120x1xi32>
    %reduce_min3A_810 = arith.constant dense<2147483647> : vector<120xi32>
    %reduce_min3A_811 = vector.multi_reduction <minsi>, %select_n3A_806, %reduce_min3A_810 [1] : vector<120x1024xi32> to vector<120xi32>
    %broadcast_in_dim3A_812 = vector.shape_cast %reduce_min3A_811 : vector<120xi32> to vector<120x1xi32>
    %eq3A_813 = vector.broadcast %broadcast_in_dim3A_812 : vector<120x1xi32> to vector<120x1024xi32>
    %eq3A_814 = arith.cmpi eq, %select_n3A_806, %eq3A_813 : vector<120x1024xi32>
    %jit3A_815 = arith.constant 2147483647 : i32
    %broadcast_in_dim3A_816 = vector.broadcast %jit3A_815 : i32 to vector<120x1024xi32>
    %select_n3A_817 = arith.select %eq3A_814, %broadcast_in_dim3A_816, %select_n3A_806 : vector<120x1024xi1>, vector<120x1024xi32>
    %reduce_min3A_818 = arith.constant dense<2147483647> : vector<120xi32>
    %reduce_min3A_819 = vector.multi_reduction <minsi>, %select_n3A_817, %reduce_min3A_818 [1] : vector<120x1024xi32> to vector<120xi32>
    %broadcast_in_dim3A_820 = vector.shape_cast %reduce_min3A_819 : vector<120xi32> to vector<120x1xi32>
    %eq3A_821 = vector.broadcast %broadcast_in_dim3A_820 : vector<120x1xi32> to vector<120x1024xi32>
    %eq3A_822 = arith.cmpi eq, %select_n3A_817, %eq3A_821 : vector<120x1024xi32>
    %jit3A_823 = arith.constant 2147483647 : i32
    %broadcast_in_dim3A_824 = vector.broadcast %jit3A_823 : i32 to vector<120x1024xi32>
    %select_n3A_825 = arith.select %eq3A_822, %broadcast_in_dim3A_824, %select_n3A_817 : vector<120x1024xi1>, vector<120x1024xi32>
    %reduce_min3A_826 = arith.constant dense<2147483647> : vector<120xi32>
    %reduce_min3A_827 = vector.multi_reduction <minsi>, %select_n3A_825, %reduce_min3A_826 [1] : vector<120x1024xi32> to vector<120xi32>
    %broadcast_in_dim3A_828 = vector.shape_cast %reduce_min3A_827 : vector<120xi32> to vector<120x1xi32>
    %eq3A_829 = vector.broadcast %broadcast_in_dim3A_828 : vector<120x1xi32> to vector<120x1024xi32>
    %eq3A_830 = arith.cmpi eq, %select_n3A_825, %eq3A_829 : vector<120x1024xi32>
    %jit3A_831 = arith.constant 2147483647 : i32
    %broadcast_in_dim3A_832 = vector.broadcast %jit3A_831 : i32 to vector<120x1024xi32>
    %select_n3A_833 = arith.select %eq3A_830, %broadcast_in_dim3A_832, %select_n3A_825 : vector<120x1024xi1>, vector<120x1024xi32>
    %reduce_min3A_834 = arith.constant dense<2147483647> : vector<120xi32>
    %reduce_min3A_835 = vector.multi_reduction <minsi>, %select_n3A_833, %reduce_min3A_834 [1] : vector<120x1024xi32> to vector<120xi32>
    %broadcast_in_dim3A_836 = vector.shape_cast %reduce_min3A_835 : vector<120xi32> to vector<120x1xi32>
    %eq3A_837 = vector.broadcast %broadcast_in_dim3A_836 : vector<120x1xi32> to vector<120x1024xi32>
    %eq3A_838 = arith.cmpi eq, %select_n3A_833, %eq3A_837 : vector<120x1024xi32>
    %jit3A_839 = arith.constant 2147483647 : i32
    %broadcast_in_dim3A_840 = vector.broadcast %jit3A_839 : i32 to vector<120x1024xi32>
    %select_n3A_841 = arith.select %eq3A_838, %broadcast_in_dim3A_840, %select_n3A_833 : vector<120x1024xi1>, vector<120x1024xi32>
    %and3A_842 = arith.constant 1023 : i32
    %and3A_843 = vector.broadcast %and3A_842 : i32 to vector<120x1xi32>
    %and3A_844 = arith.andi %broadcast_in_dim3A_836, %and3A_843 : vector<120x1xi32>
    %reduce_min3A_845 = arith.constant dense<2147483647> : vector<120xi32>
    %reduce_min3A_846 = vector.multi_reduction <minsi>, %select_n3A_841, %reduce_min3A_845 [1] : vector<120x1024xi32> to vector<120xi32>
    %broadcast_in_dim3A_847 = vector.shape_cast %reduce_min3A_846 : vector<120xi32> to vector<120x1xi32>
    %eq3A_848 = vector.broadcast %broadcast_in_dim3A_847 : vector<120x1xi32> to vector<120x1024xi32>
    %eq3A_849 = arith.cmpi eq, %select_n3A_841, %eq3A_848 : vector<120x1024xi32>
    %jit3A_850 = arith.constant 2147483647 : i32
    %broadcast_in_dim3A_851 = vector.broadcast %jit3A_850 : i32 to vector<120x1024xi32>
    %select_n3A_852 = arith.select %eq3A_849, %broadcast_in_dim3A_851, %select_n3A_841 : vector<120x1024xi1>, vector<120x1024xi32>
    %reduce_min3A_853 = arith.constant dense<2147483647> : vector<120xi32>
    %reduce_min3A_854 = vector.multi_reduction <minsi>, %select_n3A_852, %reduce_min3A_853 [1] : vector<120x1024xi32> to vector<120xi32>
    %broadcast_in_dim3A_855 = vector.shape_cast %reduce_min3A_854 : vector<120xi32> to vector<120x1xi32>
    %eq3A_856 = vector.broadcast %broadcast_in_dim3A_855 : vector<120x1xi32> to vector<120x1024xi32>
    %eq3A_857 = arith.cmpi eq, %select_n3A_852, %eq3A_856 : vector<120x1024xi32>
    %jit3A_858 = arith.constant 2147483647 : i32
    %broadcast_in_dim3A_859 = vector.broadcast %jit3A_858 : i32 to vector<120x1024xi32>
    %select_n3A_860 = arith.select %eq3A_857, %broadcast_in_dim3A_859, %select_n3A_852 : vector<120x1024xi1>, vector<120x1024xi32>
    %reduce_min3A_861 = arith.constant dense<2147483647> : vector<120xi32>
    %reduce_min3A_862 = vector.multi_reduction <minsi>, %select_n3A_860, %reduce_min3A_861 [1] : vector<120x1024xi32> to vector<120xi32>
    %broadcast_in_dim3A_863 = vector.shape_cast %reduce_min3A_862 : vector<120xi32> to vector<120x1xi32>
    %eq3A_864 = vector.broadcast %broadcast_in_dim3A_863 : vector<120x1xi32> to vector<120x1024xi32>
    %eq3A_865 = arith.cmpi eq, %select_n3A_860, %eq3A_864 : vector<120x1024xi32>
    %jit3A_866 = arith.constant 2147483647 : i32
    %broadcast_in_dim3A_867 = vector.broadcast %jit3A_866 : i32 to vector<120x1024xi32>
    %select_n3A_868 = arith.select %eq3A_865, %broadcast_in_dim3A_867, %select_n3A_860 : vector<120x1024xi1>, vector<120x1024xi32>
    %reduce_min3A_869 = arith.constant dense<2147483647> : vector<120xi32>
    %reduce_min3A_870 = vector.multi_reduction <minsi>, %select_n3A_868, %reduce_min3A_869 [1] : vector<120x1024xi32> to vector<120xi32>
    %broadcast_in_dim3A_871 = vector.shape_cast %reduce_min3A_870 : vector<120xi32> to vector<120x1xi32>
    %eq3A_872 = vector.broadcast %broadcast_in_dim3A_871 : vector<120x1xi32> to vector<120x1024xi32>
    %eq3A_873 = arith.cmpi eq, %select_n3A_868, %eq3A_872 : vector<120x1024xi32>
    %jit3A_874 = arith.constant 2147483647 : i32
    %broadcast_in_dim3A_875 = vector.broadcast %jit3A_874 : i32 to vector<120x1024xi32>
    %select_n3A_876 = arith.select %eq3A_873, %broadcast_in_dim3A_875, %select_n3A_868 : vector<120x1024xi1>, vector<120x1024xi32>
    %and3A_877 = arith.constant 1023 : i32
    %and3A_878 = vector.broadcast %and3A_877 : i32 to vector<120x1xi32>
    %and3A_879 = arith.andi %broadcast_in_dim3A_871, %and3A_878 : vector<120x1xi32>
    %reduce_min3A_880 = arith.constant dense<2147483647> : vector<120xi32>
    %reduce_min3A_881 = vector.multi_reduction <minsi>, %select_n3A_876, %reduce_min3A_880 [1] : vector<120x1024xi32> to vector<120xi32>
    %broadcast_in_dim3A_882 = vector.shape_cast %reduce_min3A_881 : vector<120xi32> to vector<120x1xi32>
    %eq3A_883 = vector.broadcast %broadcast_in_dim3A_882 : vector<120x1xi32> to vector<120x1024xi32>
    %eq3A_884 = arith.cmpi eq, %select_n3A_876, %eq3A_883 : vector<120x1024xi32>
    %jit3A_885 = arith.constant 2147483647 : i32
    %broadcast_in_dim3A_886 = vector.broadcast %jit3A_885 : i32 to vector<120x1024xi32>
    %select_n3A_887 = arith.select %eq3A_884, %broadcast_in_dim3A_886, %select_n3A_876 : vector<120x1024xi1>, vector<120x1024xi32>
    %reduce_min3A_888 = arith.constant dense<2147483647> : vector<120xi32>
    %reduce_min3A_889 = vector.multi_reduction <minsi>, %select_n3A_887, %reduce_min3A_888 [1] : vector<120x1024xi32> to vector<120xi32>
    %broadcast_in_dim3A_890 = vector.shape_cast %reduce_min3A_889 : vector<120xi32> to vector<120x1xi32>
    %eq3A_891 = vector.broadcast %broadcast_in_dim3A_890 : vector<120x1xi32> to vector<120x1024xi32>
    %eq3A_892 = arith.cmpi eq, %select_n3A_887, %eq3A_891 : vector<120x1024xi32>
    %jit3A_893 = arith.constant 2147483647 : i32
    %broadcast_in_dim3A_894 = vector.broadcast %jit3A_893 : i32 to vector<120x1024xi32>
    %select_n3A_895 = arith.select %eq3A_892, %broadcast_in_dim3A_894, %select_n3A_887 : vector<120x1024xi1>, vector<120x1024xi32>
    %reduce_min3A_896 = arith.constant dense<2147483647> : vector<120xi32>
    %reduce_min3A_897 = vector.multi_reduction <minsi>, %select_n3A_895, %reduce_min3A_896 [1] : vector<120x1024xi32> to vector<120xi32>
    %broadcast_in_dim3A_898 = vector.shape_cast %reduce_min3A_897 : vector<120xi32> to vector<120x1xi32>
    %eq3A_899 = vector.broadcast %broadcast_in_dim3A_898 : vector<120x1xi32> to vector<120x1024xi32>
    %eq3A_900 = arith.cmpi eq, %select_n3A_895, %eq3A_899 : vector<120x1024xi32>
    %jit3A_901 = arith.constant 2147483647 : i32
    %broadcast_in_dim3A_902 = vector.broadcast %jit3A_901 : i32 to vector<120x1024xi32>
    %select_n3A_903 = arith.select %eq3A_900, %broadcast_in_dim3A_902, %select_n3A_895 : vector<120x1024xi1>, vector<120x1024xi32>
    %reduce_min3A_904 = arith.constant dense<2147483647> : vector<120xi32>
    %reduce_min3A_905 = vector.multi_reduction <minsi>, %select_n3A_903, %reduce_min3A_904 [1] : vector<120x1024xi32> to vector<120xi32>
    %broadcast_in_dim3A_906 = vector.shape_cast %reduce_min3A_905 : vector<120xi32> to vector<120x1xi32>
    %eq3A_907 = vector.broadcast %broadcast_in_dim3A_906 : vector<120x1xi32> to vector<120x1024xi32>
    %eq3A_908 = arith.cmpi eq, %select_n3A_903, %eq3A_907 : vector<120x1024xi32>
    %jit3A_909 = arith.constant 2147483647 : i32
    %broadcast_in_dim3A_910 = vector.broadcast %jit3A_909 : i32 to vector<120x1024xi32>
    %select_n3A_911 = arith.select %eq3A_908, %broadcast_in_dim3A_910, %select_n3A_903 : vector<120x1024xi1>, vector<120x1024xi32>
    %and3A_912 = arith.constant 1023 : i32
    %and3A_913 = vector.broadcast %and3A_912 : i32 to vector<120x1xi32>
    %and3A_914 = arith.andi %broadcast_in_dim3A_906, %and3A_913 : vector<120x1xi32>
    %reduce_min3A_915 = arith.constant dense<2147483647> : vector<120xi32>
    %reduce_min3A_916 = vector.multi_reduction <minsi>, %select_n3A_911, %reduce_min3A_915 [1] : vector<120x1024xi32> to vector<120xi32>
    %broadcast_in_dim3A_917 = vector.shape_cast %reduce_min3A_916 : vector<120xi32> to vector<120x1xi32>
    %eq3A_918 = vector.broadcast %broadcast_in_dim3A_917 : vector<120x1xi32> to vector<120x1024xi32>
    %eq3A_919 = arith.cmpi eq, %select_n3A_911, %eq3A_918 : vector<120x1024xi32>
    %jit3A_920 = arith.constant 2147483647 : i32
    %broadcast_in_dim3A_921 = vector.broadcast %jit3A_920 : i32 to vector<120x1024xi32>
    %select_n3A_922 = arith.select %eq3A_919, %broadcast_in_dim3A_921, %select_n3A_911 : vector<120x1024xi1>, vector<120x1024xi32>
    %reduce_min3A_923 = arith.constant dense<2147483647> : vector<120xi32>
    %reduce_min3A_924 = vector.multi_reduction <minsi>, %select_n3A_922, %reduce_min3A_923 [1] : vector<120x1024xi32> to vector<120xi32>
    %broadcast_in_dim3A_925 = vector.shape_cast %reduce_min3A_924 : vector<120xi32> to vector<120x1xi32>
    %eq3A_926 = vector.broadcast %broadcast_in_dim3A_925 : vector<120x1xi32> to vector<120x1024xi32>
    %eq3A_927 = arith.cmpi eq, %select_n3A_922, %eq3A_926 : vector<120x1024xi32>
    %jit3A_928 = arith.constant 2147483647 : i32
    %broadcast_in_dim3A_929 = vector.broadcast %jit3A_928 : i32 to vector<120x1024xi32>
    %select_n3A_930 = arith.select %eq3A_927, %broadcast_in_dim3A_929, %select_n3A_922 : vector<120x1024xi1>, vector<120x1024xi32>
    %reduce_min3A_931 = arith.constant dense<2147483647> : vector<120xi32>
    %reduce_min3A_932 = vector.multi_reduction <minsi>, %select_n3A_930, %reduce_min3A_931 [1] : vector<120x1024xi32> to vector<120xi32>
    %broadcast_in_dim3A_933 = vector.shape_cast %reduce_min3A_932 : vector<120xi32> to vector<120x1xi32>
    %eq3A_934 = vector.broadcast %broadcast_in_dim3A_933 : vector<120x1xi32> to vector<120x1024xi32>
    %eq3A_935 = arith.cmpi eq, %select_n3A_930, %eq3A_934 : vector<120x1024xi32>
    %jit3A_936 = arith.constant 2147483647 : i32
    %broadcast_in_dim3A_937 = vector.broadcast %jit3A_936 : i32 to vector<120x1024xi32>
    %select_n3A_938 = arith.select %eq3A_935, %broadcast_in_dim3A_937, %select_n3A_930 : vector<120x1024xi1>, vector<120x1024xi32>
    %reduce_min3A_939 = arith.constant dense<2147483647> : vector<120xi32>
    %reduce_min3A_940 = vector.multi_reduction <minsi>, %select_n3A_938, %reduce_min3A_939 [1] : vector<120x1024xi32> to vector<120xi32>
    %broadcast_in_dim3A_941 = vector.shape_cast %reduce_min3A_940 : vector<120xi32> to vector<120x1xi32>
    %eq3A_942 = vector.broadcast %broadcast_in_dim3A_941 : vector<120x1xi32> to vector<120x1024xi32>
    %eq3A_943 = arith.cmpi eq, %select_n3A_938, %eq3A_942 : vector<120x1024xi32>
    %jit3A_944 = arith.constant 2147483647 : i32
    %broadcast_in_dim3A_945 = vector.broadcast %jit3A_944 : i32 to vector<120x1024xi32>
    %select_n3A_946 = arith.select %eq3A_943, %broadcast_in_dim3A_945, %select_n3A_938 : vector<120x1024xi1>, vector<120x1024xi32>
    %and3A_947 = arith.constant 1023 : i32
    %and3A_948 = vector.broadcast %and3A_947 : i32 to vector<120x1xi32>
    %and3A_949 = arith.andi %broadcast_in_dim3A_941, %and3A_948 : vector<120x1xi32>
    %reduce_min3A_950 = arith.constant dense<2147483647> : vector<120xi32>
    %reduce_min3A_951 = vector.multi_reduction <minsi>, %select_n3A_946, %reduce_min3A_950 [1] : vector<120x1024xi32> to vector<120xi32>
    %broadcast_in_dim3A_952 = vector.shape_cast %reduce_min3A_951 : vector<120xi32> to vector<120x1xi32>
    %eq3A_953 = vector.broadcast %broadcast_in_dim3A_952 : vector<120x1xi32> to vector<120x1024xi32>
    %eq3A_954 = arith.cmpi eq, %select_n3A_946, %eq3A_953 : vector<120x1024xi32>
    %jit3A_955 = arith.constant 2147483647 : i32
    %broadcast_in_dim3A_956 = vector.broadcast %jit3A_955 : i32 to vector<120x1024xi32>
    %select_n3A_957 = arith.select %eq3A_954, %broadcast_in_dim3A_956, %select_n3A_946 : vector<120x1024xi1>, vector<120x1024xi32>
    %reduce_min3A_958 = arith.constant dense<2147483647> : vector<120xi32>
    %reduce_min3A_959 = vector.multi_reduction <minsi>, %select_n3A_957, %reduce_min3A_958 [1] : vector<120x1024xi32> to vector<120xi32>
    %broadcast_in_dim3A_960 = vector.shape_cast %reduce_min3A_959 : vector<120xi32> to vector<120x1xi32>
    %eq3A_961 = vector.broadcast %broadcast_in_dim3A_960 : vector<120x1xi32> to vector<120x1024xi32>
    %eq3A_962 = arith.cmpi eq, %select_n3A_957, %eq3A_961 : vector<120x1024xi32>
    %jit3A_963 = arith.constant 2147483647 : i32
    %broadcast_in_dim3A_964 = vector.broadcast %jit3A_963 : i32 to vector<120x1024xi32>
    %select_n3A_965 = arith.select %eq3A_962, %broadcast_in_dim3A_964, %select_n3A_957 : vector<120x1024xi1>, vector<120x1024xi32>
    %reduce_min3A_966 = arith.constant dense<2147483647> : vector<120xi32>
    %reduce_min3A_967 = vector.multi_reduction <minsi>, %select_n3A_965, %reduce_min3A_966 [1] : vector<120x1024xi32> to vector<120xi32>
    %broadcast_in_dim3A_968 = vector.shape_cast %reduce_min3A_967 : vector<120xi32> to vector<120x1xi32>
    %eq3A_969 = vector.broadcast %broadcast_in_dim3A_968 : vector<120x1xi32> to vector<120x1024xi32>
    %eq3A_970 = arith.cmpi eq, %select_n3A_965, %eq3A_969 : vector<120x1024xi32>
    %jit3A_971 = arith.constant 2147483647 : i32
    %broadcast_in_dim3A_972 = vector.broadcast %jit3A_971 : i32 to vector<120x1024xi32>
    %select_n3A_973 = arith.select %eq3A_970, %broadcast_in_dim3A_972, %select_n3A_965 : vector<120x1024xi1>, vector<120x1024xi32>
    %reduce_min3A_974 = arith.constant dense<2147483647> : vector<120xi32>
    %reduce_min3A_975 = vector.multi_reduction <minsi>, %select_n3A_973, %reduce_min3A_974 [1] : vector<120x1024xi32> to vector<120xi32>
    %broadcast_in_dim3A_976 = vector.shape_cast %reduce_min3A_975 : vector<120xi32> to vector<120x1xi32>
    %eq3A_977 = vector.broadcast %broadcast_in_dim3A_976 : vector<120x1xi32> to vector<120x1024xi32>
    %eq3A_978 = arith.cmpi eq, %select_n3A_973, %eq3A_977 : vector<120x1024xi32>
    %jit3A_979 = arith.constant 2147483647 : i32
    %broadcast_in_dim3A_980 = vector.broadcast %jit3A_979 : i32 to vector<120x1024xi32>
    %select_n3A_981 = arith.select %eq3A_978, %broadcast_in_dim3A_980, %select_n3A_973 : vector<120x1024xi1>, vector<120x1024xi32>
    %and3A_982 = arith.constant 1023 : i32
    %and3A_983 = vector.broadcast %and3A_982 : i32 to vector<120x1xi32>
    %and3A_984 = arith.andi %broadcast_in_dim3A_976, %and3A_983 : vector<120x1xi32>
    %reduce_min3A_985 = arith.constant dense<2147483647> : vector<120xi32>
    %reduce_min3A_986 = vector.multi_reduction <minsi>, %select_n3A_981, %reduce_min3A_985 [1] : vector<120x1024xi32> to vector<120xi32>
    %broadcast_in_dim3A_987 = vector.shape_cast %reduce_min3A_986 : vector<120xi32> to vector<120x1xi32>
    %eq3A_988 = vector.broadcast %broadcast_in_dim3A_987 : vector<120x1xi32> to vector<120x1024xi32>
    %eq3A_989 = arith.cmpi eq, %select_n3A_981, %eq3A_988 : vector<120x1024xi32>
    %jit3A_990 = arith.constant 2147483647 : i32
    %broadcast_in_dim3A_991 = vector.broadcast %jit3A_990 : i32 to vector<120x1024xi32>
    %select_n3A_992 = arith.select %eq3A_989, %broadcast_in_dim3A_991, %select_n3A_981 : vector<120x1024xi1>, vector<120x1024xi32>
    %reduce_min3A_993 = arith.constant dense<2147483647> : vector<120xi32>
    %reduce_min3A_994 = vector.multi_reduction <minsi>, %select_n3A_992, %reduce_min3A_993 [1] : vector<120x1024xi32> to vector<120xi32>
    %broadcast_in_dim3A_995 = vector.shape_cast %reduce_min3A_994 : vector<120xi32> to vector<120x1xi32>
    %eq3A_996 = vector.broadcast %broadcast_in_dim3A_995 : vector<120x1xi32> to vector<120x1024xi32>
    %eq3A_997 = arith.cmpi eq, %select_n3A_992, %eq3A_996 : vector<120x1024xi32>
    %jit3A_998 = arith.constant 2147483647 : i32
    %broadcast_in_dim3A_999 = vector.broadcast %jit3A_998 : i32 to vector<120x1024xi32>
    %select_n3A_1000 = arith.select %eq3A_997, %broadcast_in_dim3A_999, %select_n3A_992 : vector<120x1024xi1>, vector<120x1024xi32>
    %reduce_min3A_1001 = arith.constant dense<2147483647> : vector<120xi32>
    %reduce_min3A_1002 = vector.multi_reduction <minsi>, %select_n3A_1000, %reduce_min3A_1001 [1] : vector<120x1024xi32> to vector<120xi32>
    %broadcast_in_dim3A_1003 = vector.shape_cast %reduce_min3A_1002 : vector<120xi32> to vector<120x1xi32>
    %eq3A_1004 = vector.broadcast %broadcast_in_dim3A_1003 : vector<120x1xi32> to vector<120x1024xi32>
    %eq3A_1005 = arith.cmpi eq, %select_n3A_1000, %eq3A_1004 : vector<120x1024xi32>
    %jit3A_1006 = arith.constant 2147483647 : i32
    %broadcast_in_dim3A_1007 = vector.broadcast %jit3A_1006 : i32 to vector<120x1024xi32>
    %select_n3A_1008 = arith.select %eq3A_1005, %broadcast_in_dim3A_1007, %select_n3A_1000 : vector<120x1024xi1>, vector<120x1024xi32>
    %reduce_min3A_1009 = arith.constant dense<2147483647> : vector<120xi32>
    %reduce_min3A_1010 = vector.multi_reduction <minsi>, %select_n3A_1008, %reduce_min3A_1009 [1] : vector<120x1024xi32> to vector<120xi32>
    %broadcast_in_dim3A_1011 = vector.shape_cast %reduce_min3A_1010 : vector<120xi32> to vector<120x1xi32>
    %eq3A_1012 = vector.broadcast %broadcast_in_dim3A_1011 : vector<120x1xi32> to vector<120x1024xi32>
    %eq3A_1013 = arith.cmpi eq, %select_n3A_1008, %eq3A_1012 : vector<120x1024xi32>
    %jit3A_1014 = arith.constant 2147483647 : i32
    %broadcast_in_dim3A_1015 = vector.broadcast %jit3A_1014 : i32 to vector<120x1024xi32>
    %select_n3A_1016 = arith.select %eq3A_1013, %broadcast_in_dim3A_1015, %select_n3A_1008 : vector<120x1024xi1>, vector<120x1024xi32>
    %and3A_1017 = arith.constant 1023 : i32
    %and3A_1018 = vector.broadcast %and3A_1017 : i32 to vector<120x1xi32>
    %and3A_1019 = arith.andi %broadcast_in_dim3A_1011, %and3A_1018 : vector<120x1xi32>
    %reduce_min3A_1020 = arith.constant dense<2147483647> : vector<120xi32>
    %reduce_min3A_1021 = vector.multi_reduction <minsi>, %select_n3A_1016, %reduce_min3A_1020 [1] : vector<120x1024xi32> to vector<120xi32>
    %broadcast_in_dim3A_1022 = vector.shape_cast %reduce_min3A_1021 : vector<120xi32> to vector<120x1xi32>
    %eq3A_1023 = vector.broadcast %broadcast_in_dim3A_1022 : vector<120x1xi32> to vector<120x1024xi32>
    %eq3A_1024 = arith.cmpi eq, %select_n3A_1016, %eq3A_1023 : vector<120x1024xi32>
    %jit3A_1025 = arith.constant 2147483647 : i32
    %broadcast_in_dim3A_1026 = vector.broadcast %jit3A_1025 : i32 to vector<120x1024xi32>
    %select_n3A_1027 = arith.select %eq3A_1024, %broadcast_in_dim3A_1026, %select_n3A_1016 : vector<120x1024xi1>, vector<120x1024xi32>
    %reduce_min3A_1028 = arith.constant dense<2147483647> : vector<120xi32>
    %reduce_min3A_1029 = vector.multi_reduction <minsi>, %select_n3A_1027, %reduce_min3A_1028 [1] : vector<120x1024xi32> to vector<120xi32>
    %broadcast_in_dim3A_1030 = vector.shape_cast %reduce_min3A_1029 : vector<120xi32> to vector<120x1xi32>
    %eq3A_1031 = vector.broadcast %broadcast_in_dim3A_1030 : vector<120x1xi32> to vector<120x1024xi32>
    %eq3A_1032 = arith.cmpi eq, %select_n3A_1027, %eq3A_1031 : vector<120x1024xi32>
    %jit3A_1033 = arith.constant 2147483647 : i32
    %broadcast_in_dim3A_1034 = vector.broadcast %jit3A_1033 : i32 to vector<120x1024xi32>
    %select_n3A_1035 = arith.select %eq3A_1032, %broadcast_in_dim3A_1034, %select_n3A_1027 : vector<120x1024xi1>, vector<120x1024xi32>
    %reduce_min3A_1036 = arith.constant dense<2147483647> : vector<120xi32>
    %reduce_min3A_1037 = vector.multi_reduction <minsi>, %select_n3A_1035, %reduce_min3A_1036 [1] : vector<120x1024xi32> to vector<120xi32>
    %broadcast_in_dim3A_1038 = vector.shape_cast %reduce_min3A_1037 : vector<120xi32> to vector<120x1xi32>
    %eq3A_1039 = vector.broadcast %broadcast_in_dim3A_1038 : vector<120x1xi32> to vector<120x1024xi32>
    %eq3A_1040 = arith.cmpi eq, %select_n3A_1035, %eq3A_1039 : vector<120x1024xi32>
    %jit3A_1041 = arith.constant 2147483647 : i32
    %broadcast_in_dim3A_1042 = vector.broadcast %jit3A_1041 : i32 to vector<120x1024xi32>
    %select_n3A_1043 = arith.select %eq3A_1040, %broadcast_in_dim3A_1042, %select_n3A_1035 : vector<120x1024xi1>, vector<120x1024xi32>
    %reduce_min3A_1044 = arith.constant dense<2147483647> : vector<120xi32>
    %reduce_min3A_1045 = vector.multi_reduction <minsi>, %select_n3A_1043, %reduce_min3A_1044 [1] : vector<120x1024xi32> to vector<120xi32>
    %broadcast_in_dim3A_1046 = vector.shape_cast %reduce_min3A_1045 : vector<120xi32> to vector<120x1xi32>
    %and3A_1047 = arith.constant 1023 : i32
    %and3A_1048 = vector.broadcast %and3A_1047 : i32 to vector<120x1xi32>
    %and3A_1049 = arith.andi %broadcast_in_dim3A_1046, %and3A_1048 : vector<120x1xi32>
    %concatenate3A_1050 = tpu.concatenate %and3A_669, %and3A_704, %and3A_739, %and3A_774, %and3A_809, %and3A_844, %and3A_879, %and3A_914, %and3A_949, %and3A_984, %and3A_1019, %and3A_1049 in 1 : vector<120x1xi32>, vector<120x1xi32>, vector<120x1xi32>, vector<120x1xi32>, vector<120x1xi32>, vector<120x1xi32>, vector<120x1xi32>, vector<120x1xi32>, vector<120x1xi32>, vector<120x1xi32>, vector<120x1xi32>, vector<120x1xi32> -> vector<120x12xi32>
    %mul3A_1051 = arith.constant 1024 : i32
    %mul3A_1052 = arith.muli %arg0, %mul3A_1051 : i32
    %add3A_1053 = vector.broadcast %mul3A_1052 : i32 to vector<120x12xi32>
    %add3A_1054 = arith.addi %concatenate3A_1050, %add3A_1053 : vector<120x12xi32>
    %swap3A_1055 = arith.constant 0 : index
    %swap3A_1056 = arith.constant 0 : index
    %swap3A_1057 = arith.constant 0 : index
    %swap3A_1058 = vector.load %arg8[%swap3A_1055, %swap3A_1056, %swap3A_1057] : memref<1x120x12xi32, #tpu.memory_space<vmem>>, vector<1x120x12xi32>
    %swap3A_1059 = vector.shape_cast %swap3A_1058 : vector<1x120x12xi32> to vector<120x12xi32>
    %swap3A_1060 = vector.shape_cast %add3A_1054 : vector<120x12xi32> to vector<1x120x12xi32>
    tpu.vector_store %arg8[%swap3A_1055, %swap3A_1056, %swap3A_1057], %swap3A_1060 {strides = array<i32>} : memref<1x120x12xi32, #tpu.memory_space<vmem>>, vector<1x120x12xi32>,
    %mul3A_1061 = arith.mulf %dot_general3A_615, %dot_general3A_615 : vector<120x3xf32>
    %reduce_sum3A_1062 = arith.constant dense<0.000000e+00> : vector<120xf32>
    %reduce_sum3A_1063 = vector.multi_reduction <add>, %mul3A_1061, %reduce_sum3A_1062 [1] : vector<120x3xf32> to vector<120xf32>
    %broadcast_in_dim3A_1064 = vector.shape_cast %reduce_sum3A_1063 : vector<120xf32> to vector<120x1xf32>
    %mul3A_1065 = arith.mulf %dot_general3A_620, %dot_general3A_620 : vector<3x120xf32>
    %reduce_sum3A_1066 = arith.constant dense<0.000000e+00> : vector<120xf32>
    %reduce_sum3A_1067 = vector.multi_reduction <add>, %mul3A_1065, %reduce_sum3A_1066 [0] : vector<3x120xf32> to vector<120xf32>
    %broadcast_in_dim3A_1068 = vector.shape_cast %reduce_sum3A_1067 : vector<120xf32> to vector<1x120xf32>
    %dot_general3A_1069 = arith.constant dense<0.000000e+00> : vector<120x120xf32>
    %dot_general3A_1070 = tpu.matmul %dot_general3A_615, %dot_general3A_620, %dot_general3A_1069 {dimension_numbers = #tpu.dot_dimension_numbers<[1], [0], [0], [1], [0, 0, 1, 1], [], []>, transpose_lhs_hint = false} : vector<120x3xf32>, vector<3x120xf32>, vector<120x120xf32> -> vector<120x120xf32>
    %mul3A_1071 = arith.constant 2.000000e+00 : f32
    %mul3A_1072 = vector.broadcast %mul3A_1071 : f32 to vector<120x120xf32>
    %mul3A_1073 = arith.mulf %mul3A_1072, %dot_general3A_1070 : vector<120x120xf32>
    %sub3A_1074 = vector.broadcast %broadcast_in_dim3A_1064 : vector<120x1xf32> to vector<120x120xf32>
    %sub3A_1075 = arith.subf %sub3A_1074, %mul3A_1073 : vector<120x120xf32>
    %add3A_1076 = vector.broadcast %broadcast_in_dim3A_1068 : vector<1x120xf32> to vector<120x120xf32>
    %add3A_1077 = arith.addf %sub3A_1075, %add3A_1076 : vector<120x120xf32>
    %bitcast_convert_type3A_1078 = tpu.bitcast %add3A_1077 : vector<120x120xf32> -> vector<120x120xi32>
    %lt3A_1079 = arith.constant 0 : i32
    %lt3A_1080 = vector.broadcast %lt3A_1079 : i32 to vector<120x120xi32>
    %lt3A_1081 = arith.cmpi slt, %bitcast_convert_type3A_1078, %lt3A_1080 : vector<120x120xi32>
    %xor3A_1082 = arith.constant 2147483647 : i32
    %xor3A_1083 = vector.broadcast %xor3A_1082 : i32 to vector<120x120xi32>
    %xor3A_1084 = arith.xori %bitcast_convert_type3A_1078, %xor3A_1083 : vector<120x120xi32>
    %select_n3A_1085 = arith.select %lt3A_1081, %xor3A_1084, %bitcast_convert_type3A_1078 : vector<120x120xi1>, vector<120x120xi32>
    %iota3A_1086 = tpu.iota {dimensions = array<i32: 1>} : vector<120x120xi32>
    %and3A_1087 = arith.constant -1024 : i32
    %and3A_1088 = vector.broadcast %and3A_1087 : i32 to vector<120x120xi32>
    %and3A_1089 = arith.andi %select_n3A_1085, %and3A_1088 : vector<120x120xi32>
    %or3A_1090 = arith.ori %and3A_1089, %iota3A_1086 : vector<120x120xi32>
    %reduce_min3A_1091 = arith.constant dense<2147483647> : vector<120xi32>
    %reduce_min3A_1092 = vector.multi_reduction <minsi>, %or3A_1090, %reduce_min3A_1091 [1] : vector<120x120xi32> to vector<120xi32>
    %broadcast_in_dim3A_1093 = vector.shape_cast %reduce_min3A_1092 : vector<120xi32> to vector<120x1xi32>
    %eq3A_1094 = vector.broadcast %broadcast_in_dim3A_1093 : vector<120x1xi32> to vector<120x120xi32>
    %eq3A_1095 = arith.cmpi eq, %or3A_1090, %eq3A_1094 : vector<120x120xi32>
    %jit3A_1096 = arith.constant 2147483647 : i32
    %broadcast_in_dim3A_1097 = vector.broadcast %jit3A_1096 : i32 to vector<120x120xi32>
    %select_n3A_1098 = arith.select %eq3A_1095, %broadcast_in_dim3A_1097, %or3A_1090 : vector<120x120xi1>, vector<120x120xi32>
    %reduce_min3A_1099 = arith.constant dense<2147483647> : vector<120xi32>
    %reduce_min3A_1100 = vector.multi_reduction <minsi>, %select_n3A_1098, %reduce_min3A_1099 [1] : vector<120x120xi32> to vector<120xi32>
    %broadcast_in_dim3A_1101 = vector.shape_cast %reduce_min3A_1100 : vector<120xi32> to vector<120x1xi32>
    %eq3A_1102 = vector.broadcast %broadcast_in_dim3A_1101 : vector<120x1xi32> to vector<120x120xi32>
    %eq3A_1103 = arith.cmpi eq, %select_n3A_1098, %eq3A_1102 : vector<120x120xi32>
    %jit3A_1104 = arith.constant 2147483647 : i32
    %broadcast_in_dim3A_1105 = vector.broadcast %jit3A_1104 : i32 to vector<120x120xi32>
    %select_n3A_1106 = arith.select %eq3A_1103, %broadcast_in_dim3A_1105, %select_n3A_1098 : vector<120x120xi1>, vector<120x120xi32>
    %and3A_1107 = arith.constant 1023 : i32
    %and3A_1108 = vector.broadcast %and3A_1107 : i32 to vector<120x1xi32>
    %and3A_1109 = arith.andi %broadcast_in_dim3A_1101, %and3A_1108 : vector<120x1xi32>
    %reduce_min3A_1110 = arith.constant dense<2147483647> : vector<120xi32>
    %reduce_min3A_1111 = vector.multi_reduction <minsi>, %select_n3A_1106, %reduce_min3A_1110 [1] : vector<120x120xi32> to vector<120xi32>
    %broadcast_in_dim3A_1112 = vector.shape_cast %reduce_min3A_1111 : vector<120xi32> to vector<120x1xi32>
    %eq3A_1113 = vector.broadcast %broadcast_in_dim3A_1112 : vector<120x1xi32> to vector<120x120xi32>
    %eq3A_1114 = arith.cmpi eq, %select_n3A_1106, %eq3A_1113 : vector<120x120xi32>
    %jit3A_1115 = arith.constant 2147483647 : i32
    %broadcast_in_dim3A_1116 = vector.broadcast %jit3A_1115 : i32 to vector<120x120xi32>
    %select_n3A_1117 = arith.select %eq3A_1114, %broadcast_in_dim3A_1116, %select_n3A_1106 : vector<120x120xi1>, vector<120x120xi32>
    %reduce_min3A_1118 = arith.constant dense<2147483647> : vector<120xi32>
    %reduce_min3A_1119 = vector.multi_reduction <minsi>, %select_n3A_1117, %reduce_min3A_1118 [1] : vector<120x120xi32> to vector<120xi32>
    %broadcast_in_dim3A_1120 = vector.shape_cast %reduce_min3A_1119 : vector<120xi32> to vector<120x1xi32>
    %eq3A_1121 = vector.broadcast %broadcast_in_dim3A_1120 : vector<120x1xi32> to vector<120x120xi32>
    %eq3A_1122 = arith.cmpi eq, %select_n3A_1117, %eq3A_1121 : vector<120x120xi32>
    %jit3A_1123 = arith.constant 2147483647 : i32
    %broadcast_in_dim3A_1124 = vector.broadcast %jit3A_1123 : i32 to vector<120x120xi32>
    %select_n3A_1125 = arith.select %eq3A_1122, %broadcast_in_dim3A_1124, %select_n3A_1117 : vector<120x120xi1>, vector<120x120xi32>
    %reduce_min3A_1126 = arith.constant dense<2147483647> : vector<120xi32>
    %reduce_min3A_1127 = vector.multi_reduction <minsi>, %select_n3A_1125, %reduce_min3A_1126 [1] : vector<120x120xi32> to vector<120xi32>
    %broadcast_in_dim3A_1128 = vector.shape_cast %reduce_min3A_1127 : vector<120xi32> to vector<120x1xi32>
    %eq3A_1129 = vector.broadcast %broadcast_in_dim3A_1128 : vector<120x1xi32> to vector<120x120xi32>
    %eq3A_1130 = arith.cmpi eq, %select_n3A_1125, %eq3A_1129 : vector<120x120xi32>
    %jit3A_1131 = arith.constant 2147483647 : i32
    %broadcast_in_dim3A_1132 = vector.broadcast %jit3A_1131 : i32 to vector<120x120xi32>
    %select_n3A_1133 = arith.select %eq3A_1130, %broadcast_in_dim3A_1132, %select_n3A_1125 : vector<120x120xi1>, vector<120x120xi32>
    %reduce_min3A_1134 = arith.constant dense<2147483647> : vector<120xi32>
    %reduce_min3A_1135 = vector.multi_reduction <minsi>, %select_n3A_1133, %reduce_min3A_1134 [1] : vector<120x120xi32> to vector<120xi32>
    %broadcast_in_dim3A_1136 = vector.shape_cast %reduce_min3A_1135 : vector<120xi32> to vector<120x1xi32>
    %eq3A_1137 = vector.broadcast %broadcast_in_dim3A_1136 : vector<120x1xi32> to vector<120x120xi32>
    %eq3A_1138 = arith.cmpi eq, %select_n3A_1133, %eq3A_1137 : vector<120x120xi32>
    %jit3A_1139 = arith.constant 2147483647 : i32
    %broadcast_in_dim3A_1140 = vector.broadcast %jit3A_1139 : i32 to vector<120x120xi32>
    %select_n3A_1141 = arith.select %eq3A_1138, %broadcast_in_dim3A_1140, %select_n3A_1133 : vector<120x120xi1>, vector<120x120xi32>
    %reduce_min3A_1142 = arith.constant dense<2147483647> : vector<120xi32>
    %reduce_min3A_1143 = vector.multi_reduction <minsi>, %select_n3A_1141, %reduce_min3A_1142 [1] : vector<120x120xi32> to vector<120xi32>
    %broadcast_in_dim3A_1144 = vector.shape_cast %reduce_min3A_1143 : vector<120xi32> to vector<120x1xi32>
    %eq3A_1145 = vector.broadcast %broadcast_in_dim3A_1144 : vector<120x1xi32> to vector<120x120xi32>
    %eq3A_1146 = arith.cmpi eq, %select_n3A_1141, %eq3A_1145 : vector<120x120xi32>
    %jit3A_1147 = arith.constant 2147483647 : i32
    %broadcast_in_dim3A_1148 = vector.broadcast %jit3A_1147 : i32 to vector<120x120xi32>
    %select_n3A_1149 = arith.select %eq3A_1146, %broadcast_in_dim3A_1148, %select_n3A_1141 : vector<120x120xi1>, vector<120x120xi32>
    %reduce_min3A_1150 = arith.constant dense<2147483647> : vector<120xi32>
    %reduce_min3A_1151 = vector.multi_reduction <minsi>, %select_n3A_1149, %reduce_min3A_1150 [1] : vector<120x120xi32> to vector<120xi32>
    %broadcast_in_dim3A_1152 = vector.shape_cast %reduce_min3A_1151 : vector<120xi32> to vector<120x1xi32>
    %eq3A_1153 = vector.broadcast %broadcast_in_dim3A_1152 : vector<120x1xi32> to vector<120x120xi32>
    %eq3A_1154 = arith.cmpi eq, %select_n3A_1149, %eq3A_1153 : vector<120x120xi32>
    %jit3A_1155 = arith.constant 2147483647 : i32
    %broadcast_in_dim3A_1156 = vector.broadcast %jit3A_1155 : i32 to vector<120x120xi32>
    %select_n3A_1157 = arith.select %eq3A_1154, %broadcast_in_dim3A_1156, %select_n3A_1149 : vector<120x120xi1>, vector<120x120xi32>
    %and3A_1158 = arith.constant 1023 : i32
    %and3A_1159 = vector.broadcast %and3A_1158 : i32 to vector<120x1xi32>
    %and3A_1160 = arith.andi %broadcast_in_dim3A_1152, %and3A_1159 : vector<120x1xi32>
    %reduce_min3A_1161 = arith.constant dense<2147483647> : vector<120xi32>
    %reduce_min3A_1162 = vector.multi_reduction <minsi>, %select_n3A_1157, %reduce_min3A_1161 [1] : vector<120x120xi32> to vector<120xi32>
    %broadcast_in_dim3A_1163 = vector.shape_cast %reduce_min3A_1162 : vector<120xi32> to vector<120x1xi32>
    %eq3A_1164 = vector.broadcast %broadcast_in_dim3A_1163 : vector<120x1xi32> to vector<120x120xi32>
    %eq3A_1165 = arith.cmpi eq, %select_n3A_1157, %eq3A_1164 : vector<120x120xi32>
    %jit3A_1166 = arith.constant 2147483647 : i32
    %broadcast_in_dim3A_1167 = vector.broadcast %jit3A_1166 : i32 to vector<120x120xi32>
    %select_n3A_1168 = arith.select %eq3A_1165, %broadcast_in_dim3A_1167, %select_n3A_1157 : vector<120x120xi1>, vector<120x120xi32>
    %reduce_min3A_1169 = arith.constant dense<2147483647> : vector<120xi32>
    %reduce_min3A_1170 = vector.multi_reduction <minsi>, %select_n3A_1168, %reduce_min3A_1169 [1] : vector<120x120xi32> to vector<120xi32>
    %broadcast_in_dim3A_1171 = vector.shape_cast %reduce_min3A_1170 : vector<120xi32> to vector<120x1xi32>
    %eq3A_1172 = vector.broadcast %broadcast_in_dim3A_1171 : vector<120x1xi32> to vector<120x120xi32>
    %eq3A_1173 = arith.cmpi eq, %select_n3A_1168, %eq3A_1172 : vector<120x120xi32>
    %jit3A_1174 = arith.constant 2147483647 : i32
    %broadcast_in_dim3A_1175 = vector.broadcast %jit3A_1174 : i32 to vector<120x120xi32>
    %select_n3A_1176 = arith.select %eq3A_1173, %broadcast_in_dim3A_1175, %select_n3A_1168 : vector<120x120xi1>, vector<120x120xi32>
    %reduce_min3A_1177 = arith.constant dense<2147483647> : vector<120xi32>
    %reduce_min3A_1178 = vector.multi_reduction <minsi>, %select_n3A_1176, %reduce_min3A_1177 [1] : vector<120x120xi32> to vector<120xi32>
    %broadcast_in_dim3A_1179 = vector.shape_cast %reduce_min3A_1178 : vector<120xi32> to vector<120x1xi32>
    %eq3A_1180 = vector.broadcast %broadcast_in_dim3A_1179 : vector<120x1xi32> to vector<120x120xi32>
    %eq3A_1181 = arith.cmpi eq, %select_n3A_1176, %eq3A_1180 : vector<120x120xi32>
    %jit3A_1182 = arith.constant 2147483647 : i32
    %broadcast_in_dim3A_1183 = vector.broadcast %jit3A_1182 : i32 to vector<120x120xi32>
    %select_n3A_1184 = arith.select %eq3A_1181, %broadcast_in_dim3A_1183, %select_n3A_1176 : vector<120x120xi1>, vector<120x120xi32>
    %reduce_min3A_1185 = arith.constant dense<2147483647> : vector<120xi32>
    %reduce_min3A_1186 = vector.multi_reduction <minsi>, %select_n3A_1184, %reduce_min3A_1185 [1] : vector<120x120xi32> to vector<120xi32>
    %broadcast_in_dim3A_1187 = vector.shape_cast %reduce_min3A_1186 : vector<120xi32> to vector<120x1xi32>
    %eq3A_1188 = vector.broadcast %broadcast_in_dim3A_1187 : vector<120x1xi32> to vector<120x120xi32>
    %eq3A_1189 = arith.cmpi eq, %select_n3A_1184, %eq3A_1188 : vector<120x120xi32>
    %jit3A_1190 = arith.constant 2147483647 : i32
    %broadcast_in_dim3A_1191 = vector.broadcast %jit3A_1190 : i32 to vector<120x120xi32>
    %select_n3A_1192 = arith.select %eq3A_1189, %broadcast_in_dim3A_1191, %select_n3A_1184 : vector<120x120xi1>, vector<120x120xi32>
    %reduce_min3A_1193 = arith.constant dense<2147483647> : vector<120xi32>
    %reduce_min3A_1194 = vector.multi_reduction <minsi>, %select_n3A_1192, %reduce_min3A_1193 [1] : vector<120x120xi32> to vector<120xi32>
    %broadcast_in_dim3A_1195 = vector.shape_cast %reduce_min3A_1194 : vector<120xi32> to vector<120x1xi32>
    %eq3A_1196 = vector.broadcast %broadcast_in_dim3A_1195 : vector<120x1xi32> to vector<120x120xi32>
    %eq3A_1197 = arith.cmpi eq, %select_n3A_1192, %eq3A_1196 : vector<120x120xi32>
    %jit3A_1198 = arith.constant 2147483647 : i32
    %broadcast_in_dim3A_1199 = vector.broadcast %jit3A_1198 : i32 to vector<120x120xi32>
    %select_n3A_1200 = arith.select %eq3A_1197, %broadcast_in_dim3A_1199, %select_n3A_1192 : vector<120x120xi1>, vector<120x120xi32>
    %reduce_min3A_1201 = arith.constant dense<2147483647> : vector<120xi32>
    %reduce_min3A_1202 = vector.multi_reduction <minsi>, %select_n3A_1200, %reduce_min3A_1201 [1] : vector<120x120xi32> to vector<120xi32>
    %broadcast_in_dim3A_1203 = vector.shape_cast %reduce_min3A_1202 : vector<120xi32> to vector<120x1xi32>
    %eq3A_1204 = vector.broadcast %broadcast_in_dim3A_1203 : vector<120x1xi32> to vector<120x120xi32>
    %eq3A_1205 = arith.cmpi eq, %select_n3A_1200, %eq3A_1204 : vector<120x120xi32>
    %jit3A_1206 = arith.constant 2147483647 : i32
    %broadcast_in_dim3A_1207 = vector.broadcast %jit3A_1206 : i32 to vector<120x120xi32>
    %select_n3A_1208 = arith.select %eq3A_1205, %broadcast_in_dim3A_1207, %select_n3A_1200 : vector<120x120xi1>, vector<120x120xi32>
    %and3A_1209 = arith.constant 1023 : i32
    %and3A_1210 = vector.broadcast %and3A_1209 : i32 to vector<120x1xi32>
    %and3A_1211 = arith.andi %broadcast_in_dim3A_1203, %and3A_1210 : vector<120x1xi32>
    %reduce_min3A_1212 = arith.constant dense<2147483647> : vector<120xi32>
    %reduce_min3A_1213 = vector.multi_reduction <minsi>, %select_n3A_1208, %reduce_min3A_1212 [1] : vector<120x120xi32> to vector<120xi32>
    %broadcast_in_dim3A_1214 = vector.shape_cast %reduce_min3A_1213 : vector<120xi32> to vector<120x1xi32>
    %eq3A_1215 = vector.broadcast %broadcast_in_dim3A_1214 : vector<120x1xi32> to vector<120x120xi32>
    %eq3A_1216 = arith.cmpi eq, %select_n3A_1208, %eq3A_1215 : vector<120x120xi32>
    %jit3A_1217 = arith.constant 2147483647 : i32
    %broadcast_in_dim3A_1218 = vector.broadcast %jit3A_1217 : i32 to vector<120x120xi32>
    %select_n3A_1219 = arith.select %eq3A_1216, %broadcast_in_dim3A_1218, %select_n3A_1208 : vector<120x120xi1>, vector<120x120xi32>
    %reduce_min3A_1220 = arith.constant dense<2147483647> : vector<120xi32>
    %reduce_min3A_1221 = vector.multi_reduction <minsi>, %select_n3A_1219, %reduce_min3A_1220 [1] : vector<120x120xi32> to vector<120xi32>
    %broadcast_in_dim3A_1222 = vector.shape_cast %reduce_min3A_1221 : vector<120xi32> to vector<120x1xi32>
    %eq3A_1223 = vector.broadcast %broadcast_in_dim3A_1222 : vector<120x1xi32> to vector<120x120xi32>
    %eq3A_1224 = arith.cmpi eq, %select_n3A_1219, %eq3A_1223 : vector<120x120xi32>
    %jit3A_1225 = arith.constant 2147483647 : i32
    %broadcast_in_dim3A_1226 = vector.broadcast %jit3A_1225 : i32 to vector<120x120xi32>
    %select_n3A_1227 = arith.select %eq3A_1224, %broadcast_in_dim3A_1226, %select_n3A_1219 : vector<120x120xi1>, vector<120x120xi32>
    %reduce_min3A_1228 = arith.constant dense<2147483647> : vector<120xi32>
    %reduce_min3A_1229 = vector.multi_reduction <minsi>, %select_n3A_1227, %reduce_min3A_1228 [1] : vector<120x120xi32> to vector<120xi32>
    %broadcast_in_dim3A_1230 = vector.shape_cast %reduce_min3A_1229 : vector<120xi32> to vector<120x1xi32>
    %eq3A_1231 = vector.broadcast %broadcast_in_dim3A_1230 : vector<120x1xi32> to vector<120x120xi32>
    %eq3A_1232 = arith.cmpi eq, %select_n3A_1227, %eq3A_1231 : vector<120x120xi32>
    %jit3A_1233 = arith.constant 2147483647 : i32
    %broadcast_in_dim3A_1234 = vector.broadcast %jit3A_1233 : i32 to vector<120x120xi32>
    %select_n3A_1235 = arith.select %eq3A_1232, %broadcast_in_dim3A_1234, %select_n3A_1227 : vector<120x120xi1>, vector<120x120xi32>
    %reduce_min3A_1236 = arith.constant dense<2147483647> : vector<120xi32>
    %reduce_min3A_1237 = vector.multi_reduction <minsi>, %select_n3A_1235, %reduce_min3A_1236 [1] : vector<120x120xi32> to vector<120xi32>
    %broadcast_in_dim3A_1238 = vector.shape_cast %reduce_min3A_1237 : vector<120xi32> to vector<120x1xi32>
    %eq3A_1239 = vector.broadcast %broadcast_in_dim3A_1238 : vector<120x1xi32> to vector<120x120xi32>
    %eq3A_1240 = arith.cmpi eq, %select_n3A_1235, %eq3A_1239 : vector<120x120xi32>
    %jit3A_1241 = arith.constant 2147483647 : i32
    %broadcast_in_dim3A_1242 = vector.broadcast %jit3A_1241 : i32 to vector<120x120xi32>
    %select_n3A_1243 = arith.select %eq3A_1240, %broadcast_in_dim3A_1242, %select_n3A_1235 : vector<120x120xi1>, vector<120x120xi32>
    %reduce_min3A_1244 = arith.constant dense<2147483647> : vector<120xi32>
    %reduce_min3A_1245 = vector.multi_reduction <minsi>, %select_n3A_1243, %reduce_min3A_1244 [1] : vector<120x120xi32> to vector<120xi32>
    %broadcast_in_dim3A_1246 = vector.shape_cast %reduce_min3A_1245 : vector<120xi32> to vector<120x1xi32>
    %eq3A_1247 = vector.broadcast %broadcast_in_dim3A_1246 : vector<120x1xi32> to vector<120x120xi32>
    %eq3A_1248 = arith.cmpi eq, %select_n3A_1243, %eq3A_1247 : vector<120x120xi32>
    %jit3A_1249 = arith.constant 2147483647 : i32
    %broadcast_in_dim3A_1250 = vector.broadcast %jit3A_1249 : i32 to vector<120x120xi32>
    %select_n3A_1251 = arith.select %eq3A_1248, %broadcast_in_dim3A_1250, %select_n3A_1243 : vector<120x120xi1>, vector<120x120xi32>
    %reduce_min3A_1252 = arith.constant dense<2147483647> : vector<120xi32>
    %reduce_min3A_1253 = vector.multi_reduction <minsi>, %select_n3A_1251, %reduce_min3A_1252 [1] : vector<120x120xi32> to vector<120xi32>
    %broadcast_in_dim3A_1254 = vector.shape_cast %reduce_min3A_1253 : vector<120xi32> to vector<120x1xi32>
    %eq3A_1255 = vector.broadcast %broadcast_in_dim3A_1254 : vector<120x1xi32> to vector<120x120xi32>
    %eq3A_1256 = arith.cmpi eq, %select_n3A_1251, %eq3A_1255 : vector<120x120xi32>
    %jit3A_1257 = arith.constant 2147483647 : i32
    %broadcast_in_dim3A_1258 = vector.broadcast %jit3A_1257 : i32 to vector<120x120xi32>
    %select_n3A_1259 = arith.select %eq3A_1256, %broadcast_in_dim3A_1258, %select_n3A_1251 : vector<120x120xi1>, vector<120x120xi32>
    %and3A_1260 = arith.constant 1023 : i32
    %and3A_1261 = vector.broadcast %and3A_1260 : i32 to vector<120x1xi32>
    %and3A_1262 = arith.andi %broadcast_in_dim3A_1254, %and3A_1261 : vector<120x1xi32>
    %reduce_min3A_1263 = arith.constant dense<2147483647> : vector<120xi32>
    %reduce_min3A_1264 = vector.multi_reduction <minsi>, %select_n3A_1259, %reduce_min3A_1263 [1] : vector<120x120xi32> to vector<120xi32>
    %broadcast_in_dim3A_1265 = vector.shape_cast %reduce_min3A_1264 : vector<120xi32> to vector<120x1xi32>
    %eq3A_1266 = vector.broadcast %broadcast_in_dim3A_1265 : vector<120x1xi32> to vector<120x120xi32>
    %eq3A_1267 = arith.cmpi eq, %select_n3A_1259, %eq3A_1266 : vector<120x120xi32>
    %jit3A_1268 = arith.constant 2147483647 : i32
    %broadcast_in_dim3A_1269 = vector.broadcast %jit3A_1268 : i32 to vector<120x120xi32>
    %select_n3A_1270 = arith.select %eq3A_1267, %broadcast_in_dim3A_1269, %select_n3A_1259 : vector<120x120xi1>, vector<120x120xi32>
    %reduce_min3A_1271 = arith.constant dense<2147483647> : vector<120xi32>
    %reduce_min3A_1272 = vector.multi_reduction <minsi>, %select_n3A_1270, %reduce_min3A_1271 [1] : vector<120x120xi32> to vector<120xi32>
    %broadcast_in_dim3A_1273 = vector.shape_cast %reduce_min3A_1272 : vector<120xi32> to vector<120x1xi32>
    %eq3A_1274 = vector.broadcast %broadcast_in_dim3A_1273 : vector<120x1xi32> to vector<120x120xi32>
    %eq3A_1275 = arith.cmpi eq, %select_n3A_1270, %eq3A_1274 : vector<120x120xi32>
    %jit3A_1276 = arith.constant 2147483647 : i32
    %broadcast_in_dim3A_1277 = vector.broadcast %jit3A_1276 : i32 to vector<120x120xi32>
    %select_n3A_1278 = arith.select %eq3A_1275, %broadcast_in_dim3A_1277, %select_n3A_1270 : vector<120x120xi1>, vector<120x120xi32>
    %reduce_min3A_1279 = arith.constant dense<2147483647> : vector<120xi32>
    %reduce_min3A_1280 = vector.multi_reduction <minsi>, %select_n3A_1278, %reduce_min3A_1279 [1] : vector<120x120xi32> to vector<120xi32>
    %broadcast_in_dim3A_1281 = vector.shape_cast %reduce_min3A_1280 : vector<120xi32> to vector<120x1xi32>
    %eq3A_1282 = vector.broadcast %broadcast_in_dim3A_1281 : vector<120x1xi32> to vector<120x120xi32>
    %eq3A_1283 = arith.cmpi eq, %select_n3A_1278, %eq3A_1282 : vector<120x120xi32>
    %jit3A_1284 = arith.constant 2147483647 : i32
    %broadcast_in_dim3A_1285 = vector.broadcast %jit3A_1284 : i32 to vector<120x120xi32>
    %select_n3A_1286 = arith.select %eq3A_1283, %broadcast_in_dim3A_1285, %select_n3A_1278 : vector<120x120xi1>, vector<120x120xi32>
    %reduce_min3A_1287 = arith.constant dense<2147483647> : vector<120xi32>
    %reduce_min3A_1288 = vector.multi_reduction <minsi>, %select_n3A_1286, %reduce_min3A_1287 [1] : vector<120x120xi32> to vector<120xi32>
    %broadcast_in_dim3A_1289 = vector.shape_cast %reduce_min3A_1288 : vector<120xi32> to vector<120x1xi32>
    %eq3A_1290 = vector.broadcast %broadcast_in_dim3A_1289 : vector<120x1xi32> to vector<120x120xi32>
    %eq3A_1291 = arith.cmpi eq, %select_n3A_1286, %eq3A_1290 : vector<120x120xi32>
    %jit3A_1292 = arith.constant 2147483647 : i32
    %broadcast_in_dim3A_1293 = vector.broadcast %jit3A_1292 : i32 to vector<120x120xi32>
    %select_n3A_1294 = arith.select %eq3A_1291, %broadcast_in_dim3A_1293, %select_n3A_1286 : vector<120x120xi1>, vector<120x120xi32>
    %reduce_min3A_1295 = arith.constant dense<2147483647> : vector<120xi32>
    %reduce_min3A_1296 = vector.multi_reduction <minsi>, %select_n3A_1294, %reduce_min3A_1295 [1] : vector<120x120xi32> to vector<120xi32>
    %broadcast_in_dim3A_1297 = vector.shape_cast %reduce_min3A_1296 : vector<120xi32> to vector<120x1xi32>
    %eq3A_1298 = vector.broadcast %broadcast_in_dim3A_1297 : vector<120x1xi32> to vector<120x120xi32>
    %eq3A_1299 = arith.cmpi eq, %select_n3A_1294, %eq3A_1298 : vector<120x120xi32>
    %jit3A_1300 = arith.constant 2147483647 : i32
    %broadcast_in_dim3A_1301 = vector.broadcast %jit3A_1300 : i32 to vector<120x120xi32>
    %select_n3A_1302 = arith.select %eq3A_1299, %broadcast_in_dim3A_1301, %select_n3A_1294 : vector<120x120xi1>, vector<120x120xi32>
    %reduce_min3A_1303 = arith.constant dense<2147483647> : vector<120xi32>
    %reduce_min3A_1304 = vector.multi_reduction <minsi>, %select_n3A_1302, %reduce_min3A_1303 [1] : vector<120x120xi32> to vector<120xi32>
    %broadcast_in_dim3A_1305 = vector.shape_cast %reduce_min3A_1304 : vector<120xi32> to vector<120x1xi32>
    %eq3A_1306 = vector.broadcast %broadcast_in_dim3A_1305 : vector<120x1xi32> to vector<120x120xi32>
    %eq3A_1307 = arith.cmpi eq, %select_n3A_1302, %eq3A_1306 : vector<120x120xi32>
    %jit3A_1308 = arith.constant 2147483647 : i32
    %broadcast_in_dim3A_1309 = vector.broadcast %jit3A_1308 : i32 to vector<120x120xi32>
    %select_n3A_1310 = arith.select %eq3A_1307, %broadcast_in_dim3A_1309, %select_n3A_1302 : vector<120x120xi1>, vector<120x120xi32>
    %and3A_1311 = arith.constant 1023 : i32
    %and3A_1312 = vector.broadcast %and3A_1311 : i32 to vector<120x1xi32>
    %and3A_1313 = arith.andi %broadcast_in_dim3A_1305, %and3A_1312 : vector<120x1xi32>
    %reduce_min3A_1314 = arith.constant dense<2147483647> : vector<120xi32>
    %reduce_min3A_1315 = vector.multi_reduction <minsi>, %select_n3A_1310, %reduce_min3A_1314 [1] : vector<120x120xi32> to vector<120xi32>
    %broadcast_in_dim3A_1316 = vector.shape_cast %reduce_min3A_1315 : vector<120xi32> to vector<120x1xi32>
    %eq3A_1317 = vector.broadcast %broadcast_in_dim3A_1316 : vector<120x1xi32> to vector<120x120xi32>
    %eq3A_1318 = arith.cmpi eq, %select_n3A_1310, %eq3A_1317 : vector<120x120xi32>
    %jit3A_1319 = arith.constant 2147483647 : i32
    %broadcast_in_dim3A_1320 = vector.broadcast %jit3A_1319 : i32 to vector<120x120xi32>
    %select_n3A_1321 = arith.select %eq3A_1318, %broadcast_in_dim3A_1320, %select_n3A_1310 : vector<120x120xi1>, vector<120x120xi32>
    %reduce_min3A_1322 = arith.constant dense<2147483647> : vector<120xi32>
    %reduce_min3A_1323 = vector.multi_reduction <minsi>, %select_n3A_1321, %reduce_min3A_1322 [1] : vector<120x120xi32> to vector<120xi32>
    %broadcast_in_dim3A_1324 = vector.shape_cast %reduce_min3A_1323 : vector<120xi32> to vector<120x1xi32>
    %eq3A_1325 = vector.broadcast %broadcast_in_dim3A_1324 : vector<120x1xi32> to vector<120x120xi32>
    %eq3A_1326 = arith.cmpi eq, %select_n3A_1321, %eq3A_1325 : vector<120x120xi32>
    %jit3A_1327 = arith.constant 2147483647 : i32
    %broadcast_in_dim3A_1328 = vector.broadcast %jit3A_1327 : i32 to vector<120x120xi32>
    %select_n3A_1329 = arith.select %eq3A_1326, %broadcast_in_dim3A_1328, %select_n3A_1321 : vector<120x120xi1>, vector<120x120xi32>
    %reduce_min3A_1330 = arith.constant dense<2147483647> : vector<120xi32>
    %reduce_min3A_1331 = vector.multi_reduction <minsi>, %select_n3A_1329, %reduce_min3A_1330 [1] : vector<120x120xi32> to vector<120xi32>
    %broadcast_in_dim3A_1332 = vector.shape_cast %reduce_min3A_1331 : vector<120xi32> to vector<120x1xi32>
    %eq3A_1333 = vector.broadcast %broadcast_in_dim3A_1332 : vector<120x1xi32> to vector<120x120xi32>
    %eq3A_1334 = arith.cmpi eq, %select_n3A_1329, %eq3A_1333 : vector<120x120xi32>
    %jit3A_1335 = arith.constant 2147483647 : i32
    %broadcast_in_dim3A_1336 = vector.broadcast %jit3A_1335 : i32 to vector<120x120xi32>
    %select_n3A_1337 = arith.select %eq3A_1334, %broadcast_in_dim3A_1336, %select_n3A_1329 : vector<120x120xi1>, vector<120x120xi32>
    %reduce_min3A_1338 = arith.constant dense<2147483647> : vector<120xi32>
    %reduce_min3A_1339 = vector.multi_reduction <minsi>, %select_n3A_1337, %reduce_min3A_1338 [1] : vector<120x120xi32> to vector<120xi32>
    %broadcast_in_dim3A_1340 = vector.shape_cast %reduce_min3A_1339 : vector<120xi32> to vector<120x1xi32>
    %eq3A_1341 = vector.broadcast %broadcast_in_dim3A_1340 : vector<120x1xi32> to vector<120x120xi32>
    %eq3A_1342 = arith.cmpi eq, %select_n3A_1337, %eq3A_1341 : vector<120x120xi32>
    %jit3A_1343 = arith.constant 2147483647 : i32
    %broadcast_in_dim3A_1344 = vector.broadcast %jit3A_1343 : i32 to vector<120x120xi32>
    %select_n3A_1345 = arith.select %eq3A_1342, %broadcast_in_dim3A_1344, %select_n3A_1337 : vector<120x120xi1>, vector<120x120xi32>
    %reduce_min3A_1346 = arith.constant dense<2147483647> : vector<120xi32>
    %reduce_min3A_1347 = vector.multi_reduction <minsi>, %select_n3A_1345, %reduce_min3A_1346 [1] : vector<120x120xi32> to vector<120xi32>
    %broadcast_in_dim3A_1348 = vector.shape_cast %reduce_min3A_1347 : vector<120xi32> to vector<120x1xi32>
    %eq3A_1349 = vector.broadcast %broadcast_in_dim3A_1348 : vector<120x1xi32> to vector<120x120xi32>
    %eq3A_1350 = arith.cmpi eq, %select_n3A_1345, %eq3A_1349 : vector<120x120xi32>
    %jit3A_1351 = arith.constant 2147483647 : i32
    %broadcast_in_dim3A_1352 = vector.broadcast %jit3A_1351 : i32 to vector<120x120xi32>
    %select_n3A_1353 = arith.select %eq3A_1350, %broadcast_in_dim3A_1352, %select_n3A_1345 : vector<120x120xi1>, vector<120x120xi32>
    %reduce_min3A_1354 = arith.constant dense<2147483647> : vector<120xi32>
    %reduce_min3A_1355 = vector.multi_reduction <minsi>, %select_n3A_1353, %reduce_min3A_1354 [1] : vector<120x120xi32> to vector<120xi32>
    %broadcast_in_dim3A_1356 = vector.shape_cast %reduce_min3A_1355 : vector<120xi32> to vector<120x1xi32>
    %eq3A_1357 = vector.broadcast %broadcast_in_dim3A_1356 : vector<120x1xi32> to vector<120x120xi32>
    %eq3A_1358 = arith.cmpi eq, %select_n3A_1353, %eq3A_1357 : vector<120x120xi32>
    %jit3A_1359 = arith.constant 2147483647 : i32
    %broadcast_in_dim3A_1360 = vector.broadcast %jit3A_1359 : i32 to vector<120x120xi32>
    %select_n3A_1361 = arith.select %eq3A_1358, %broadcast_in_dim3A_1360, %select_n3A_1353 : vector<120x120xi1>, vector<120x120xi32>
    %and3A_1362 = arith.constant 1023 : i32
    %and3A_1363 = vector.broadcast %and3A_1362 : i32 to vector<120x1xi32>
    %and3A_1364 = arith.andi %broadcast_in_dim3A_1356, %and3A_1363 : vector<120x1xi32>
    %reduce_min3A_1365 = arith.constant dense<2147483647> : vector<120xi32>
    %reduce_min3A_1366 = vector.multi_reduction <minsi>, %select_n3A_1361, %reduce_min3A_1365 [1] : vector<120x120xi32> to vector<120xi32>
    %broadcast_in_dim3A_1367 = vector.shape_cast %reduce_min3A_1366 : vector<120xi32> to vector<120x1xi32>
    %eq3A_1368 = vector.broadcast %broadcast_in_dim3A_1367 : vector<120x1xi32> to vector<120x120xi32>
    %eq3A_1369 = arith.cmpi eq, %select_n3A_1361, %eq3A_1368 : vector<120x120xi32>
    %jit3A_1370 = arith.constant 2147483647 : i32
    %broadcast_in_dim3A_1371 = vector.broadcast %jit3A_1370 : i32 to vector<120x120xi32>
    %select_n3A_1372 = arith.select %eq3A_1369, %broadcast_in_dim3A_1371, %select_n3A_1361 : vector<120x120xi1>, vector<120x120xi32>
    %reduce_min3A_1373 = arith.constant dense<2147483647> : vector<120xi32>
    %reduce_min3A_1374 = vector.multi_reduction <minsi>, %select_n3A_1372, %reduce_min3A_1373 [1] : vector<120x120xi32> to vector<120xi32>
    %broadcast_in_dim3A_1375 = vector.shape_cast %reduce_min3A_1374 : vector<120xi32> to vector<120x1xi32>
    %eq3A_1376 = vector.broadcast %broadcast_in_dim3A_1375 : vector<120x1xi32> to vector<120x120xi32>
    %eq3A_1377 = arith.cmpi eq, %select_n3A_1372, %eq3A_1376 : vector<120x120xi32>
    %jit3A_1378 = arith.constant 2147483647 : i32
    %broadcast_in_dim3A_1379 = vector.broadcast %jit3A_1378 : i32 to vector<120x120xi32>
    %select_n3A_1380 = arith.select %eq3A_1377, %broadcast_in_dim3A_1379, %select_n3A_1372 : vector<120x120xi1>, vector<120x120xi32>
    %reduce_min3A_1381 = arith.constant dense<2147483647> : vector<120xi32>
    %reduce_min3A_1382 = vector.multi_reduction <minsi>, %select_n3A_1380, %reduce_min3A_1381 [1] : vector<120x120xi32> to vector<120xi32>
    %broadcast_in_dim3A_1383 = vector.shape_cast %reduce_min3A_1382 : vector<120xi32> to vector<120x1xi32>
    %eq3A_1384 = vector.broadcast %broadcast_in_dim3A_1383 : vector<120x1xi32> to vector<120x120xi32>
    %eq3A_1385 = arith.cmpi eq, %select_n3A_1380, %eq3A_1384 : vector<120x120xi32>
    %jit3A_1386 = arith.constant 2147483647 : i32
    %broadcast_in_dim3A_1387 = vector.broadcast %jit3A_1386 : i32 to vector<120x120xi32>
    %select_n3A_1388 = arith.select %eq3A_1385, %broadcast_in_dim3A_1387, %select_n3A_1380 : vector<120x120xi1>, vector<120x120xi32>
    %reduce_min3A_1389 = arith.constant dense<2147483647> : vector<120xi32>
    %reduce_min3A_1390 = vector.multi_reduction <minsi>, %select_n3A_1388, %reduce_min3A_1389 [1] : vector<120x120xi32> to vector<120xi32>
    %broadcast_in_dim3A_1391 = vector.shape_cast %reduce_min3A_1390 : vector<120xi32> to vector<120x1xi32>
    %eq3A_1392 = vector.broadcast %broadcast_in_dim3A_1391 : vector<120x1xi32> to vector<120x120xi32>
    %eq3A_1393 = arith.cmpi eq, %select_n3A_1388, %eq3A_1392 : vector<120x120xi32>
    %jit3A_1394 = arith.constant 2147483647 : i32
    %broadcast_in_dim3A_1395 = vector.broadcast %jit3A_1394 : i32 to vector<120x120xi32>
    %select_n3A_1396 = arith.select %eq3A_1393, %broadcast_in_dim3A_1395, %select_n3A_1388 : vector<120x120xi1>, vector<120x120xi32>
    %reduce_min3A_1397 = arith.constant dense<2147483647> : vector<120xi32>
    %reduce_min3A_1398 = vector.multi_reduction <minsi>, %select_n3A_1396, %reduce_min3A_1397 [1] : vector<120x120xi32> to vector<120xi32>
    %broadcast_in_dim3A_1399 = vector.shape_cast %reduce_min3A_1398 : vector<120xi32> to vector<120x1xi32>
    %eq3A_1400 = vector.broadcast %broadcast_in_dim3A_1399 : vector<120x1xi32> to vector<120x120xi32>
    %eq3A_1401 = arith.cmpi eq, %select_n3A_1396, %eq3A_1400 : vector<120x120xi32>
    %jit3A_1402 = arith.constant 2147483647 : i32
    %broadcast_in_dim3A_1403 = vector.broadcast %jit3A_1402 : i32 to vector<120x120xi32>
    %select_n3A_1404 = arith.select %eq3A_1401, %broadcast_in_dim3A_1403, %select_n3A_1396 : vector<120x120xi1>, vector<120x120xi32>
    %reduce_min3A_1405 = arith.constant dense<2147483647> : vector<120xi32>
    %reduce_min3A_1406 = vector.multi_reduction <minsi>, %select_n3A_1404, %reduce_min3A_1405 [1] : vector<120x120xi32> to vector<120xi32>
    %broadcast_in_dim3A_1407 = vector.shape_cast %reduce_min3A_1406 : vector<120xi32> to vector<120x1xi32>
    %eq3A_1408 = vector.broadcast %broadcast_in_dim3A_1407 : vector<120x1xi32> to vector<120x120xi32>
    %eq3A_1409 = arith.cmpi eq, %select_n3A_1404, %eq3A_1408 : vector<120x120xi32>
    %jit3A_1410 = arith.constant 2147483647 : i32
    %broadcast_in_dim3A_1411 = vector.broadcast %jit3A_1410 : i32 to vector<120x120xi32>
    %select_n3A_1412 = arith.select %eq3A_1409, %broadcast_in_dim3A_1411, %select_n3A_1404 : vector<120x120xi1>, vector<120x120xi32>
    %and3A_1413 = arith.constant 1023 : i32
    %and3A_1414 = vector.broadcast %and3A_1413 : i32 to vector<120x1xi32>
    %and3A_1415 = arith.andi %broadcast_in_dim3A_1407, %and3A_1414 : vector<120x1xi32>
    %reduce_min3A_1416 = arith.constant dense<2147483647> : vector<120xi32>
    %reduce_min3A_1417 = vector.multi_reduction <minsi>, %select_n3A_1412, %reduce_min3A_1416 [1] : vector<120x120xi32> to vector<120xi32>
    %broadcast_in_dim3A_1418 = vector.shape_cast %reduce_min3A_1417 : vector<120xi32> to vector<120x1xi32>
    %eq3A_1419 = vector.broadcast %broadcast_in_dim3A_1418 : vector<120x1xi32> to vector<120x120xi32>
    %eq3A_1420 = arith.cmpi eq, %select_n3A_1412, %eq3A_1419 : vector<120x120xi32>
    %jit3A_1421 = arith.constant 2147483647 : i32
    %broadcast_in_dim3A_1422 = vector.broadcast %jit3A_1421 : i32 to vector<120x120xi32>
    %select_n3A_1423 = arith.select %eq3A_1420, %broadcast_in_dim3A_1422, %select_n3A_1412 : vector<120x120xi1>, vector<120x120xi32>
    %reduce_min3A_1424 = arith.constant dense<2147483647> : vector<120xi32>
    %reduce_min3A_1425 = vector.multi_reduction <minsi>, %select_n3A_1423, %reduce_min3A_1424 [1] : vector<120x120xi32> to vector<120xi32>
    %broadcast_in_dim3A_1426 = vector.shape_cast %reduce_min3A_1425 : vector<120xi32> to vector<120x1xi32>
    %eq3A_1427 = vector.broadcast %broadcast_in_dim3A_1426 : vector<120x1xi32> to vector<120x120xi32>
    %eq3A_1428 = arith.cmpi eq, %select_n3A_1423, %eq3A_1427 : vector<120x120xi32>
    %jit3A_1429 = arith.constant 2147483647 : i32
    %broadcast_in_dim3A_1430 = vector.broadcast %jit3A_1429 : i32 to vector<120x120xi32>
    %select_n3A_1431 = arith.select %eq3A_1428, %broadcast_in_dim3A_1430, %select_n3A_1423 : vector<120x120xi1>, vector<120x120xi32>
    %reduce_min3A_1432 = arith.constant dense<2147483647> : vector<120xi32>
    %reduce_min3A_1433 = vector.multi_reduction <minsi>, %select_n3A_1431, %reduce_min3A_1432 [1] : vector<120x120xi32> to vector<120xi32>
    %broadcast_in_dim3A_1434 = vector.shape_cast %reduce_min3A_1433 : vector<120xi32> to vector<120x1xi32>
    %eq3A_1435 = vector.broadcast %broadcast_in_dim3A_1434 : vector<120x1xi32> to vector<120x120xi32>
    %eq3A_1436 = arith.cmpi eq, %select_n3A_1431, %eq3A_1435 : vector<120x120xi32>
    %jit3A_1437 = arith.constant 2147483647 : i32
    %broadcast_in_dim3A_1438 = vector.broadcast %jit3A_1437 : i32 to vector<120x120xi32>
    %select_n3A_1439 = arith.select %eq3A_1436, %broadcast_in_dim3A_1438, %select_n3A_1431 : vector<120x120xi1>, vector<120x120xi32>
    %reduce_min3A_1440 = arith.constant dense<2147483647> : vector<120xi32>
    %reduce_min3A_1441 = vector.multi_reduction <minsi>, %select_n3A_1439, %reduce_min3A_1440 [1] : vector<120x120xi32> to vector<120xi32>
    %broadcast_in_dim3A_1442 = vector.shape_cast %reduce_min3A_1441 : vector<120xi32> to vector<120x1xi32>
    %eq3A_1443 = vector.broadcast %broadcast_in_dim3A_1442 : vector<120x1xi32> to vector<120x120xi32>
    %eq3A_1444 = arith.cmpi eq, %select_n3A_1439, %eq3A_1443 : vector<120x120xi32>
    %jit3A_1445 = arith.constant 2147483647 : i32
    %broadcast_in_dim3A_1446 = vector.broadcast %jit3A_1445 : i32 to vector<120x120xi32>
    %select_n3A_1447 = arith.select %eq3A_1444, %broadcast_in_dim3A_1446, %select_n3A_1439 : vector<120x120xi1>, vector<120x120xi32>
    %reduce_min3A_1448 = arith.constant dense<2147483647> : vector<120xi32>
    %reduce_min3A_1449 = vector.multi_reduction <minsi>, %select_n3A_1447, %reduce_min3A_1448 [1] : vector<120x120xi32> to vector<120xi32>
    %broadcast_in_dim3A_1450 = vector.shape_cast %reduce_min3A_1449 : vector<120xi32> to vector<120x1xi32>
    %eq3A_1451 = vector.broadcast %broadcast_in_dim3A_1450 : vector<120x1xi32> to vector<120x120xi32>
    %eq3A_1452 = arith.cmpi eq, %select_n3A_1447, %eq3A_1451 : vector<120x120xi32>
    %jit3A_1453 = arith.constant 2147483647 : i32
    %broadcast_in_dim3A_1454 = vector.broadcast %jit3A_1453 : i32 to vector<120x120xi32>
    %select_n3A_1455 = arith.select %eq3A_1452, %broadcast_in_dim3A_1454, %select_n3A_1447 : vector<120x120xi1>, vector<120x120xi32>
    %reduce_min3A_1456 = arith.constant dense<2147483647> : vector<120xi32>
    %reduce_min3A_1457 = vector.multi_reduction <minsi>, %select_n3A_1455, %reduce_min3A_1456 [1] : vector<120x120xi32> to vector<120xi32>
    %broadcast_in_dim3A_1458 = vector.shape_cast %reduce_min3A_1457 : vector<120xi32> to vector<120x1xi32>
    %eq3A_1459 = vector.broadcast %broadcast_in_dim3A_1458 : vector<120x1xi32> to vector<120x120xi32>
    %eq3A_1460 = arith.cmpi eq, %select_n3A_1455, %eq3A_1459 : vector<120x120xi32>
    %jit3A_1461 = arith.constant 2147483647 : i32
    %broadcast_in_dim3A_1462 = vector.broadcast %jit3A_1461 : i32 to vector<120x120xi32>
    %select_n3A_1463 = arith.select %eq3A_1460, %broadcast_in_dim3A_1462, %select_n3A_1455 : vector<120x120xi1>, vector<120x120xi32>
    %and3A_1464 = arith.constant 1023 : i32
    %and3A_1465 = vector.broadcast %and3A_1464 : i32 to vector<120x1xi32>
    %and3A_1466 = arith.andi %broadcast_in_dim3A_1458, %and3A_1465 : vector<120x1xi32>
    %reduce_min3A_1467 = arith.constant dense<2147483647> : vector<120xi32>
    %reduce_min3A_1468 = vector.multi_reduction <minsi>, %select_n3A_1463, %reduce_min3A_1467 [1] : vector<120x120xi32> to vector<120xi32>
    %broadcast_in_dim3A_1469 = vector.shape_cast %reduce_min3A_1468 : vector<120xi32> to vector<120x1xi32>
    %eq3A_1470 = vector.broadcast %broadcast_in_dim3A_1469 : vector<120x1xi32> to vector<120x120xi32>
    %eq3A_1471 = arith.cmpi eq, %select_n3A_1463, %eq3A_1470 : vector<120x120xi32>
    %jit3A_1472 = arith.constant 2147483647 : i32
    %broadcast_in_dim3A_1473 = vector.broadcast %jit3A_1472 : i32 to vector<120x120xi32>
    %select_n3A_1474 = arith.select %eq3A_1471, %broadcast_in_dim3A_1473, %select_n3A_1463 : vector<120x120xi1>, vector<120x120xi32>
    %reduce_min3A_1475 = arith.constant dense<2147483647> : vector<120xi32>
    %reduce_min3A_1476 = vector.multi_reduction <minsi>, %select_n3A_1474, %reduce_min3A_1475 [1] : vector<120x120xi32> to vector<120xi32>
    %broadcast_in_dim3A_1477 = vector.shape_cast %reduce_min3A_1476 : vector<120xi32> to vector<120x1xi32>
    %eq3A_1478 = vector.broadcast %broadcast_in_dim3A_1477 : vector<120x1xi32> to vector<120x120xi32>
    %eq3A_1479 = arith.cmpi eq, %select_n3A_1474, %eq3A_1478 : vector<120x120xi32>
    %jit3A_1480 = arith.constant 2147483647 : i32
    %broadcast_in_dim3A_1481 = vector.broadcast %jit3A_1480 : i32 to vector<120x120xi32>
    %select_n3A_1482 = arith.select %eq3A_1479, %broadcast_in_dim3A_1481, %select_n3A_1474 : vector<120x120xi1>, vector<120x120xi32>
    %reduce_min3A_1483 = arith.constant dense<2147483647> : vector<120xi32>
    %reduce_min3A_1484 = vector.multi_reduction <minsi>, %select_n3A_1482, %reduce_min3A_1483 [1] : vector<120x120xi32> to vector<120xi32>
    %broadcast_in_dim3A_1485 = vector.shape_cast %reduce_min3A_1484 : vector<120xi32> to vector<120x1xi32>
    %eq3A_1486 = vector.broadcast %broadcast_in_dim3A_1485 : vector<120x1xi32> to vector<120x120xi32>
    %eq3A_1487 = arith.cmpi eq, %select_n3A_1482, %eq3A_1486 : vector<120x120xi32>
    %jit3A_1488 = arith.constant 2147483647 : i32
    %broadcast_in_dim3A_1489 = vector.broadcast %jit3A_1488 : i32 to vector<120x120xi32>
    %select_n3A_1490 = arith.select %eq3A_1487, %broadcast_in_dim3A_1489, %select_n3A_1482 : vector<120x120xi1>, vector<120x120xi32>
    %reduce_min3A_1491 = arith.constant dense<2147483647> : vector<120xi32>
    %reduce_min3A_1492 = vector.multi_reduction <minsi>, %select_n3A_1490, %reduce_min3A_1491 [1] : vector<120x120xi32> to vector<120xi32>
    %broadcast_in_dim3A_1493 = vector.shape_cast %reduce_min3A_1492 : vector<120xi32> to vector<120x1xi32>
    %eq3A_1494 = vector.broadcast %broadcast_in_dim3A_1493 : vector<120x1xi32> to vector<120x120xi32>
    %eq3A_1495 = arith.cmpi eq, %select_n3A_1490, %eq3A_1494 : vector<120x120xi32>
    %jit3A_1496 = arith.constant 2147483647 : i32
    %broadcast_in_dim3A_1497 = vector.broadcast %jit3A_1496 : i32 to vector<120x120xi32>
    %select_n3A_1498 = arith.select %eq3A_1495, %broadcast_in_dim3A_1497, %select_n3A_1490 : vector<120x120xi1>, vector<120x120xi32>
    %reduce_min3A_1499 = arith.constant dense<2147483647> : vector<120xi32>
    %reduce_min3A_1500 = vector.multi_reduction <minsi>, %select_n3A_1498, %reduce_min3A_1499 [1] : vector<120x120xi32> to vector<120xi32>
    %broadcast_in_dim3A_1501 = vector.shape_cast %reduce_min3A_1500 : vector<120xi32> to vector<120x1xi32>
    %eq3A_1502 = vector.broadcast %broadcast_in_dim3A_1501 : vector<120x1xi32> to vector<120x120xi32>
    %eq3A_1503 = arith.cmpi eq, %select_n3A_1498, %eq3A_1502 : vector<120x120xi32>
    %jit3A_1504 = arith.constant 2147483647 : i32
    %broadcast_in_dim3A_1505 = vector.broadcast %jit3A_1504 : i32 to vector<120x120xi32>
    %select_n3A_1506 = arith.select %eq3A_1503, %broadcast_in_dim3A_1505, %select_n3A_1498 : vector<120x120xi1>, vector<120x120xi32>
    %reduce_min3A_1507 = arith.constant dense<2147483647> : vector<120xi32>
    %reduce_min3A_1508 = vector.multi_reduction <minsi>, %select_n3A_1506, %reduce_min3A_1507 [1] : vector<120x120xi32> to vector<120xi32>
    %broadcast_in_dim3A_1509 = vector.shape_cast %reduce_min3A_1508 : vector<120xi32> to vector<120x1xi32>
    %eq3A_1510 = vector.broadcast %broadcast_in_dim3A_1509 : vector<120x1xi32> to vector<120x120xi32>
    %eq3A_1511 = arith.cmpi eq, %select_n3A_1506, %eq3A_1510 : vector<120x120xi32>
    %jit3A_1512 = arith.constant 2147483647 : i32
    %broadcast_in_dim3A_1513 = vector.broadcast %jit3A_1512 : i32 to vector<120x120xi32>
    %select_n3A_1514 = arith.select %eq3A_1511, %broadcast_in_dim3A_1513, %select_n3A_1506 : vector<120x120xi1>, vector<120x120xi32>
    %and3A_1515 = arith.constant 1023 : i32
    %and3A_1516 = vector.broadcast %and3A_1515 : i32 to vector<120x1xi32>
    %and3A_1517 = arith.andi %broadcast_in_dim3A_1509, %and3A_1516 : vector<120x1xi32>
    %reduce_min3A_1518 = arith.constant dense<2147483647> : vector<120xi32>
    %reduce_min3A_1519 = vector.multi_reduction <minsi>, %select_n3A_1514, %reduce_min3A_1518 [1] : vector<120x120xi32> to vector<120xi32>
    %broadcast_in_dim3A_1520 = vector.shape_cast %reduce_min3A_1519 : vector<120xi32> to vector<120x1xi32>
    %eq3A_1521 = vector.broadcast %broadcast_in_dim3A_1520 : vector<120x1xi32> to vector<120x120xi32>
    %eq3A_1522 = arith.cmpi eq, %select_n3A_1514, %eq3A_1521 : vector<120x120xi32>
    %jit3A_1523 = arith.constant 2147483647 : i32
    %broadcast_in_dim3A_1524 = vector.broadcast %jit3A_1523 : i32 to vector<120x120xi32>
    %select_n3A_1525 = arith.select %eq3A_1522, %broadcast_in_dim3A_1524, %select_n3A_1514 : vector<120x120xi1>, vector<120x120xi32>
    %reduce_min3A_1526 = arith.constant dense<2147483647> : vector<120xi32>
    %reduce_min3A_1527 = vector.multi_reduction <minsi>, %select_n3A_1525, %reduce_min3A_1526 [1] : vector<120x120xi32> to vector<120xi32>
    %broadcast_in_dim3A_1528 = vector.shape_cast %reduce_min3A_1527 : vector<120xi32> to vector<120x1xi32>
    %eq3A_1529 = vector.broadcast %broadcast_in_dim3A_1528 : vector<120x1xi32> to vector<120x120xi32>
    %eq3A_1530 = arith.cmpi eq, %select_n3A_1525, %eq3A_1529 : vector<120x120xi32>
    %jit3A_1531 = arith.constant 2147483647 : i32
    %broadcast_in_dim3A_1532 = vector.broadcast %jit3A_1531 : i32 to vector<120x120xi32>
    %select_n3A_1533 = arith.select %eq3A_1530, %broadcast_in_dim3A_1532, %select_n3A_1525 : vector<120x120xi1>, vector<120x120xi32>
    %reduce_min3A_1534 = arith.constant dense<2147483647> : vector<120xi32>
    %reduce_min3A_1535 = vector.multi_reduction <minsi>, %select_n3A_1533, %reduce_min3A_1534 [1] : vector<120x120xi32> to vector<120xi32>
    %broadcast_in_dim3A_1536 = vector.shape_cast %reduce_min3A_1535 : vector<120xi32> to vector<120x1xi32>
    %eq3A_1537 = vector.broadcast %broadcast_in_dim3A_1536 : vector<120x1xi32> to vector<120x120xi32>
    %eq3A_1538 = arith.cmpi eq, %select_n3A_1533, %eq3A_1537 : vector<120x120xi32>
    %jit3A_1539 = arith.constant 2147483647 : i32
    %broadcast_in_dim3A_1540 = vector.broadcast %jit3A_1539 : i32 to vector<120x120xi32>
    %select_n3A_1541 = arith.select %eq3A_1538, %broadcast_in_dim3A_1540, %select_n3A_1533 : vector<120x120xi1>, vector<120x120xi32>
    %reduce_min3A_1542 = arith.constant dense<2147483647> : vector<120xi32>
    %reduce_min3A_1543 = vector.multi_reduction <minsi>, %select_n3A_1541, %reduce_min3A_1542 [1] : vector<120x120xi32> to vector<120xi32>
    %broadcast_in_dim3A_1544 = vector.shape_cast %reduce_min3A_1543 : vector<120xi32> to vector<120x1xi32>
    %eq3A_1545 = vector.broadcast %broadcast_in_dim3A_1544 : vector<120x1xi32> to vector<120x120xi32>
    %eq3A_1546 = arith.cmpi eq, %select_n3A_1541, %eq3A_1545 : vector<120x120xi32>
    %jit3A_1547 = arith.constant 2147483647 : i32
    %broadcast_in_dim3A_1548 = vector.broadcast %jit3A_1547 : i32 to vector<120x120xi32>
    %select_n3A_1549 = arith.select %eq3A_1546, %broadcast_in_dim3A_1548, %select_n3A_1541 : vector<120x120xi1>, vector<120x120xi32>
    %reduce_min3A_1550 = arith.constant dense<2147483647> : vector<120xi32>
    %reduce_min3A_1551 = vector.multi_reduction <minsi>, %select_n3A_1549, %reduce_min3A_1550 [1] : vector<120x120xi32> to vector<120xi32>
    %broadcast_in_dim3A_1552 = vector.shape_cast %reduce_min3A_1551 : vector<120xi32> to vector<120x1xi32>
    %eq3A_1553 = vector.broadcast %broadcast_in_dim3A_1552 : vector<120x1xi32> to vector<120x120xi32>
    %eq3A_1554 = arith.cmpi eq, %select_n3A_1549, %eq3A_1553 : vector<120x120xi32>
    %jit3A_1555 = arith.constant 2147483647 : i32
    %broadcast_in_dim3A_1556 = vector.broadcast %jit3A_1555 : i32 to vector<120x120xi32>
    %select_n3A_1557 = arith.select %eq3A_1554, %broadcast_in_dim3A_1556, %select_n3A_1549 : vector<120x120xi1>, vector<120x120xi32>
    %reduce_min3A_1558 = arith.constant dense<2147483647> : vector<120xi32>
    %reduce_min3A_1559 = vector.multi_reduction <minsi>, %select_n3A_1557, %reduce_min3A_1558 [1] : vector<120x120xi32> to vector<120xi32>
    %broadcast_in_dim3A_1560 = vector.shape_cast %reduce_min3A_1559 : vector<120xi32> to vector<120x1xi32>
    %eq3A_1561 = vector.broadcast %broadcast_in_dim3A_1560 : vector<120x1xi32> to vector<120x120xi32>
    %eq3A_1562 = arith.cmpi eq, %select_n3A_1557, %eq3A_1561 : vector<120x120xi32>
    %jit3A_1563 = arith.constant 2147483647 : i32
    %broadcast_in_dim3A_1564 = vector.broadcast %jit3A_1563 : i32 to vector<120x120xi32>
    %select_n3A_1565 = arith.select %eq3A_1562, %broadcast_in_dim3A_1564, %select_n3A_1557 : vector<120x120xi1>, vector<120x120xi32>
    %and3A_1566 = arith.constant 1023 : i32
    %and3A_1567 = vector.broadcast %and3A_1566 : i32 to vector<120x1xi32>
    %and3A_1568 = arith.andi %broadcast_in_dim3A_1560, %and3A_1567 : vector<120x1xi32>
    %reduce_min3A_1569 = arith.constant dense<2147483647> : vector<120xi32>
    %reduce_min3A_1570 = vector.multi_reduction <minsi>, %select_n3A_1565, %reduce_min3A_1569 [1] : vector<120x120xi32> to vector<120xi32>
    %broadcast_in_dim3A_1571 = vector.shape_cast %reduce_min3A_1570 : vector<120xi32> to vector<120x1xi32>
    %eq3A_1572 = vector.broadcast %broadcast_in_dim3A_1571 : vector<120x1xi32> to vector<120x120xi32>
    %eq3A_1573 = arith.cmpi eq, %select_n3A_1565, %eq3A_1572 : vector<120x120xi32>
    %jit3A_1574 = arith.constant 2147483647 : i32
    %broadcast_in_dim3A_1575 = vector.broadcast %jit3A_1574 : i32 to vector<120x120xi32>
    %select_n3A_1576 = arith.select %eq3A_1573, %broadcast_in_dim3A_1575, %select_n3A_1565 : vector<120x120xi1>, vector<120x120xi32>
    %reduce_min3A_1577 = arith.constant dense<2147483647> : vector<120xi32>
    %reduce_min3A_1578 = vector.multi_reduction <minsi>, %select_n3A_1576, %reduce_min3A_1577 [1] : vector<120x120xi32> to vector<120xi32>
    %broadcast_in_dim3A_1579 = vector.shape_cast %reduce_min3A_1578 : vector<120xi32> to vector<120x1xi32>
    %eq3A_1580 = vector.broadcast %broadcast_in_dim3A_1579 : vector<120x1xi32> to vector<120x120xi32>
    %eq3A_1581 = arith.cmpi eq, %select_n3A_1576, %eq3A_1580 : vector<120x120xi32>
    %jit3A_1582 = arith.constant 2147483647 : i32
    %broadcast_in_dim3A_1583 = vector.broadcast %jit3A_1582 : i32 to vector<120x120xi32>
    %select_n3A_1584 = arith.select %eq3A_1581, %broadcast_in_dim3A_1583, %select_n3A_1576 : vector<120x120xi1>, vector<120x120xi32>
    %reduce_min3A_1585 = arith.constant dense<2147483647> : vector<120xi32>
    %reduce_min3A_1586 = vector.multi_reduction <minsi>, %select_n3A_1584, %reduce_min3A_1585 [1] : vector<120x120xi32> to vector<120xi32>
    %broadcast_in_dim3A_1587 = vector.shape_cast %reduce_min3A_1586 : vector<120xi32> to vector<120x1xi32>
    %eq3A_1588 = vector.broadcast %broadcast_in_dim3A_1587 : vector<120x1xi32> to vector<120x120xi32>
    %eq3A_1589 = arith.cmpi eq, %select_n3A_1584, %eq3A_1588 : vector<120x120xi32>
    %jit3A_1590 = arith.constant 2147483647 : i32
    %broadcast_in_dim3A_1591 = vector.broadcast %jit3A_1590 : i32 to vector<120x120xi32>
    %select_n3A_1592 = arith.select %eq3A_1589, %broadcast_in_dim3A_1591, %select_n3A_1584 : vector<120x120xi1>, vector<120x120xi32>
    %reduce_min3A_1593 = arith.constant dense<2147483647> : vector<120xi32>
    %reduce_min3A_1594 = vector.multi_reduction <minsi>, %select_n3A_1592, %reduce_min3A_1593 [1] : vector<120x120xi32> to vector<120xi32>
    %broadcast_in_dim3A_1595 = vector.shape_cast %reduce_min3A_1594 : vector<120xi32> to vector<120x1xi32>
    %eq3A_1596 = vector.broadcast %broadcast_in_dim3A_1595 : vector<120x1xi32> to vector<120x120xi32>
    %eq3A_1597 = arith.cmpi eq, %select_n3A_1592, %eq3A_1596 : vector<120x120xi32>
    %jit3A_1598 = arith.constant 2147483647 : i32
    %broadcast_in_dim3A_1599 = vector.broadcast %jit3A_1598 : i32 to vector<120x120xi32>
    %select_n3A_1600 = arith.select %eq3A_1597, %broadcast_in_dim3A_1599, %select_n3A_1592 : vector<120x120xi1>, vector<120x120xi32>
    %reduce_min3A_1601 = arith.constant dense<2147483647> : vector<120xi32>
    %reduce_min3A_1602 = vector.multi_reduction <minsi>, %select_n3A_1600, %reduce_min3A_1601 [1] : vector<120x120xi32> to vector<120xi32>
    %broadcast_in_dim3A_1603 = vector.shape_cast %reduce_min3A_1602 : vector<120xi32> to vector<120x1xi32>
    %eq3A_1604 = vector.broadcast %broadcast_in_dim3A_1603 : vector<120x1xi32> to vector<120x120xi32>
    %eq3A_1605 = arith.cmpi eq, %select_n3A_1600, %eq3A_1604 : vector<120x120xi32>
    %jit3A_1606 = arith.constant 2147483647 : i32
    %broadcast_in_dim3A_1607 = vector.broadcast %jit3A_1606 : i32 to vector<120x120xi32>
    %select_n3A_1608 = arith.select %eq3A_1605, %broadcast_in_dim3A_1607, %select_n3A_1600 : vector<120x120xi1>, vector<120x120xi32>
    %reduce_min3A_1609 = arith.constant dense<2147483647> : vector<120xi32>
    %reduce_min3A_1610 = vector.multi_reduction <minsi>, %select_n3A_1608, %reduce_min3A_1609 [1] : vector<120x120xi32> to vector<120xi32>
    %broadcast_in_dim3A_1611 = vector.shape_cast %reduce_min3A_1610 : vector<120xi32> to vector<120x1xi32>
    %eq3A_1612 = vector.broadcast %broadcast_in_dim3A_1611 : vector<120x1xi32> to vector<120x120xi32>
    %eq3A_1613 = arith.cmpi eq, %select_n3A_1608, %eq3A_1612 : vector<120x120xi32>
    %jit3A_1614 = arith.constant 2147483647 : i32
    %broadcast_in_dim3A_1615 = vector.broadcast %jit3A_1614 : i32 to vector<120x120xi32>
    %select_n3A_1616 = arith.select %eq3A_1613, %broadcast_in_dim3A_1615, %select_n3A_1608 : vector<120x120xi1>, vector<120x120xi32>
    %and3A_1617 = arith.constant 1023 : i32
    %and3A_1618 = vector.broadcast %and3A_1617 : i32 to vector<120x1xi32>
    %and3A_1619 = arith.andi %broadcast_in_dim3A_1611, %and3A_1618 : vector<120x1xi32>
    %reduce_min3A_1620 = arith.constant dense<2147483647> : vector<120xi32>
    %reduce_min3A_1621 = vector.multi_reduction <minsi>, %select_n3A_1616, %reduce_min3A_1620 [1] : vector<120x120xi32> to vector<120xi32>
    %broadcast_in_dim3A_1622 = vector.shape_cast %reduce_min3A_1621 : vector<120xi32> to vector<120x1xi32>
    %eq3A_1623 = vector.broadcast %broadcast_in_dim3A_1622 : vector<120x1xi32> to vector<120x120xi32>
    %eq3A_1624 = arith.cmpi eq, %select_n3A_1616, %eq3A_1623 : vector<120x120xi32>
    %jit3A_1625 = arith.constant 2147483647 : i32
    %broadcast_in_dim3A_1626 = vector.broadcast %jit3A_1625 : i32 to vector<120x120xi32>
    %select_n3A_1627 = arith.select %eq3A_1624, %broadcast_in_dim3A_1626, %select_n3A_1616 : vector<120x120xi1>, vector<120x120xi32>
    %reduce_min3A_1628 = arith.constant dense<2147483647> : vector<120xi32>
    %reduce_min3A_1629 = vector.multi_reduction <minsi>, %select_n3A_1627, %reduce_min3A_1628 [1] : vector<120x120xi32> to vector<120xi32>
    %broadcast_in_dim3A_1630 = vector.shape_cast %reduce_min3A_1629 : vector<120xi32> to vector<120x1xi32>
    %eq3A_1631 = vector.broadcast %broadcast_in_dim3A_1630 : vector<120x1xi32> to vector<120x120xi32>
    %eq3A_1632 = arith.cmpi eq, %select_n3A_1627, %eq3A_1631 : vector<120x120xi32>
    %jit3A_1633 = arith.constant 2147483647 : i32
    %broadcast_in_dim3A_1634 = vector.broadcast %jit3A_1633 : i32 to vector<120x120xi32>
    %select_n3A_1635 = arith.select %eq3A_1632, %broadcast_in_dim3A_1634, %select_n3A_1627 : vector<120x120xi1>, vector<120x120xi32>
    %reduce_min3A_1636 = arith.constant dense<2147483647> : vector<120xi32>
    %reduce_min3A_1637 = vector.multi_reduction <minsi>, %select_n3A_1635, %reduce_min3A_1636 [1] : vector<120x120xi32> to vector<120xi32>
    %broadcast_in_dim3A_1638 = vector.shape_cast %reduce_min3A_1637 : vector<120xi32> to vector<120x1xi32>
    %eq3A_1639 = vector.broadcast %broadcast_in_dim3A_1638 : vector<120x1xi32> to vector<120x120xi32>
    %eq3A_1640 = arith.cmpi eq, %select_n3A_1635, %eq3A_1639 : vector<120x120xi32>
    %jit3A_1641 = arith.constant 2147483647 : i32
    %broadcast_in_dim3A_1642 = vector.broadcast %jit3A_1641 : i32 to vector<120x120xi32>
    %select_n3A_1643 = arith.select %eq3A_1640, %broadcast_in_dim3A_1642, %select_n3A_1635 : vector<120x120xi1>, vector<120x120xi32>
    %reduce_min3A_1644 = arith.constant dense<2147483647> : vector<120xi32>
    %reduce_min3A_1645 = vector.multi_reduction <minsi>, %select_n3A_1643, %reduce_min3A_1644 [1] : vector<120x120xi32> to vector<120xi32>
    %broadcast_in_dim3A_1646 = vector.shape_cast %reduce_min3A_1645 : vector<120xi32> to vector<120x1xi32>
    %eq3A_1647 = vector.broadcast %broadcast_in_dim3A_1646 : vector<120x1xi32> to vector<120x120xi32>
    %eq3A_1648 = arith.cmpi eq, %select_n3A_1643, %eq3A_1647 : vector<120x120xi32>
    %jit3A_1649 = arith.constant 2147483647 : i32
    %broadcast_in_dim3A_1650 = vector.broadcast %jit3A_1649 : i32 to vector<120x120xi32>
    %select_n3A_1651 = arith.select %eq3A_1648, %broadcast_in_dim3A_1650, %select_n3A_1643 : vector<120x120xi1>, vector<120x120xi32>
    %reduce_min3A_1652 = arith.constant dense<2147483647> : vector<120xi32>
    %reduce_min3A_1653 = vector.multi_reduction <minsi>, %select_n3A_1651, %reduce_min3A_1652 [1] : vector<120x120xi32> to vector<120xi32>
    %broadcast_in_dim3A_1654 = vector.shape_cast %reduce_min3A_1653 : vector<120xi32> to vector<120x1xi32>
    %eq3A_1655 = vector.broadcast %broadcast_in_dim3A_1654 : vector<120x1xi32> to vector<120x120xi32>
    %eq3A_1656 = arith.cmpi eq, %select_n3A_1651, %eq3A_1655 : vector<120x120xi32>
    %jit3A_1657 = arith.constant 2147483647 : i32
    %broadcast_in_dim3A_1658 = vector.broadcast %jit3A_1657 : i32 to vector<120x120xi32>
    %select_n3A_1659 = arith.select %eq3A_1656, %broadcast_in_dim3A_1658, %select_n3A_1651 : vector<120x120xi1>, vector<120x120xi32>
    %reduce_min3A_1660 = arith.constant dense<2147483647> : vector<120xi32>
    %reduce_min3A_1661 = vector.multi_reduction <minsi>, %select_n3A_1659, %reduce_min3A_1660 [1] : vector<120x120xi32> to vector<120xi32>
    %broadcast_in_dim3A_1662 = vector.shape_cast %reduce_min3A_1661 : vector<120xi32> to vector<120x1xi32>
    %and3A_1663 = arith.constant 1023 : i32
    %and3A_1664 = vector.broadcast %and3A_1663 : i32 to vector<120x1xi32>
    %and3A_1665 = arith.andi %broadcast_in_dim3A_1662, %and3A_1664 : vector<120x1xi32>
    %concatenate3A_1666 = tpu.concatenate %and3A_1109, %and3A_1160, %and3A_1211, %and3A_1262, %and3A_1313, %and3A_1364, %and3A_1415, %and3A_1466, %and3A_1517, %and3A_1568, %and3A_1619, %and3A_1665 in 1 : vector<120x1xi32>, vector<120x1xi32>, vector<120x1xi32>, vector<120x1xi32>, vector<120x1xi32>, vector<120x1xi32>, vector<120x1xi32>, vector<120x1xi32>, vector<120x1xi32>, vector<120x1xi32>, vector<120x1xi32>, vector<120x1xi32> -> vector<120x12xi32>
    %mul3A_1667 = arith.constant 120 : i32
    %mul3A_1668 = arith.muli %arg0, %mul3A_1667 : i32
    %add3A_1669 = vector.broadcast %mul3A_1668 : i32 to vector<120x12xi32>
    %add3A_1670 = arith.addi %concatenate3A_1666, %add3A_1669 : vector<120x12xi32>
    %swap3A_1671 = arith.constant 0 : index
    %swap3A_1672 = arith.constant 0 : index
    %swap3A_1673 = arith.constant 0 : index
    %swap3A_1674 = vector.load %arg9[%swap3A_1671, %swap3A_1672, %swap3A_1673] : memref<1x120x12xi32, #tpu.memory_space<vmem>>, vector<1x120x12xi32>
    %swap3A_1675 = vector.shape_cast %swap3A_1674 : vector<1x120x12xi32> to vector<120x12xi32>
    %swap3A_1676 = vector.shape_cast %add3A_1670 : vector<120x12xi32> to vector<1x120x12xi32>
    tpu.vector_store %arg9[%swap3A_1671, %swap3A_1672, %swap3A_1673], %swap3A_1676 {strides = array<i32>} : memref<1x120x12xi32, #tpu.memory_space<vmem>>, vector<1x120x12xi32>,
    return
  }
  func.func @transform_0(%arg0: i32) -> (i32, i32, i32) {
    %c0_i32 = arith.constant 0 : i32
    %c0_i32_0 = arith.constant 0 : i32
    %c0_i32_1 = arith.constant 0 : i32
    return %arg0, %c0_i32, %c0_i32_0 : i32, i32, i32
  }
  func.func @transform_1(%arg0: i32) -> (i32, i32, i32) {
    %c0_i32 = arith.constant 0 : i32
    %c0_i32_0 = arith.constant 0 : i32
    %c0_i32_1 = arith.constant 0 : i32
    return %arg0, %c0_i32, %c0_i32_0 : i32, i32, i32
  }
  func.func @transform_2(%arg0: i32) -> (i32, i32) {
    %c0_i32 = arith.constant 0 : i32
    %c0_i32_0 = arith.constant 0 : i32
    %c0_i32_1 = arith.constant 0 : i32
    return %c0_i32, %c0_i32_0 : i32, i32
  }
  func.func @transform_3(%arg0: i32) -> (i32, i32) {
    %c0_i32 = arith.constant 0 : i32
    %c0_i32_0 = arith.constant 0 : i32
    %c0_i32_1 = arith.constant 0 : i32
    return %c0_i32, %c0_i32_0 : i32, i32
  }
  func.func @transform_4(%arg0: i32) -> (i32, i32, i32) {
    %c0_i32 = arith.constant 0 : i32
    %c0_i32_0 = arith.constant 0 : i32
    %c0_i32_1 = arith.constant 0 : i32
    return %arg0, %c0_i32, %c0_i32_0 : i32, i32, i32
  }
  func.func @transform_5(%arg0: i32) -> (i32, i32, i32) {
    %c0_i32 = arith.constant 0 : i32
    %c0_i32_0 = arith.constant 0 : i32
    %c0_i32_1 = arith.constant 0 : i32
    return %arg0, %c0_i32, %c0_i32_0 : i32, i32, i32
  }
  func.func @transform_6(%arg0: i32) -> (i32, i32, i32) {
    %c0_i32 = arith.constant 0 : i32
    %c0_i32_0 = arith.constant 0 : i32
    %c0_i32_1 = arith.constant 0 : i32
    return %arg0, %c0_i32, %c0_i32_0 : i32, i32, i32
  }
  func.func @transform_7(%arg0: i32) -> (i32, i32, i32) {
    %c0_i32 = arith.constant 0 : i32
    %c0_i32_0 = arith.constant 0 : i32
    %c0_i32_1 = arith.constant 0 : i32
    return %arg0, %c0_i32, %c0_i32_0 : i32, i32, i32
  }
  func.func @transform_8(%arg0: i32) -> (i32, i32, i32) {
    %c0_i32 = arith.constant 0 : i32
    %c0_i32_0 = arith.constant 0 : i32
    %c0_i32_1 = arith.constant 0 : i32
    return %arg0, %c0_i32, %c0_i32_0 : i32, i32, i32
  }
}

module attributes {stable_mosaic.version = 14 : i64} {
  func.func @_tcx_body(%arg0: i32, %arg1: memref<1x8192x16xf32, #tpu.memory_space<vmem>>, %arg2: memref<1x1024x3xf32, #tpu.memory_space<vmem>>, %arg3: memref<3x8xf32, #tpu.memory_space<vmem>>, %arg4: memref<1x8xf32, #tpu.memory_space<vmem>>, %arg5: memref<8x8xf32, #tpu.memory_space<vmem>>, %arg6: memref<1x8xf32, #tpu.memory_space<vmem>>, %arg7: memref<24x64xf32, #tpu.memory_space<vmem>>, %arg8: memref<1x64xf32, #tpu.memory_space<vmem>>, %arg9: memref<64x64xf32, #tpu.memory_space<vmem>>, %arg10: memref<1x64xf32, #tpu.memory_space<vmem>>, %arg11: memref<64x64xf32, #tpu.memory_space<vmem>>, %arg12: memref<1x64xf32, #tpu.memory_space<vmem>>, %arg13: memref<64x768xf32, #tpu.memory_space<vmem>>, %arg14: memref<1x96xf32, #tpu.memory_space<vmem>>, %arg15: memref<96x32xf32, #tpu.memory_space<vmem>>, %arg16: memref<1x16xf32, #tpu.memory_space<vmem>>, %arg17: memref<32x32xf32, #tpu.memory_space<vmem>>, %arg18: memref<1x32xf32, #tpu.memory_space<vmem>>, %arg19: memref<1x1024x48xf32, #tpu.memory_space<vmem>>) attributes {dimension_semantics = [#tpu.dimension_semantics<arbitrary>], iteration_bounds = array<i64: 16>, scalar_prefetch = 0 : i64, scratch_operands = 0 : i64, tpu.core_type = #tpu.core_type<tc>, window_params = [{transform_indices = @transform_0, window_bounds = array<i64: 1, 8192, 16>}, {transform_indices = @transform_1, window_bounds = array<i64: 1, 1024, 3>}, {pipeline_mode = #tpu.pipeline_mode<synchronous>, transform_indices = @transform_2, window_bounds = array<i64: 3, 8>}, {pipeline_mode = #tpu.pipeline_mode<synchronous>, transform_indices = @transform_3, window_bounds = array<i64: 1, 8>}, {pipeline_mode = #tpu.pipeline_mode<synchronous>, transform_indices = @transform_4, window_bounds = array<i64: 8, 8>}, {pipeline_mode = #tpu.pipeline_mode<synchronous>, transform_indices = @transform_5, window_bounds = array<i64: 1, 8>}, {pipeline_mode = #tpu.pipeline_mode<synchronous>, transform_indices = @transform_6, window_bounds = array<i64: 24, 64>}, {pipeline_mode = #tpu.pipeline_mode<synchronous>, transform_indices = @transform_7, window_bounds = array<i64: 1, 64>}, {pipeline_mode = #tpu.pipeline_mode<synchronous>, transform_indices = @transform_8, window_bounds = array<i64: 64, 64>}, {pipeline_mode = #tpu.pipeline_mode<synchronous>, transform_indices = @transform_9, window_bounds = array<i64: 1, 64>}, {pipeline_mode = #tpu.pipeline_mode<synchronous>, transform_indices = @transform_10, window_bounds = array<i64: 64, 64>}, {pipeline_mode = #tpu.pipeline_mode<synchronous>, transform_indices = @transform_11, window_bounds = array<i64: 1, 64>}, {pipeline_mode = #tpu.pipeline_mode<synchronous>, transform_indices = @transform_12, window_bounds = array<i64: 64, 768>}, {pipeline_mode = #tpu.pipeline_mode<synchronous>, transform_indices = @transform_13, window_bounds = array<i64: 1, 96>}, {pipeline_mode = #tpu.pipeline_mode<synchronous>, transform_indices = @transform_14, window_bounds = array<i64: 96, 32>}, {pipeline_mode = #tpu.pipeline_mode<synchronous>, transform_indices = @transform_15, window_bounds = array<i64: 1, 16>}, {pipeline_mode = #tpu.pipeline_mode<synchronous>, transform_indices = @transform_16, window_bounds = array<i64: 32, 32>}, {pipeline_mode = #tpu.pipeline_mode<synchronous>, transform_indices = @transform_17, window_bounds = array<i64: 1, 32>}, {transform_indices = @transform_18, window_bounds = array<i64: 1, 1024, 48>}]} {
    %get3A = arith.constant 0 : index
    %get3A_0 = arith.constant 0 : index
    %get3A_1 = vector.load %arg3[%get3A, %get3A_0] : memref<3x8xf32, #tpu.memory_space<vmem>>, vector<3x8xf32>
    %get3A_2 = arith.constant 0 : index
    %get3A_3 = arith.constant 0 : index
    %get3A_4 = vector.load %arg4[%get3A_2, %get3A_3] : memref<1x8xf32, #tpu.memory_space<vmem>>, vector<1x8xf32>
    %get3A_5 = arith.constant 0 : index
    %get3A_6 = arith.constant 0 : index
    %get3A_7 = vector.load %arg5[%get3A_5, %get3A_6] : memref<8x8xf32, #tpu.memory_space<vmem>>, vector<8x8xf32>
    %get3A_8 = arith.constant 0 : index
    %get3A_9 = arith.constant 0 : index
    %get3A_10 = vector.load %arg6[%get3A_8, %get3A_9] : memref<1x8xf32, #tpu.memory_space<vmem>>, vector<1x8xf32>
    %get3A_11 = arith.constant 0 : index
    %get3A_12 = arith.constant 0 : index
    %get3A_13 = vector.load %arg7[%get3A_11, %get3A_12] : memref<24x64xf32, #tpu.memory_space<vmem>>, vector<24x64xf32>
    %get3A_14 = arith.constant 0 : index
    %get3A_15 = arith.constant 0 : index
    %get3A_16 = vector.load %arg8[%get3A_14, %get3A_15] : memref<1x64xf32, #tpu.memory_space<vmem>>, vector<1x64xf32>
    %get3A_17 = arith.constant 0 : index
    %get3A_18 = arith.constant 0 : index
    %get3A_19 = vector.load %arg9[%get3A_17, %get3A_18] : memref<64x64xf32, #tpu.memory_space<vmem>>, vector<64x64xf32>
    %get3A_20 = arith.constant 0 : index
    %get3A_21 = arith.constant 0 : index
    %get3A_22 = vector.load %arg10[%get3A_20, %get3A_21] : memref<1x64xf32, #tpu.memory_space<vmem>>, vector<1x64xf32>
    %get3A_23 = arith.constant 0 : index
    %get3A_24 = arith.constant 0 : index
    %get3A_25 = vector.load %arg11[%get3A_23, %get3A_24] : memref<64x64xf32, #tpu.memory_space<vmem>>, vector<64x64xf32>
    %get3A_26 = arith.constant 0 : index
    %get3A_27 = arith.constant 0 : index
    %get3A_28 = vector.load %arg12[%get3A_26, %get3A_27] : memref<1x64xf32, #tpu.memory_space<vmem>>, vector<1x64xf32>
    %get3A_29 = arith.constant 0 : index
    %get3A_30 = arith.constant 0 : index
    %get3A_31 = vector.load %arg13[%get3A_29, %get3A_30] : memref<64x768xf32, #tpu.memory_space<vmem>>, vector<64x768xf32>
    %get3A_32 = arith.constant 0 : index
    %get3A_33 = arith.constant 0 : index
    %get3A_34 = vector.load %arg14[%get3A_32, %get3A_33] : memref<1x96xf32, #tpu.memory_space<vmem>>, vector<1x96xf32>
    %get3A_35 = arith.constant 0 : index
    %get3A_36 = arith.constant 0 : index
    %get3A_37 = vector.load %arg15[%get3A_35, %get3A_36] : memref<96x32xf32, #tpu.memory_space<vmem>>, vector<96x32xf32>
    %get3A_38 = arith.constant 0 : index
    %get3A_39 = arith.constant 0 : index
    %get3A_40 = vector.load %arg16[%get3A_38, %get3A_39] : memref<1x16xf32, #tpu.memory_space<vmem>>, vector<1x16xf32>
    %get3A_41 = arith.constant 0 : index
    %get3A_42 = arith.constant 0 : index
    %get3A_43 = arith.constant 0 : index
    %get3A_44 = vector.load %arg1[%get3A_41, %get3A_42, %get3A_43] : memref<1x8192x16xf32, #tpu.memory_space<vmem>>, vector<1x8192x16xf32>
    %get3A_45 = vector.shape_cast %get3A_44 : vector<1x8192x16xf32> to vector<8192x16xf32>
    %get3A_46 = arith.constant 0 : index
    %get3A_47 = arith.constant 0 : index
    %get3A_48 = arith.constant 0 : index
    %get3A_49 = vector.load %arg2[%get3A_46, %get3A_47, %get3A_48] : memref<1x1024x3xf32, #tpu.memory_space<vmem>>, vector<1x1024x3xf32>
    %get3A_50 = vector.shape_cast %get3A_49 : vector<1x1024x3xf32> to vector<1024x3xf32>
    %broadcast_in_dim3A = vector.shape_cast %get3A_50 : vector<1024x3xf32> to vector<1x1024x3xf32>
    %broadcast_in_dim3A_51 = vector.shape_cast %broadcast_in_dim3A : vector<1x1024x3xf32> to vector<1x1024x3xf32>
    %broadcast_in_dim3A_52 = vector.broadcast %broadcast_in_dim3A_51 : vector<1x1024x3xf32> to vector<8x1024x3xf32>
    %reshape3A = vector.shape_cast %broadcast_in_dim3A_52 : vector<8x1024x3xf32> to vector<8192x3xf32>
    %slice3A = vector.extract_strided_slice %get3A_45 {offsets = [0, 0], sizes = [8192, 3], strides = [1, 1]} : vector<8192x16xf32> to vector<8192x3xf32>
    %sub3A = arith.subf %slice3A, %reshape3A : vector<8192x3xf32>
    %dot_general3A = arith.constant dense<0.000000e+00> : vector<8192x8xf32>
    %dot_general3A_53 = tpu.matmul %sub3A, %get3A_1, %dot_general3A {dimension_numbers = #tpu.dot_dimension_numbers<[1], [0], [0], [1], [0, 0, 1, 1], [], []>, transpose_lhs_hint = false} : vector<8192x3xf32>, vector<3x8xf32>, vector<8192x8xf32> -> vector<8192x8xf32>
    %add3A = vector.broadcast %get3A_4 : vector<1x8xf32> to vector<8192x8xf32>
    %add3A_54 = arith.addf %dot_general3A_53, %add3A : vector<8192x8xf32>
    %gt3A = arith.constant 0.000000e+00 : f32
    %gt3A_55 = vector.broadcast %gt3A : f32 to vector<8192x8xf32>
    %gt3A_56 = arith.cmpf ogt, %add3A_54, %gt3A_55 : vector<8192x8xf32>
    %exp3A = math.exp %add3A_54 : vector<8192x8xf32>
    %sub3A_57 = arith.constant 1.000000e+00 : f32
    %sub3A_58 = vector.broadcast %sub3A_57 : f32 to vector<8192x8xf32>
    %sub3A_59 = arith.subf %exp3A, %sub3A_58 : vector<8192x8xf32>
    %select_n3A = arith.select %gt3A_56, %add3A_54, %sub3A_59 : vector<8192x8xi1>, vector<8192x8xf32>
    %dot_general3A_60 = arith.constant dense<0.000000e+00> : vector<8192x8xf32>
    %dot_general3A_61 = tpu.matmul %select_n3A, %get3A_7, %dot_general3A_60 {dimension_numbers = #tpu.dot_dimension_numbers<[1], [0], [0], [1], [0, 0, 1, 1], [], []>, transpose_lhs_hint = false} : vector<8192x8xf32>, vector<8x8xf32>, vector<8192x8xf32> -> vector<8192x8xf32>
    %add3A_62 = vector.broadcast %get3A_10 : vector<1x8xf32> to vector<8192x8xf32>
    %add3A_63 = arith.addf %dot_general3A_61, %add3A_62 : vector<8192x8xf32>
    %gt3A_64 = arith.constant 0.000000e+00 : f32
    %gt3A_65 = vector.broadcast %gt3A_64 : f32 to vector<8192x8xf32>
    %gt3A_66 = arith.cmpf ogt, %add3A_63, %gt3A_65 : vector<8192x8xf32>
    %exp3A_67 = math.exp %add3A_63 : vector<8192x8xf32>
    %sub3A_68 = arith.constant 1.000000e+00 : f32
    %sub3A_69 = vector.broadcast %sub3A_68 : f32 to vector<8192x8xf32>
    %sub3A_70 = arith.subf %exp3A_67, %sub3A_69 : vector<8192x8xf32>
    %select_n3A_71 = arith.select %gt3A_66, %add3A_63, %sub3A_70 : vector<8192x8xi1>, vector<8192x8xf32>
    %gt3A_72 = arith.constant 0.000000e+00 : f32
    %gt3A_73 = vector.broadcast %gt3A_72 : f32 to vector<1x16xf32>
    %gt3A_74 = arith.cmpf ogt, %get3A_40, %gt3A_73 : vector<1x16xf32>
    %exp3A_75 = math.exp %get3A_40 : vector<1x16xf32>
    %sub3A_76 = arith.constant 1.000000e+00 : f32
    %sub3A_77 = vector.broadcast %sub3A_76 : f32 to vector<1x16xf32>
    %sub3A_78 = arith.subf %exp3A_75, %sub3A_77 : vector<1x16xf32>
    %select_n3A_79 = arith.select %gt3A_74, %get3A_40, %sub3A_78 : vector<1x16xi1>, vector<1x16xf32>
    %broadcast_in_dim3A_80 = vector.shape_cast %select_n3A_79 : vector<1x16xf32> to vector<1x16xf32>
    %broadcast_in_dim3A_81 = vector.broadcast %broadcast_in_dim3A_80 : vector<1x16xf32> to vector<1024x16xf32>
    %slice3A_82 = vector.extract_strided_slice %select_n3A_71 {offsets = [0, 0], sizes = [1024, 8], strides = [1, 1]} : vector<8192x8xf32> to vector<1024x8xf32>
    %concatenate3A = tpu.concatenate %slice3A_82, %broadcast_in_dim3A_81 in 1 : vector<1024x8xf32>, vector<1024x16xf32> -> vector<1024x24xf32>
    %gt3A_83 = arith.constant 0.000000e+00 : f32
    %gt3A_84 = vector.broadcast %gt3A_83 : f32 to vector<1x16xf32>
    %gt3A_85 = arith.cmpf ogt, %get3A_40, %gt3A_84 : vector<1x16xf32>
    %exp3A_86 = math.exp %get3A_40 : vector<1x16xf32>
    %sub3A_87 = arith.constant 1.000000e+00 : f32
    %sub3A_88 = vector.broadcast %sub3A_87 : f32 to vector<1x16xf32>
    %sub3A_89 = arith.subf %exp3A_86, %sub3A_88 : vector<1x16xf32>
    %select_n3A_90 = arith.select %gt3A_85, %get3A_40, %sub3A_89 : vector<1x16xi1>, vector<1x16xf32>
    %broadcast_in_dim3A_91 = vector.shape_cast %select_n3A_90 : vector<1x16xf32> to vector<1x16xf32>
    %broadcast_in_dim3A_92 = vector.broadcast %broadcast_in_dim3A_91 : vector<1x16xf32> to vector<1024x16xf32>
    %slice3A_93 = vector.extract_strided_slice %select_n3A_71 {offsets = [1024, 0], sizes = [1024, 8], strides = [1, 1]} : vector<8192x8xf32> to vector<1024x8xf32>
    %concatenate3A_94 = tpu.concatenate %slice3A_93, %broadcast_in_dim3A_92 in 1 : vector<1024x8xf32>, vector<1024x16xf32> -> vector<1024x24xf32>
    %gt3A_95 = arith.constant 0.000000e+00 : f32
    %gt3A_96 = vector.broadcast %gt3A_95 : f32 to vector<1x16xf32>
    %gt3A_97 = arith.cmpf ogt, %get3A_40, %gt3A_96 : vector<1x16xf32>
    %exp3A_98 = math.exp %get3A_40 : vector<1x16xf32>
    %sub3A_99 = arith.constant 1.000000e+00 : f32
    %sub3A_100 = vector.broadcast %sub3A_99 : f32 to vector<1x16xf32>
    %sub3A_101 = arith.subf %exp3A_98, %sub3A_100 : vector<1x16xf32>
    %select_n3A_102 = arith.select %gt3A_97, %get3A_40, %sub3A_101 : vector<1x16xi1>, vector<1x16xf32>
    %broadcast_in_dim3A_103 = vector.shape_cast %select_n3A_102 : vector<1x16xf32> to vector<1x16xf32>
    %broadcast_in_dim3A_104 = vector.broadcast %broadcast_in_dim3A_103 : vector<1x16xf32> to vector<1024x16xf32>
    %slice3A_105 = vector.extract_strided_slice %select_n3A_71 {offsets = [2048, 0], sizes = [1024, 8], strides = [1, 1]} : vector<8192x8xf32> to vector<1024x8xf32>
    %concatenate3A_106 = tpu.concatenate %slice3A_105, %broadcast_in_dim3A_104 in 1 : vector<1024x8xf32>, vector<1024x16xf32> -> vector<1024x24xf32>
    %gt3A_107 = arith.constant 0.000000e+00 : f32
    %gt3A_108 = vector.broadcast %gt3A_107 : f32 to vector<1x16xf32>
    %gt3A_109 = arith.cmpf ogt, %get3A_40, %gt3A_108 : vector<1x16xf32>
    %exp3A_110 = math.exp %get3A_40 : vector<1x16xf32>
    %sub3A_111 = arith.constant 1.000000e+00 : f32
    %sub3A_112 = vector.broadcast %sub3A_111 : f32 to vector<1x16xf32>
    %sub3A_113 = arith.subf %exp3A_110, %sub3A_112 : vector<1x16xf32>
    %select_n3A_114 = arith.select %gt3A_109, %get3A_40, %sub3A_113 : vector<1x16xi1>, vector<1x16xf32>
    %broadcast_in_dim3A_115 = vector.shape_cast %select_n3A_114 : vector<1x16xf32> to vector<1x16xf32>
    %broadcast_in_dim3A_116 = vector.broadcast %broadcast_in_dim3A_115 : vector<1x16xf32> to vector<1024x16xf32>
    %slice3A_117 = vector.extract_strided_slice %select_n3A_71 {offsets = [3072, 0], sizes = [1024, 8], strides = [1, 1]} : vector<8192x8xf32> to vector<1024x8xf32>
    %concatenate3A_118 = tpu.concatenate %slice3A_117, %broadcast_in_dim3A_116 in 1 : vector<1024x8xf32>, vector<1024x16xf32> -> vector<1024x24xf32>
    %gt3A_119 = arith.constant 0.000000e+00 : f32
    %gt3A_120 = vector.broadcast %gt3A_119 : f32 to vector<1x16xf32>
    %gt3A_121 = arith.cmpf ogt, %get3A_40, %gt3A_120 : vector<1x16xf32>
    %exp3A_122 = math.exp %get3A_40 : vector<1x16xf32>
    %sub3A_123 = arith.constant 1.000000e+00 : f32
    %sub3A_124 = vector.broadcast %sub3A_123 : f32 to vector<1x16xf32>
    %sub3A_125 = arith.subf %exp3A_122, %sub3A_124 : vector<1x16xf32>
    %select_n3A_126 = arith.select %gt3A_121, %get3A_40, %sub3A_125 : vector<1x16xi1>, vector<1x16xf32>
    %broadcast_in_dim3A_127 = vector.shape_cast %select_n3A_126 : vector<1x16xf32> to vector<1x16xf32>
    %broadcast_in_dim3A_128 = vector.broadcast %broadcast_in_dim3A_127 : vector<1x16xf32> to vector<1024x16xf32>
    %slice3A_129 = vector.extract_strided_slice %select_n3A_71 {offsets = [4096, 0], sizes = [1024, 8], strides = [1, 1]} : vector<8192x8xf32> to vector<1024x8xf32>
    %concatenate3A_130 = tpu.concatenate %slice3A_129, %broadcast_in_dim3A_128 in 1 : vector<1024x8xf32>, vector<1024x16xf32> -> vector<1024x24xf32>
    %gt3A_131 = arith.constant 0.000000e+00 : f32
    %gt3A_132 = vector.broadcast %gt3A_131 : f32 to vector<1x16xf32>
    %gt3A_133 = arith.cmpf ogt, %get3A_40, %gt3A_132 : vector<1x16xf32>
    %exp3A_134 = math.exp %get3A_40 : vector<1x16xf32>
    %sub3A_135 = arith.constant 1.000000e+00 : f32
    %sub3A_136 = vector.broadcast %sub3A_135 : f32 to vector<1x16xf32>
    %sub3A_137 = arith.subf %exp3A_134, %sub3A_136 : vector<1x16xf32>
    %select_n3A_138 = arith.select %gt3A_133, %get3A_40, %sub3A_137 : vector<1x16xi1>, vector<1x16xf32>
    %broadcast_in_dim3A_139 = vector.shape_cast %select_n3A_138 : vector<1x16xf32> to vector<1x16xf32>
    %broadcast_in_dim3A_140 = vector.broadcast %broadcast_in_dim3A_139 : vector<1x16xf32> to vector<1024x16xf32>
    %slice3A_141 = vector.extract_strided_slice %select_n3A_71 {offsets = [5120, 0], sizes = [1024, 8], strides = [1, 1]} : vector<8192x8xf32> to vector<1024x8xf32>
    %concatenate3A_142 = tpu.concatenate %slice3A_141, %broadcast_in_dim3A_140 in 1 : vector<1024x8xf32>, vector<1024x16xf32> -> vector<1024x24xf32>
    %gt3A_143 = arith.constant 0.000000e+00 : f32
    %gt3A_144 = vector.broadcast %gt3A_143 : f32 to vector<1x16xf32>
    %gt3A_145 = arith.cmpf ogt, %get3A_40, %gt3A_144 : vector<1x16xf32>
    %exp3A_146 = math.exp %get3A_40 : vector<1x16xf32>
    %sub3A_147 = arith.constant 1.000000e+00 : f32
    %sub3A_148 = vector.broadcast %sub3A_147 : f32 to vector<1x16xf32>
    %sub3A_149 = arith.subf %exp3A_146, %sub3A_148 : vector<1x16xf32>
    %select_n3A_150 = arith.select %gt3A_145, %get3A_40, %sub3A_149 : vector<1x16xi1>, vector<1x16xf32>
    %broadcast_in_dim3A_151 = vector.shape_cast %select_n3A_150 : vector<1x16xf32> to vector<1x16xf32>
    %broadcast_in_dim3A_152 = vector.broadcast %broadcast_in_dim3A_151 : vector<1x16xf32> to vector<1024x16xf32>
    %slice3A_153 = vector.extract_strided_slice %select_n3A_71 {offsets = [6144, 0], sizes = [1024, 8], strides = [1, 1]} : vector<8192x8xf32> to vector<1024x8xf32>
    %concatenate3A_154 = tpu.concatenate %slice3A_153, %broadcast_in_dim3A_152 in 1 : vector<1024x8xf32>, vector<1024x16xf32> -> vector<1024x24xf32>
    %gt3A_155 = arith.constant 0.000000e+00 : f32
    %gt3A_156 = vector.broadcast %gt3A_155 : f32 to vector<1x16xf32>
    %gt3A_157 = arith.cmpf ogt, %get3A_40, %gt3A_156 : vector<1x16xf32>
    %exp3A_158 = math.exp %get3A_40 : vector<1x16xf32>
    %sub3A_159 = arith.constant 1.000000e+00 : f32
    %sub3A_160 = vector.broadcast %sub3A_159 : f32 to vector<1x16xf32>
    %sub3A_161 = arith.subf %exp3A_158, %sub3A_160 : vector<1x16xf32>
    %select_n3A_162 = arith.select %gt3A_157, %get3A_40, %sub3A_161 : vector<1x16xi1>, vector<1x16xf32>
    %broadcast_in_dim3A_163 = vector.shape_cast %select_n3A_162 : vector<1x16xf32> to vector<1x16xf32>
    %broadcast_in_dim3A_164 = vector.broadcast %broadcast_in_dim3A_163 : vector<1x16xf32> to vector<1024x16xf32>
    %slice3A_165 = vector.extract_strided_slice %select_n3A_71 {offsets = [7168, 0], sizes = [1024, 8], strides = [1, 1]} : vector<8192x8xf32> to vector<1024x8xf32>
    %concatenate3A_166 = tpu.concatenate %slice3A_165, %broadcast_in_dim3A_164 in 1 : vector<1024x8xf32>, vector<1024x16xf32> -> vector<1024x24xf32>
    %slice3A_167 = vector.extract_strided_slice %sub3A {offsets = [0, 0], sizes = [1024, 3], strides = [1, 1]} : vector<8192x3xf32> to vector<1024x3xf32>
    %slice3A_168 = vector.extract_strided_slice %sub3A {offsets = [1024, 0], sizes = [1024, 3], strides = [1, 1]} : vector<8192x3xf32> to vector<1024x3xf32>
    %slice3A_169 = vector.extract_strided_slice %sub3A {offsets = [2048, 0], sizes = [1024, 3], strides = [1, 1]} : vector<8192x3xf32> to vector<1024x3xf32>
    %slice3A_170 = vector.extract_strided_slice %sub3A {offsets = [3072, 0], sizes = [1024, 3], strides = [1, 1]} : vector<8192x3xf32> to vector<1024x3xf32>
    %slice3A_171 = vector.extract_strided_slice %sub3A {offsets = [4096, 0], sizes = [1024, 3], strides = [1, 1]} : vector<8192x3xf32> to vector<1024x3xf32>
    %slice3A_172 = vector.extract_strided_slice %sub3A {offsets = [5120, 0], sizes = [1024, 3], strides = [1, 1]} : vector<8192x3xf32> to vector<1024x3xf32>
    %slice3A_173 = vector.extract_strided_slice %sub3A {offsets = [6144, 0], sizes = [1024, 3], strides = [1, 1]} : vector<8192x3xf32> to vector<1024x3xf32>
    %slice3A_174 = vector.extract_strided_slice %sub3A {offsets = [7168, 0], sizes = [1024, 3], strides = [1, 1]} : vector<8192x3xf32> to vector<1024x3xf32>
    %concatenate3A_175 = tpu.concatenate %slice3A_167, %slice3A_168, %slice3A_169, %slice3A_170, %slice3A_171, %slice3A_172, %slice3A_173, %slice3A_174 in 1 : vector<1024x3xf32>, vector<1024x3xf32>, vector<1024x3xf32>, vector<1024x3xf32>, vector<1024x3xf32>, vector<1024x3xf32>, vector<1024x3xf32>, vector<1024x3xf32> -> vector<1024x24xf32>
    %dot_general3A_176 = arith.constant dense<0.000000e+00> : vector<1024x64xf32>
    %dot_general3A_177 = tpu.matmul %concatenate3A_175, %get3A_13, %dot_general3A_176 {dimension_numbers = #tpu.dot_dimension_numbers<[1], [0], [0], [1], [0, 0, 1, 1], [], []>, transpose_lhs_hint = false} : vector<1024x24xf32>, vector<24x64xf32>, vector<1024x64xf32> -> vector<1024x64xf32>
    %add3A_178 = vector.broadcast %get3A_16 : vector<1x64xf32> to vector<1024x64xf32>
    %add3A_179 = arith.addf %dot_general3A_177, %add3A_178 : vector<1024x64xf32>
    %gt3A_180 = arith.constant 0.000000e+00 : f32
    %gt3A_181 = vector.broadcast %gt3A_180 : f32 to vector<1024x64xf32>
    %gt3A_182 = arith.cmpf ogt, %add3A_179, %gt3A_181 : vector<1024x64xf32>
    %exp3A_183 = math.exp %add3A_179 : vector<1024x64xf32>
    %sub3A_184 = arith.constant 1.000000e+00 : f32
    %sub3A_185 = vector.broadcast %sub3A_184 : f32 to vector<1024x64xf32>
    %sub3A_186 = arith.subf %exp3A_183, %sub3A_185 : vector<1024x64xf32>
    %select_n3A_187 = arith.select %gt3A_182, %add3A_179, %sub3A_186 : vector<1024x64xi1>, vector<1024x64xf32>
    %dot_general3A_188 = arith.constant dense<0.000000e+00> : vector<1024x64xf32>
    %dot_general3A_189 = tpu.matmul %select_n3A_187, %get3A_19, %dot_general3A_188 {dimension_numbers = #tpu.dot_dimension_numbers<[1], [0], [0], [1], [0, 0, 1, 1], [], []>, transpose_lhs_hint = false} : vector<1024x64xf32>, vector<64x64xf32>, vector<1024x64xf32> -> vector<1024x64xf32>
    %add3A_190 = vector.broadcast %get3A_22 : vector<1x64xf32> to vector<1024x64xf32>
    %add3A_191 = arith.addf %dot_general3A_189, %add3A_190 : vector<1024x64xf32>
    %gt3A_192 = arith.constant 0.000000e+00 : f32
    %gt3A_193 = vector.broadcast %gt3A_192 : f32 to vector<1024x64xf32>
    %gt3A_194 = arith.cmpf ogt, %add3A_191, %gt3A_193 : vector<1024x64xf32>
    %exp3A_195 = math.exp %add3A_191 : vector<1024x64xf32>
    %sub3A_196 = arith.constant 1.000000e+00 : f32
    %sub3A_197 = vector.broadcast %sub3A_196 : f32 to vector<1024x64xf32>
    %sub3A_198 = arith.subf %exp3A_195, %sub3A_197 : vector<1024x64xf32>
    %select_n3A_199 = arith.select %gt3A_194, %add3A_191, %sub3A_198 : vector<1024x64xi1>, vector<1024x64xf32>
    %dot_general3A_200 = arith.constant dense<0.000000e+00> : vector<1024x64xf32>
    %dot_general3A_201 = tpu.matmul %select_n3A_199, %get3A_25, %dot_general3A_200 {dimension_numbers = #tpu.dot_dimension_numbers<[1], [0], [0], [1], [0, 0, 1, 1], [], []>, transpose_lhs_hint = false} : vector<1024x64xf32>, vector<64x64xf32>, vector<1024x64xf32> -> vector<1024x64xf32>
    %add3A_202 = vector.broadcast %get3A_28 : vector<1x64xf32> to vector<1024x64xf32>
    %add3A_203 = arith.addf %dot_general3A_201, %add3A_202 : vector<1024x64xf32>
    %dot_general3A_204 = arith.constant dense<0.000000e+00> : vector<1024x768xf32>
    %dot_general3A_205 = tpu.matmul %add3A_203, %get3A_31, %dot_general3A_204 {dimension_numbers = #tpu.dot_dimension_numbers<[1], [0], [0], [1], [0, 0, 1, 1], [], []>, transpose_lhs_hint = false} : vector<1024x64xf32>, vector<64x768xf32>, vector<1024x768xf32> -> vector<1024x768xf32>
    %slice3A_206 = vector.extract_strided_slice %dot_general3A_205 {offsets = [0, 0], sizes = [1024, 24], strides = [1, 1]} : vector<1024x768xf32> to vector<1024x24xf32>
    %mul3A = arith.mulf %slice3A_206, %concatenate3A : vector<1024x24xf32>
    %slice3A_207 = vector.extract_strided_slice %dot_general3A_205 {offsets = [0, 24], sizes = [1024, 24], strides = [1, 1]} : vector<1024x768xf32> to vector<1024x24xf32>
    %mul3A_208 = arith.mulf %slice3A_207, %concatenate3A_94 : vector<1024x24xf32>
    %add3A_209 = arith.addf %mul3A, %mul3A_208 : vector<1024x24xf32>
    %slice3A_210 = vector.extract_strided_slice %dot_general3A_205 {offsets = [0, 48], sizes = [1024, 24], strides = [1, 1]} : vector<1024x768xf32> to vector<1024x24xf32>
    %mul3A_211 = arith.mulf %slice3A_210, %concatenate3A_106 : vector<1024x24xf32>
    %add3A_212 = arith.addf %add3A_209, %mul3A_211 : vector<1024x24xf32>
    %slice3A_213 = vector.extract_strided_slice %dot_general3A_205 {offsets = [0, 72], sizes = [1024, 24], strides = [1, 1]} : vector<1024x768xf32> to vector<1024x24xf32>
    %mul3A_214 = arith.mulf %slice3A_213, %concatenate3A_118 : vector<1024x24xf32>
    %add3A_215 = arith.addf %add3A_212, %mul3A_214 : vector<1024x24xf32>
    %slice3A_216 = vector.extract_strided_slice %dot_general3A_205 {offsets = [0, 96], sizes = [1024, 24], strides = [1, 1]} : vector<1024x768xf32> to vector<1024x24xf32>
    %mul3A_217 = arith.mulf %slice3A_216, %concatenate3A_130 : vector<1024x24xf32>
    %add3A_218 = arith.addf %add3A_215, %mul3A_217 : vector<1024x24xf32>
    %slice3A_219 = vector.extract_strided_slice %dot_general3A_205 {offsets = [0, 120], sizes = [1024, 24], strides = [1, 1]} : vector<1024x768xf32> to vector<1024x24xf32>
    %mul3A_220 = arith.mulf %slice3A_219, %concatenate3A_142 : vector<1024x24xf32>
    %add3A_221 = arith.addf %add3A_218, %mul3A_220 : vector<1024x24xf32>
    %slice3A_222 = vector.extract_strided_slice %dot_general3A_205 {offsets = [0, 144], sizes = [1024, 24], strides = [1, 1]} : vector<1024x768xf32> to vector<1024x24xf32>
    %mul3A_223 = arith.mulf %slice3A_222, %concatenate3A_154 : vector<1024x24xf32>
    %add3A_224 = arith.addf %add3A_221, %mul3A_223 : vector<1024x24xf32>
    %slice3A_225 = vector.extract_strided_slice %dot_general3A_205 {offsets = [0, 168], sizes = [1024, 24], strides = [1, 1]} : vector<1024x768xf32> to vector<1024x24xf32>
    %mul3A_226 = arith.mulf %slice3A_225, %concatenate3A_166 : vector<1024x24xf32>
    %add3A_227 = arith.addf %add3A_224, %mul3A_226 : vector<1024x24xf32>
    %slice3A_228 = vector.extract_strided_slice %dot_general3A_205 {offsets = [0, 192], sizes = [1024, 24], strides = [1, 1]} : vector<1024x768xf32> to vector<1024x24xf32>
    %mul3A_229 = arith.mulf %slice3A_228, %concatenate3A : vector<1024x24xf32>
    %slice3A_230 = vector.extract_strided_slice %dot_general3A_205 {offsets = [0, 216], sizes = [1024, 24], strides = [1, 1]} : vector<1024x768xf32> to vector<1024x24xf32>
    %mul3A_231 = arith.mulf %slice3A_230, %concatenate3A_94 : vector<1024x24xf32>
    %add3A_232 = arith.addf %mul3A_229, %mul3A_231 : vector<1024x24xf32>
    %slice3A_233 = vector.extract_strided_slice %dot_general3A_205 {offsets = [0, 240], sizes = [1024, 24], strides = [1, 1]} : vector<1024x768xf32> to vector<1024x24xf32>
    %mul3A_234 = arith.mulf %slice3A_233, %concatenate3A_106 : vector<1024x24xf32>
    %add3A_235 = arith.addf %add3A_232, %mul3A_234 : vector<1024x24xf32>
    %slice3A_236 = vector.extract_strided_slice %dot_general3A_205 {offsets = [0, 264], sizes = [1024, 24], strides = [1, 1]} : vector<1024x768xf32> to vector<1024x24xf32>
    %mul3A_237 = arith.mulf %slice3A_236, %concatenate3A_118 : vector<1024x24xf32>
    %add3A_238 = arith.addf %add3A_235, %mul3A_237 : vector<1024x24xf32>
    %slice3A_239 = vector.extract_strided_slice %dot_general3A_205 {offsets = [0, 288], sizes = [1024, 24], strides = [1, 1]} : vector<1024x768xf32> to vector<1024x24xf32>
    %mul3A_240 = arith.mulf %slice3A_239, %concatenate3A_130 : vector<1024x24xf32>
    %add3A_241 = arith.addf %add3A_238, %mul3A_240 : vector<1024x24xf32>
    %slice3A_242 = vector.extract_strided_slice %dot_general3A_205 {offsets = [0, 312], sizes = [1024, 24], strides = [1, 1]} : vector<1024x768xf32> to vector<1024x24xf32>
    %mul3A_243 = arith.mulf %slice3A_242, %concatenate3A_142 : vector<1024x24xf32>
    %add3A_244 = arith.addf %add3A_241, %mul3A_243 : vector<1024x24xf32>
    %slice3A_245 = vector.extract_strided_slice %dot_general3A_205 {offsets = [0, 336], sizes = [1024, 24], strides = [1, 1]} : vector<1024x768xf32> to vector<1024x24xf32>
    %mul3A_246 = arith.mulf %slice3A_245, %concatenate3A_154 : vector<1024x24xf32>
    %add3A_247 = arith.addf %add3A_244, %mul3A_246 : vector<1024x24xf32>
    %slice3A_248 = vector.extract_strided_slice %dot_general3A_205 {offsets = [0, 360], sizes = [1024, 24], strides = [1, 1]} : vector<1024x768xf32> to vector<1024x24xf32>
    %mul3A_249 = arith.mulf %slice3A_248, %concatenate3A_166 : vector<1024x24xf32>
    %add3A_250 = arith.addf %add3A_247, %mul3A_249 : vector<1024x24xf32>
    %slice3A_251 = vector.extract_strided_slice %dot_general3A_205 {offsets = [0, 384], sizes = [1024, 24], strides = [1, 1]} : vector<1024x768xf32> to vector<1024x24xf32>
    %mul3A_252 = arith.mulf %slice3A_251, %concatenate3A : vector<1024x24xf32>
    %slice3A_253 = vector.extract_strided_slice %dot_general3A_205 {offsets = [0, 408], sizes = [1024, 24], strides = [1, 1]} : vector<1024x768xf32> to vector<1024x24xf32>
    %mul3A_254 = arith.mulf %slice3A_253, %concatenate3A_94 : vector<1024x24xf32>
    %add3A_255 = arith.addf %mul3A_252, %mul3A_254 : vector<1024x24xf32>
    %slice3A_256 = vector.extract_strided_slice %dot_general3A_205 {offsets = [0, 432], sizes = [1024, 24], strides = [1, 1]} : vector<1024x768xf32> to vector<1024x24xf32>
    %mul3A_257 = arith.mulf %slice3A_256, %concatenate3A_106 : vector<1024x24xf32>
    %add3A_258 = arith.addf %add3A_255, %mul3A_257 : vector<1024x24xf32>
    %slice3A_259 = vector.extract_strided_slice %dot_general3A_205 {offsets = [0, 456], sizes = [1024, 24], strides = [1, 1]} : vector<1024x768xf32> to vector<1024x24xf32>
    %mul3A_260 = arith.mulf %slice3A_259, %concatenate3A_118 : vector<1024x24xf32>
    %add3A_261 = arith.addf %add3A_258, %mul3A_260 : vector<1024x24xf32>
    %slice3A_262 = vector.extract_strided_slice %dot_general3A_205 {offsets = [0, 480], sizes = [1024, 24], strides = [1, 1]} : vector<1024x768xf32> to vector<1024x24xf32>
    %mul3A_263 = arith.mulf %slice3A_262, %concatenate3A_130 : vector<1024x24xf32>
    %add3A_264 = arith.addf %add3A_261, %mul3A_263 : vector<1024x24xf32>
    %slice3A_265 = vector.extract_strided_slice %dot_general3A_205 {offsets = [0, 504], sizes = [1024, 24], strides = [1, 1]} : vector<1024x768xf32> to vector<1024x24xf32>
    %mul3A_266 = arith.mulf %slice3A_265, %concatenate3A_142 : vector<1024x24xf32>
    %add3A_267 = arith.addf %add3A_264, %mul3A_266 : vector<1024x24xf32>
    %slice3A_268 = vector.extract_strided_slice %dot_general3A_205 {offsets = [0, 528], sizes = [1024, 24], strides = [1, 1]} : vector<1024x768xf32> to vector<1024x24xf32>
    %mul3A_269 = arith.mulf %slice3A_268, %concatenate3A_154 : vector<1024x24xf32>
    %add3A_270 = arith.addf %add3A_267, %mul3A_269 : vector<1024x24xf32>
    %slice3A_271 = vector.extract_strided_slice %dot_general3A_205 {offsets = [0, 552], sizes = [1024, 24], strides = [1, 1]} : vector<1024x768xf32> to vector<1024x24xf32>
    %mul3A_272 = arith.mulf %slice3A_271, %concatenate3A_166 : vector<1024x24xf32>
    %add3A_273 = arith.addf %add3A_270, %mul3A_272 : vector<1024x24xf32>
    %slice3A_274 = vector.extract_strided_slice %dot_general3A_205 {offsets = [0, 576], sizes = [1024, 24], strides = [1, 1]} : vector<1024x768xf32> to vector<1024x24xf32>
    %mul3A_275 = arith.mulf %slice3A_274, %concatenate3A : vector<1024x24xf32>
    %slice3A_276 = vector.extract_strided_slice %dot_general3A_205 {offsets = [0, 600], sizes = [1024, 24], strides = [1, 1]} : vector<1024x768xf32> to vector<1024x24xf32>
    %mul3A_277 = arith.mulf %slice3A_276, %concatenate3A_94 : vector<1024x24xf32>
    %add3A_278 = arith.addf %mul3A_275, %mul3A_277 : vector<1024x24xf32>
    %slice3A_279 = vector.extract_strided_slice %dot_general3A_205 {offsets = [0, 624], sizes = [1024, 24], strides = [1, 1]} : vector<1024x768xf32> to vector<1024x24xf32>
    %mul3A_280 = arith.mulf %slice3A_279, %concatenate3A_106 : vector<1024x24xf32>
    %add3A_281 = arith.addf %add3A_278, %mul3A_280 : vector<1024x24xf32>
    %slice3A_282 = vector.extract_strided_slice %dot_general3A_205 {offsets = [0, 648], sizes = [1024, 24], strides = [1, 1]} : vector<1024x768xf32> to vector<1024x24xf32>
    %mul3A_283 = arith.mulf %slice3A_282, %concatenate3A_118 : vector<1024x24xf32>
    %add3A_284 = arith.addf %add3A_281, %mul3A_283 : vector<1024x24xf32>
    %slice3A_285 = vector.extract_strided_slice %dot_general3A_205 {offsets = [0, 672], sizes = [1024, 24], strides = [1, 1]} : vector<1024x768xf32> to vector<1024x24xf32>
    %mul3A_286 = arith.mulf %slice3A_285, %concatenate3A_130 : vector<1024x24xf32>
    %add3A_287 = arith.addf %add3A_284, %mul3A_286 : vector<1024x24xf32>
    %slice3A_288 = vector.extract_strided_slice %dot_general3A_205 {offsets = [0, 696], sizes = [1024, 24], strides = [1, 1]} : vector<1024x768xf32> to vector<1024x24xf32>
    %mul3A_289 = arith.mulf %slice3A_288, %concatenate3A_142 : vector<1024x24xf32>
    %add3A_290 = arith.addf %add3A_287, %mul3A_289 : vector<1024x24xf32>
    %slice3A_291 = vector.extract_strided_slice %dot_general3A_205 {offsets = [0, 720], sizes = [1024, 24], strides = [1, 1]} : vector<1024x768xf32> to vector<1024x24xf32>
    %mul3A_292 = arith.mulf %slice3A_291, %concatenate3A_154 : vector<1024x24xf32>
    %add3A_293 = arith.addf %add3A_290, %mul3A_292 : vector<1024x24xf32>
    %slice3A_294 = vector.extract_strided_slice %dot_general3A_205 {offsets = [0, 744], sizes = [1024, 24], strides = [1, 1]} : vector<1024x768xf32> to vector<1024x24xf32>
    %mul3A_295 = arith.mulf %slice3A_294, %concatenate3A_166 : vector<1024x24xf32>
    %add3A_296 = arith.addf %add3A_293, %mul3A_295 : vector<1024x24xf32>
    %concatenate3A_297 = tpu.concatenate %add3A_227, %add3A_250, %add3A_273, %add3A_296 in 1 : vector<1024x24xf32>, vector<1024x24xf32>, vector<1024x24xf32>, vector<1024x24xf32> -> vector<1024x96xf32>
    %add3A_298 = vector.broadcast %get3A_34 : vector<1x96xf32> to vector<1024x96xf32>
    %add3A_299 = arith.addf %concatenate3A_297, %add3A_298 : vector<1024x96xf32>
    %dot_general3A_300 = arith.constant dense<0.000000e+00> : vector<1024x32xf32>
    %dot_general3A_301 = tpu.matmul %add3A_299, %get3A_37, %dot_general3A_300 {dimension_numbers = #tpu.dot_dimension_numbers<[1], [0], [0], [1], [0, 0, 1, 1], [], []>, transpose_lhs_hint = false} : vector<1024x96xf32>, vector<96x32xf32>, vector<1024x32xf32> -> vector<1024x32xf32>
    %gt3A_302 = arith.constant 0.000000e+00 : f32
    %gt3A_303 = vector.broadcast %gt3A_302 : f32 to vector<1024x32xf32>
    %gt3A_304 = arith.cmpf ogt, %dot_general3A_301, %gt3A_303 : vector<1024x32xf32>
    %exp3A_305 = math.exp %dot_general3A_301 : vector<1024x32xf32>
    %sub3A_306 = arith.constant 1.000000e+00 : f32
    %sub3A_307 = vector.broadcast %sub3A_306 : f32 to vector<1024x32xf32>
    %sub3A_308 = arith.subf %exp3A_305, %sub3A_307 : vector<1024x32xf32>
    %select_n3A_309 = arith.select %gt3A_304, %dot_general3A_301, %sub3A_308 : vector<1024x32xi1>, vector<1024x32xf32>
    %get3A_310 = arith.constant 0 : index
    %get3A_311 = arith.constant 0 : index
    %get3A_312 = vector.load %arg17[%get3A_310, %get3A_311] : memref<32x32xf32, #tpu.memory_space<vmem>>, vector<32x32xf32>
    %get3A_313 = arith.constant 0 : index
    %get3A_314 = arith.constant 0 : index
    %get3A_315 = vector.load %arg18[%get3A_313, %get3A_314] : memref<1x32xf32, #tpu.memory_space<vmem>>, vector<1x32xf32>
    %dot_general3A_316 = arith.constant dense<0.000000e+00> : vector<1024x32xf32>
    %dot_general3A_317 = tpu.matmul %select_n3A_309, %get3A_312, %dot_general3A_316 {dimension_numbers = #tpu.dot_dimension_numbers<[1], [0], [0], [1], [0, 0, 1, 1], [], []>, transpose_lhs_hint = false} : vector<1024x32xf32>, vector<32x32xf32>, vector<1024x32xf32> -> vector<1024x32xf32>
    %add3A_318 = vector.broadcast %get3A_315 : vector<1x32xf32> to vector<1024x32xf32>
    %add3A_319 = arith.addf %dot_general3A_317, %add3A_318 : vector<1024x32xf32>
    %gt3A_320 = arith.constant 0.000000e+00 : f32
    %gt3A_321 = vector.broadcast %gt3A_320 : f32 to vector<1024x32xf32>
    %gt3A_322 = arith.cmpf ogt, %add3A_319, %gt3A_321 : vector<1024x32xf32>
    %exp3A_323 = math.exp %add3A_319 : vector<1024x32xf32>
    %sub3A_324 = arith.constant 1.000000e+00 : f32
    %sub3A_325 = vector.broadcast %sub3A_324 : f32 to vector<1024x32xf32>
    %sub3A_326 = arith.subf %exp3A_323, %sub3A_325 : vector<1024x32xf32>
    %select_n3A_327 = arith.select %gt3A_322, %add3A_319, %sub3A_326 : vector<1024x32xi1>, vector<1024x32xf32>
    %broadcast_in_dim3A_328 = arith.constant 0.000000e+00 : f32
    %broadcast_in_dim3A_329 = vector.broadcast %broadcast_in_dim3A_328 : f32 to vector<1024x13xf32>
    %concatenate3A_330 = tpu.concatenate %get3A_50, %select_n3A_327, %broadcast_in_dim3A_329 in 1 : vector<1024x3xf32>, vector<1024x32xf32>, vector<1024x13xf32> -> vector<1024x48xf32>
    %swap3A = arith.constant 0 : index
    %swap3A_331 = arith.constant 0 : index
    %swap3A_332 = arith.constant 0 : index
    %swap3A_333 = vector.load %arg19[%swap3A, %swap3A_331, %swap3A_332] : memref<1x1024x48xf32, #tpu.memory_space<vmem>>, vector<1x1024x48xf32>
    %swap3A_334 = vector.shape_cast %swap3A_333 : vector<1x1024x48xf32> to vector<1024x48xf32>
    %swap3A_335 = vector.shape_cast %concatenate3A_330 : vector<1024x48xf32> to vector<1x1024x48xf32>
    tpu.vector_store %arg19[%swap3A, %swap3A_331, %swap3A_332], %swap3A_335 {strides = array<i32>} : memref<1x1024x48xf32, #tpu.memory_space<vmem>>, vector<1x1024x48xf32>,
    return
  }
  func.func @transform_0(%arg0: i32) -> (i32, i32, i32) {
    %c0_i32 = arith.constant 0 : i32
    %c0_i32_0 = arith.constant 0 : i32
    %c0_i32_1 = arith.constant 0 : i32
    return %arg0, %c0_i32, %c0_i32_0 : i32, i32, i32
  }
  func.func @transform_1(%arg0: i32) -> (i32, i32, i32) {
    %c0_i32 = arith.constant 0 : i32
    %c0_i32_0 = arith.constant 0 : i32
    %c0_i32_1 = arith.constant 0 : i32
    return %arg0, %c0_i32, %c0_i32_0 : i32, i32, i32
  }
  func.func @transform_2(%arg0: i32) -> (i32, i32) {
    %c0_i32 = arith.constant 0 : i32
    %c0_i32_0 = arith.constant 0 : i32
    %c0_i32_1 = arith.constant 0 : i32
    return %c0_i32, %c0_i32_0 : i32, i32
  }
  func.func @transform_3(%arg0: i32) -> (i32, i32) {
    %c0_i32 = arith.constant 0 : i32
    %c0_i32_0 = arith.constant 0 : i32
    %c0_i32_1 = arith.constant 0 : i32
    return %c0_i32, %c0_i32_0 : i32, i32
  }
  func.func @transform_4(%arg0: i32) -> (i32, i32) {
    %c0_i32 = arith.constant 0 : i32
    %c0_i32_0 = arith.constant 0 : i32
    %c0_i32_1 = arith.constant 0 : i32
    return %c0_i32, %c0_i32_0 : i32, i32
  }
  func.func @transform_5(%arg0: i32) -> (i32, i32) {
    %c0_i32 = arith.constant 0 : i32
    %c0_i32_0 = arith.constant 0 : i32
    %c0_i32_1 = arith.constant 0 : i32
    return %c0_i32, %c0_i32_0 : i32, i32
  }
  func.func @transform_6(%arg0: i32) -> (i32, i32) {
    %c0_i32 = arith.constant 0 : i32
    %c0_i32_0 = arith.constant 0 : i32
    %c0_i32_1 = arith.constant 0 : i32
    return %c0_i32, %c0_i32_0 : i32, i32
  }
  func.func @transform_7(%arg0: i32) -> (i32, i32) {
    %c0_i32 = arith.constant 0 : i32
    %c0_i32_0 = arith.constant 0 : i32
    %c0_i32_1 = arith.constant 0 : i32
    return %c0_i32, %c0_i32_0 : i32, i32
  }
  func.func @transform_8(%arg0: i32) -> (i32, i32) {
    %c0_i32 = arith.constant 0 : i32
    %c0_i32_0 = arith.constant 0 : i32
    %c0_i32_1 = arith.constant 0 : i32
    return %c0_i32, %c0_i32_0 : i32, i32
  }
  func.func @transform_9(%arg0: i32) -> (i32, i32) {
    %c0_i32 = arith.constant 0 : i32
    %c0_i32_0 = arith.constant 0 : i32
    %c0_i32_1 = arith.constant 0 : i32
    return %c0_i32, %c0_i32_0 : i32, i32
  }
  func.func @transform_10(%arg0: i32) -> (i32, i32) {
    %c0_i32 = arith.constant 0 : i32
    %c0_i32_0 = arith.constant 0 : i32
    %c0_i32_1 = arith.constant 0 : i32
    return %c0_i32, %c0_i32_0 : i32, i32
  }
  func.func @transform_11(%arg0: i32) -> (i32, i32) {
    %c0_i32 = arith.constant 0 : i32
    %c0_i32_0 = arith.constant 0 : i32
    %c0_i32_1 = arith.constant 0 : i32
    return %c0_i32, %c0_i32_0 : i32, i32
  }
  func.func @transform_12(%arg0: i32) -> (i32, i32) {
    %c0_i32 = arith.constant 0 : i32
    %c0_i32_0 = arith.constant 0 : i32
    %c0_i32_1 = arith.constant 0 : i32
    return %c0_i32, %c0_i32_0 : i32, i32
  }
  func.func @transform_13(%arg0: i32) -> (i32, i32) {
    %c0_i32 = arith.constant 0 : i32
    %c0_i32_0 = arith.constant 0 : i32
    %c0_i32_1 = arith.constant 0 : i32
    return %c0_i32, %c0_i32_0 : i32, i32
  }
  func.func @transform_14(%arg0: i32) -> (i32, i32) {
    %c0_i32 = arith.constant 0 : i32
    %c0_i32_0 = arith.constant 0 : i32
    %c0_i32_1 = arith.constant 0 : i32
    return %c0_i32, %c0_i32_0 : i32, i32
  }
  func.func @transform_15(%arg0: i32) -> (i32, i32) {
    %c0_i32 = arith.constant 0 : i32
    %c0_i32_0 = arith.constant 0 : i32
    %c0_i32_1 = arith.constant 0 : i32
    return %c0_i32, %c0_i32_0 : i32, i32
  }
  func.func @transform_16(%arg0: i32) -> (i32, i32) {
    %c0_i32 = arith.constant 0 : i32
    %c0_i32_0 = arith.constant 0 : i32
    %c0_i32_1 = arith.constant 0 : i32
    return %c0_i32, %c0_i32_0 : i32, i32
  }
  func.func @transform_17(%arg0: i32) -> (i32, i32) {
    %c0_i32 = arith.constant 0 : i32
    %c0_i32_0 = arith.constant 0 : i32
    %c0_i32_1 = arith.constant 0 : i32
    return %c0_i32, %c0_i32_0 : i32, i32
  }
  func.func @transform_18(%arg0: i32) -> (i32, i32, i32) {
    %c0_i32 = arith.constant 0 : i32
    %c0_i32_0 = arith.constant 0 : i32
    %c0_i32_1 = arith.constant 0 : i32
    return %arg0, %c0_i32, %c0_i32_0 : i32, i32, i32
  }
}

module attributes {stable_mosaic.version = 14 : i64} {
  func.func @_tcx_body(%arg0: i32, %arg1: memref<1x8192x48xf32, #tpu.memory_space<vmem>>, %arg2: memref<1x1024x3xf32, #tpu.memory_space<vmem>>, %arg3: memref<3x16xf32, #tpu.memory_space<vmem>>, %arg4: memref<1x16xf32, #tpu.memory_space<vmem>>, %arg5: memref<16x16xf32, #tpu.memory_space<vmem>>, %arg6: memref<1x16xf32, #tpu.memory_space<vmem>>, %arg7: memref<24x64xf32, #tpu.memory_space<vmem>>, %arg8: memref<1x64xf32, #tpu.memory_space<vmem>>, %arg9: memref<64x64xf32, #tpu.memory_space<vmem>>, %arg10: memref<1x64xf32, #tpu.memory_space<vmem>>, %arg11: memref<64x64xf32, #tpu.memory_space<vmem>>, %arg12: memref<1x64xf32, #tpu.memory_space<vmem>>, %arg13: memref<64x768xf32, #tpu.memory_space<vmem>>, %arg14: memref<1x96xf32, #tpu.memory_space<vmem>>, %arg15: memref<96x64xf32, #tpu.memory_space<vmem>>, %arg16: memref<64x48xf32, #tpu.memory_space<vmem>>, %arg17: memref<1x48xf32, #tpu.memory_space<vmem>>, %arg18: memref<1x1024x64xf32, #tpu.memory_space<vmem>>) attributes {dimension_semantics = [#tpu.dimension_semantics<arbitrary>], iteration_bounds = array<i64: 16>, scalar_prefetch = 0 : i64, scratch_operands = 0 : i64, tpu.core_type = #tpu.core_type<tc>, window_params = [{transform_indices = @transform_0, window_bounds = array<i64: 1, 8192, 48>}, {transform_indices = @transform_1, window_bounds = array<i64: 1, 1024, 3>}, {pipeline_mode = #tpu.pipeline_mode<synchronous>, transform_indices = @transform_2, window_bounds = array<i64: 3, 16>}, {pipeline_mode = #tpu.pipeline_mode<synchronous>, transform_indices = @transform_3, window_bounds = array<i64: 1, 16>}, {pipeline_mode = #tpu.pipeline_mode<synchronous>, transform_indices = @transform_4, window_bounds = array<i64: 16, 16>}, {pipeline_mode = #tpu.pipeline_mode<synchronous>, transform_indices = @transform_5, window_bounds = array<i64: 1, 16>}, {pipeline_mode = #tpu.pipeline_mode<synchronous>, transform_indices = @transform_6, window_bounds = array<i64: 24, 64>}, {pipeline_mode = #tpu.pipeline_mode<synchronous>, transform_indices = @transform_7, window_bounds = array<i64: 1, 64>}, {pipeline_mode = #tpu.pipeline_mode<synchronous>, transform_indices = @transform_8, window_bounds = array<i64: 64, 64>}, {pipeline_mode = #tpu.pipeline_mode<synchronous>, transform_indices = @transform_9, window_bounds = array<i64: 1, 64>}, {pipeline_mode = #tpu.pipeline_mode<synchronous>, transform_indices = @transform_10, window_bounds = array<i64: 64, 64>}, {pipeline_mode = #tpu.pipeline_mode<synchronous>, transform_indices = @transform_11, window_bounds = array<i64: 1, 64>}, {pipeline_mode = #tpu.pipeline_mode<synchronous>, transform_indices = @transform_12, window_bounds = array<i64: 64, 768>}, {pipeline_mode = #tpu.pipeline_mode<synchronous>, transform_indices = @transform_13, window_bounds = array<i64: 1, 96>}, {pipeline_mode = #tpu.pipeline_mode<synchronous>, transform_indices = @transform_14, window_bounds = array<i64: 96, 64>}, {pipeline_mode = #tpu.pipeline_mode<synchronous>, transform_indices = @transform_15, window_bounds = array<i64: 64, 48>}, {pipeline_mode = #tpu.pipeline_mode<synchronous>, transform_indices = @transform_16, window_bounds = array<i64: 1, 48>}, {transform_indices = @transform_17, window_bounds = array<i64: 1, 1024, 64>}]} {
    %get3A = arith.constant 0 : index
    %get3A_0 = arith.constant 0 : index
    %get3A_1 = vector.load %arg3[%get3A, %get3A_0] : memref<3x16xf32, #tpu.memory_space<vmem>>, vector<3x16xf32>
    %get3A_2 = arith.constant 0 : index
    %get3A_3 = arith.constant 0 : index
    %get3A_4 = vector.load %arg4[%get3A_2, %get3A_3] : memref<1x16xf32, #tpu.memory_space<vmem>>, vector<1x16xf32>
    %get3A_5 = arith.constant 0 : index
    %get3A_6 = arith.constant 0 : index
    %get3A_7 = vector.load %arg5[%get3A_5, %get3A_6] : memref<16x16xf32, #tpu.memory_space<vmem>>, vector<16x16xf32>
    %get3A_8 = arith.constant 0 : index
    %get3A_9 = arith.constant 0 : index
    %get3A_10 = vector.load %arg6[%get3A_8, %get3A_9] : memref<1x16xf32, #tpu.memory_space<vmem>>, vector<1x16xf32>
    %get3A_11 = arith.constant 0 : index
    %get3A_12 = arith.constant 0 : index
    %get3A_13 = vector.load %arg7[%get3A_11, %get3A_12] : memref<24x64xf32, #tpu.memory_space<vmem>>, vector<24x64xf32>
    %get3A_14 = arith.constant 0 : index
    %get3A_15 = arith.constant 0 : index
    %get3A_16 = vector.load %arg8[%get3A_14, %get3A_15] : memref<1x64xf32, #tpu.memory_space<vmem>>, vector<1x64xf32>
    %get3A_17 = arith.constant 0 : index
    %get3A_18 = arith.constant 0 : index
    %get3A_19 = vector.load %arg9[%get3A_17, %get3A_18] : memref<64x64xf32, #tpu.memory_space<vmem>>, vector<64x64xf32>
    %get3A_20 = arith.constant 0 : index
    %get3A_21 = arith.constant 0 : index
    %get3A_22 = vector.load %arg10[%get3A_20, %get3A_21] : memref<1x64xf32, #tpu.memory_space<vmem>>, vector<1x64xf32>
    %get3A_23 = arith.constant 0 : index
    %get3A_24 = arith.constant 0 : index
    %get3A_25 = vector.load %arg11[%get3A_23, %get3A_24] : memref<64x64xf32, #tpu.memory_space<vmem>>, vector<64x64xf32>
    %get3A_26 = arith.constant 0 : index
    %get3A_27 = arith.constant 0 : index
    %get3A_28 = vector.load %arg12[%get3A_26, %get3A_27] : memref<1x64xf32, #tpu.memory_space<vmem>>, vector<1x64xf32>
    %get3A_29 = arith.constant 0 : index
    %get3A_30 = arith.constant 0 : index
    %get3A_31 = vector.load %arg13[%get3A_29, %get3A_30] : memref<64x768xf32, #tpu.memory_space<vmem>>, vector<64x768xf32>
    %get3A_32 = arith.constant 0 : index
    %get3A_33 = arith.constant 0 : index
    %get3A_34 = vector.load %arg14[%get3A_32, %get3A_33] : memref<1x96xf32, #tpu.memory_space<vmem>>, vector<1x96xf32>
    %get3A_35 = arith.constant 0 : index
    %get3A_36 = arith.constant 0 : index
    %get3A_37 = vector.load %arg15[%get3A_35, %get3A_36] : memref<96x64xf32, #tpu.memory_space<vmem>>, vector<96x64xf32>
    %get3A_38 = arith.constant 0 : index
    %get3A_39 = arith.constant 0 : index
    %get3A_40 = arith.constant 0 : index
    %get3A_41 = vector.load %arg1[%get3A_38, %get3A_39, %get3A_40] : memref<1x8192x48xf32, #tpu.memory_space<vmem>>, vector<1x8192x48xf32>
    %get3A_42 = vector.shape_cast %get3A_41 : vector<1x8192x48xf32> to vector<8192x48xf32>
    %get3A_43 = arith.constant 0 : index
    %get3A_44 = arith.constant 0 : index
    %get3A_45 = arith.constant 0 : index
    %get3A_46 = vector.load %arg2[%get3A_43, %get3A_44, %get3A_45] : memref<1x1024x3xf32, #tpu.memory_space<vmem>>, vector<1x1024x3xf32>
    %get3A_47 = vector.shape_cast %get3A_46 : vector<1x1024x3xf32> to vector<1024x3xf32>
    %broadcast_in_dim3A = vector.shape_cast %get3A_47 : vector<1024x3xf32> to vector<1x1024x3xf32>
    %broadcast_in_dim3A_48 = vector.shape_cast %broadcast_in_dim3A : vector<1x1024x3xf32> to vector<1x1024x3xf32>
    %broadcast_in_dim3A_49 = vector.broadcast %broadcast_in_dim3A_48 : vector<1x1024x3xf32> to vector<8x1024x3xf32>
    %reshape3A = vector.shape_cast %broadcast_in_dim3A_49 : vector<8x1024x3xf32> to vector<8192x3xf32>
    %slice3A = vector.extract_strided_slice %get3A_42 {offsets = [0, 0], sizes = [8192, 3], strides = [1, 1]} : vector<8192x48xf32> to vector<8192x3xf32>
    %sub3A = arith.subf %slice3A, %reshape3A : vector<8192x3xf32>
    %dot_general3A = arith.constant dense<0.000000e+00> : vector<8192x16xf32>
    %dot_general3A_50 = tpu.matmul %sub3A, %get3A_1, %dot_general3A {dimension_numbers = #tpu.dot_dimension_numbers<[1], [0], [0], [1], [0, 0, 1, 1], [], []>, transpose_lhs_hint = false} : vector<8192x3xf32>, vector<3x16xf32>, vector<8192x16xf32> -> vector<8192x16xf32>
    %add3A = vector.broadcast %get3A_4 : vector<1x16xf32> to vector<8192x16xf32>
    %add3A_51 = arith.addf %dot_general3A_50, %add3A : vector<8192x16xf32>
    %gt3A = arith.constant 0.000000e+00 : f32
    %gt3A_52 = vector.broadcast %gt3A : f32 to vector<8192x16xf32>
    %gt3A_53 = arith.cmpf ogt, %add3A_51, %gt3A_52 : vector<8192x16xf32>
    %exp3A = math.exp %add3A_51 : vector<8192x16xf32>
    %sub3A_54 = arith.constant 1.000000e+00 : f32
    %sub3A_55 = vector.broadcast %sub3A_54 : f32 to vector<8192x16xf32>
    %sub3A_56 = arith.subf %exp3A, %sub3A_55 : vector<8192x16xf32>
    %select_n3A = arith.select %gt3A_53, %add3A_51, %sub3A_56 : vector<8192x16xi1>, vector<8192x16xf32>
    %dot_general3A_57 = arith.constant dense<0.000000e+00> : vector<8192x16xf32>
    %dot_general3A_58 = tpu.matmul %select_n3A, %get3A_7, %dot_general3A_57 {dimension_numbers = #tpu.dot_dimension_numbers<[1], [0], [0], [1], [0, 0, 1, 1], [], []>, transpose_lhs_hint = false} : vector<8192x16xf32>, vector<16x16xf32>, vector<8192x16xf32> -> vector<8192x16xf32>
    %add3A_59 = vector.broadcast %get3A_10 : vector<1x16xf32> to vector<8192x16xf32>
    %add3A_60 = arith.addf %dot_general3A_58, %add3A_59 : vector<8192x16xf32>
    %gt3A_61 = arith.constant 0.000000e+00 : f32
    %gt3A_62 = vector.broadcast %gt3A_61 : f32 to vector<8192x16xf32>
    %gt3A_63 = arith.cmpf ogt, %add3A_60, %gt3A_62 : vector<8192x16xf32>
    %exp3A_64 = math.exp %add3A_60 : vector<8192x16xf32>
    %sub3A_65 = arith.constant 1.000000e+00 : f32
    %sub3A_66 = vector.broadcast %sub3A_65 : f32 to vector<8192x16xf32>
    %sub3A_67 = arith.subf %exp3A_64, %sub3A_66 : vector<8192x16xf32>
    %select_n3A_68 = arith.select %gt3A_63, %add3A_60, %sub3A_67 : vector<8192x16xi1>, vector<8192x16xf32>
    %slice3A_69 = vector.extract_strided_slice %get3A_42 {offsets = [0, 3], sizes = [1024, 32], strides = [1, 1]} : vector<8192x48xf32> to vector<1024x32xf32>
    %slice3A_70 = vector.extract_strided_slice %select_n3A_68 {offsets = [0, 0], sizes = [1024, 16], strides = [1, 1]} : vector<8192x16xf32> to vector<1024x16xf32>
    %concatenate3A = tpu.concatenate %slice3A_70, %slice3A_69 in 1 : vector<1024x16xf32>, vector<1024x32xf32> -> vector<1024x48xf32>
    %slice3A_71 = vector.extract_strided_slice %get3A_42 {offsets = [1024, 3], sizes = [1024, 32], strides = [1, 1]} : vector<8192x48xf32> to vector<1024x32xf32>
    %slice3A_72 = vector.extract_strided_slice %select_n3A_68 {offsets = [1024, 0], sizes = [1024, 16], strides = [1, 1]} : vector<8192x16xf32> to vector<1024x16xf32>
    %concatenate3A_73 = tpu.concatenate %slice3A_72, %slice3A_71 in 1 : vector<1024x16xf32>, vector<1024x32xf32> -> vector<1024x48xf32>
    %slice3A_74 = vector.extract_strided_slice %get3A_42 {offsets = [2048, 3], sizes = [1024, 32], strides = [1, 1]} : vector<8192x48xf32> to vector<1024x32xf32>
    %slice3A_75 = vector.extract_strided_slice %select_n3A_68 {offsets = [2048, 0], sizes = [1024, 16], strides = [1, 1]} : vector<8192x16xf32> to vector<1024x16xf32>
    %concatenate3A_76 = tpu.concatenate %slice3A_75, %slice3A_74 in 1 : vector<1024x16xf32>, vector<1024x32xf32> -> vector<1024x48xf32>
    %slice3A_77 = vector.extract_strided_slice %get3A_42 {offsets = [3072, 3], sizes = [1024, 32], strides = [1, 1]} : vector<8192x48xf32> to vector<1024x32xf32>
    %slice3A_78 = vector.extract_strided_slice %select_n3A_68 {offsets = [3072, 0], sizes = [1024, 16], strides = [1, 1]} : vector<8192x16xf32> to vector<1024x16xf32>
    %concatenate3A_79 = tpu.concatenate %slice3A_78, %slice3A_77 in 1 : vector<1024x16xf32>, vector<1024x32xf32> -> vector<1024x48xf32>
    %slice3A_80 = vector.extract_strided_slice %get3A_42 {offsets = [4096, 3], sizes = [1024, 32], strides = [1, 1]} : vector<8192x48xf32> to vector<1024x32xf32>
    %slice3A_81 = vector.extract_strided_slice %select_n3A_68 {offsets = [4096, 0], sizes = [1024, 16], strides = [1, 1]} : vector<8192x16xf32> to vector<1024x16xf32>
    %concatenate3A_82 = tpu.concatenate %slice3A_81, %slice3A_80 in 1 : vector<1024x16xf32>, vector<1024x32xf32> -> vector<1024x48xf32>
    %slice3A_83 = vector.extract_strided_slice %get3A_42 {offsets = [5120, 3], sizes = [1024, 32], strides = [1, 1]} : vector<8192x48xf32> to vector<1024x32xf32>
    %slice3A_84 = vector.extract_strided_slice %select_n3A_68 {offsets = [5120, 0], sizes = [1024, 16], strides = [1, 1]} : vector<8192x16xf32> to vector<1024x16xf32>
    %concatenate3A_85 = tpu.concatenate %slice3A_84, %slice3A_83 in 1 : vector<1024x16xf32>, vector<1024x32xf32> -> vector<1024x48xf32>
    %slice3A_86 = vector.extract_strided_slice %get3A_42 {offsets = [6144, 3], sizes = [1024, 32], strides = [1, 1]} : vector<8192x48xf32> to vector<1024x32xf32>
    %slice3A_87 = vector.extract_strided_slice %select_n3A_68 {offsets = [6144, 0], sizes = [1024, 16], strides = [1, 1]} : vector<8192x16xf32> to vector<1024x16xf32>
    %concatenate3A_88 = tpu.concatenate %slice3A_87, %slice3A_86 in 1 : vector<1024x16xf32>, vector<1024x32xf32> -> vector<1024x48xf32>
    %slice3A_89 = vector.extract_strided_slice %get3A_42 {offsets = [7168, 3], sizes = [1024, 32], strides = [1, 1]} : vector<8192x48xf32> to vector<1024x32xf32>
    %slice3A_90 = vector.extract_strided_slice %select_n3A_68 {offsets = [7168, 0], sizes = [1024, 16], strides = [1, 1]} : vector<8192x16xf32> to vector<1024x16xf32>
    %concatenate3A_91 = tpu.concatenate %slice3A_90, %slice3A_89 in 1 : vector<1024x16xf32>, vector<1024x32xf32> -> vector<1024x48xf32>
    %slice3A_92 = vector.extract_strided_slice %sub3A {offsets = [0, 0], sizes = [1024, 3], strides = [1, 1]} : vector<8192x3xf32> to vector<1024x3xf32>
    %slice3A_93 = vector.extract_strided_slice %sub3A {offsets = [1024, 0], sizes = [1024, 3], strides = [1, 1]} : vector<8192x3xf32> to vector<1024x3xf32>
    %slice3A_94 = vector.extract_strided_slice %sub3A {offsets = [2048, 0], sizes = [1024, 3], strides = [1, 1]} : vector<8192x3xf32> to vector<1024x3xf32>
    %slice3A_95 = vector.extract_strided_slice %sub3A {offsets = [3072, 0], sizes = [1024, 3], strides = [1, 1]} : vector<8192x3xf32> to vector<1024x3xf32>
    %slice3A_96 = vector.extract_strided_slice %sub3A {offsets = [4096, 0], sizes = [1024, 3], strides = [1, 1]} : vector<8192x3xf32> to vector<1024x3xf32>
    %slice3A_97 = vector.extract_strided_slice %sub3A {offsets = [5120, 0], sizes = [1024, 3], strides = [1, 1]} : vector<8192x3xf32> to vector<1024x3xf32>
    %slice3A_98 = vector.extract_strided_slice %sub3A {offsets = [6144, 0], sizes = [1024, 3], strides = [1, 1]} : vector<8192x3xf32> to vector<1024x3xf32>
    %slice3A_99 = vector.extract_strided_slice %sub3A {offsets = [7168, 0], sizes = [1024, 3], strides = [1, 1]} : vector<8192x3xf32> to vector<1024x3xf32>
    %concatenate3A_100 = tpu.concatenate %slice3A_92, %slice3A_93, %slice3A_94, %slice3A_95, %slice3A_96, %slice3A_97, %slice3A_98, %slice3A_99 in 1 : vector<1024x3xf32>, vector<1024x3xf32>, vector<1024x3xf32>, vector<1024x3xf32>, vector<1024x3xf32>, vector<1024x3xf32>, vector<1024x3xf32>, vector<1024x3xf32> -> vector<1024x24xf32>
    %dot_general3A_101 = arith.constant dense<0.000000e+00> : vector<1024x64xf32>
    %dot_general3A_102 = tpu.matmul %concatenate3A_100, %get3A_13, %dot_general3A_101 {dimension_numbers = #tpu.dot_dimension_numbers<[1], [0], [0], [1], [0, 0, 1, 1], [], []>, transpose_lhs_hint = false} : vector<1024x24xf32>, vector<24x64xf32>, vector<1024x64xf32> -> vector<1024x64xf32>
    %add3A_103 = vector.broadcast %get3A_16 : vector<1x64xf32> to vector<1024x64xf32>
    %add3A_104 = arith.addf %dot_general3A_102, %add3A_103 : vector<1024x64xf32>
    %gt3A_105 = arith.constant 0.000000e+00 : f32
    %gt3A_106 = vector.broadcast %gt3A_105 : f32 to vector<1024x64xf32>
    %gt3A_107 = arith.cmpf ogt, %add3A_104, %gt3A_106 : vector<1024x64xf32>
    %exp3A_108 = math.exp %add3A_104 : vector<1024x64xf32>
    %sub3A_109 = arith.constant 1.000000e+00 : f32
    %sub3A_110 = vector.broadcast %sub3A_109 : f32 to vector<1024x64xf32>
    %sub3A_111 = arith.subf %exp3A_108, %sub3A_110 : vector<1024x64xf32>
    %select_n3A_112 = arith.select %gt3A_107, %add3A_104, %sub3A_111 : vector<1024x64xi1>, vector<1024x64xf32>
    %dot_general3A_113 = arith.constant dense<0.000000e+00> : vector<1024x64xf32>
    %dot_general3A_114 = tpu.matmul %select_n3A_112, %get3A_19, %dot_general3A_113 {dimension_numbers = #tpu.dot_dimension_numbers<[1], [0], [0], [1], [0, 0, 1, 1], [], []>, transpose_lhs_hint = false} : vector<1024x64xf32>, vector<64x64xf32>, vector<1024x64xf32> -> vector<1024x64xf32>
    %add3A_115 = vector.broadcast %get3A_22 : vector<1x64xf32> to vector<1024x64xf32>
    %add3A_116 = arith.addf %dot_general3A_114, %add3A_115 : vector<1024x64xf32>
    %gt3A_117 = arith.constant 0.000000e+00 : f32
    %gt3A_118 = vector.broadcast %gt3A_117 : f32 to vector<1024x64xf32>
    %gt3A_119 = arith.cmpf ogt, %add3A_116, %gt3A_118 : vector<1024x64xf32>
    %exp3A_120 = math.exp %add3A_116 : vector<1024x64xf32>
    %sub3A_121 = arith.constant 1.000000e+00 : f32
    %sub3A_122 = vector.broadcast %sub3A_121 : f32 to vector<1024x64xf32>
    %sub3A_123 = arith.subf %exp3A_120, %sub3A_122 : vector<1024x64xf32>
    %select_n3A_124 = arith.select %gt3A_119, %add3A_116, %sub3A_123 : vector<1024x64xi1>, vector<1024x64xf32>
    %dot_general3A_125 = arith.constant dense<0.000000e+00> : vector<1024x64xf32>
    %dot_general3A_126 = tpu.matmul %select_n3A_124, %get3A_25, %dot_general3A_125 {dimension_numbers = #tpu.dot_dimension_numbers<[1], [0], [0], [1], [0, 0, 1, 1], [], []>, transpose_lhs_hint = false} : vector<1024x64xf32>, vector<64x64xf32>, vector<1024x64xf32> -> vector<1024x64xf32>
    %add3A_127 = vector.broadcast %get3A_28 : vector<1x64xf32> to vector<1024x64xf32>
    %add3A_128 = arith.addf %dot_general3A_126, %add3A_127 : vector<1024x64xf32>
    %dot_general3A_129 = arith.constant dense<0.000000e+00> : vector<1024x768xf32>
    %dot_general3A_130 = tpu.matmul %add3A_128, %get3A_31, %dot_general3A_129 {dimension_numbers = #tpu.dot_dimension_numbers<[1], [0], [0], [1], [0, 0, 1, 1], [], []>, transpose_lhs_hint = false} : vector<1024x64xf32>, vector<64x768xf32>, vector<1024x768xf32> -> vector<1024x768xf32>
    %slice3A_131 = vector.extract_strided_slice %dot_general3A_130 {offsets = [0, 0], sizes = [1024, 48], strides = [1, 1]} : vector<1024x768xf32> to vector<1024x48xf32>
    %mul3A = arith.mulf %slice3A_131, %concatenate3A : vector<1024x48xf32>
    %slice3A_132 = vector.extract_strided_slice %dot_general3A_130 {offsets = [0, 48], sizes = [1024, 48], strides = [1, 1]} : vector<1024x768xf32> to vector<1024x48xf32>
    %mul3A_133 = arith.mulf %slice3A_132, %concatenate3A_73 : vector<1024x48xf32>
    %add3A_134 = arith.addf %mul3A, %mul3A_133 : vector<1024x48xf32>
    %slice3A_135 = vector.extract_strided_slice %dot_general3A_130 {offsets = [0, 96], sizes = [1024, 48], strides = [1, 1]} : vector<1024x768xf32> to vector<1024x48xf32>
    %mul3A_136 = arith.mulf %slice3A_135, %concatenate3A_76 : vector<1024x48xf32>
    %add3A_137 = arith.addf %add3A_134, %mul3A_136 : vector<1024x48xf32>
    %slice3A_138 = vector.extract_strided_slice %dot_general3A_130 {offsets = [0, 144], sizes = [1024, 48], strides = [1, 1]} : vector<1024x768xf32> to vector<1024x48xf32>
    %mul3A_139 = arith.mulf %slice3A_138, %concatenate3A_79 : vector<1024x48xf32>
    %add3A_140 = arith.addf %add3A_137, %mul3A_139 : vector<1024x48xf32>
    %slice3A_141 = vector.extract_strided_slice %dot_general3A_130 {offsets = [0, 192], sizes = [1024, 48], strides = [1, 1]} : vector<1024x768xf32> to vector<1024x48xf32>
    %mul3A_142 = arith.mulf %slice3A_141, %concatenate3A_82 : vector<1024x48xf32>
    %add3A_143 = arith.addf %add3A_140, %mul3A_142 : vector<1024x48xf32>
    %slice3A_144 = vector.extract_strided_slice %dot_general3A_130 {offsets = [0, 240], sizes = [1024, 48], strides = [1, 1]} : vector<1024x768xf32> to vector<1024x48xf32>
    %mul3A_145 = arith.mulf %slice3A_144, %concatenate3A_85 : vector<1024x48xf32>
    %add3A_146 = arith.addf %add3A_143, %mul3A_145 : vector<1024x48xf32>
    %slice3A_147 = vector.extract_strided_slice %dot_general3A_130 {offsets = [0, 288], sizes = [1024, 48], strides = [1, 1]} : vector<1024x768xf32> to vector<1024x48xf32>
    %mul3A_148 = arith.mulf %slice3A_147, %concatenate3A_88 : vector<1024x48xf32>
    %add3A_149 = arith.addf %add3A_146, %mul3A_148 : vector<1024x48xf32>
    %slice3A_150 = vector.extract_strided_slice %dot_general3A_130 {offsets = [0, 336], sizes = [1024, 48], strides = [1, 1]} : vector<1024x768xf32> to vector<1024x48xf32>
    %mul3A_151 = arith.mulf %slice3A_150, %concatenate3A_91 : vector<1024x48xf32>
    %add3A_152 = arith.addf %add3A_149, %mul3A_151 : vector<1024x48xf32>
    %slice3A_153 = vector.extract_strided_slice %dot_general3A_130 {offsets = [0, 384], sizes = [1024, 48], strides = [1, 1]} : vector<1024x768xf32> to vector<1024x48xf32>
    %mul3A_154 = arith.mulf %slice3A_153, %concatenate3A : vector<1024x48xf32>
    %slice3A_155 = vector.extract_strided_slice %dot_general3A_130 {offsets = [0, 432], sizes = [1024, 48], strides = [1, 1]} : vector<1024x768xf32> to vector<1024x48xf32>
    %mul3A_156 = arith.mulf %slice3A_155, %concatenate3A_73 : vector<1024x48xf32>
    %add3A_157 = arith.addf %mul3A_154, %mul3A_156 : vector<1024x48xf32>
    %slice3A_158 = vector.extract_strided_slice %dot_general3A_130 {offsets = [0, 480], sizes = [1024, 48], strides = [1, 1]} : vector<1024x768xf32> to vector<1024x48xf32>
    %mul3A_159 = arith.mulf %slice3A_158, %concatenate3A_76 : vector<1024x48xf32>
    %add3A_160 = arith.addf %add3A_157, %mul3A_159 : vector<1024x48xf32>
    %slice3A_161 = vector.extract_strided_slice %dot_general3A_130 {offsets = [0, 528], sizes = [1024, 48], strides = [1, 1]} : vector<1024x768xf32> to vector<1024x48xf32>
    %mul3A_162 = arith.mulf %slice3A_161, %concatenate3A_79 : vector<1024x48xf32>
    %add3A_163 = arith.addf %add3A_160, %mul3A_162 : vector<1024x48xf32>
    %slice3A_164 = vector.extract_strided_slice %dot_general3A_130 {offsets = [0, 576], sizes = [1024, 48], strides = [1, 1]} : vector<1024x768xf32> to vector<1024x48xf32>
    %mul3A_165 = arith.mulf %slice3A_164, %concatenate3A_82 : vector<1024x48xf32>
    %add3A_166 = arith.addf %add3A_163, %mul3A_165 : vector<1024x48xf32>
    %slice3A_167 = vector.extract_strided_slice %dot_general3A_130 {offsets = [0, 624], sizes = [1024, 48], strides = [1, 1]} : vector<1024x768xf32> to vector<1024x48xf32>
    %mul3A_168 = arith.mulf %slice3A_167, %concatenate3A_85 : vector<1024x48xf32>
    %add3A_169 = arith.addf %add3A_166, %mul3A_168 : vector<1024x48xf32>
    %slice3A_170 = vector.extract_strided_slice %dot_general3A_130 {offsets = [0, 672], sizes = [1024, 48], strides = [1, 1]} : vector<1024x768xf32> to vector<1024x48xf32>
    %mul3A_171 = arith.mulf %slice3A_170, %concatenate3A_88 : vector<1024x48xf32>
    %add3A_172 = arith.addf %add3A_169, %mul3A_171 : vector<1024x48xf32>
    %slice3A_173 = vector.extract_strided_slice %dot_general3A_130 {offsets = [0, 720], sizes = [1024, 48], strides = [1, 1]} : vector<1024x768xf32> to vector<1024x48xf32>
    %mul3A_174 = arith.mulf %slice3A_173, %concatenate3A_91 : vector<1024x48xf32>
    %add3A_175 = arith.addf %add3A_172, %mul3A_174 : vector<1024x48xf32>
    %concatenate3A_176 = tpu.concatenate %add3A_152, %add3A_175 in 1 : vector<1024x48xf32>, vector<1024x48xf32> -> vector<1024x96xf32>
    %add3A_177 = vector.broadcast %get3A_34 : vector<1x96xf32> to vector<1024x96xf32>
    %add3A_178 = arith.addf %concatenate3A_176, %add3A_177 : vector<1024x96xf32>
    %dot_general3A_179 = arith.constant dense<0.000000e+00> : vector<1024x64xf32>
    %dot_general3A_180 = tpu.matmul %add3A_178, %get3A_37, %dot_general3A_179 {dimension_numbers = #tpu.dot_dimension_numbers<[1], [0], [0], [1], [0, 0, 1, 1], [], []>, transpose_lhs_hint = false} : vector<1024x96xf32>, vector<96x64xf32>, vector<1024x64xf32> -> vector<1024x64xf32>
    %gt3A_181 = arith.constant 0.000000e+00 : f32
    %gt3A_182 = vector.broadcast %gt3A_181 : f32 to vector<1024x64xf32>
    %gt3A_183 = arith.cmpf ogt, %dot_general3A_180, %gt3A_182 : vector<1024x64xf32>
    %exp3A_184 = math.exp %dot_general3A_180 : vector<1024x64xf32>
    %sub3A_185 = arith.constant 1.000000e+00 : f32
    %sub3A_186 = vector.broadcast %sub3A_185 : f32 to vector<1024x64xf32>
    %sub3A_187 = arith.subf %exp3A_184, %sub3A_186 : vector<1024x64xf32>
    %select_n3A_188 = arith.select %gt3A_183, %dot_general3A_180, %sub3A_187 : vector<1024x64xi1>, vector<1024x64xf32>
    %get3A_189 = arith.constant 0 : index
    %get3A_190 = arith.constant 0 : index
    %get3A_191 = vector.load %arg16[%get3A_189, %get3A_190] : memref<64x48xf32, #tpu.memory_space<vmem>>, vector<64x48xf32>
    %get3A_192 = arith.constant 0 : index
    %get3A_193 = arith.constant 0 : index
    %get3A_194 = vector.load %arg17[%get3A_192, %get3A_193] : memref<1x48xf32, #tpu.memory_space<vmem>>, vector<1x48xf32>
    %dot_general3A_195 = arith.constant dense<0.000000e+00> : vector<1024x48xf32>
    %dot_general3A_196 = tpu.matmul %select_n3A_188, %get3A_191, %dot_general3A_195 {dimension_numbers = #tpu.dot_dimension_numbers<[1], [0], [0], [1], [0, 0, 1, 1], [], []>, transpose_lhs_hint = false} : vector<1024x64xf32>, vector<64x48xf32>, vector<1024x48xf32> -> vector<1024x48xf32>
    %add3A_197 = vector.broadcast %get3A_194 : vector<1x48xf32> to vector<1024x48xf32>
    %add3A_198 = arith.addf %dot_general3A_196, %add3A_197 : vector<1024x48xf32>
    %gt3A_199 = arith.constant 0.000000e+00 : f32
    %gt3A_200 = vector.broadcast %gt3A_199 : f32 to vector<1024x48xf32>
    %gt3A_201 = arith.cmpf ogt, %add3A_198, %gt3A_200 : vector<1024x48xf32>
    %exp3A_202 = math.exp %add3A_198 : vector<1024x48xf32>
    %sub3A_203 = arith.constant 1.000000e+00 : f32
    %sub3A_204 = vector.broadcast %sub3A_203 : f32 to vector<1024x48xf32>
    %sub3A_205 = arith.subf %exp3A_202, %sub3A_204 : vector<1024x48xf32>
    %select_n3A_206 = arith.select %gt3A_201, %add3A_198, %sub3A_205 : vector<1024x48xi1>, vector<1024x48xf32>
    %broadcast_in_dim3A_207 = arith.constant 0.000000e+00 : f32
    %broadcast_in_dim3A_208 = vector.broadcast %broadcast_in_dim3A_207 : f32 to vector<1024x13xf32>
    %concatenate3A_209 = tpu.concatenate %get3A_47, %select_n3A_206, %broadcast_in_dim3A_208 in 1 : vector<1024x3xf32>, vector<1024x48xf32>, vector<1024x13xf32> -> vector<1024x64xf32>
    %swap3A = arith.constant 0 : index
    %swap3A_210 = arith.constant 0 : index
    %swap3A_211 = arith.constant 0 : index
    %swap3A_212 = vector.load %arg18[%swap3A, %swap3A_210, %swap3A_211] : memref<1x1024x64xf32, #tpu.memory_space<vmem>>, vector<1x1024x64xf32>
    %swap3A_213 = vector.shape_cast %swap3A_212 : vector<1x1024x64xf32> to vector<1024x64xf32>
    %swap3A_214 = vector.shape_cast %concatenate3A_209 : vector<1024x64xf32> to vector<1x1024x64xf32>
    tpu.vector_store %arg18[%swap3A, %swap3A_210, %swap3A_211], %swap3A_214 {strides = array<i32>} : memref<1x1024x64xf32, #tpu.memory_space<vmem>>, vector<1x1024x64xf32>,
    return
  }
  func.func @transform_0(%arg0: i32) -> (i32, i32, i32) {
    %c0_i32 = arith.constant 0 : i32
    %c0_i32_0 = arith.constant 0 : i32
    %c0_i32_1 = arith.constant 0 : i32
    return %arg0, %c0_i32, %c0_i32_0 : i32, i32, i32
  }
  func.func @transform_1(%arg0: i32) -> (i32, i32, i32) {
    %c0_i32 = arith.constant 0 : i32
    %c0_i32_0 = arith.constant 0 : i32
    %c0_i32_1 = arith.constant 0 : i32
    return %arg0, %c0_i32, %c0_i32_0 : i32, i32, i32
  }
  func.func @transform_2(%arg0: i32) -> (i32, i32) {
    %c0_i32 = arith.constant 0 : i32
    %c0_i32_0 = arith.constant 0 : i32
    %c0_i32_1 = arith.constant 0 : i32
    return %c0_i32, %c0_i32_0 : i32, i32
  }
  func.func @transform_3(%arg0: i32) -> (i32, i32) {
    %c0_i32 = arith.constant 0 : i32
    %c0_i32_0 = arith.constant 0 : i32
    %c0_i32_1 = arith.constant 0 : i32
    return %c0_i32, %c0_i32_0 : i32, i32
  }
  func.func @transform_4(%arg0: i32) -> (i32, i32) {
    %c0_i32 = arith.constant 0 : i32
    %c0_i32_0 = arith.constant 0 : i32
    %c0_i32_1 = arith.constant 0 : i32
    return %c0_i32, %c0_i32_0 : i32, i32
  }
  func.func @transform_5(%arg0: i32) -> (i32, i32) {
    %c0_i32 = arith.constant 0 : i32
    %c0_i32_0 = arith.constant 0 : i32
    %c0_i32_1 = arith.constant 0 : i32
    return %c0_i32, %c0_i32_0 : i32, i32
  }
  func.func @transform_6(%arg0: i32) -> (i32, i32) {
    %c0_i32 = arith.constant 0 : i32
    %c0_i32_0 = arith.constant 0 : i32
    %c0_i32_1 = arith.constant 0 : i32
    return %c0_i32, %c0_i32_0 : i32, i32
  }
  func.func @transform_7(%arg0: i32) -> (i32, i32) {
    %c0_i32 = arith.constant 0 : i32
    %c0_i32_0 = arith.constant 0 : i32
    %c0_i32_1 = arith.constant 0 : i32
    return %c0_i32, %c0_i32_0 : i32, i32
  }
  func.func @transform_8(%arg0: i32) -> (i32, i32) {
    %c0_i32 = arith.constant 0 : i32
    %c0_i32_0 = arith.constant 0 : i32
    %c0_i32_1 = arith.constant 0 : i32
    return %c0_i32, %c0_i32_0 : i32, i32
  }
  func.func @transform_9(%arg0: i32) -> (i32, i32) {
    %c0_i32 = arith.constant 0 : i32
    %c0_i32_0 = arith.constant 0 : i32
    %c0_i32_1 = arith.constant 0 : i32
    return %c0_i32, %c0_i32_0 : i32, i32
  }
  func.func @transform_10(%arg0: i32) -> (i32, i32) {
    %c0_i32 = arith.constant 0 : i32
    %c0_i32_0 = arith.constant 0 : i32
    %c0_i32_1 = arith.constant 0 : i32
    return %c0_i32, %c0_i32_0 : i32, i32
  }
  func.func @transform_11(%arg0: i32) -> (i32, i32) {
    %c0_i32 = arith.constant 0 : i32
    %c0_i32_0 = arith.constant 0 : i32
    %c0_i32_1 = arith.constant 0 : i32
    return %c0_i32, %c0_i32_0 : i32, i32
  }
  func.func @transform_12(%arg0: i32) -> (i32, i32) {
    %c0_i32 = arith.constant 0 : i32
    %c0_i32_0 = arith.constant 0 : i32
    %c0_i32_1 = arith.constant 0 : i32
    return %c0_i32, %c0_i32_0 : i32, i32
  }
  func.func @transform_13(%arg0: i32) -> (i32, i32) {
    %c0_i32 = arith.constant 0 : i32
    %c0_i32_0 = arith.constant 0 : i32
    %c0_i32_1 = arith.constant 0 : i32
    return %c0_i32, %c0_i32_0 : i32, i32
  }
  func.func @transform_14(%arg0: i32) -> (i32, i32) {
    %c0_i32 = arith.constant 0 : i32
    %c0_i32_0 = arith.constant 0 : i32
    %c0_i32_1 = arith.constant 0 : i32
    return %c0_i32, %c0_i32_0 : i32, i32
  }
  func.func @transform_15(%arg0: i32) -> (i32, i32) {
    %c0_i32 = arith.constant 0 : i32
    %c0_i32_0 = arith.constant 0 : i32
    %c0_i32_1 = arith.constant 0 : i32
    return %c0_i32, %c0_i32_0 : i32, i32
  }
  func.func @transform_16(%arg0: i32) -> (i32, i32) {
    %c0_i32 = arith.constant 0 : i32
    %c0_i32_0 = arith.constant 0 : i32
    %c0_i32_1 = arith.constant 0 : i32
    return %c0_i32, %c0_i32_0 : i32, i32
  }
  func.func @transform_17(%arg0: i32) -> (i32, i32, i32) {
    %c0_i32 = arith.constant 0 : i32
    %c0_i32_0 = arith.constant 0 : i32
    %c0_i32_1 = arith.constant 0 : i32
    return %arg0, %c0_i32, %c0_i32_0 : i32, i32, i32
  }
}

module attributes {stable_mosaic.version = 14 : i64} {
  func.func @_tcx_body(%arg0: i32, %arg1: memref<1x8192x64xf32, #tpu.memory_space<vmem>>, %arg2: memref<1x1024x3xf32, #tpu.memory_space<vmem>>, %arg3: memref<3x24xf32, #tpu.memory_space<vmem>>, %arg4: memref<1x24xf32, #tpu.memory_space<vmem>>, %arg5: memref<24x24xf32, #tpu.memory_space<vmem>>, %arg6: memref<1x24xf32, #tpu.memory_space<vmem>>, %arg7: memref<24x64xf32, #tpu.memory_space<vmem>>, %arg8: memref<1x64xf32, #tpu.memory_space<vmem>>, %arg9: memref<64x64xf32, #tpu.memory_space<vmem>>, %arg10: memref<1x64xf32, #tpu.memory_space<vmem>>, %arg11: memref<64x64xf32, #tpu.memory_space<vmem>>, %arg12: memref<1x64xf32, #tpu.memory_space<vmem>>, %arg13: memref<64x1152xf32, #tpu.memory_space<vmem>>, %arg14: memref<1x144xf32, #tpu.memory_space<vmem>>, %arg15: memref<144x96xf32, #tpu.memory_space<vmem>>, %arg16: memref<96x64xf32, #tpu.memory_space<vmem>>, %arg17: memref<1x64xf32, #tpu.memory_space<vmem>>, %arg18: memref<1x1024x80xf32, #tpu.memory_space<vmem>>) attributes {dimension_semantics = [#tpu.dimension_semantics<arbitrary>], iteration_bounds = array<i64: 16>, scalar_prefetch = 0 : i64, scratch_operands = 0 : i64, tpu.core_type = #tpu.core_type<tc>, window_params = [{transform_indices = @transform_0, window_bounds = array<i64: 1, 8192, 64>}, {transform_indices = @transform_1, window_bounds = array<i64: 1, 1024, 3>}, {pipeline_mode = #tpu.pipeline_mode<synchronous>, transform_indices = @transform_2, window_bounds = array<i64: 3, 24>}, {pipeline_mode = #tpu.pipeline_mode<synchronous>, transform_indices = @transform_3, window_bounds = array<i64: 1, 24>}, {pipeline_mode = #tpu.pipeline_mode<synchronous>, transform_indices = @transform_4, window_bounds = array<i64: 24, 24>}, {pipeline_mode = #tpu.pipeline_mode<synchronous>, transform_indices = @transform_5, window_bounds = array<i64: 1, 24>}, {pipeline_mode = #tpu.pipeline_mode<synchronous>, transform_indices = @transform_6, window_bounds = array<i64: 24, 64>}, {pipeline_mode = #tpu.pipeline_mode<synchronous>, transform_indices = @transform_7, window_bounds = array<i64: 1, 64>}, {pipeline_mode = #tpu.pipeline_mode<synchronous>, transform_indices = @transform_8, window_bounds = array<i64: 64, 64>}, {pipeline_mode = #tpu.pipeline_mode<synchronous>, transform_indices = @transform_9, window_bounds = array<i64: 1, 64>}, {pipeline_mode = #tpu.pipeline_mode<synchronous>, transform_indices = @transform_10, window_bounds = array<i64: 64, 64>}, {pipeline_mode = #tpu.pipeline_mode<synchronous>, transform_indices = @transform_11, window_bounds = array<i64: 1, 64>}, {pipeline_mode = #tpu.pipeline_mode<synchronous>, transform_indices = @transform_12, window_bounds = array<i64: 64, 1152>}, {pipeline_mode = #tpu.pipeline_mode<synchronous>, transform_indices = @transform_13, window_bounds = array<i64: 1, 144>}, {pipeline_mode = #tpu.pipeline_mode<synchronous>, transform_indices = @transform_14, window_bounds = array<i64: 144, 96>}, {pipeline_mode = #tpu.pipeline_mode<synchronous>, transform_indices = @transform_15, window_bounds = array<i64: 96, 64>}, {pipeline_mode = #tpu.pipeline_mode<synchronous>, transform_indices = @transform_16, window_bounds = array<i64: 1, 64>}, {transform_indices = @transform_17, window_bounds = array<i64: 1, 1024, 80>}]} {
    %get3A = arith.constant 0 : index
    %get3A_0 = arith.constant 0 : index
    %get3A_1 = vector.load %arg3[%get3A, %get3A_0] : memref<3x24xf32, #tpu.memory_space<vmem>>, vector<3x24xf32>
    %get3A_2 = arith.constant 0 : index
    %get3A_3 = arith.constant 0 : index
    %get3A_4 = vector.load %arg4[%get3A_2, %get3A_3] : memref<1x24xf32, #tpu.memory_space<vmem>>, vector<1x24xf32>
    %get3A_5 = arith.constant 0 : index
    %get3A_6 = arith.constant 0 : index
    %get3A_7 = vector.load %arg5[%get3A_5, %get3A_6] : memref<24x24xf32, #tpu.memory_space<vmem>>, vector<24x24xf32>
    %get3A_8 = arith.constant 0 : index
    %get3A_9 = arith.constant 0 : index
    %get3A_10 = vector.load %arg6[%get3A_8, %get3A_9] : memref<1x24xf32, #tpu.memory_space<vmem>>, vector<1x24xf32>
    %get3A_11 = arith.constant 0 : index
    %get3A_12 = arith.constant 0 : index
    %get3A_13 = vector.load %arg7[%get3A_11, %get3A_12] : memref<24x64xf32, #tpu.memory_space<vmem>>, vector<24x64xf32>
    %get3A_14 = arith.constant 0 : index
    %get3A_15 = arith.constant 0 : index
    %get3A_16 = vector.load %arg8[%get3A_14, %get3A_15] : memref<1x64xf32, #tpu.memory_space<vmem>>, vector<1x64xf32>
    %get3A_17 = arith.constant 0 : index
    %get3A_18 = arith.constant 0 : index
    %get3A_19 = vector.load %arg9[%get3A_17, %get3A_18] : memref<64x64xf32, #tpu.memory_space<vmem>>, vector<64x64xf32>
    %get3A_20 = arith.constant 0 : index
    %get3A_21 = arith.constant 0 : index
    %get3A_22 = vector.load %arg10[%get3A_20, %get3A_21] : memref<1x64xf32, #tpu.memory_space<vmem>>, vector<1x64xf32>
    %get3A_23 = arith.constant 0 : index
    %get3A_24 = arith.constant 0 : index
    %get3A_25 = vector.load %arg11[%get3A_23, %get3A_24] : memref<64x64xf32, #tpu.memory_space<vmem>>, vector<64x64xf32>
    %get3A_26 = arith.constant 0 : index
    %get3A_27 = arith.constant 0 : index
    %get3A_28 = vector.load %arg12[%get3A_26, %get3A_27] : memref<1x64xf32, #tpu.memory_space<vmem>>, vector<1x64xf32>
    %get3A_29 = arith.constant 0 : index
    %get3A_30 = arith.constant 0 : index
    %get3A_31 = vector.load %arg13[%get3A_29, %get3A_30] : memref<64x1152xf32, #tpu.memory_space<vmem>>, vector<64x1152xf32>
    %get3A_32 = arith.constant 0 : index
    %get3A_33 = arith.constant 0 : index
    %get3A_34 = vector.load %arg14[%get3A_32, %get3A_33] : memref<1x144xf32, #tpu.memory_space<vmem>>, vector<1x144xf32>
    %get3A_35 = arith.constant 0 : index
    %get3A_36 = arith.constant 0 : index
    %get3A_37 = vector.load %arg15[%get3A_35, %get3A_36] : memref<144x96xf32, #tpu.memory_space<vmem>>, vector<144x96xf32>
    %get3A_38 = arith.constant 0 : index
    %get3A_39 = arith.constant 0 : index
    %get3A_40 = arith.constant 0 : index
    %get3A_41 = vector.load %arg1[%get3A_38, %get3A_39, %get3A_40] : memref<1x8192x64xf32, #tpu.memory_space<vmem>>, vector<1x8192x64xf32>
    %get3A_42 = vector.shape_cast %get3A_41 : vector<1x8192x64xf32> to vector<8192x64xf32>
    %get3A_43 = arith.constant 0 : index
    %get3A_44 = arith.constant 0 : index
    %get3A_45 = arith.constant 0 : index
    %get3A_46 = vector.load %arg2[%get3A_43, %get3A_44, %get3A_45] : memref<1x1024x3xf32, #tpu.memory_space<vmem>>, vector<1x1024x3xf32>
    %get3A_47 = vector.shape_cast %get3A_46 : vector<1x1024x3xf32> to vector<1024x3xf32>
    %broadcast_in_dim3A = vector.shape_cast %get3A_47 : vector<1024x3xf32> to vector<1x1024x3xf32>
    %broadcast_in_dim3A_48 = vector.shape_cast %broadcast_in_dim3A : vector<1x1024x3xf32> to vector<1x1024x3xf32>
    %broadcast_in_dim3A_49 = vector.broadcast %broadcast_in_dim3A_48 : vector<1x1024x3xf32> to vector<8x1024x3xf32>
    %reshape3A = vector.shape_cast %broadcast_in_dim3A_49 : vector<8x1024x3xf32> to vector<8192x3xf32>
    %slice3A = vector.extract_strided_slice %get3A_42 {offsets = [0, 0], sizes = [8192, 3], strides = [1, 1]} : vector<8192x64xf32> to vector<8192x3xf32>
    %sub3A = arith.subf %slice3A, %reshape3A : vector<8192x3xf32>
    %dot_general3A = arith.constant dense<0.000000e+00> : vector<8192x24xf32>
    %dot_general3A_50 = tpu.matmul %sub3A, %get3A_1, %dot_general3A {dimension_numbers = #tpu.dot_dimension_numbers<[1], [0], [0], [1], [0, 0, 1, 1], [], []>, transpose_lhs_hint = false} : vector<8192x3xf32>, vector<3x24xf32>, vector<8192x24xf32> -> vector<8192x24xf32>
    %add3A = vector.broadcast %get3A_4 : vector<1x24xf32> to vector<8192x24xf32>
    %add3A_51 = arith.addf %dot_general3A_50, %add3A : vector<8192x24xf32>
    %gt3A = arith.constant 0.000000e+00 : f32
    %gt3A_52 = vector.broadcast %gt3A : f32 to vector<8192x24xf32>
    %gt3A_53 = arith.cmpf ogt, %add3A_51, %gt3A_52 : vector<8192x24xf32>
    %exp3A = math.exp %add3A_51 : vector<8192x24xf32>
    %sub3A_54 = arith.constant 1.000000e+00 : f32
    %sub3A_55 = vector.broadcast %sub3A_54 : f32 to vector<8192x24xf32>
    %sub3A_56 = arith.subf %exp3A, %sub3A_55 : vector<8192x24xf32>
    %select_n3A = arith.select %gt3A_53, %add3A_51, %sub3A_56 : vector<8192x24xi1>, vector<8192x24xf32>
    %dot_general3A_57 = arith.constant dense<0.000000e+00> : vector<8192x24xf32>
    %dot_general3A_58 = tpu.matmul %select_n3A, %get3A_7, %dot_general3A_57 {dimension_numbers = #tpu.dot_dimension_numbers<[1], [0], [0], [1], [0, 0, 1, 1], [], []>, transpose_lhs_hint = false} : vector<8192x24xf32>, vector<24x24xf32>, vector<8192x24xf32> -> vector<8192x24xf32>
    %add3A_59 = vector.broadcast %get3A_10 : vector<1x24xf32> to vector<8192x24xf32>
    %add3A_60 = arith.addf %dot_general3A_58, %add3A_59 : vector<8192x24xf32>
    %gt3A_61 = arith.constant 0.000000e+00 : f32
    %gt3A_62 = vector.broadcast %gt3A_61 : f32 to vector<8192x24xf32>
    %gt3A_63 = arith.cmpf ogt, %add3A_60, %gt3A_62 : vector<8192x24xf32>
    %exp3A_64 = math.exp %add3A_60 : vector<8192x24xf32>
    %sub3A_65 = arith.constant 1.000000e+00 : f32
    %sub3A_66 = vector.broadcast %sub3A_65 : f32 to vector<8192x24xf32>
    %sub3A_67 = arith.subf %exp3A_64, %sub3A_66 : vector<8192x24xf32>
    %select_n3A_68 = arith.select %gt3A_63, %add3A_60, %sub3A_67 : vector<8192x24xi1>, vector<8192x24xf32>
    %slice3A_69 = vector.extract_strided_slice %get3A_42 {offsets = [0, 3], sizes = [1024, 48], strides = [1, 1]} : vector<8192x64xf32> to vector<1024x48xf32>
    %slice3A_70 = vector.extract_strided_slice %select_n3A_68 {offsets = [0, 0], sizes = [1024, 24], strides = [1, 1]} : vector<8192x24xf32> to vector<1024x24xf32>
    %concatenate3A = tpu.concatenate %slice3A_70, %slice3A_69 in 1 : vector<1024x24xf32>, vector<1024x48xf32> -> vector<1024x72xf32>
    %slice3A_71 = vector.extract_strided_slice %get3A_42 {offsets = [1024, 3], sizes = [1024, 48], strides = [1, 1]} : vector<8192x64xf32> to vector<1024x48xf32>
    %slice3A_72 = vector.extract_strided_slice %select_n3A_68 {offsets = [1024, 0], sizes = [1024, 24], strides = [1, 1]} : vector<8192x24xf32> to vector<1024x24xf32>
    %concatenate3A_73 = tpu.concatenate %slice3A_72, %slice3A_71 in 1 : vector<1024x24xf32>, vector<1024x48xf32> -> vector<1024x72xf32>
    %slice3A_74 = vector.extract_strided_slice %get3A_42 {offsets = [2048, 3], sizes = [1024, 48], strides = [1, 1]} : vector<8192x64xf32> to vector<1024x48xf32>
    %slice3A_75 = vector.extract_strided_slice %select_n3A_68 {offsets = [2048, 0], sizes = [1024, 24], strides = [1, 1]} : vector<8192x24xf32> to vector<1024x24xf32>
    %concatenate3A_76 = tpu.concatenate %slice3A_75, %slice3A_74 in 1 : vector<1024x24xf32>, vector<1024x48xf32> -> vector<1024x72xf32>
    %slice3A_77 = vector.extract_strided_slice %get3A_42 {offsets = [3072, 3], sizes = [1024, 48], strides = [1, 1]} : vector<8192x64xf32> to vector<1024x48xf32>
    %slice3A_78 = vector.extract_strided_slice %select_n3A_68 {offsets = [3072, 0], sizes = [1024, 24], strides = [1, 1]} : vector<8192x24xf32> to vector<1024x24xf32>
    %concatenate3A_79 = tpu.concatenate %slice3A_78, %slice3A_77 in 1 : vector<1024x24xf32>, vector<1024x48xf32> -> vector<1024x72xf32>
    %slice3A_80 = vector.extract_strided_slice %get3A_42 {offsets = [4096, 3], sizes = [1024, 48], strides = [1, 1]} : vector<8192x64xf32> to vector<1024x48xf32>
    %slice3A_81 = vector.extract_strided_slice %select_n3A_68 {offsets = [4096, 0], sizes = [1024, 24], strides = [1, 1]} : vector<8192x24xf32> to vector<1024x24xf32>
    %concatenate3A_82 = tpu.concatenate %slice3A_81, %slice3A_80 in 1 : vector<1024x24xf32>, vector<1024x48xf32> -> vector<1024x72xf32>
    %slice3A_83 = vector.extract_strided_slice %get3A_42 {offsets = [5120, 3], sizes = [1024, 48], strides = [1, 1]} : vector<8192x64xf32> to vector<1024x48xf32>
    %slice3A_84 = vector.extract_strided_slice %select_n3A_68 {offsets = [5120, 0], sizes = [1024, 24], strides = [1, 1]} : vector<8192x24xf32> to vector<1024x24xf32>
    %concatenate3A_85 = tpu.concatenate %slice3A_84, %slice3A_83 in 1 : vector<1024x24xf32>, vector<1024x48xf32> -> vector<1024x72xf32>
    %slice3A_86 = vector.extract_strided_slice %get3A_42 {offsets = [6144, 3], sizes = [1024, 48], strides = [1, 1]} : vector<8192x64xf32> to vector<1024x48xf32>
    %slice3A_87 = vector.extract_strided_slice %select_n3A_68 {offsets = [6144, 0], sizes = [1024, 24], strides = [1, 1]} : vector<8192x24xf32> to vector<1024x24xf32>
    %concatenate3A_88 = tpu.concatenate %slice3A_87, %slice3A_86 in 1 : vector<1024x24xf32>, vector<1024x48xf32> -> vector<1024x72xf32>
    %slice3A_89 = vector.extract_strided_slice %get3A_42 {offsets = [7168, 3], sizes = [1024, 48], strides = [1, 1]} : vector<8192x64xf32> to vector<1024x48xf32>
    %slice3A_90 = vector.extract_strided_slice %select_n3A_68 {offsets = [7168, 0], sizes = [1024, 24], strides = [1, 1]} : vector<8192x24xf32> to vector<1024x24xf32>
    %concatenate3A_91 = tpu.concatenate %slice3A_90, %slice3A_89 in 1 : vector<1024x24xf32>, vector<1024x48xf32> -> vector<1024x72xf32>
    %slice3A_92 = vector.extract_strided_slice %sub3A {offsets = [0, 0], sizes = [1024, 3], strides = [1, 1]} : vector<8192x3xf32> to vector<1024x3xf32>
    %slice3A_93 = vector.extract_strided_slice %sub3A {offsets = [1024, 0], sizes = [1024, 3], strides = [1, 1]} : vector<8192x3xf32> to vector<1024x3xf32>
    %slice3A_94 = vector.extract_strided_slice %sub3A {offsets = [2048, 0], sizes = [1024, 3], strides = [1, 1]} : vector<8192x3xf32> to vector<1024x3xf32>
    %slice3A_95 = vector.extract_strided_slice %sub3A {offsets = [3072, 0], sizes = [1024, 3], strides = [1, 1]} : vector<8192x3xf32> to vector<1024x3xf32>
    %slice3A_96 = vector.extract_strided_slice %sub3A {offsets = [4096, 0], sizes = [1024, 3], strides = [1, 1]} : vector<8192x3xf32> to vector<1024x3xf32>
    %slice3A_97 = vector.extract_strided_slice %sub3A {offsets = [5120, 0], sizes = [1024, 3], strides = [1, 1]} : vector<8192x3xf32> to vector<1024x3xf32>
    %slice3A_98 = vector.extract_strided_slice %sub3A {offsets = [6144, 0], sizes = [1024, 3], strides = [1, 1]} : vector<8192x3xf32> to vector<1024x3xf32>
    %slice3A_99 = vector.extract_strided_slice %sub3A {offsets = [7168, 0], sizes = [1024, 3], strides = [1, 1]} : vector<8192x3xf32> to vector<1024x3xf32>
    %concatenate3A_100 = tpu.concatenate %slice3A_92, %slice3A_93, %slice3A_94, %slice3A_95, %slice3A_96, %slice3A_97, %slice3A_98, %slice3A_99 in 1 : vector<1024x3xf32>, vector<1024x3xf32>, vector<1024x3xf32>, vector<1024x3xf32>, vector<1024x3xf32>, vector<1024x3xf32>, vector<1024x3xf32>, vector<1024x3xf32> -> vector<1024x24xf32>
    %dot_general3A_101 = arith.constant dense<0.000000e+00> : vector<1024x64xf32>
    %dot_general3A_102 = tpu.matmul %concatenate3A_100, %get3A_13, %dot_general3A_101 {dimension_numbers = #tpu.dot_dimension_numbers<[1], [0], [0], [1], [0, 0, 1, 1], [], []>, transpose_lhs_hint = false} : vector<1024x24xf32>, vector<24x64xf32>, vector<1024x64xf32> -> vector<1024x64xf32>
    %add3A_103 = vector.broadcast %get3A_16 : vector<1x64xf32> to vector<1024x64xf32>
    %add3A_104 = arith.addf %dot_general3A_102, %add3A_103 : vector<1024x64xf32>
    %gt3A_105 = arith.constant 0.000000e+00 : f32
    %gt3A_106 = vector.broadcast %gt3A_105 : f32 to vector<1024x64xf32>
    %gt3A_107 = arith.cmpf ogt, %add3A_104, %gt3A_106 : vector<1024x64xf32>
    %exp3A_108 = math.exp %add3A_104 : vector<1024x64xf32>
    %sub3A_109 = arith.constant 1.000000e+00 : f32
    %sub3A_110 = vector.broadcast %sub3A_109 : f32 to vector<1024x64xf32>
    %sub3A_111 = arith.subf %exp3A_108, %sub3A_110 : vector<1024x64xf32>
    %select_n3A_112 = arith.select %gt3A_107, %add3A_104, %sub3A_111 : vector<1024x64xi1>, vector<1024x64xf32>
    %dot_general3A_113 = arith.constant dense<0.000000e+00> : vector<1024x64xf32>
    %dot_general3A_114 = tpu.matmul %select_n3A_112, %get3A_19, %dot_general3A_113 {dimension_numbers = #tpu.dot_dimension_numbers<[1], [0], [0], [1], [0, 0, 1, 1], [], []>, transpose_lhs_hint = false} : vector<1024x64xf32>, vector<64x64xf32>, vector<1024x64xf32> -> vector<1024x64xf32>
    %add3A_115 = vector.broadcast %get3A_22 : vector<1x64xf32> to vector<1024x64xf32>
    %add3A_116 = arith.addf %dot_general3A_114, %add3A_115 : vector<1024x64xf32>
    %gt3A_117 = arith.constant 0.000000e+00 : f32
    %gt3A_118 = vector.broadcast %gt3A_117 : f32 to vector<1024x64xf32>
    %gt3A_119 = arith.cmpf ogt, %add3A_116, %gt3A_118 : vector<1024x64xf32>
    %exp3A_120 = math.exp %add3A_116 : vector<1024x64xf32>
    %sub3A_121 = arith.constant 1.000000e+00 : f32
    %sub3A_122 = vector.broadcast %sub3A_121 : f32 to vector<1024x64xf32>
    %sub3A_123 = arith.subf %exp3A_120, %sub3A_122 : vector<1024x64xf32>
    %select_n3A_124 = arith.select %gt3A_119, %add3A_116, %sub3A_123 : vector<1024x64xi1>, vector<1024x64xf32>
    %dot_general3A_125 = arith.constant dense<0.000000e+00> : vector<1024x64xf32>
    %dot_general3A_126 = tpu.matmul %select_n3A_124, %get3A_25, %dot_general3A_125 {dimension_numbers = #tpu.dot_dimension_numbers<[1], [0], [0], [1], [0, 0, 1, 1], [], []>, transpose_lhs_hint = false} : vector<1024x64xf32>, vector<64x64xf32>, vector<1024x64xf32> -> vector<1024x64xf32>
    %add3A_127 = vector.broadcast %get3A_28 : vector<1x64xf32> to vector<1024x64xf32>
    %add3A_128 = arith.addf %dot_general3A_126, %add3A_127 : vector<1024x64xf32>
    %dot_general3A_129 = arith.constant dense<0.000000e+00> : vector<1024x1152xf32>
    %dot_general3A_130 = tpu.matmul %add3A_128, %get3A_31, %dot_general3A_129 {dimension_numbers = #tpu.dot_dimension_numbers<[1], [0], [0], [1], [0, 0, 1, 1], [], []>, transpose_lhs_hint = false} : vector<1024x64xf32>, vector<64x1152xf32>, vector<1024x1152xf32> -> vector<1024x1152xf32>
    %slice3A_131 = vector.extract_strided_slice %dot_general3A_130 {offsets = [0, 0], sizes = [1024, 72], strides = [1, 1]} : vector<1024x1152xf32> to vector<1024x72xf32>
    %mul3A = arith.mulf %slice3A_131, %concatenate3A : vector<1024x72xf32>
    %slice3A_132 = vector.extract_strided_slice %dot_general3A_130 {offsets = [0, 72], sizes = [1024, 72], strides = [1, 1]} : vector<1024x1152xf32> to vector<1024x72xf32>
    %mul3A_133 = arith.mulf %slice3A_132, %concatenate3A_73 : vector<1024x72xf32>
    %add3A_134 = arith.addf %mul3A, %mul3A_133 : vector<1024x72xf32>
    %slice3A_135 = vector.extract_strided_slice %dot_general3A_130 {offsets = [0, 144], sizes = [1024, 72], strides = [1, 1]} : vector<1024x1152xf32> to vector<1024x72xf32>
    %mul3A_136 = arith.mulf %slice3A_135, %concatenate3A_76 : vector<1024x72xf32>
    %add3A_137 = arith.addf %add3A_134, %mul3A_136 : vector<1024x72xf32>
    %slice3A_138 = vector.extract_strided_slice %dot_general3A_130 {offsets = [0, 216], sizes = [1024, 72], strides = [1, 1]} : vector<1024x1152xf32> to vector<1024x72xf32>
    %mul3A_139 = arith.mulf %slice3A_138, %concatenate3A_79 : vector<1024x72xf32>
    %add3A_140 = arith.addf %add3A_137, %mul3A_139 : vector<1024x72xf32>
    %slice3A_141 = vector.extract_strided_slice %dot_general3A_130 {offsets = [0, 288], sizes = [1024, 72], strides = [1, 1]} : vector<1024x1152xf32> to vector<1024x72xf32>
    %mul3A_142 = arith.mulf %slice3A_141, %concatenate3A_82 : vector<1024x72xf32>
    %add3A_143 = arith.addf %add3A_140, %mul3A_142 : vector<1024x72xf32>
    %slice3A_144 = vector.extract_strided_slice %dot_general3A_130 {offsets = [0, 360], sizes = [1024, 72], strides = [1, 1]} : vector<1024x1152xf32> to vector<1024x72xf32>
    %mul3A_145 = arith.mulf %slice3A_144, %concatenate3A_85 : vector<1024x72xf32>
    %add3A_146 = arith.addf %add3A_143, %mul3A_145 : vector<1024x72xf32>
    %slice3A_147 = vector.extract_strided_slice %dot_general3A_130 {offsets = [0, 432], sizes = [1024, 72], strides = [1, 1]} : vector<1024x1152xf32> to vector<1024x72xf32>
    %mul3A_148 = arith.mulf %slice3A_147, %concatenate3A_88 : vector<1024x72xf32>
    %add3A_149 = arith.addf %add3A_146, %mul3A_148 : vector<1024x72xf32>
    %slice3A_150 = vector.extract_strided_slice %dot_general3A_130 {offsets = [0, 504], sizes = [1024, 72], strides = [1, 1]} : vector<1024x1152xf32> to vector<1024x72xf32>
    %mul3A_151 = arith.mulf %slice3A_150, %concatenate3A_91 : vector<1024x72xf32>
    %add3A_152 = arith.addf %add3A_149, %mul3A_151 : vector<1024x72xf32>
    %slice3A_153 = vector.extract_strided_slice %dot_general3A_130 {offsets = [0, 576], sizes = [1024, 72], strides = [1, 1]} : vector<1024x1152xf32> to vector<1024x72xf32>
    %mul3A_154 = arith.mulf %slice3A_153, %concatenate3A : vector<1024x72xf32>
    %slice3A_155 = vector.extract_strided_slice %dot_general3A_130 {offsets = [0, 648], sizes = [1024, 72], strides = [1, 1]} : vector<1024x1152xf32> to vector<1024x72xf32>
    %mul3A_156 = arith.mulf %slice3A_155, %concatenate3A_73 : vector<1024x72xf32>
    %add3A_157 = arith.addf %mul3A_154, %mul3A_156 : vector<1024x72xf32>
    %slice3A_158 = vector.extract_strided_slice %dot_general3A_130 {offsets = [0, 720], sizes = [1024, 72], strides = [1, 1]} : vector<1024x1152xf32> to vector<1024x72xf32>
    %mul3A_159 = arith.mulf %slice3A_158, %concatenate3A_76 : vector<1024x72xf32>
    %add3A_160 = arith.addf %add3A_157, %mul3A_159 : vector<1024x72xf32>
    %slice3A_161 = vector.extract_strided_slice %dot_general3A_130 {offsets = [0, 792], sizes = [1024, 72], strides = [1, 1]} : vector<1024x1152xf32> to vector<1024x72xf32>
    %mul3A_162 = arith.mulf %slice3A_161, %concatenate3A_79 : vector<1024x72xf32>
    %add3A_163 = arith.addf %add3A_160, %mul3A_162 : vector<1024x72xf32>
    %slice3A_164 = vector.extract_strided_slice %dot_general3A_130 {offsets = [0, 864], sizes = [1024, 72], strides = [1, 1]} : vector<1024x1152xf32> to vector<1024x72xf32>
    %mul3A_165 = arith.mulf %slice3A_164, %concatenate3A_82 : vector<1024x72xf32>
    %add3A_166 = arith.addf %add3A_163, %mul3A_165 : vector<1024x72xf32>
    %slice3A_167 = vector.extract_strided_slice %dot_general3A_130 {offsets = [0, 936], sizes = [1024, 72], strides = [1, 1]} : vector<1024x1152xf32> to vector<1024x72xf32>
    %mul3A_168 = arith.mulf %slice3A_167, %concatenate3A_85 : vector<1024x72xf32>
    %add3A_169 = arith.addf %add3A_166, %mul3A_168 : vector<1024x72xf32>
    %slice3A_170 = vector.extract_strided_slice %dot_general3A_130 {offsets = [0, 1008], sizes = [1024, 72], strides = [1, 1]} : vector<1024x1152xf32> to vector<1024x72xf32>
    %mul3A_171 = arith.mulf %slice3A_170, %concatenate3A_88 : vector<1024x72xf32>
    %add3A_172 = arith.addf %add3A_169, %mul3A_171 : vector<1024x72xf32>
    %slice3A_173 = vector.extract_strided_slice %dot_general3A_130 {offsets = [0, 1080], sizes = [1024, 72], strides = [1, 1]} : vector<1024x1152xf32> to vector<1024x72xf32>
    %mul3A_174 = arith.mulf %slice3A_173, %concatenate3A_91 : vector<1024x72xf32>
    %add3A_175 = arith.addf %add3A_172, %mul3A_174 : vector<1024x72xf32>
    %concatenate3A_176 = tpu.concatenate %add3A_152, %add3A_175 in 1 : vector<1024x72xf32>, vector<1024x72xf32> -> vector<1024x144xf32>
    %add3A_177 = vector.broadcast %get3A_34 : vector<1x144xf32> to vector<1024x144xf32>
    %add3A_178 = arith.addf %concatenate3A_176, %add3A_177 : vector<1024x144xf32>
    %dot_general3A_179 = arith.constant dense<0.000000e+00> : vector<1024x96xf32>
    %dot_general3A_180 = tpu.matmul %add3A_178, %get3A_37, %dot_general3A_179 {dimension_numbers = #tpu.dot_dimension_numbers<[1], [0], [0], [1], [0, 0, 1, 1], [], []>, transpose_lhs_hint = false} : vector<1024x144xf32>, vector<144x96xf32>, vector<1024x96xf32> -> vector<1024x96xf32>
    %gt3A_181 = arith.constant 0.000000e+00 : f32
    %gt3A_182 = vector.broadcast %gt3A_181 : f32 to vector<1024x96xf32>
    %gt3A_183 = arith.cmpf ogt, %dot_general3A_180, %gt3A_182 : vector<1024x96xf32>
    %exp3A_184 = math.exp %dot_general3A_180 : vector<1024x96xf32>
    %sub3A_185 = arith.constant 1.000000e+00 : f32
    %sub3A_186 = vector.broadcast %sub3A_185 : f32 to vector<1024x96xf32>
    %sub3A_187 = arith.subf %exp3A_184, %sub3A_186 : vector<1024x96xf32>
    %select_n3A_188 = arith.select %gt3A_183, %dot_general3A_180, %sub3A_187 : vector<1024x96xi1>, vector<1024x96xf32>
    %get3A_189 = arith.constant 0 : index
    %get3A_190 = arith.constant 0 : index
    %get3A_191 = vector.load %arg16[%get3A_189, %get3A_190] : memref<96x64xf32, #tpu.memory_space<vmem>>, vector<96x64xf32>
    %get3A_192 = arith.constant 0 : index
    %get3A_193 = arith.constant 0 : index
    %get3A_194 = vector.load %arg17[%get3A_192, %get3A_193] : memref<1x64xf32, #tpu.memory_space<vmem>>, vector<1x64xf32>
    %dot_general3A_195 = arith.constant dense<0.000000e+00> : vector<1024x64xf32>
    %dot_general3A_196 = tpu.matmul %select_n3A_188, %get3A_191, %dot_general3A_195 {dimension_numbers = #tpu.dot_dimension_numbers<[1], [0], [0], [1], [0, 0, 1, 1], [], []>, transpose_lhs_hint = false} : vector<1024x96xf32>, vector<96x64xf32>, vector<1024x64xf32> -> vector<1024x64xf32>
    %add3A_197 = vector.broadcast %get3A_194 : vector<1x64xf32> to vector<1024x64xf32>
    %add3A_198 = arith.addf %dot_general3A_196, %add3A_197 : vector<1024x64xf32>
    %gt3A_199 = arith.constant 0.000000e+00 : f32
    %gt3A_200 = vector.broadcast %gt3A_199 : f32 to vector<1024x64xf32>
    %gt3A_201 = arith.cmpf ogt, %add3A_198, %gt3A_200 : vector<1024x64xf32>
    %exp3A_202 = math.exp %add3A_198 : vector<1024x64xf32>
    %sub3A_203 = arith.constant 1.000000e+00 : f32
    %sub3A_204 = vector.broadcast %sub3A_203 : f32 to vector<1024x64xf32>
    %sub3A_205 = arith.subf %exp3A_202, %sub3A_204 : vector<1024x64xf32>
    %select_n3A_206 = arith.select %gt3A_201, %add3A_198, %sub3A_205 : vector<1024x64xi1>, vector<1024x64xf32>
    %broadcast_in_dim3A_207 = arith.constant 0.000000e+00 : f32
    %broadcast_in_dim3A_208 = vector.broadcast %broadcast_in_dim3A_207 : f32 to vector<1024x13xf32>
    %concatenate3A_209 = tpu.concatenate %get3A_47, %select_n3A_206, %broadcast_in_dim3A_208 in 1 : vector<1024x3xf32>, vector<1024x64xf32>, vector<1024x13xf32> -> vector<1024x80xf32>
    %swap3A = arith.constant 0 : index
    %swap3A_210 = arith.constant 0 : index
    %swap3A_211 = arith.constant 0 : index
    %swap3A_212 = vector.load %arg18[%swap3A, %swap3A_210, %swap3A_211] : memref<1x1024x80xf32, #tpu.memory_space<vmem>>, vector<1x1024x80xf32>
    %swap3A_213 = vector.shape_cast %swap3A_212 : vector<1x1024x80xf32> to vector<1024x80xf32>
    %swap3A_214 = vector.shape_cast %concatenate3A_209 : vector<1024x80xf32> to vector<1x1024x80xf32>
    tpu.vector_store %arg18[%swap3A, %swap3A_210, %swap3A_211], %swap3A_214 {strides = array<i32>} : memref<1x1024x80xf32, #tpu.memory_space<vmem>>, vector<1x1024x80xf32>,
    return
  }
  func.func @transform_0(%arg0: i32) -> (i32, i32, i32) {
    %c0_i32 = arith.constant 0 : i32
    %c0_i32_0 = arith.constant 0 : i32
    %c0_i32_1 = arith.constant 0 : i32
    return %arg0, %c0_i32, %c0_i32_0 : i32, i32, i32
  }
  func.func @transform_1(%arg0: i32) -> (i32, i32, i32) {
    %c0_i32 = arith.constant 0 : i32
    %c0_i32_0 = arith.constant 0 : i32
    %c0_i32_1 = arith.constant 0 : i32
    return %arg0, %c0_i32, %c0_i32_0 : i32, i32, i32
  }
  func.func @transform_2(%arg0: i32) -> (i32, i32) {
    %c0_i32 = arith.constant 0 : i32
    %c0_i32_0 = arith.constant 0 : i32
    %c0_i32_1 = arith.constant 0 : i32
    return %c0_i32, %c0_i32_0 : i32, i32
  }
  func.func @transform_3(%arg0: i32) -> (i32, i32) {
    %c0_i32 = arith.constant 0 : i32
    %c0_i32_0 = arith.constant 0 : i32
    %c0_i32_1 = arith.constant 0 : i32
    return %c0_i32, %c0_i32_0 : i32, i32
  }
  func.func @transform_4(%arg0: i32) -> (i32, i32) {
    %c0_i32 = arith.constant 0 : i32
    %c0_i32_0 = arith.constant 0 : i32
    %c0_i32_1 = arith.constant 0 : i32
    return %c0_i32, %c0_i32_0 : i32, i32
  }
  func.func @transform_5(%arg0: i32) -> (i32, i32) {
    %c0_i32 = arith.constant 0 : i32
    %c0_i32_0 = arith.constant 0 : i32
    %c0_i32_1 = arith.constant 0 : i32
    return %c0_i32, %c0_i32_0 : i32, i32
  }
  func.func @transform_6(%arg0: i32) -> (i32, i32) {
    %c0_i32 = arith.constant 0 : i32
    %c0_i32_0 = arith.constant 0 : i32
    %c0_i32_1 = arith.constant 0 : i32
    return %c0_i32, %c0_i32_0 : i32, i32
  }
  func.func @transform_7(%arg0: i32) -> (i32, i32) {
    %c0_i32 = arith.constant 0 : i32
    %c0_i32_0 = arith.constant 0 : i32
    %c0_i32_1 = arith.constant 0 : i32
    return %c0_i32, %c0_i32_0 : i32, i32
  }
  func.func @transform_8(%arg0: i32) -> (i32, i32) {
    %c0_i32 = arith.constant 0 : i32
    %c0_i32_0 = arith.constant 0 : i32
    %c0_i32_1 = arith.constant 0 : i32
    return %c0_i32, %c0_i32_0 : i32, i32
  }
  func.func @transform_9(%arg0: i32) -> (i32, i32) {
    %c0_i32 = arith.constant 0 : i32
    %c0_i32_0 = arith.constant 0 : i32
    %c0_i32_1 = arith.constant 0 : i32
    return %c0_i32, %c0_i32_0 : i32, i32
  }
  func.func @transform_10(%arg0: i32) -> (i32, i32) {
    %c0_i32 = arith.constant 0 : i32
    %c0_i32_0 = arith.constant 0 : i32
    %c0_i32_1 = arith.constant 0 : i32
    return %c0_i32, %c0_i32_0 : i32, i32
  }
  func.func @transform_11(%arg0: i32) -> (i32, i32) {
    %c0_i32 = arith.constant 0 : i32
    %c0_i32_0 = arith.constant 0 : i32
    %c0_i32_1 = arith.constant 0 : i32
    return %c0_i32, %c0_i32_0 : i32, i32
  }
  func.func @transform_12(%arg0: i32) -> (i32, i32) {
    %c0_i32 = arith.constant 0 : i32
    %c0_i32_0 = arith.constant 0 : i32
    %c0_i32_1 = arith.constant 0 : i32
    return %c0_i32, %c0_i32_0 : i32, i32
  }
  func.func @transform_13(%arg0: i32) -> (i32, i32) {
    %c0_i32 = arith.constant 0 : i32
    %c0_i32_0 = arith.constant 0 : i32
    %c0_i32_1 = arith.constant 0 : i32
    return %c0_i32, %c0_i32_0 : i32, i32
  }
  func.func @transform_14(%arg0: i32) -> (i32, i32) {
    %c0_i32 = arith.constant 0 : i32
    %c0_i32_0 = arith.constant 0 : i32
    %c0_i32_1 = arith.constant 0 : i32
    return %c0_i32, %c0_i32_0 : i32, i32
  }
  func.func @transform_15(%arg0: i32) -> (i32, i32) {
    %c0_i32 = arith.constant 0 : i32
    %c0_i32_0 = arith.constant 0 : i32
    %c0_i32_1 = arith.constant 0 : i32
    return %c0_i32, %c0_i32_0 : i32, i32
  }
  func.func @transform_16(%arg0: i32) -> (i32, i32) {
    %c0_i32 = arith.constant 0 : i32
    %c0_i32_0 = arith.constant 0 : i32
    %c0_i32_1 = arith.constant 0 : i32
    return %c0_i32, %c0_i32_0 : i32, i32
  }
  func.func @transform_17(%arg0: i32) -> (i32, i32, i32) {
    %c0_i32 = arith.constant 0 : i32
    %c0_i32_0 = arith.constant 0 : i32
    %c0_i32_1 = arith.constant 0 : i32
    return %arg0, %c0_i32, %c0_i32_0 : i32, i32, i32
  }
}

module attributes {stable_mosaic.version = 14 : i64} {
  func.func @_tcx45_body(%arg0: i32, %arg1: memref<1x1440x80xf32, #tpu.memory_space<vmem>>, %arg2: memref<1x120x3xf32, #tpu.memory_space<vmem>>, %arg3: memref<1x120x12xi32, #tpu.memory_space<vmem>>, %arg4: memref<3x32xf32, #tpu.memory_space<vmem>>, %arg5: memref<1x32xf32, #tpu.memory_space<vmem>>, %arg6: memref<32x32xf32, #tpu.memory_space<vmem>>, %arg7: memref<1x32xf32, #tpu.memory_space<vmem>>, %arg8: memref<36x144xf32, #tpu.memory_space<vmem>>, %arg9: memref<1x144xf32, #tpu.memory_space<vmem>>, %arg10: memref<144x144xf32, #tpu.memory_space<vmem>>, %arg11: memref<1x144xf32, #tpu.memory_space<vmem>>, %arg12: memref<144x144xf32, #tpu.memory_space<vmem>>, %arg13: memref<1x144xf32, #tpu.memory_space<vmem>>, %arg14: memref<144x2304xf32, #tpu.memory_space<vmem>>, %arg15: memref<1x192xf32, #tpu.memory_space<vmem>>, %arg16: memref<192x128xf32, #tpu.memory_space<vmem>>, %arg17: memref<128x80xf32, #tpu.memory_space<vmem>>, %arg18: memref<1x80xf32, #tpu.memory_space<vmem>>, %arg19: memref<3x40xf32, #tpu.memory_space<vmem>>, %arg20: memref<1x40xf32, #tpu.memory_space<vmem>>, %arg21: memref<40x40xf32, #tpu.memory_space<vmem>>, %arg22: memref<1x40xf32, #tpu.memory_space<vmem>>, %arg23: memref<36x144xf32, #tpu.memory_space<vmem>>, %arg24: memref<1x144xf32, #tpu.memory_space<vmem>>, %arg25: memref<144x144xf32, #tpu.memory_space<vmem>>, %arg26: memref<1x144xf32, #tpu.memory_space<vmem>>, %arg27: memref<144x144xf32, #tpu.memory_space<vmem>>, %arg28: memref<1x144xf32, #tpu.memory_space<vmem>>, %arg29: memref<144x2880xf32, #tpu.memory_space<vmem>>, %arg30: memref<1x240xf32, #tpu.memory_space<vmem>>, %arg31: memref<240x160xf32, #tpu.memory_space<vmem>>, %arg32: memref<160x128xf32, #tpu.memory_space<vmem>>, %arg33: memref<1x128xf32, #tpu.memory_space<vmem>>, %arg34: memref<128x64xf32, #tpu.memory_space<vmem>>, %arg35: memref<1x64xf32, #tpu.memory_space<vmem>>, %arg36: memref<64x40xf32, #tpu.memory_space<vmem>>, %arg37: memref<1x40xf32, #tpu.memory_space<vmem>>, %arg38: memref<1x1x40xf32, #tpu.memory_space<vmem>>) attributes {dimension_semantics = [#tpu.dimension_semantics<arbitrary>], iteration_bounds = array<i64: 16>, scalar_prefetch = 0 : i64, scratch_operands = 0 : i64, tpu.core_type = #tpu.core_type<tc>, window_params = [{transform_indices = @transform_0, window_bounds = array<i64: 1, 1440, 80>}, {transform_indices = @transform_1, window_bounds = array<i64: 1, 120, 3>}, {transform_indices = @transform_2, window_bounds = array<i64: 1, 120, 12>}, {pipeline_mode = #tpu.pipeline_mode<synchronous>, transform_indices = @transform_3, window_bounds = array<i64: 3, 32>}, {pipeline_mode = #tpu.pipeline_mode<synchronous>, transform_indices = @transform_4, window_bounds = array<i64: 1, 32>}, {pipeline_mode = #tpu.pipeline_mode<synchronous>, transform_indices = @transform_5, window_bounds = array<i64: 32, 32>}, {pipeline_mode = #tpu.pipeline_mode<synchronous>, transform_indices = @transform_6, window_bounds = array<i64: 1, 32>}, {pipeline_mode = #tpu.pipeline_mode<synchronous>, transform_indices = @transform_7, window_bounds = array<i64: 36, 144>}, {pipeline_mode = #tpu.pipeline_mode<synchronous>, transform_indices = @transform_8, window_bounds = array<i64: 1, 144>}, {pipeline_mode = #tpu.pipeline_mode<synchronous>, transform_indices = @transform_9, window_bounds = array<i64: 144, 144>}, {pipeline_mode = #tpu.pipeline_mode<synchronous>, transform_indices = @transform_10, window_bounds = array<i64: 1, 144>}, {pipeline_mode = #tpu.pipeline_mode<synchronous>, transform_indices = @transform_11, window_bounds = array<i64: 144, 144>}, {pipeline_mode = #tpu.pipeline_mode<synchronous>, transform_indices = @transform_12, window_bounds = array<i64: 1, 144>}, {pipeline_mode = #tpu.pipeline_mode<synchronous>, transform_indices = @transform_13, window_bounds = array<i64: 144, 2304>}, {pipeline_mode = #tpu.pipeline_mode<synchronous>, transform_indices = @transform_14, window_bounds = array<i64: 1, 192>}, {pipeline_mode = #tpu.pipeline_mode<synchronous>, transform_indices = @transform_15, window_bounds = array<i64: 192, 128>}, {pipeline_mode = #tpu.pipeline_mode<synchronous>, transform_indices = @transform_16, window_bounds = array<i64: 128, 80>}, {pipeline_mode = #tpu.pipeline_mode<synchronous>, transform_indices = @transform_17, window_bounds = array<i64: 1, 80>}, {pipeline_mode = #tpu.pipeline_mode<synchronous>, transform_indices = @transform_18, window_bounds = array<i64: 3, 40>}, {pipeline_mode = #tpu.pipeline_mode<synchronous>, transform_indices = @transform_19, window_bounds = array<i64: 1, 40>}, {pipeline_mode = #tpu.pipeline_mode<synchronous>, transform_indices = @transform_20, window_bounds = array<i64: 40, 40>}, {pipeline_mode = #tpu.pipeline_mode<synchronous>, transform_indices = @transform_21, window_bounds = array<i64: 1, 40>}, {pipeline_mode = #tpu.pipeline_mode<synchronous>, transform_indices = @transform_22, window_bounds = array<i64: 36, 144>}, {pipeline_mode = #tpu.pipeline_mode<synchronous>, transform_indices = @transform_23, window_bounds = array<i64: 1, 144>}, {pipeline_mode = #tpu.pipeline_mode<synchronous>, transform_indices = @transform_24, window_bounds = array<i64: 144, 144>}, {pipeline_mode = #tpu.pipeline_mode<synchronous>, transform_indices = @transform_25, window_bounds = array<i64: 1, 144>}, {pipeline_mode = #tpu.pipeline_mode<synchronous>, transform_indices = @transform_26, window_bounds = array<i64: 144, 144>}, {pipeline_mode = #tpu.pipeline_mode<synchronous>, transform_indices = @transform_27, window_bounds = array<i64: 1, 144>}, {pipeline_mode = #tpu.pipeline_mode<synchronous>, transform_indices = @transform_28, window_bounds = array<i64: 144, 2880>}, {pipeline_mode = #tpu.pipeline_mode<synchronous>, transform_indices = @transform_29, window_bounds = array<i64: 1, 240>}, {pipeline_mode = #tpu.pipeline_mode<synchronous>, transform_indices = @transform_30, window_bounds = array<i64: 240, 160>}, {pipeline_mode = #tpu.pipeline_mode<synchronous>, transform_indices = @transform_31, window_bounds = array<i64: 160, 128>}, {pipeline_mode = #tpu.pipeline_mode<synchronous>, transform_indices = @transform_32, window_bounds = array<i64: 1, 128>}, {pipeline_mode = #tpu.pipeline_mode<synchronous>, transform_indices = @transform_33, window_bounds = array<i64: 128, 64>}, {pipeline_mode = #tpu.pipeline_mode<synchronous>, transform_indices = @transform_34, window_bounds = array<i64: 1, 64>}, {pipeline_mode = #tpu.pipeline_mode<synchronous>, transform_indices = @transform_35, window_bounds = array<i64: 64, 40>}, {pipeline_mode = #tpu.pipeline_mode<synchronous>, transform_indices = @transform_36, window_bounds = array<i64: 1, 40>}, {transform_indices = @transform_37, window_bounds = array<i64: 1, 1, 40>}]} {
    %get3A = arith.constant 0 : index
    %get3A_0 = arith.constant 0 : index
    %get3A_1 = vector.load %arg4[%get3A, %get3A_0] : memref<3x32xf32, #tpu.memory_space<vmem>>, vector<3x32xf32>
    %get3A_2 = arith.constant 0 : index
    %get3A_3 = arith.constant 0 : index
    %get3A_4 = vector.load %arg5[%get3A_2, %get3A_3] : memref<1x32xf32, #tpu.memory_space<vmem>>, vector<1x32xf32>
    %get3A_5 = arith.constant 0 : index
    %get3A_6 = arith.constant 0 : index
    %get3A_7 = vector.load %arg6[%get3A_5, %get3A_6] : memref<32x32xf32, #tpu.memory_space<vmem>>, vector<32x32xf32>
    %get3A_8 = arith.constant 0 : index
    %get3A_9 = arith.constant 0 : index
    %get3A_10 = vector.load %arg7[%get3A_8, %get3A_9] : memref<1x32xf32, #tpu.memory_space<vmem>>, vector<1x32xf32>
    %get3A_11 = arith.constant 0 : index
    %get3A_12 = arith.constant 0 : index
    %get3A_13 = vector.load %arg8[%get3A_11, %get3A_12] : memref<36x144xf32, #tpu.memory_space<vmem>>, vector<36x144xf32>
    %get3A_14 = arith.constant 0 : index
    %get3A_15 = arith.constant 0 : index
    %get3A_16 = vector.load %arg9[%get3A_14, %get3A_15] : memref<1x144xf32, #tpu.memory_space<vmem>>, vector<1x144xf32>
    %get3A_17 = arith.constant 0 : index
    %get3A_18 = arith.constant 0 : index
    %get3A_19 = vector.load %arg10[%get3A_17, %get3A_18] : memref<144x144xf32, #tpu.memory_space<vmem>>, vector<144x144xf32>
    %get3A_20 = arith.constant 0 : index
    %get3A_21 = arith.constant 0 : index
    %get3A_22 = vector.load %arg11[%get3A_20, %get3A_21] : memref<1x144xf32, #tpu.memory_space<vmem>>, vector<1x144xf32>
    %get3A_23 = arith.constant 0 : index
    %get3A_24 = arith.constant 0 : index
    %get3A_25 = vector.load %arg12[%get3A_23, %get3A_24] : memref<144x144xf32, #tpu.memory_space<vmem>>, vector<144x144xf32>
    %get3A_26 = arith.constant 0 : index
    %get3A_27 = arith.constant 0 : index
    %get3A_28 = vector.load %arg13[%get3A_26, %get3A_27] : memref<1x144xf32, #tpu.memory_space<vmem>>, vector<1x144xf32>
    %get3A_29 = arith.constant 0 : index
    %get3A_30 = arith.constant 0 : index
    %get3A_31 = vector.load %arg14[%get3A_29, %get3A_30] : memref<144x2304xf32, #tpu.memory_space<vmem>>, vector<144x2304xf32>
    %get3A_32 = arith.constant 0 : index
    %get3A_33 = arith.constant 0 : index
    %get3A_34 = vector.load %arg15[%get3A_32, %get3A_33] : memref<1x192xf32, #tpu.memory_space<vmem>>, vector<1x192xf32>
    %get3A_35 = arith.constant 0 : index
    %get3A_36 = arith.constant 0 : index
    %get3A_37 = vector.load %arg16[%get3A_35, %get3A_36] : memref<192x128xf32, #tpu.memory_space<vmem>>, vector<192x128xf32>
    %get3A_38 = arith.constant 0 : index
    %get3A_39 = arith.constant 0 : index
    %get3A_40 = vector.load %arg17[%get3A_38, %get3A_39] : memref<128x80xf32, #tpu.memory_space<vmem>>, vector<128x80xf32>
    %get3A_41 = arith.constant 0 : index
    %get3A_42 = arith.constant 0 : index
    %get3A_43 = vector.load %arg18[%get3A_41, %get3A_42] : memref<1x80xf32, #tpu.memory_space<vmem>>, vector<1x80xf32>
    %get3A_44 = arith.constant 0 : index
    %get3A_45 = arith.constant 0 : index
    %get3A_46 = vector.load %arg19[%get3A_44, %get3A_45] : memref<3x40xf32, #tpu.memory_space<vmem>>, vector<3x40xf32>
    %get3A_47 = arith.constant 0 : index
    %get3A_48 = arith.constant 0 : index
    %get3A_49 = vector.load %arg20[%get3A_47, %get3A_48] : memref<1x40xf32, #tpu.memory_space<vmem>>, vector<1x40xf32>
    %get3A_50 = arith.constant 0 : index
    %get3A_51 = arith.constant 0 : index
    %get3A_52 = vector.load %arg21[%get3A_50, %get3A_51] : memref<40x40xf32, #tpu.memory_space<vmem>>, vector<40x40xf32>
    %get3A_53 = arith.constant 0 : index
    %get3A_54 = arith.constant 0 : index
    %get3A_55 = vector.load %arg22[%get3A_53, %get3A_54] : memref<1x40xf32, #tpu.memory_space<vmem>>, vector<1x40xf32>
    %get3A_56 = arith.constant 0 : index
    %get3A_57 = arith.constant 0 : index
    %get3A_58 = vector.load %arg23[%get3A_56, %get3A_57] : memref<36x144xf32, #tpu.memory_space<vmem>>, vector<36x144xf32>
    %get3A_59 = arith.constant 0 : index
    %get3A_60 = arith.constant 0 : index
    %get3A_61 = vector.load %arg24[%get3A_59, %get3A_60] : memref<1x144xf32, #tpu.memory_space<vmem>>, vector<1x144xf32>
    %get3A_62 = arith.constant 0 : index
    %get3A_63 = arith.constant 0 : index
    %get3A_64 = vector.load %arg25[%get3A_62, %get3A_63] : memref<144x144xf32, #tpu.memory_space<vmem>>, vector<144x144xf32>
    %get3A_65 = arith.constant 0 : index
    %get3A_66 = arith.constant 0 : index
    %get3A_67 = vector.load %arg26[%get3A_65, %get3A_66] : memref<1x144xf32, #tpu.memory_space<vmem>>, vector<1x144xf32>
    %get3A_68 = arith.constant 0 : index
    %get3A_69 = arith.constant 0 : index
    %get3A_70 = vector.load %arg27[%get3A_68, %get3A_69] : memref<144x144xf32, #tpu.memory_space<vmem>>, vector<144x144xf32>
    %get3A_71 = arith.constant 0 : index
    %get3A_72 = arith.constant 0 : index
    %get3A_73 = vector.load %arg28[%get3A_71, %get3A_72] : memref<1x144xf32, #tpu.memory_space<vmem>>, vector<1x144xf32>
    %get3A_74 = arith.constant 0 : index
    %get3A_75 = arith.constant 0 : index
    %get3A_76 = vector.load %arg29[%get3A_74, %get3A_75] : memref<144x2880xf32, #tpu.memory_space<vmem>>, vector<144x2880xf32>
    %get3A_77 = arith.constant 0 : index
    %get3A_78 = arith.constant 0 : index
    %get3A_79 = vector.load %arg30[%get3A_77, %get3A_78] : memref<1x240xf32, #tpu.memory_space<vmem>>, vector<1x240xf32>
    %get3A_80 = arith.constant 0 : index
    %get3A_81 = arith.constant 0 : index
    %get3A_82 = vector.load %arg31[%get3A_80, %get3A_81] : memref<240x160xf32, #tpu.memory_space<vmem>>, vector<240x160xf32>
    %get3A_83 = arith.constant 0 : index
    %get3A_84 = arith.constant 0 : index
    %get3A_85 = vector.load %arg32[%get3A_83, %get3A_84] : memref<160x128xf32, #tpu.memory_space<vmem>>, vector<160x128xf32>
    %get3A_86 = arith.constant 0 : index
    %get3A_87 = arith.constant 0 : index
    %get3A_88 = vector.load %arg33[%get3A_86, %get3A_87] : memref<1x128xf32, #tpu.memory_space<vmem>>, vector<1x128xf32>
    %get3A_89 = arith.constant 0 : index
    %get3A_90 = arith.constant 0 : index
    %get3A_91 = vector.load %arg34[%get3A_89, %get3A_90] : memref<128x64xf32, #tpu.memory_space<vmem>>, vector<128x64xf32>
    %get3A_92 = arith.constant 0 : index
    %get3A_93 = arith.constant 0 : index
    %get3A_94 = vector.load %arg35[%get3A_92, %get3A_93] : memref<1x64xf32, #tpu.memory_space<vmem>>, vector<1x64xf32>
    %get3A_95 = arith.constant 0 : index
    %get3A_96 = arith.constant 0 : index
    %get3A_97 = vector.load %arg36[%get3A_95, %get3A_96] : memref<64x40xf32, #tpu.memory_space<vmem>>, vector<64x40xf32>
    %get3A_98 = arith.constant 0 : index
    %get3A_99 = arith.constant 0 : index
    %get3A_100 = vector.load %arg37[%get3A_98, %get3A_99] : memref<1x40xf32, #tpu.memory_space<vmem>>, vector<1x40xf32>
    %get3A_101 = arith.constant 0 : index
    %get3A_102 = arith.constant 0 : index
    %get3A_103 = arith.constant 0 : index
    %get3A_104 = vector.load %arg2[%get3A_101, %get3A_102, %get3A_103] : memref<1x120x3xf32, #tpu.memory_space<vmem>>, vector<1x120x3xf32>
    %get3A_105 = vector.shape_cast %get3A_104 : vector<1x120x3xf32> to vector<120x3xf32>
    %get3A_106 = arith.constant 0 : index
    %get3A_107 = arith.constant 0 : index
    %get3A_108 = arith.constant 0 : index
    %get3A_109 = vector.load %arg1[%get3A_106, %get3A_107, %get3A_108] : memref<1x1440x80xf32, #tpu.memory_space<vmem>>, vector<1x1440x80xf32>
    %get3A_110 = vector.shape_cast %get3A_109 : vector<1x1440x80xf32> to vector<1440x80xf32>
    %broadcast_in_dim3A = vector.shape_cast %get3A_105 : vector<120x3xf32> to vector<1x120x3xf32>
    %broadcast_in_dim3A_111 = vector.shape_cast %broadcast_in_dim3A : vector<1x120x3xf32> to vector<1x120x3xf32>
    %broadcast_in_dim3A_112 = vector.broadcast %broadcast_in_dim3A_111 : vector<1x120x3xf32> to vector<12x120x3xf32>
    %reshape3A = vector.shape_cast %broadcast_in_dim3A_112 : vector<12x120x3xf32> to vector<1440x3xf32>
    %slice3A = vector.extract_strided_slice %get3A_110 {offsets = [0, 0], sizes = [1440, 3], strides = [1, 1]} : vector<1440x80xf32> to vector<1440x3xf32>
    %sub3A = arith.subf %slice3A, %reshape3A : vector<1440x3xf32>
    %dot_general3A = arith.constant dense<0.000000e+00> : vector<1440x32xf32>
    %dot_general3A_113 = tpu.matmul %sub3A, %get3A_1, %dot_general3A {dimension_numbers = #tpu.dot_dimension_numbers<[1], [0], [0], [1], [0, 0, 1, 1], [], []>, transpose_lhs_hint = false} : vector<1440x3xf32>, vector<3x32xf32>, vector<1440x32xf32> -> vector<1440x32xf32>
    %add3A = vector.broadcast %get3A_4 : vector<1x32xf32> to vector<1440x32xf32>
    %add3A_114 = arith.addf %dot_general3A_113, %add3A : vector<1440x32xf32>
    %gt3A = arith.constant 0.000000e+00 : f32
    %gt3A_115 = vector.broadcast %gt3A : f32 to vector<1440x32xf32>
    %gt3A_116 = arith.cmpf ogt, %add3A_114, %gt3A_115 : vector<1440x32xf32>
    %exp3A = math.exp %add3A_114 : vector<1440x32xf32>
    %sub3A_117 = arith.constant 1.000000e+00 : f32
    %sub3A_118 = vector.broadcast %sub3A_117 : f32 to vector<1440x32xf32>
    %sub3A_119 = arith.subf %exp3A, %sub3A_118 : vector<1440x32xf32>
    %select_n3A = arith.select %gt3A_116, %add3A_114, %sub3A_119 : vector<1440x32xi1>, vector<1440x32xf32>
    %dot_general3A_120 = arith.constant dense<0.000000e+00> : vector<1440x32xf32>
    %dot_general3A_121 = tpu.matmul %select_n3A, %get3A_7, %dot_general3A_120 {dimension_numbers = #tpu.dot_dimension_numbers<[1], [0], [0], [1], [0, 0, 1, 1], [], []>, transpose_lhs_hint = false} : vector<1440x32xf32>, vector<32x32xf32>, vector<1440x32xf32> -> vector<1440x32xf32>
    %add3A_122 = vector.broadcast %get3A_10 : vector<1x32xf32> to vector<1440x32xf32>
    %add3A_123 = arith.addf %dot_general3A_121, %add3A_122 : vector<1440x32xf32>
    %gt3A_124 = arith.constant 0.000000e+00 : f32
    %gt3A_125 = vector.broadcast %gt3A_124 : f32 to vector<1440x32xf32>
    %gt3A_126 = arith.cmpf ogt, %add3A_123, %gt3A_125 : vector<1440x32xf32>
    %exp3A_127 = math.exp %add3A_123 : vector<1440x32xf32>
    %sub3A_128 = arith.constant 1.000000e+00 : f32
    %sub3A_129 = vector.broadcast %sub3A_128 : f32 to vector<1440x32xf32>
    %sub3A_130 = arith.subf %exp3A_127, %sub3A_129 : vector<1440x32xf32>
    %select_n3A_131 = arith.select %gt3A_126, %add3A_123, %sub3A_130 : vector<1440x32xi1>, vector<1440x32xf32>
    %slice3A_132 = vector.extract_strided_slice %get3A_110 {offsets = [0, 3], sizes = [120, 64], strides = [1, 1]} : vector<1440x80xf32> to vector<120x64xf32>
    %slice3A_133 = vector.extract_strided_slice %select_n3A_131 {offsets = [0, 0], sizes = [120, 32], strides = [1, 1]} : vector<1440x32xf32> to vector<120x32xf32>
    %concatenate3A = tpu.concatenate %slice3A_133, %slice3A_132 in 1 : vector<120x32xf32>, vector<120x64xf32> -> vector<120x96xf32>
    %slice3A_134 = vector.extract_strided_slice %get3A_110 {offsets = [120, 3], sizes = [120, 64], strides = [1, 1]} : vector<1440x80xf32> to vector<120x64xf32>
    %slice3A_135 = vector.extract_strided_slice %select_n3A_131 {offsets = [120, 0], sizes = [120, 32], strides = [1, 1]} : vector<1440x32xf32> to vector<120x32xf32>
    %concatenate3A_136 = tpu.concatenate %slice3A_135, %slice3A_134 in 1 : vector<120x32xf32>, vector<120x64xf32> -> vector<120x96xf32>
    %slice3A_137 = vector.extract_strided_slice %get3A_110 {offsets = [240, 3], sizes = [120, 64], strides = [1, 1]} : vector<1440x80xf32> to vector<120x64xf32>
    %slice3A_138 = vector.extract_strided_slice %select_n3A_131 {offsets = [240, 0], sizes = [120, 32], strides = [1, 1]} : vector<1440x32xf32> to vector<120x32xf32>
    %concatenate3A_139 = tpu.concatenate %slice3A_138, %slice3A_137 in 1 : vector<120x32xf32>, vector<120x64xf32> -> vector<120x96xf32>
    %slice3A_140 = vector.extract_strided_slice %get3A_110 {offsets = [360, 3], sizes = [120, 64], strides = [1, 1]} : vector<1440x80xf32> to vector<120x64xf32>
    %slice3A_141 = vector.extract_strided_slice %select_n3A_131 {offsets = [360, 0], sizes = [120, 32], strides = [1, 1]} : vector<1440x32xf32> to vector<120x32xf32>
    %concatenate3A_142 = tpu.concatenate %slice3A_141, %slice3A_140 in 1 : vector<120x32xf32>, vector<120x64xf32> -> vector<120x96xf32>
    %slice3A_143 = vector.extract_strided_slice %get3A_110 {offsets = [480, 3], sizes = [120, 64], strides = [1, 1]} : vector<1440x80xf32> to vector<120x64xf32>
    %slice3A_144 = vector.extract_strided_slice %select_n3A_131 {offsets = [480, 0], sizes = [120, 32], strides = [1, 1]} : vector<1440x32xf32> to vector<120x32xf32>
    %concatenate3A_145 = tpu.concatenate %slice3A_144, %slice3A_143 in 1 : vector<120x32xf32>, vector<120x64xf32> -> vector<120x96xf32>
    %slice3A_146 = vector.extract_strided_slice %get3A_110 {offsets = [600, 3], sizes = [120, 64], strides = [1, 1]} : vector<1440x80xf32> to vector<120x64xf32>
    %slice3A_147 = vector.extract_strided_slice %select_n3A_131 {offsets = [600, 0], sizes = [120, 32], strides = [1, 1]} : vector<1440x32xf32> to vector<120x32xf32>
    %concatenate3A_148 = tpu.concatenate %slice3A_147, %slice3A_146 in 1 : vector<120x32xf32>, vector<120x64xf32> -> vector<120x96xf32>
    %slice3A_149 = vector.extract_strided_slice %get3A_110 {offsets = [720, 3], sizes = [120, 64], strides = [1, 1]} : vector<1440x80xf32> to vector<120x64xf32>
    %slice3A_150 = vector.extract_strided_slice %select_n3A_131 {offsets = [720, 0], sizes = [120, 32], strides = [1, 1]} : vector<1440x32xf32> to vector<120x32xf32>
    %concatenate3A_151 = tpu.concatenate %slice3A_150, %slice3A_149 in 1 : vector<120x32xf32>, vector<120x64xf32> -> vector<120x96xf32>
    %slice3A_152 = vector.extract_strided_slice %get3A_110 {offsets = [840, 3], sizes = [120, 64], strides = [1, 1]} : vector<1440x80xf32> to vector<120x64xf32>
    %slice3A_153 = vector.extract_strided_slice %select_n3A_131 {offsets = [840, 0], sizes = [120, 32], strides = [1, 1]} : vector<1440x32xf32> to vector<120x32xf32>
    %concatenate3A_154 = tpu.concatenate %slice3A_153, %slice3A_152 in 1 : vector<120x32xf32>, vector<120x64xf32> -> vector<120x96xf32>
    %slice3A_155 = vector.extract_strided_slice %get3A_110 {offsets = [960, 3], sizes = [120, 64], strides = [1, 1]} : vector<1440x80xf32> to vector<120x64xf32>
    %slice3A_156 = vector.extract_strided_slice %select_n3A_131 {offsets = [960, 0], sizes = [120, 32], strides = [1, 1]} : vector<1440x32xf32> to vector<120x32xf32>
    %concatenate3A_157 = tpu.concatenate %slice3A_156, %slice3A_155 in 1 : vector<120x32xf32>, vector<120x64xf32> -> vector<120x96xf32>
    %slice3A_158 = vector.extract_strided_slice %get3A_110 {offsets = [1080, 3], sizes = [120, 64], strides = [1, 1]} : vector<1440x80xf32> to vector<120x64xf32>
    %slice3A_159 = vector.extract_strided_slice %select_n3A_131 {offsets = [1080, 0], sizes = [120, 32], strides = [1, 1]} : vector<1440x32xf32> to vector<120x32xf32>
    %concatenate3A_160 = tpu.concatenate %slice3A_159, %slice3A_158 in 1 : vector<120x32xf32>, vector<120x64xf32> -> vector<120x96xf32>
    %slice3A_161 = vector.extract_strided_slice %get3A_110 {offsets = [1200, 3], sizes = [120, 64], strides = [1, 1]} : vector<1440x80xf32> to vector<120x64xf32>
    %slice3A_162 = vector.extract_strided_slice %select_n3A_131 {offsets = [1200, 0], sizes = [120, 32], strides = [1, 1]} : vector<1440x32xf32> to vector<120x32xf32>
    %concatenate3A_163 = tpu.concatenate %slice3A_162, %slice3A_161 in 1 : vector<120x32xf32>, vector<120x64xf32> -> vector<120x96xf32>
    %slice3A_164 = vector.extract_strided_slice %get3A_110 {offsets = [1320, 3], sizes = [120, 64], strides = [1, 1]} : vector<1440x80xf32> to vector<120x64xf32>
    %slice3A_165 = vector.extract_strided_slice %select_n3A_131 {offsets = [1320, 0], sizes = [120, 32], strides = [1, 1]} : vector<1440x32xf32> to vector<120x32xf32>
    %concatenate3A_166 = tpu.concatenate %slice3A_165, %slice3A_164 in 1 : vector<120x32xf32>, vector<120x64xf32> -> vector<120x96xf32>
    %slice3A_167 = vector.extract_strided_slice %sub3A {offsets = [0, 0], sizes = [120, 3], strides = [1, 1]} : vector<1440x3xf32> to vector<120x3xf32>
    %slice3A_168 = vector.extract_strided_slice %sub3A {offsets = [120, 0], sizes = [120, 3], strides = [1, 1]} : vector<1440x3xf32> to vector<120x3xf32>
    %slice3A_169 = vector.extract_strided_slice %sub3A {offsets = [240, 0], sizes = [120, 3], strides = [1, 1]} : vector<1440x3xf32> to vector<120x3xf32>
    %slice3A_170 = vector.extract_strided_slice %sub3A {offsets = [360, 0], sizes = [120, 3], strides = [1, 1]} : vector<1440x3xf32> to vector<120x3xf32>
    %slice3A_171 = vector.extract_strided_slice %sub3A {offsets = [480, 0], sizes = [120, 3], strides = [1, 1]} : vector<1440x3xf32> to vector<120x3xf32>
    %slice3A_172 = vector.extract_strided_slice %sub3A {offsets = [600, 0], sizes = [120, 3], strides = [1, 1]} : vector<1440x3xf32> to vector<120x3xf32>
    %slice3A_173 = vector.extract_strided_slice %sub3A {offsets = [720, 0], sizes = [120, 3], strides = [1, 1]} : vector<1440x3xf32> to vector<120x3xf32>
    %slice3A_174 = vector.extract_strided_slice %sub3A {offsets = [840, 0], sizes = [120, 3], strides = [1, 1]} : vector<1440x3xf32> to vector<120x3xf32>
    %slice3A_175 = vector.extract_strided_slice %sub3A {offsets = [960, 0], sizes = [120, 3], strides = [1, 1]} : vector<1440x3xf32> to vector<120x3xf32>
    %slice3A_176 = vector.extract_strided_slice %sub3A {offsets = [1080, 0], sizes = [120, 3], strides = [1, 1]} : vector<1440x3xf32> to vector<120x3xf32>
    %slice3A_177 = vector.extract_strided_slice %sub3A {offsets = [1200, 0], sizes = [120, 3], strides = [1, 1]} : vector<1440x3xf32> to vector<120x3xf32>
    %slice3A_178 = vector.extract_strided_slice %sub3A {offsets = [1320, 0], sizes = [120, 3], strides = [1, 1]} : vector<1440x3xf32> to vector<120x3xf32>
    %concatenate3A_179 = tpu.concatenate %slice3A_167, %slice3A_168, %slice3A_169, %slice3A_170, %slice3A_171, %slice3A_172, %slice3A_173, %slice3A_174, %slice3A_175, %slice3A_176, %slice3A_177, %slice3A_178 in 1 : vector<120x3xf32>, vector<120x3xf32>, vector<120x3xf32>, vector<120x3xf32>, vector<120x3xf32>, vector<120x3xf32>, vector<120x3xf32>, vector<120x3xf32>, vector<120x3xf32>, vector<120x3xf32>, vector<120x3xf32>, vector<120x3xf32> -> vector<120x36xf32>
    %dot_general3A_180 = arith.constant dense<0.000000e+00> : vector<120x144xf32>
    %dot_general3A_181 = tpu.matmul %concatenate3A_179, %get3A_13, %dot_general3A_180 {dimension_numbers = #tpu.dot_dimension_numbers<[1], [0], [0], [1], [0, 0, 1, 1], [], []>, transpose_lhs_hint = false} : vector<120x36xf32>, vector<36x144xf32>, vector<120x144xf32> -> vector<120x144xf32>
    %add3A_182 = vector.broadcast %get3A_16 : vector<1x144xf32> to vector<120x144xf32>
    %add3A_183 = arith.addf %dot_general3A_181, %add3A_182 : vector<120x144xf32>
    %gt3A_184 = arith.constant 0.000000e+00 : f32
    %gt3A_185 = vector.broadcast %gt3A_184 : f32 to vector<120x144xf32>
    %gt3A_186 = arith.cmpf ogt, %add3A_183, %gt3A_185 : vector<120x144xf32>
    %exp3A_187 = math.exp %add3A_183 : vector<120x144xf32>
    %sub3A_188 = arith.constant 1.000000e+00 : f32
    %sub3A_189 = vector.broadcast %sub3A_188 : f32 to vector<120x144xf32>
    %sub3A_190 = arith.subf %exp3A_187, %sub3A_189 : vector<120x144xf32>
    %select_n3A_191 = arith.select %gt3A_186, %add3A_183, %sub3A_190 : vector<120x144xi1>, vector<120x144xf32>
    %dot_general3A_192 = arith.constant dense<0.000000e+00> : vector<120x144xf32>
    %dot_general3A_193 = tpu.matmul %select_n3A_191, %get3A_19, %dot_general3A_192 {dimension_numbers = #tpu.dot_dimension_numbers<[1], [0], [0], [1], [0, 0, 1, 1], [], []>, transpose_lhs_hint = false} : vector<120x144xf32>, vector<144x144xf32>, vector<120x144xf32> -> vector<120x144xf32>
    %add3A_194 = vector.broadcast %get3A_22 : vector<1x144xf32> to vector<120x144xf32>
    %add3A_195 = arith.addf %dot_general3A_193, %add3A_194 : vector<120x144xf32>
    %gt3A_196 = arith.constant 0.000000e+00 : f32
    %gt3A_197 = vector.broadcast %gt3A_196 : f32 to vector<120x144xf32>
    %gt3A_198 = arith.cmpf ogt, %add3A_195, %gt3A_197 : vector<120x144xf32>
    %exp3A_199 = math.exp %add3A_195 : vector<120x144xf32>
    %sub3A_200 = arith.constant 1.000000e+00 : f32
    %sub3A_201 = vector.broadcast %sub3A_200 : f32 to vector<120x144xf32>
    %sub3A_202 = arith.subf %exp3A_199, %sub3A_201 : vector<120x144xf32>
    %select_n3A_203 = arith.select %gt3A_198, %add3A_195, %sub3A_202 : vector<120x144xi1>, vector<120x144xf32>
    %dot_general3A_204 = arith.constant dense<0.000000e+00> : vector<120x144xf32>
    %dot_general3A_205 = tpu.matmul %select_n3A_203, %get3A_25, %dot_general3A_204 {dimension_numbers = #tpu.dot_dimension_numbers<[1], [0], [0], [1], [0, 0, 1, 1], [], []>, transpose_lhs_hint = false} : vector<120x144xf32>, vector<144x144xf32>, vector<120x144xf32> -> vector<120x144xf32>
    %add3A_206 = vector.broadcast %get3A_28 : vector<1x144xf32> to vector<120x144xf32>
    %add3A_207 = arith.addf %dot_general3A_205, %add3A_206 : vector<120x144xf32>
    %dot_general3A_208 = arith.constant dense<0.000000e+00> : vector<120x2304xf32>
    %dot_general3A_209 = tpu.matmul %add3A_207, %get3A_31, %dot_general3A_208 {dimension_numbers = #tpu.dot_dimension_numbers<[1], [0], [0], [1], [0, 0, 1, 1], [], []>, transpose_lhs_hint = false} : vector<120x144xf32>, vector<144x2304xf32>, vector<120x2304xf32> -> vector<120x2304xf32>
    %slice3A_210 = vector.extract_strided_slice %dot_general3A_209 {offsets = [0, 0], sizes = [120, 96], strides = [1, 1]} : vector<120x2304xf32> to vector<120x96xf32>
    %mul3A = arith.mulf %slice3A_210, %concatenate3A : vector<120x96xf32>
    %slice3A_211 = vector.extract_strided_slice %dot_general3A_209 {offsets = [0, 96], sizes = [120, 96], strides = [1, 1]} : vector<120x2304xf32> to vector<120x96xf32>
    %mul3A_212 = arith.mulf %slice3A_211, %concatenate3A_136 : vector<120x96xf32>
    %add3A_213 = arith.addf %mul3A, %mul3A_212 : vector<120x96xf32>
    %slice3A_214 = vector.extract_strided_slice %dot_general3A_209 {offsets = [0, 192], sizes = [120, 96], strides = [1, 1]} : vector<120x2304xf32> to vector<120x96xf32>
    %mul3A_215 = arith.mulf %slice3A_214, %concatenate3A_139 : vector<120x96xf32>
    %add3A_216 = arith.addf %add3A_213, %mul3A_215 : vector<120x96xf32>
    %slice3A_217 = vector.extract_strided_slice %dot_general3A_209 {offsets = [0, 288], sizes = [120, 96], strides = [1, 1]} : vector<120x2304xf32> to vector<120x96xf32>
    %mul3A_218 = arith.mulf %slice3A_217, %concatenate3A_142 : vector<120x96xf32>
    %add3A_219 = arith.addf %add3A_216, %mul3A_218 : vector<120x96xf32>
    %slice3A_220 = vector.extract_strided_slice %dot_general3A_209 {offsets = [0, 384], sizes = [120, 96], strides = [1, 1]} : vector<120x2304xf32> to vector<120x96xf32>
    %mul3A_221 = arith.mulf %slice3A_220, %concatenate3A_145 : vector<120x96xf32>
    %add3A_222 = arith.addf %add3A_219, %mul3A_221 : vector<120x96xf32>
    %slice3A_223 = vector.extract_strided_slice %dot_general3A_209 {offsets = [0, 480], sizes = [120, 96], strides = [1, 1]} : vector<120x2304xf32> to vector<120x96xf32>
    %mul3A_224 = arith.mulf %slice3A_223, %concatenate3A_148 : vector<120x96xf32>
    %add3A_225 = arith.addf %add3A_222, %mul3A_224 : vector<120x96xf32>
    %slice3A_226 = vector.extract_strided_slice %dot_general3A_209 {offsets = [0, 576], sizes = [120, 96], strides = [1, 1]} : vector<120x2304xf32> to vector<120x96xf32>
    %mul3A_227 = arith.mulf %slice3A_226, %concatenate3A_151 : vector<120x96xf32>
    %add3A_228 = arith.addf %add3A_225, %mul3A_227 : vector<120x96xf32>
    %slice3A_229 = vector.extract_strided_slice %dot_general3A_209 {offsets = [0, 672], sizes = [120, 96], strides = [1, 1]} : vector<120x2304xf32> to vector<120x96xf32>
    %mul3A_230 = arith.mulf %slice3A_229, %concatenate3A_154 : vector<120x96xf32>
    %add3A_231 = arith.addf %add3A_228, %mul3A_230 : vector<120x96xf32>
    %slice3A_232 = vector.extract_strided_slice %dot_general3A_209 {offsets = [0, 768], sizes = [120, 96], strides = [1, 1]} : vector<120x2304xf32> to vector<120x96xf32>
    %mul3A_233 = arith.mulf %slice3A_232, %concatenate3A_157 : vector<120x96xf32>
    %add3A_234 = arith.addf %add3A_231, %mul3A_233 : vector<120x96xf32>
    %slice3A_235 = vector.extract_strided_slice %dot_general3A_209 {offsets = [0, 864], sizes = [120, 96], strides = [1, 1]} : vector<120x2304xf32> to vector<120x96xf32>
    %mul3A_236 = arith.mulf %slice3A_235, %concatenate3A_160 : vector<120x96xf32>
    %add3A_237 = arith.addf %add3A_234, %mul3A_236 : vector<120x96xf32>
    %slice3A_238 = vector.extract_strided_slice %dot_general3A_209 {offsets = [0, 960], sizes = [120, 96], strides = [1, 1]} : vector<120x2304xf32> to vector<120x96xf32>
    %mul3A_239 = arith.mulf %slice3A_238, %concatenate3A_163 : vector<120x96xf32>
    %add3A_240 = arith.addf %add3A_237, %mul3A_239 : vector<120x96xf32>
    %slice3A_241 = vector.extract_strided_slice %dot_general3A_209 {offsets = [0, 1056], sizes = [120, 96], strides = [1, 1]} : vector<120x2304xf32> to vector<120x96xf32>
    %mul3A_242 = arith.mulf %slice3A_241, %concatenate3A_166 : vector<120x96xf32>
    %add3A_243 = arith.addf %add3A_240, %mul3A_242 : vector<120x96xf32>
    %slice3A_244 = vector.extract_strided_slice %dot_general3A_209 {offsets = [0, 1152], sizes = [120, 96], strides = [1, 1]} : vector<120x2304xf32> to vector<120x96xf32>
    %mul3A_245 = arith.mulf %slice3A_244, %concatenate3A : vector<120x96xf32>
    %slice3A_246 = vector.extract_strided_slice %dot_general3A_209 {offsets = [0, 1248], sizes = [120, 96], strides = [1, 1]} : vector<120x2304xf32> to vector<120x96xf32>
    %mul3A_247 = arith.mulf %slice3A_246, %concatenate3A_136 : vector<120x96xf32>
    %add3A_248 = arith.addf %mul3A_245, %mul3A_247 : vector<120x96xf32>
    %slice3A_249 = vector.extract_strided_slice %dot_general3A_209 {offsets = [0, 1344], sizes = [120, 96], strides = [1, 1]} : vector<120x2304xf32> to vector<120x96xf32>
    %mul3A_250 = arith.mulf %slice3A_249, %concatenate3A_139 : vector<120x96xf32>
    %add3A_251 = arith.addf %add3A_248, %mul3A_250 : vector<120x96xf32>
    %slice3A_252 = vector.extract_strided_slice %dot_general3A_209 {offsets = [0, 1440], sizes = [120, 96], strides = [1, 1]} : vector<120x2304xf32> to vector<120x96xf32>
    %mul3A_253 = arith.mulf %slice3A_252, %concatenate3A_142 : vector<120x96xf32>
    %add3A_254 = arith.addf %add3A_251, %mul3A_253 : vector<120x96xf32>
    %slice3A_255 = vector.extract_strided_slice %dot_general3A_209 {offsets = [0, 1536], sizes = [120, 96], strides = [1, 1]} : vector<120x2304xf32> to vector<120x96xf32>
    %mul3A_256 = arith.mulf %slice3A_255, %concatenate3A_145 : vector<120x96xf32>
    %add3A_257 = arith.addf %add3A_254, %mul3A_256 : vector<120x96xf32>
    %slice3A_258 = vector.extract_strided_slice %dot_general3A_209 {offsets = [0, 1632], sizes = [120, 96], strides = [1, 1]} : vector<120x2304xf32> to vector<120x96xf32>
    %mul3A_259 = arith.mulf %slice3A_258, %concatenate3A_148 : vector<120x96xf32>
    %add3A_260 = arith.addf %add3A_257, %mul3A_259 : vector<120x96xf32>
    %slice3A_261 = vector.extract_strided_slice %dot_general3A_209 {offsets = [0, 1728], sizes = [120, 96], strides = [1, 1]} : vector<120x2304xf32> to vector<120x96xf32>
    %mul3A_262 = arith.mulf %slice3A_261, %concatenate3A_151 : vector<120x96xf32>
    %add3A_263 = arith.addf %add3A_260, %mul3A_262 : vector<120x96xf32>
    %slice3A_264 = vector.extract_strided_slice %dot_general3A_209 {offsets = [0, 1824], sizes = [120, 96], strides = [1, 1]} : vector<120x2304xf32> to vector<120x96xf32>
    %mul3A_265 = arith.mulf %slice3A_264, %concatenate3A_154 : vector<120x96xf32>
    %add3A_266 = arith.addf %add3A_263, %mul3A_265 : vector<120x96xf32>
    %slice3A_267 = vector.extract_strided_slice %dot_general3A_209 {offsets = [0, 1920], sizes = [120, 96], strides = [1, 1]} : vector<120x2304xf32> to vector<120x96xf32>
    %mul3A_268 = arith.mulf %slice3A_267, %concatenate3A_157 : vector<120x96xf32>
    %add3A_269 = arith.addf %add3A_266, %mul3A_268 : vector<120x96xf32>
    %slice3A_270 = vector.extract_strided_slice %dot_general3A_209 {offsets = [0, 2016], sizes = [120, 96], strides = [1, 1]} : vector<120x2304xf32> to vector<120x96xf32>
    %mul3A_271 = arith.mulf %slice3A_270, %concatenate3A_160 : vector<120x96xf32>
    %add3A_272 = arith.addf %add3A_269, %mul3A_271 : vector<120x96xf32>
    %slice3A_273 = vector.extract_strided_slice %dot_general3A_209 {offsets = [0, 2112], sizes = [120, 96], strides = [1, 1]} : vector<120x2304xf32> to vector<120x96xf32>
    %mul3A_274 = arith.mulf %slice3A_273, %concatenate3A_163 : vector<120x96xf32>
    %add3A_275 = arith.addf %add3A_272, %mul3A_274 : vector<120x96xf32>
    %slice3A_276 = vector.extract_strided_slice %dot_general3A_209 {offsets = [0, 2208], sizes = [120, 96], strides = [1, 1]} : vector<120x2304xf32> to vector<120x96xf32>
    %mul3A_277 = arith.mulf %slice3A_276, %concatenate3A_166 : vector<120x96xf32>
    %add3A_278 = arith.addf %add3A_275, %mul3A_277 : vector<120x96xf32>
    %concatenate3A_279 = tpu.concatenate %add3A_243, %add3A_278 in 1 : vector<120x96xf32>, vector<120x96xf32> -> vector<120x192xf32>
    %add3A_280 = vector.broadcast %get3A_34 : vector<1x192xf32> to vector<120x192xf32>
    %add3A_281 = arith.addf %concatenate3A_279, %add3A_280 : vector<120x192xf32>
    %dot_general3A_282 = arith.constant dense<0.000000e+00> : vector<120x128xf32>
    %dot_general3A_283 = tpu.matmul %add3A_281, %get3A_37, %dot_general3A_282 {dimension_numbers = #tpu.dot_dimension_numbers<[1], [0], [0], [1], [0, 0, 1, 1], [], []>, transpose_lhs_hint = false} : vector<120x192xf32>, vector<192x128xf32>, vector<120x128xf32> -> vector<120x128xf32>
    %gt3A_284 = arith.constant 0.000000e+00 : f32
    %gt3A_285 = vector.broadcast %gt3A_284 : f32 to vector<120x128xf32>
    %gt3A_286 = arith.cmpf ogt, %dot_general3A_283, %gt3A_285 : vector<120x128xf32>
    %exp3A_287 = math.exp %dot_general3A_283 : vector<120x128xf32>
    %sub3A_288 = arith.constant 1.000000e+00 : f32
    %sub3A_289 = vector.broadcast %sub3A_288 : f32 to vector<120x128xf32>
    %sub3A_290 = arith.subf %exp3A_287, %sub3A_289 : vector<120x128xf32>
    %select_n3A_291 = arith.select %gt3A_286, %dot_general3A_283, %sub3A_290 : vector<120x128xi1>, vector<120x128xf32>
    %dot_general3A_292 = arith.constant dense<0.000000e+00> : vector<120x80xf32>
    %dot_general3A_293 = tpu.matmul %select_n3A_291, %get3A_40, %dot_general3A_292 {dimension_numbers = #tpu.dot_dimension_numbers<[1], [0], [0], [1], [0, 0, 1, 1], [], []>, transpose_lhs_hint = false} : vector<120x128xf32>, vector<128x80xf32>, vector<120x80xf32> -> vector<120x80xf32>
    %add3A_294 = vector.broadcast %get3A_43 : vector<1x80xf32> to vector<120x80xf32>
    %add3A_295 = arith.addf %dot_general3A_293, %add3A_294 : vector<120x80xf32>
    %gt3A_296 = arith.constant 0.000000e+00 : f32
    %gt3A_297 = vector.broadcast %gt3A_296 : f32 to vector<120x80xf32>
    %gt3A_298 = arith.cmpf ogt, %add3A_295, %gt3A_297 : vector<120x80xf32>
    %exp3A_299 = math.exp %add3A_295 : vector<120x80xf32>
    %sub3A_300 = arith.constant 1.000000e+00 : f32
    %sub3A_301 = vector.broadcast %sub3A_300 : f32 to vector<120x80xf32>
    %sub3A_302 = arith.subf %exp3A_299, %sub3A_301 : vector<120x80xf32>
    %select_n3A_303 = arith.select %gt3A_298, %add3A_295, %sub3A_302 : vector<120x80xi1>, vector<120x80xf32>
    %concatenate3A_304 = tpu.concatenate %get3A_105, %select_n3A_303 in 1 : vector<120x3xf32>, vector<120x80xf32> -> vector<120x83xf32>
    %get3A_305 = arith.constant 0 : index
    %get3A_306 = arith.constant 0 : index
    %get3A_307 = arith.constant 0 : index
    %get3A_308 = vector.load %arg3[%get3A_305, %get3A_306, %get3A_307] : memref<1x120x12xi32, #tpu.memory_space<vmem>>, vector<1x120x12xi32>
    %get3A_309 = vector.shape_cast %get3A_308 : vector<1x120x12xi32> to vector<120x12xi32>
    %mul3A_310 = arith.constant 120 : i32
    %mul3A_311 = arith.muli %arg0, %mul3A_310 : i32
    %sub3A_312 = vector.broadcast %mul3A_311 : i32 to vector<120x12xi32>
    %sub3A_313 = arith.subi %get3A_309, %sub3A_312 : vector<120x12xi32>
    %iota3A = tpu.iota {dimensions = array<i32: 1>} : vector<120x120xi32>
    %slice3A_314 = vector.extract_strided_slice %sub3A_313 {offsets = [0, 0], sizes = [120, 1], strides = [1, 1]} : vector<120x12xi32> to vector<120x1xi32>
    %eq3A = vector.broadcast %slice3A_314 : vector<120x1xi32> to vector<120x120xi32>
    %eq3A_315 = arith.cmpi eq, %iota3A, %eq3A : vector<120x120xi32>
    %convert_element_type3A = arith.extui %eq3A_315 : vector<120x120xi1> to vector<120x120xi32>
    %convert_element_type3A_316 = arith.sitofp %convert_element_type3A : vector<120x120xi32> to vector<120x120xf32>
    %dot_general3A_317 = arith.constant dense<0.000000e+00> : vector<120x83xf32>
    %dot_general3A_318 = tpu.matmul %convert_element_type3A_316, %concatenate3A_304, %dot_general3A_317 {dimension_numbers = #tpu.dot_dimension_numbers<[1], [0], [0], [1], [0, 0, 1, 1], [], []>, transpose_lhs_hint = false} : vector<120x120xf32>, vector<120x83xf32>, vector<120x83xf32> -> vector<120x83xf32>
    %slice3A_319 = vector.extract_strided_slice %sub3A_313 {offsets = [0, 1], sizes = [120, 1], strides = [1, 1]} : vector<120x12xi32> to vector<120x1xi32>
    %eq3A_320 = vector.broadcast %slice3A_319 : vector<120x1xi32> to vector<120x120xi32>
    %eq3A_321 = arith.cmpi eq, %iota3A, %eq3A_320 : vector<120x120xi32>
    %convert_element_type3A_322 = arith.extui %eq3A_321 : vector<120x120xi1> to vector<120x120xi32>
    %convert_element_type3A_323 = arith.sitofp %convert_element_type3A_322 : vector<120x120xi32> to vector<120x120xf32>
    %dot_general3A_324 = arith.constant dense<0.000000e+00> : vector<120x83xf32>
    %dot_general3A_325 = tpu.matmul %convert_element_type3A_323, %concatenate3A_304, %dot_general3A_324 {dimension_numbers = #tpu.dot_dimension_numbers<[1], [0], [0], [1], [0, 0, 1, 1], [], []>, transpose_lhs_hint = false} : vector<120x120xf32>, vector<120x83xf32>, vector<120x83xf32> -> vector<120x83xf32>
    %slice3A_326 = vector.extract_strided_slice %sub3A_313 {offsets = [0, 2], sizes = [120, 1], strides = [1, 1]} : vector<120x12xi32> to vector<120x1xi32>
    %eq3A_327 = vector.broadcast %slice3A_326 : vector<120x1xi32> to vector<120x120xi32>
    %eq3A_328 = arith.cmpi eq, %iota3A, %eq3A_327 : vector<120x120xi32>
    %convert_element_type3A_329 = arith.extui %eq3A_328 : vector<120x120xi1> to vector<120x120xi32>
    %convert_element_type3A_330 = arith.sitofp %convert_element_type3A_329 : vector<120x120xi32> to vector<120x120xf32>
    %dot_general3A_331 = arith.constant dense<0.000000e+00> : vector<120x83xf32>
    %dot_general3A_332 = tpu.matmul %convert_element_type3A_330, %concatenate3A_304, %dot_general3A_331 {dimension_numbers = #tpu.dot_dimension_numbers<[1], [0], [0], [1], [0, 0, 1, 1], [], []>, transpose_lhs_hint = false} : vector<120x120xf32>, vector<120x83xf32>, vector<120x83xf32> -> vector<120x83xf32>
    %slice3A_333 = vector.extract_strided_slice %sub3A_313 {offsets = [0, 3], sizes = [120, 1], strides = [1, 1]} : vector<120x12xi32> to vector<120x1xi32>
    %eq3A_334 = vector.broadcast %slice3A_333 : vector<120x1xi32> to vector<120x120xi32>
    %eq3A_335 = arith.cmpi eq, %iota3A, %eq3A_334 : vector<120x120xi32>
    %convert_element_type3A_336 = arith.extui %eq3A_335 : vector<120x120xi1> to vector<120x120xi32>
    %convert_element_type3A_337 = arith.sitofp %convert_element_type3A_336 : vector<120x120xi32> to vector<120x120xf32>
    %dot_general3A_338 = arith.constant dense<0.000000e+00> : vector<120x83xf32>
    %dot_general3A_339 = tpu.matmul %convert_element_type3A_337, %concatenate3A_304, %dot_general3A_338 {dimension_numbers = #tpu.dot_dimension_numbers<[1], [0], [0], [1], [0, 0, 1, 1], [], []>, transpose_lhs_hint = false} : vector<120x120xf32>, vector<120x83xf32>, vector<120x83xf32> -> vector<120x83xf32>
    %slice3A_340 = vector.extract_strided_slice %sub3A_313 {offsets = [0, 4], sizes = [120, 1], strides = [1, 1]} : vector<120x12xi32> to vector<120x1xi32>
    %eq3A_341 = vector.broadcast %slice3A_340 : vector<120x1xi32> to vector<120x120xi32>
    %eq3A_342 = arith.cmpi eq, %iota3A, %eq3A_341 : vector<120x120xi32>
    %convert_element_type3A_343 = arith.extui %eq3A_342 : vector<120x120xi1> to vector<120x120xi32>
    %convert_element_type3A_344 = arith.sitofp %convert_element_type3A_343 : vector<120x120xi32> to vector<120x120xf32>
    %dot_general3A_345 = arith.constant dense<0.000000e+00> : vector<120x83xf32>
    %dot_general3A_346 = tpu.matmul %convert_element_type3A_344, %concatenate3A_304, %dot_general3A_345 {dimension_numbers = #tpu.dot_dimension_numbers<[1], [0], [0], [1], [0, 0, 1, 1], [], []>, transpose_lhs_hint = false} : vector<120x120xf32>, vector<120x83xf32>, vector<120x83xf32> -> vector<120x83xf32>
    %slice3A_347 = vector.extract_strided_slice %sub3A_313 {offsets = [0, 5], sizes = [120, 1], strides = [1, 1]} : vector<120x12xi32> to vector<120x1xi32>
    %eq3A_348 = vector.broadcast %slice3A_347 : vector<120x1xi32> to vector<120x120xi32>
    %eq3A_349 = arith.cmpi eq, %iota3A, %eq3A_348 : vector<120x120xi32>
    %convert_element_type3A_350 = arith.extui %eq3A_349 : vector<120x120xi1> to vector<120x120xi32>
    %convert_element_type3A_351 = arith.sitofp %convert_element_type3A_350 : vector<120x120xi32> to vector<120x120xf32>
    %dot_general3A_352 = arith.constant dense<0.000000e+00> : vector<120x83xf32>
    %dot_general3A_353 = tpu.matmul %convert_element_type3A_351, %concatenate3A_304, %dot_general3A_352 {dimension_numbers = #tpu.dot_dimension_numbers<[1], [0], [0], [1], [0, 0, 1, 1], [], []>, transpose_lhs_hint = false} : vector<120x120xf32>, vector<120x83xf32>, vector<120x83xf32> -> vector<120x83xf32>
    %slice3A_354 = vector.extract_strided_slice %sub3A_313 {offsets = [0, 6], sizes = [120, 1], strides = [1, 1]} : vector<120x12xi32> to vector<120x1xi32>
    %eq3A_355 = vector.broadcast %slice3A_354 : vector<120x1xi32> to vector<120x120xi32>
    %eq3A_356 = arith.cmpi eq, %iota3A, %eq3A_355 : vector<120x120xi32>
    %convert_element_type3A_357 = arith.extui %eq3A_356 : vector<120x120xi1> to vector<120x120xi32>
    %convert_element_type3A_358 = arith.sitofp %convert_element_type3A_357 : vector<120x120xi32> to vector<120x120xf32>
    %dot_general3A_359 = arith.constant dense<0.000000e+00> : vector<120x83xf32>
    %dot_general3A_360 = tpu.matmul %convert_element_type3A_358, %concatenate3A_304, %dot_general3A_359 {dimension_numbers = #tpu.dot_dimension_numbers<[1], [0], [0], [1], [0, 0, 1, 1], [], []>, transpose_lhs_hint = false} : vector<120x120xf32>, vector<120x83xf32>, vector<120x83xf32> -> vector<120x83xf32>
    %slice3A_361 = vector.extract_strided_slice %sub3A_313 {offsets = [0, 7], sizes = [120, 1], strides = [1, 1]} : vector<120x12xi32> to vector<120x1xi32>
    %eq3A_362 = vector.broadcast %slice3A_361 : vector<120x1xi32> to vector<120x120xi32>
    %eq3A_363 = arith.cmpi eq, %iota3A, %eq3A_362 : vector<120x120xi32>
    %convert_element_type3A_364 = arith.extui %eq3A_363 : vector<120x120xi1> to vector<120x120xi32>
    %convert_element_type3A_365 = arith.sitofp %convert_element_type3A_364 : vector<120x120xi32> to vector<120x120xf32>
    %dot_general3A_366 = arith.constant dense<0.000000e+00> : vector<120x83xf32>
    %dot_general3A_367 = tpu.matmul %convert_element_type3A_365, %concatenate3A_304, %dot_general3A_366 {dimension_numbers = #tpu.dot_dimension_numbers<[1], [0], [0], [1], [0, 0, 1, 1], [], []>, transpose_lhs_hint = false} : vector<120x120xf32>, vector<120x83xf32>, vector<120x83xf32> -> vector<120x83xf32>
    %slice3A_368 = vector.extract_strided_slice %sub3A_313 {offsets = [0, 8], sizes = [120, 1], strides = [1, 1]} : vector<120x12xi32> to vector<120x1xi32>
    %eq3A_369 = vector.broadcast %slice3A_368 : vector<120x1xi32> to vector<120x120xi32>
    %eq3A_370 = arith.cmpi eq, %iota3A, %eq3A_369 : vector<120x120xi32>
    %convert_element_type3A_371 = arith.extui %eq3A_370 : vector<120x120xi1> to vector<120x120xi32>
    %convert_element_type3A_372 = arith.sitofp %convert_element_type3A_371 : vector<120x120xi32> to vector<120x120xf32>
    %dot_general3A_373 = arith.constant dense<0.000000e+00> : vector<120x83xf32>
    %dot_general3A_374 = tpu.matmul %convert_element_type3A_372, %concatenate3A_304, %dot_general3A_373 {dimension_numbers = #tpu.dot_dimension_numbers<[1], [0], [0], [1], [0, 0, 1, 1], [], []>, transpose_lhs_hint = false} : vector<120x120xf32>, vector<120x83xf32>, vector<120x83xf32> -> vector<120x83xf32>
    %slice3A_375 = vector.extract_strided_slice %sub3A_313 {offsets = [0, 9], sizes = [120, 1], strides = [1, 1]} : vector<120x12xi32> to vector<120x1xi32>
    %eq3A_376 = vector.broadcast %slice3A_375 : vector<120x1xi32> to vector<120x120xi32>
    %eq3A_377 = arith.cmpi eq, %iota3A, %eq3A_376 : vector<120x120xi32>
    %convert_element_type3A_378 = arith.extui %eq3A_377 : vector<120x120xi1> to vector<120x120xi32>
    %convert_element_type3A_379 = arith.sitofp %convert_element_type3A_378 : vector<120x120xi32> to vector<120x120xf32>
    %dot_general3A_380 = arith.constant dense<0.000000e+00> : vector<120x83xf32>
    %dot_general3A_381 = tpu.matmul %convert_element_type3A_379, %concatenate3A_304, %dot_general3A_380 {dimension_numbers = #tpu.dot_dimension_numbers<[1], [0], [0], [1], [0, 0, 1, 1], [], []>, transpose_lhs_hint = false} : vector<120x120xf32>, vector<120x83xf32>, vector<120x83xf32> -> vector<120x83xf32>
    %slice3A_382 = vector.extract_strided_slice %sub3A_313 {offsets = [0, 10], sizes = [120, 1], strides = [1, 1]} : vector<120x12xi32> to vector<120x1xi32>
    %eq3A_383 = vector.broadcast %slice3A_382 : vector<120x1xi32> to vector<120x120xi32>
    %eq3A_384 = arith.cmpi eq, %iota3A, %eq3A_383 : vector<120x120xi32>
    %convert_element_type3A_385 = arith.extui %eq3A_384 : vector<120x120xi1> to vector<120x120xi32>
    %convert_element_type3A_386 = arith.sitofp %convert_element_type3A_385 : vector<120x120xi32> to vector<120x120xf32>
    %dot_general3A_387 = arith.constant dense<0.000000e+00> : vector<120x83xf32>
    %dot_general3A_388 = tpu.matmul %convert_element_type3A_386, %concatenate3A_304, %dot_general3A_387 {dimension_numbers = #tpu.dot_dimension_numbers<[1], [0], [0], [1], [0, 0, 1, 1], [], []>, transpose_lhs_hint = false} : vector<120x120xf32>, vector<120x83xf32>, vector<120x83xf32> -> vector<120x83xf32>
    %slice3A_389 = vector.extract_strided_slice %sub3A_313 {offsets = [0, 11], sizes = [120, 1], strides = [1, 1]} : vector<120x12xi32> to vector<120x1xi32>
    %eq3A_390 = vector.broadcast %slice3A_389 : vector<120x1xi32> to vector<120x120xi32>
    %eq3A_391 = arith.cmpi eq, %iota3A, %eq3A_390 : vector<120x120xi32>
    %convert_element_type3A_392 = arith.extui %eq3A_391 : vector<120x120xi1> to vector<120x120xi32>
    %convert_element_type3A_393 = arith.sitofp %convert_element_type3A_392 : vector<120x120xi32> to vector<120x120xf32>
    %dot_general3A_394 = arith.constant dense<0.000000e+00> : vector<120x83xf32>
    %dot_general3A_395 = tpu.matmul %convert_element_type3A_393, %concatenate3A_304, %dot_general3A_394 {dimension_numbers = #tpu.dot_dimension_numbers<[1], [0], [0], [1], [0, 0, 1, 1], [], []>, transpose_lhs_hint = false} : vector<120x120xf32>, vector<120x83xf32>, vector<120x83xf32> -> vector<120x83xf32>
    %concatenate3A_396 = tpu.concatenate %dot_general3A_318, %dot_general3A_325, %dot_general3A_332, %dot_general3A_339, %dot_general3A_346, %dot_general3A_353, %dot_general3A_360, %dot_general3A_367, %dot_general3A_374, %dot_general3A_381, %dot_general3A_388, %dot_general3A_395 in 0 : vector<120x83xf32>, vector<120x83xf32>, vector<120x83xf32>, vector<120x83xf32>, vector<120x83xf32>, vector<120x83xf32>, vector<120x83xf32>, vector<120x83xf32>, vector<120x83xf32>, vector<120x83xf32>, vector<120x83xf32>, vector<120x83xf32> -> vector<1440x83xf32>
    %broadcast_in_dim3A_397 = vector.shape_cast %get3A_105 : vector<120x3xf32> to vector<1x120x3xf32>
    %broadcast_in_dim3A_398 = vector.shape_cast %broadcast_in_dim3A_397 : vector<1x120x3xf32> to vector<1x120x3xf32>
    %broadcast_in_dim3A_399 = vector.broadcast %broadcast_in_dim3A_398 : vector<1x120x3xf32> to vector<12x120x3xf32>
    %reshape3A_400 = vector.shape_cast %broadcast_in_dim3A_399 : vector<12x120x3xf32> to vector<1440x3xf32>
    %slice3A_401 = vector.extract_strided_slice %concatenate3A_396 {offsets = [0, 0], sizes = [1440, 3], strides = [1, 1]} : vector<1440x83xf32> to vector<1440x3xf32>
    %sub3A_402 = arith.subf %slice3A_401, %reshape3A_400 : vector<1440x3xf32>
    %dot_general3A_403 = arith.constant dense<0.000000e+00> : vector<1440x40xf32>
    %dot_general3A_404 = tpu.matmul %sub3A_402, %get3A_46, %dot_general3A_403 {dimension_numbers = #tpu.dot_dimension_numbers<[1], [0], [0], [1], [0, 0, 1, 1], [], []>, transpose_lhs_hint = false} : vector<1440x3xf32>, vector<3x40xf32>, vector<1440x40xf32> -> vector<1440x40xf32>
    %add3A_405 = vector.broadcast %get3A_49 : vector<1x40xf32> to vector<1440x40xf32>
    %add3A_406 = arith.addf %dot_general3A_404, %add3A_405 : vector<1440x40xf32>
    %gt3A_407 = arith.constant 0.000000e+00 : f32
    %gt3A_408 = vector.broadcast %gt3A_407 : f32 to vector<1440x40xf32>
    %gt3A_409 = arith.cmpf ogt, %add3A_406, %gt3A_408 : vector<1440x40xf32>
    %exp3A_410 = math.exp %add3A_406 : vector<1440x40xf32>
    %sub3A_411 = arith.constant 1.000000e+00 : f32
    %sub3A_412 = vector.broadcast %sub3A_411 : f32 to vector<1440x40xf32>
    %sub3A_413 = arith.subf %exp3A_410, %sub3A_412 : vector<1440x40xf32>
    %select_n3A_414 = arith.select %gt3A_409, %add3A_406, %sub3A_413 : vector<1440x40xi1>, vector<1440x40xf32>
    %dot_general3A_415 = arith.constant dense<0.000000e+00> : vector<1440x40xf32>
    %dot_general3A_416 = tpu.matmul %select_n3A_414, %get3A_52, %dot_general3A_415 {dimension_numbers = #tpu.dot_dimension_numbers<[1], [0], [0], [1], [0, 0, 1, 1], [], []>, transpose_lhs_hint = false} : vector<1440x40xf32>, vector<40x40xf32>, vector<1440x40xf32> -> vector<1440x40xf32>
    %add3A_417 = vector.broadcast %get3A_55 : vector<1x40xf32> to vector<1440x40xf32>
    %add3A_418 = arith.addf %dot_general3A_416, %add3A_417 : vector<1440x40xf32>
    %gt3A_419 = arith.constant 0.000000e+00 : f32
    %gt3A_420 = vector.broadcast %gt3A_419 : f32 to vector<1440x40xf32>
    %gt3A_421 = arith.cmpf ogt, %add3A_418, %gt3A_420 : vector<1440x40xf32>
    %exp3A_422 = math.exp %add3A_418 : vector<1440x40xf32>
    %sub3A_423 = arith.constant 1.000000e+00 : f32
    %sub3A_424 = vector.broadcast %sub3A_423 : f32 to vector<1440x40xf32>
    %sub3A_425 = arith.subf %exp3A_422, %sub3A_424 : vector<1440x40xf32>
    %select_n3A_426 = arith.select %gt3A_421, %add3A_418, %sub3A_425 : vector<1440x40xi1>, vector<1440x40xf32>
    %slice3A_427 = vector.extract_strided_slice %concatenate3A_396 {offsets = [0, 3], sizes = [120, 80], strides = [1, 1]} : vector<1440x83xf32> to vector<120x80xf32>
    %slice3A_428 = vector.extract_strided_slice %select_n3A_426 {offsets = [0, 0], sizes = [120, 40], strides = [1, 1]} : vector<1440x40xf32> to vector<120x40xf32>
    %concatenate3A_429 = tpu.concatenate %slice3A_428, %slice3A_427 in 1 : vector<120x40xf32>, vector<120x80xf32> -> vector<120x120xf32>
    %slice3A_430 = vector.extract_strided_slice %concatenate3A_396 {offsets = [120, 3], sizes = [120, 80], strides = [1, 1]} : vector<1440x83xf32> to vector<120x80xf32>
    %slice3A_431 = vector.extract_strided_slice %select_n3A_426 {offsets = [120, 0], sizes = [120, 40], strides = [1, 1]} : vector<1440x40xf32> to vector<120x40xf32>
    %concatenate3A_432 = tpu.concatenate %slice3A_431, %slice3A_430 in 1 : vector<120x40xf32>, vector<120x80xf32> -> vector<120x120xf32>
    %slice3A_433 = vector.extract_strided_slice %concatenate3A_396 {offsets = [240, 3], sizes = [120, 80], strides = [1, 1]} : vector<1440x83xf32> to vector<120x80xf32>
    %slice3A_434 = vector.extract_strided_slice %select_n3A_426 {offsets = [240, 0], sizes = [120, 40], strides = [1, 1]} : vector<1440x40xf32> to vector<120x40xf32>
    %concatenate3A_435 = tpu.concatenate %slice3A_434, %slice3A_433 in 1 : vector<120x40xf32>, vector<120x80xf32> -> vector<120x120xf32>
    %slice3A_436 = vector.extract_strided_slice %concatenate3A_396 {offsets = [360, 3], sizes = [120, 80], strides = [1, 1]} : vector<1440x83xf32> to vector<120x80xf32>
    %slice3A_437 = vector.extract_strided_slice %select_n3A_426 {offsets = [360, 0], sizes = [120, 40], strides = [1, 1]} : vector<1440x40xf32> to vector<120x40xf32>
    %concatenate3A_438 = tpu.concatenate %slice3A_437, %slice3A_436 in 1 : vector<120x40xf32>, vector<120x80xf32> -> vector<120x120xf32>
    %slice3A_439 = vector.extract_strided_slice %concatenate3A_396 {offsets = [480, 3], sizes = [120, 80], strides = [1, 1]} : vector<1440x83xf32> to vector<120x80xf32>
    %slice3A_440 = vector.extract_strided_slice %select_n3A_426 {offsets = [480, 0], sizes = [120, 40], strides = [1, 1]} : vector<1440x40xf32> to vector<120x40xf32>
    %concatenate3A_441 = tpu.concatenate %slice3A_440, %slice3A_439 in 1 : vector<120x40xf32>, vector<120x80xf32> -> vector<120x120xf32>
    %slice3A_442 = vector.extract_strided_slice %concatenate3A_396 {offsets = [600, 3], sizes = [120, 80], strides = [1, 1]} : vector<1440x83xf32> to vector<120x80xf32>
    %slice3A_443 = vector.extract_strided_slice %select_n3A_426 {offsets = [600, 0], sizes = [120, 40], strides = [1, 1]} : vector<1440x40xf32> to vector<120x40xf32>
    %concatenate3A_444 = tpu.concatenate %slice3A_443, %slice3A_442 in 1 : vector<120x40xf32>, vector<120x80xf32> -> vector<120x120xf32>
    %slice3A_445 = vector.extract_strided_slice %concatenate3A_396 {offsets = [720, 3], sizes = [120, 80], strides = [1, 1]} : vector<1440x83xf32> to vector<120x80xf32>
    %slice3A_446 = vector.extract_strided_slice %select_n3A_426 {offsets = [720, 0], sizes = [120, 40], strides = [1, 1]} : vector<1440x40xf32> to vector<120x40xf32>
    %concatenate3A_447 = tpu.concatenate %slice3A_446, %slice3A_445 in 1 : vector<120x40xf32>, vector<120x80xf32> -> vector<120x120xf32>
    %slice3A_448 = vector.extract_strided_slice %concatenate3A_396 {offsets = [840, 3], sizes = [120, 80], strides = [1, 1]} : vector<1440x83xf32> to vector<120x80xf32>
    %slice3A_449 = vector.extract_strided_slice %select_n3A_426 {offsets = [840, 0], sizes = [120, 40], strides = [1, 1]} : vector<1440x40xf32> to vector<120x40xf32>
    %concatenate3A_450 = tpu.concatenate %slice3A_449, %slice3A_448 in 1 : vector<120x40xf32>, vector<120x80xf32> -> vector<120x120xf32>
    %slice3A_451 = vector.extract_strided_slice %concatenate3A_396 {offsets = [960, 3], sizes = [120, 80], strides = [1, 1]} : vector<1440x83xf32> to vector<120x80xf32>
    %slice3A_452 = vector.extract_strided_slice %select_n3A_426 {offsets = [960, 0], sizes = [120, 40], strides = [1, 1]} : vector<1440x40xf32> to vector<120x40xf32>
    %concatenate3A_453 = tpu.concatenate %slice3A_452, %slice3A_451 in 1 : vector<120x40xf32>, vector<120x80xf32> -> vector<120x120xf32>
    %slice3A_454 = vector.extract_strided_slice %concatenate3A_396 {offsets = [1080, 3], sizes = [120, 80], strides = [1, 1]} : vector<1440x83xf32> to vector<120x80xf32>
    %slice3A_455 = vector.extract_strided_slice %select_n3A_426 {offsets = [1080, 0], sizes = [120, 40], strides = [1, 1]} : vector<1440x40xf32> to vector<120x40xf32>
    %concatenate3A_456 = tpu.concatenate %slice3A_455, %slice3A_454 in 1 : vector<120x40xf32>, vector<120x80xf32> -> vector<120x120xf32>
    %slice3A_457 = vector.extract_strided_slice %concatenate3A_396 {offsets = [1200, 3], sizes = [120, 80], strides = [1, 1]} : vector<1440x83xf32> to vector<120x80xf32>
    %slice3A_458 = vector.extract_strided_slice %select_n3A_426 {offsets = [1200, 0], sizes = [120, 40], strides = [1, 1]} : vector<1440x40xf32> to vector<120x40xf32>
    %concatenate3A_459 = tpu.concatenate %slice3A_458, %slice3A_457 in 1 : vector<120x40xf32>, vector<120x80xf32> -> vector<120x120xf32>
    %slice3A_460 = vector.extract_strided_slice %concatenate3A_396 {offsets = [1320, 3], sizes = [120, 80], strides = [1, 1]} : vector<1440x83xf32> to vector<120x80xf32>
    %slice3A_461 = vector.extract_strided_slice %select_n3A_426 {offsets = [1320, 0], sizes = [120, 40], strides = [1, 1]} : vector<1440x40xf32> to vector<120x40xf32>
    %concatenate3A_462 = tpu.concatenate %slice3A_461, %slice3A_460 in 1 : vector<120x40xf32>, vector<120x80xf32> -> vector<120x120xf32>
    %slice3A_463 = vector.extract_strided_slice %sub3A_402 {offsets = [0, 0], sizes = [120, 3], strides = [1, 1]} : vector<1440x3xf32> to vector<120x3xf32>
    %slice3A_464 = vector.extract_strided_slice %sub3A_402 {offsets = [120, 0], sizes = [120, 3], strides = [1, 1]} : vector<1440x3xf32> to vector<120x3xf32>
    %slice3A_465 = vector.extract_strided_slice %sub3A_402 {offsets = [240, 0], sizes = [120, 3], strides = [1, 1]} : vector<1440x3xf32> to vector<120x3xf32>
    %slice3A_466 = vector.extract_strided_slice %sub3A_402 {offsets = [360, 0], sizes = [120, 3], strides = [1, 1]} : vector<1440x3xf32> to vector<120x3xf32>
    %slice3A_467 = vector.extract_strided_slice %sub3A_402 {offsets = [480, 0], sizes = [120, 3], strides = [1, 1]} : vector<1440x3xf32> to vector<120x3xf32>
    %slice3A_468 = vector.extract_strided_slice %sub3A_402 {offsets = [600, 0], sizes = [120, 3], strides = [1, 1]} : vector<1440x3xf32> to vector<120x3xf32>
    %slice3A_469 = vector.extract_strided_slice %sub3A_402 {offsets = [720, 0], sizes = [120, 3], strides = [1, 1]} : vector<1440x3xf32> to vector<120x3xf32>
    %slice3A_470 = vector.extract_strided_slice %sub3A_402 {offsets = [840, 0], sizes = [120, 3], strides = [1, 1]} : vector<1440x3xf32> to vector<120x3xf32>
    %slice3A_471 = vector.extract_strided_slice %sub3A_402 {offsets = [960, 0], sizes = [120, 3], strides = [1, 1]} : vector<1440x3xf32> to vector<120x3xf32>
    %slice3A_472 = vector.extract_strided_slice %sub3A_402 {offsets = [1080, 0], sizes = [120, 3], strides = [1, 1]} : vector<1440x3xf32> to vector<120x3xf32>
    %slice3A_473 = vector.extract_strided_slice %sub3A_402 {offsets = [1200, 0], sizes = [120, 3], strides = [1, 1]} : vector<1440x3xf32> to vector<120x3xf32>
    %slice3A_474 = vector.extract_strided_slice %sub3A_402 {offsets = [1320, 0], sizes = [120, 3], strides = [1, 1]} : vector<1440x3xf32> to vector<120x3xf32>
    %concatenate3A_475 = tpu.concatenate %slice3A_463, %slice3A_464, %slice3A_465, %slice3A_466, %slice3A_467, %slice3A_468, %slice3A_469, %slice3A_470, %slice3A_471, %slice3A_472, %slice3A_473, %slice3A_474 in 1 : vector<120x3xf32>, vector<120x3xf32>, vector<120x3xf32>, vector<120x3xf32>, vector<120x3xf32>, vector<120x3xf32>, vector<120x3xf32>, vector<120x3xf32>, vector<120x3xf32>, vector<120x3xf32>, vector<120x3xf32>, vector<120x3xf32> -> vector<120x36xf32>
    %dot_general3A_476 = arith.constant dense<0.000000e+00> : vector<120x144xf32>
    %dot_general3A_477 = tpu.matmul %concatenate3A_475, %get3A_58, %dot_general3A_476 {dimension_numbers = #tpu.dot_dimension_numbers<[1], [0], [0], [1], [0, 0, 1, 1], [], []>, transpose_lhs_hint = false} : vector<120x36xf32>, vector<36x144xf32>, vector<120x144xf32> -> vector<120x144xf32>
    %add3A_478 = vector.broadcast %get3A_61 : vector<1x144xf32> to vector<120x144xf32>
    %add3A_479 = arith.addf %dot_general3A_477, %add3A_478 : vector<120x144xf32>
    %gt3A_480 = arith.constant 0.000000e+00 : f32
    %gt3A_481 = vector.broadcast %gt3A_480 : f32 to vector<120x144xf32>
    %gt3A_482 = arith.cmpf ogt, %add3A_479, %gt3A_481 : vector<120x144xf32>
    %exp3A_483 = math.exp %add3A_479 : vector<120x144xf32>
    %sub3A_484 = arith.constant 1.000000e+00 : f32
    %sub3A_485 = vector.broadcast %sub3A_484 : f32 to vector<120x144xf32>
    %sub3A_486 = arith.subf %exp3A_483, %sub3A_485 : vector<120x144xf32>
    %select_n3A_487 = arith.select %gt3A_482, %add3A_479, %sub3A_486 : vector<120x144xi1>, vector<120x144xf32>
    %dot_general3A_488 = arith.constant dense<0.000000e+00> : vector<120x144xf32>
    %dot_general3A_489 = tpu.matmul %select_n3A_487, %get3A_64, %dot_general3A_488 {dimension_numbers = #tpu.dot_dimension_numbers<[1], [0], [0], [1], [0, 0, 1, 1], [], []>, transpose_lhs_hint = false} : vector<120x144xf32>, vector<144x144xf32>, vector<120x144xf32> -> vector<120x144xf32>
    %add3A_490 = vector.broadcast %get3A_67 : vector<1x144xf32> to vector<120x144xf32>
    %add3A_491 = arith.addf %dot_general3A_489, %add3A_490 : vector<120x144xf32>
    %gt3A_492 = arith.constant 0.000000e+00 : f32
    %gt3A_493 = vector.broadcast %gt3A_492 : f32 to vector<120x144xf32>
    %gt3A_494 = arith.cmpf ogt, %add3A_491, %gt3A_493 : vector<120x144xf32>
    %exp3A_495 = math.exp %add3A_491 : vector<120x144xf32>
    %sub3A_496 = arith.constant 1.000000e+00 : f32
    %sub3A_497 = vector.broadcast %sub3A_496 : f32 to vector<120x144xf32>
    %sub3A_498 = arith.subf %exp3A_495, %sub3A_497 : vector<120x144xf32>
    %select_n3A_499 = arith.select %gt3A_494, %add3A_491, %sub3A_498 : vector<120x144xi1>, vector<120x144xf32>
    %dot_general3A_500 = arith.constant dense<0.000000e+00> : vector<120x144xf32>
    %dot_general3A_501 = tpu.matmul %select_n3A_499, %get3A_70, %dot_general3A_500 {dimension_numbers = #tpu.dot_dimension_numbers<[1], [0], [0], [1], [0, 0, 1, 1], [], []>, transpose_lhs_hint = false} : vector<120x144xf32>, vector<144x144xf32>, vector<120x144xf32> -> vector<120x144xf32>
    %add3A_502 = vector.broadcast %get3A_73 : vector<1x144xf32> to vector<120x144xf32>
    %add3A_503 = arith.addf %dot_general3A_501, %add3A_502 : vector<120x144xf32>
    %dot_general3A_504 = arith.constant dense<0.000000e+00> : vector<120x2880xf32>
    %dot_general3A_505 = tpu.matmul %add3A_503, %get3A_76, %dot_general3A_504 {dimension_numbers = #tpu.dot_dimension_numbers<[1], [0], [0], [1], [0, 0, 1, 1], [], []>, transpose_lhs_hint = false} : vector<120x144xf32>, vector<144x2880xf32>, vector<120x2880xf32> -> vector<120x2880xf32>
    %slice3A_506 = vector.extract_strided_slice %dot_general3A_505 {offsets = [0, 0], sizes = [120, 120], strides = [1, 1]} : vector<120x2880xf32> to vector<120x120xf32>
    %mul3A_507 = arith.mulf %slice3A_506, %concatenate3A_429 : vector<120x120xf32>
    %slice3A_508 = vector.extract_strided_slice %dot_general3A_505 {offsets = [0, 120], sizes = [120, 120], strides = [1, 1]} : vector<120x2880xf32> to vector<120x120xf32>
    %mul3A_509 = arith.mulf %slice3A_508, %concatenate3A_432 : vector<120x120xf32>
    %add3A_510 = arith.addf %mul3A_507, %mul3A_509 : vector<120x120xf32>
    %slice3A_511 = vector.extract_strided_slice %dot_general3A_505 {offsets = [0, 240], sizes = [120, 120], strides = [1, 1]} : vector<120x2880xf32> to vector<120x120xf32>
    %mul3A_512 = arith.mulf %slice3A_511, %concatenate3A_435 : vector<120x120xf32>
    %add3A_513 = arith.addf %add3A_510, %mul3A_512 : vector<120x120xf32>
    %slice3A_514 = vector.extract_strided_slice %dot_general3A_505 {offsets = [0, 360], sizes = [120, 120], strides = [1, 1]} : vector<120x2880xf32> to vector<120x120xf32>
    %mul3A_515 = arith.mulf %slice3A_514, %concatenate3A_438 : vector<120x120xf32>
    %add3A_516 = arith.addf %add3A_513, %mul3A_515 : vector<120x120xf32>
    %slice3A_517 = vector.extract_strided_slice %dot_general3A_505 {offsets = [0, 480], sizes = [120, 120], strides = [1, 1]} : vector<120x2880xf32> to vector<120x120xf32>
    %mul3A_518 = arith.mulf %slice3A_517, %concatenate3A_441 : vector<120x120xf32>
    %add3A_519 = arith.addf %add3A_516, %mul3A_518 : vector<120x120xf32>
    %slice3A_520 = vector.extract_strided_slice %dot_general3A_505 {offsets = [0, 600], sizes = [120, 120], strides = [1, 1]} : vector<120x2880xf32> to vector<120x120xf32>
    %mul3A_521 = arith.mulf %slice3A_520, %concatenate3A_444 : vector<120x120xf32>
    %add3A_522 = arith.addf %add3A_519, %mul3A_521 : vector<120x120xf32>
    %slice3A_523 = vector.extract_strided_slice %dot_general3A_505 {offsets = [0, 720], sizes = [120, 120], strides = [1, 1]} : vector<120x2880xf32> to vector<120x120xf32>
    %mul3A_524 = arith.mulf %slice3A_523, %concatenate3A_447 : vector<120x120xf32>
    %add3A_525 = arith.addf %add3A_522, %mul3A_524 : vector<120x120xf32>
    %slice3A_526 = vector.extract_strided_slice %dot_general3A_505 {offsets = [0, 840], sizes = [120, 120], strides = [1, 1]} : vector<120x2880xf32> to vector<120x120xf32>
    %mul3A_527 = arith.mulf %slice3A_526, %concatenate3A_450 : vector<120x120xf32>
    %add3A_528 = arith.addf %add3A_525, %mul3A_527 : vector<120x120xf32>
    %slice3A_529 = vector.extract_strided_slice %dot_general3A_505 {offsets = [0, 960], sizes = [120, 120], strides = [1, 1]} : vector<120x2880xf32> to vector<120x120xf32>
    %mul3A_530 = arith.mulf %slice3A_529, %concatenate3A_453 : vector<120x120xf32>
    %add3A_531 = arith.addf %add3A_528, %mul3A_530 : vector<120x120xf32>
    %slice3A_532 = vector.extract_strided_slice %dot_general3A_505 {offsets = [0, 1080], sizes = [120, 120], strides = [1, 1]} : vector<120x2880xf32> to vector<120x120xf32>
    %mul3A_533 = arith.mulf %slice3A_532, %concatenate3A_456 : vector<120x120xf32>
    %add3A_534 = arith.addf %add3A_531, %mul3A_533 : vector<120x120xf32>
    %slice3A_535 = vector.extract_strided_slice %dot_general3A_505 {offsets = [0, 1200], sizes = [120, 120], strides = [1, 1]} : vector<120x2880xf32> to vector<120x120xf32>
    %mul3A_536 = arith.mulf %slice3A_535, %concatenate3A_459 : vector<120x120xf32>
    %add3A_537 = arith.addf %add3A_534, %mul3A_536 : vector<120x120xf32>
    %slice3A_538 = vector.extract_strided_slice %dot_general3A_505 {offsets = [0, 1320], sizes = [120, 120], strides = [1, 1]} : vector<120x2880xf32> to vector<120x120xf32>
    %mul3A_539 = arith.mulf %slice3A_538, %concatenate3A_462 : vector<120x120xf32>
    %add3A_540 = arith.addf %add3A_537, %mul3A_539 : vector<120x120xf32>
    %slice3A_541 = vector.extract_strided_slice %dot_general3A_505 {offsets = [0, 1440], sizes = [120, 120], strides = [1, 1]} : vector<120x2880xf32> to vector<120x120xf32>
    %mul3A_542 = arith.mulf %slice3A_541, %concatenate3A_429 : vector<120x120xf32>
    %slice3A_543 = vector.extract_strided_slice %dot_general3A_505 {offsets = [0, 1560], sizes = [120, 120], strides = [1, 1]} : vector<120x2880xf32> to vector<120x120xf32>
    %mul3A_544 = arith.mulf %slice3A_543, %concatenate3A_432 : vector<120x120xf32>
    %add3A_545 = arith.addf %mul3A_542, %mul3A_544 : vector<120x120xf32>
    %slice3A_546 = vector.extract_strided_slice %dot_general3A_505 {offsets = [0, 1680], sizes = [120, 120], strides = [1, 1]} : vector<120x2880xf32> to vector<120x120xf32>
    %mul3A_547 = arith.mulf %slice3A_546, %concatenate3A_435 : vector<120x120xf32>
    %add3A_548 = arith.addf %add3A_545, %mul3A_547 : vector<120x120xf32>
    %slice3A_549 = vector.extract_strided_slice %dot_general3A_505 {offsets = [0, 1800], sizes = [120, 120], strides = [1, 1]} : vector<120x2880xf32> to vector<120x120xf32>
    %mul3A_550 = arith.mulf %slice3A_549, %concatenate3A_438 : vector<120x120xf32>
    %add3A_551 = arith.addf %add3A_548, %mul3A_550 : vector<120x120xf32>
    %slice3A_552 = vector.extract_strided_slice %dot_general3A_505 {offsets = [0, 1920], sizes = [120, 120], strides = [1, 1]} : vector<120x2880xf32> to vector<120x120xf32>
    %mul3A_553 = arith.mulf %slice3A_552, %concatenate3A_441 : vector<120x120xf32>
    %add3A_554 = arith.addf %add3A_551, %mul3A_553 : vector<120x120xf32>
    %slice3A_555 = vector.extract_strided_slice %dot_general3A_505 {offsets = [0, 2040], sizes = [120, 120], strides = [1, 1]} : vector<120x2880xf32> to vector<120x120xf32>
    %mul3A_556 = arith.mulf %slice3A_555, %concatenate3A_444 : vector<120x120xf32>
    %add3A_557 = arith.addf %add3A_554, %mul3A_556 : vector<120x120xf32>
    %slice3A_558 = vector.extract_strided_slice %dot_general3A_505 {offsets = [0, 2160], sizes = [120, 120], strides = [1, 1]} : vector<120x2880xf32> to vector<120x120xf32>
    %mul3A_559 = arith.mulf %slice3A_558, %concatenate3A_447 : vector<120x120xf32>
    %add3A_560 = arith.addf %add3A_557, %mul3A_559 : vector<120x120xf32>
    %slice3A_561 = vector.extract_strided_slice %dot_general3A_505 {offsets = [0, 2280], sizes = [120, 120], strides = [1, 1]} : vector<120x2880xf32> to vector<120x120xf32>
    %mul3A_562 = arith.mulf %slice3A_561, %concatenate3A_450 : vector<120x120xf32>
    %add3A_563 = arith.addf %add3A_560, %mul3A_562 : vector<120x120xf32>
    %slice3A_564 = vector.extract_strided_slice %dot_general3A_505 {offsets = [0, 2400], sizes = [120, 120], strides = [1, 1]} : vector<120x2880xf32> to vector<120x120xf32>
    %mul3A_565 = arith.mulf %slice3A_564, %concatenate3A_453 : vector<120x120xf32>
    %add3A_566 = arith.addf %add3A_563, %mul3A_565 : vector<120x120xf32>
    %slice3A_567 = vector.extract_strided_slice %dot_general3A_505 {offsets = [0, 2520], sizes = [120, 120], strides = [1, 1]} : vector<120x2880xf32> to vector<120x120xf32>
    %mul3A_568 = arith.mulf %slice3A_567, %concatenate3A_456 : vector<120x120xf32>
    %add3A_569 = arith.addf %add3A_566, %mul3A_568 : vector<120x120xf32>
    %slice3A_570 = vector.extract_strided_slice %dot_general3A_505 {offsets = [0, 2640], sizes = [120, 120], strides = [1, 1]} : vector<120x2880xf32> to vector<120x120xf32>
    %mul3A_571 = arith.mulf %slice3A_570, %concatenate3A_459 : vector<120x120xf32>
    %add3A_572 = arith.addf %add3A_569, %mul3A_571 : vector<120x120xf32>
    %slice3A_573 = vector.extract_strided_slice %dot_general3A_505 {offsets = [0, 2760], sizes = [120, 120], strides = [1, 1]} : vector<120x2880xf32> to vector<120x120xf32>
    %mul3A_574 = arith.mulf %slice3A_573, %concatenate3A_462 : vector<120x120xf32>
    %add3A_575 = arith.addf %add3A_572, %mul3A_574 : vector<120x120xf32>
    %concatenate3A_576 = tpu.concatenate %add3A_540, %add3A_575 in 1 : vector<120x120xf32>, vector<120x120xf32> -> vector<120x240xf32>
    %add3A_577 = vector.broadcast %get3A_79 : vector<1x240xf32> to vector<120x240xf32>
    %add3A_578 = arith.addf %concatenate3A_576, %add3A_577 : vector<120x240xf32>
    %dot_general3A_579 = arith.constant dense<0.000000e+00> : vector<120x160xf32>
    %dot_general3A_580 = tpu.matmul %add3A_578, %get3A_82, %dot_general3A_579 {dimension_numbers = #tpu.dot_dimension_numbers<[1], [0], [0], [1], [0, 0, 1, 1], [], []>, transpose_lhs_hint = false} : vector<120x240xf32>, vector<240x160xf32>, vector<120x160xf32> -> vector<120x160xf32>
    %gt3A_581 = arith.constant 0.000000e+00 : f32
    %gt3A_582 = vector.broadcast %gt3A_581 : f32 to vector<120x160xf32>
    %gt3A_583 = arith.cmpf ogt, %dot_general3A_580, %gt3A_582 : vector<120x160xf32>
    %exp3A_584 = math.exp %dot_general3A_580 : vector<120x160xf32>
    %sub3A_585 = arith.constant 1.000000e+00 : f32
    %sub3A_586 = vector.broadcast %sub3A_585 : f32 to vector<120x160xf32>
    %sub3A_587 = arith.subf %exp3A_584, %sub3A_586 : vector<120x160xf32>
    %select_n3A_588 = arith.select %gt3A_583, %dot_general3A_580, %sub3A_587 : vector<120x160xi1>, vector<120x160xf32>
    %dot_general3A_589 = arith.constant dense<0.000000e+00> : vector<120x128xf32>
    %dot_general3A_590 = tpu.matmul %select_n3A_588, %get3A_85, %dot_general3A_589 {dimension_numbers = #tpu.dot_dimension_numbers<[1], [0], [0], [1], [0, 0, 1, 1], [], []>, transpose_lhs_hint = false} : vector<120x160xf32>, vector<160x128xf32>, vector<120x128xf32> -> vector<120x128xf32>
    %add3A_591 = vector.broadcast %get3A_88 : vector<1x128xf32> to vector<120x128xf32>
    %add3A_592 = arith.addf %dot_general3A_590, %add3A_591 : vector<120x128xf32>
    %gt3A_593 = arith.constant 0.000000e+00 : f32
    %gt3A_594 = vector.broadcast %gt3A_593 : f32 to vector<120x128xf32>
    %gt3A_595 = arith.cmpf ogt, %add3A_592, %gt3A_594 : vector<120x128xf32>
    %exp3A_596 = math.exp %add3A_592 : vector<120x128xf32>
    %sub3A_597 = arith.constant 1.000000e+00 : f32
    %sub3A_598 = vector.broadcast %sub3A_597 : f32 to vector<120x128xf32>
    %sub3A_599 = arith.subf %exp3A_596, %sub3A_598 : vector<120x128xf32>
    %select_n3A_600 = arith.select %gt3A_595, %add3A_592, %sub3A_599 : vector<120x128xi1>, vector<120x128xf32>
    %dot_general3A_601 = arith.constant dense<0.000000e+00> : vector<120x64xf32>
    %dot_general3A_602 = tpu.matmul %select_n3A_600, %get3A_91, %dot_general3A_601 {dimension_numbers = #tpu.dot_dimension_numbers<[1], [0], [0], [1], [0, 0, 1, 1], [], []>, transpose_lhs_hint = false} : vector<120x128xf32>, vector<128x64xf32>, vector<120x64xf32> -> vector<120x64xf32>
    %add3A_603 = vector.broadcast %get3A_94 : vector<1x64xf32> to vector<120x64xf32>
    %add3A_604 = arith.addf %dot_general3A_602, %add3A_603 : vector<120x64xf32>
    %gt3A_605 = arith.constant 0.000000e+00 : f32
    %gt3A_606 = vector.broadcast %gt3A_605 : f32 to vector<120x64xf32>
    %gt3A_607 = arith.cmpf ogt, %add3A_604, %gt3A_606 : vector<120x64xf32>
    %exp3A_608 = math.exp %add3A_604 : vector<120x64xf32>
    %sub3A_609 = arith.constant 1.000000e+00 : f32
    %sub3A_610 = vector.broadcast %sub3A_609 : f32 to vector<120x64xf32>
    %sub3A_611 = arith.subf %exp3A_608, %sub3A_610 : vector<120x64xf32>
    %select_n3A_612 = arith.select %gt3A_607, %add3A_604, %sub3A_611 : vector<120x64xi1>, vector<120x64xf32>
    %dot_general3A_613 = arith.constant dense<0.000000e+00> : vector<120x40xf32>
    %dot_general3A_614 = tpu.matmul %select_n3A_612, %get3A_97, %dot_general3A_613 {dimension_numbers = #tpu.dot_dimension_numbers<[1], [0], [0], [1], [0, 0, 1, 1], [], []>, transpose_lhs_hint = false} : vector<120x64xf32>, vector<64x40xf32>, vector<120x40xf32> -> vector<120x40xf32>
    %add3A_615 = vector.broadcast %get3A_100 : vector<1x40xf32> to vector<120x40xf32>
    %add3A_616 = arith.addf %dot_general3A_614, %add3A_615 : vector<120x40xf32>
    %reduce_sum3A = arith.constant dense<0.000000e+00> : vector<40xf32>
    %reduce_sum3A_617 = vector.multi_reduction <add>, %add3A_616, %reduce_sum3A [0] : vector<120x40xf32> to vector<40xf32>
    %broadcast_in_dim3A_618 = vector.shape_cast %reduce_sum3A_617 : vector<40xf32> to vector<1x40xf32>
    %div3A = arith.constant 1.200000e+02 : f32
    %div3A_619 = vector.broadcast %div3A : f32 to vector<1x40xf32>
    %div3A_620 = arith.divf %broadcast_in_dim3A_618, %div3A_619 : vector<1x40xf32>
    %swap3A = arith.constant 0 : index
    %swap3A_621 = arith.constant 0 : index
    %swap3A_622 = arith.constant 0 : index
    %swap3A_623 = vector.load %arg38[%swap3A, %swap3A_621, %swap3A_622] : memref<1x1x40xf32, #tpu.memory_space<vmem>>, vector<1x1x40xf32>
    %swap3A_624 = vector.shape_cast %swap3A_623 : vector<1x1x40xf32> to vector<1x40xf32>
    %swap3A_625 = vector.shape_cast %div3A_620 : vector<1x40xf32> to vector<1x1x40xf32>
    tpu.vector_store %arg38[%swap3A, %swap3A_621, %swap3A_622], %swap3A_625 {strides = array<i32>} : memref<1x1x40xf32, #tpu.memory_space<vmem>>, vector<1x1x40xf32>,
    return
  }
  func.func @transform_0(%arg0: i32) -> (i32, i32, i32) {
    %c0_i32 = arith.constant 0 : i32
    %c0_i32_0 = arith.constant 0 : i32
    %c0_i32_1 = arith.constant 0 : i32
    return %arg0, %c0_i32, %c0_i32_0 : i32, i32, i32
  }
  func.func @transform_1(%arg0: i32) -> (i32, i32, i32) {
    %c0_i32 = arith.constant 0 : i32
    %c0_i32_0 = arith.constant 0 : i32
    %c0_i32_1 = arith.constant 0 : i32
    return %arg0, %c0_i32, %c0_i32_0 : i32, i32, i32
  }
  func.func @transform_2(%arg0: i32) -> (i32, i32, i32) {
    %c0_i32 = arith.constant 0 : i32
    %c0_i32_0 = arith.constant 0 : i32
    %c0_i32_1 = arith.constant 0 : i32
    return %arg0, %c0_i32, %c0_i32_0 : i32, i32, i32
  }
  func.func @transform_3(%arg0: i32) -> (i32, i32) {
    %c0_i32 = arith.constant 0 : i32
    %c0_i32_0 = arith.constant 0 : i32
    %c0_i32_1 = arith.constant 0 : i32
    return %c0_i32, %c0_i32_0 : i32, i32
  }
  func.func @transform_4(%arg0: i32) -> (i32, i32) {
    %c0_i32 = arith.constant 0 : i32
    %c0_i32_0 = arith.constant 0 : i32
    %c0_i32_1 = arith.constant 0 : i32
    return %c0_i32, %c0_i32_0 : i32, i32
  }
  func.func @transform_5(%arg0: i32) -> (i32, i32) {
    %c0_i32 = arith.constant 0 : i32
    %c0_i32_0 = arith.constant 0 : i32
    %c0_i32_1 = arith.constant 0 : i32
    return %c0_i32, %c0_i32_0 : i32, i32
  }
  func.func @transform_6(%arg0: i32) -> (i32, i32) {
    %c0_i32 = arith.constant 0 : i32
    %c0_i32_0 = arith.constant 0 : i32
    %c0_i32_1 = arith.constant 0 : i32
    return %c0_i32, %c0_i32_0 : i32, i32
  }
  func.func @transform_7(%arg0: i32) -> (i32, i32) {
    %c0_i32 = arith.constant 0 : i32
    %c0_i32_0 = arith.constant 0 : i32
    %c0_i32_1 = arith.constant 0 : i32
    return %c0_i32, %c0_i32_0 : i32, i32
  }
  func.func @transform_8(%arg0: i32) -> (i32, i32) {
    %c0_i32 = arith.constant 0 : i32
    %c0_i32_0 = arith.constant 0 : i32
    %c0_i32_1 = arith.constant 0 : i32
    return %c0_i32, %c0_i32_0 : i32, i32
  }
  func.func @transform_9(%arg0: i32) -> (i32, i32) {
    %c0_i32 = arith.constant 0 : i32
    %c0_i32_0 = arith.constant 0 : i32
    %c0_i32_1 = arith.constant 0 : i32
    return %c0_i32, %c0_i32_0 : i32, i32
  }
  func.func @transform_10(%arg0: i32) -> (i32, i32) {
    %c0_i32 = arith.constant 0 : i32
    %c0_i32_0 = arith.constant 0 : i32
    %c0_i32_1 = arith.constant 0 : i32
    return %c0_i32, %c0_i32_0 : i32, i32
  }
  func.func @transform_11(%arg0: i32) -> (i32, i32) {
    %c0_i32 = arith.constant 0 : i32
    %c0_i32_0 = arith.constant 0 : i32
    %c0_i32_1 = arith.constant 0 : i32
    return %c0_i32, %c0_i32_0 : i32, i32
  }
  func.func @transform_12(%arg0: i32) -> (i32, i32) {
    %c0_i32 = arith.constant 0 : i32
    %c0_i32_0 = arith.constant 0 : i32
    %c0_i32_1 = arith.constant 0 : i32
    return %c0_i32, %c0_i32_0 : i32, i32
  }
  func.func @transform_13(%arg0: i32) -> (i32, i32) {
    %c0_i32 = arith.constant 0 : i32
    %c0_i32_0 = arith.constant 0 : i32
    %c0_i32_1 = arith.constant 0 : i32
    return %c0_i32, %c0_i32_0 : i32, i32
  }
  func.func @transform_14(%arg0: i32) -> (i32, i32) {
    %c0_i32 = arith.constant 0 : i32
    %c0_i32_0 = arith.constant 0 : i32
    %c0_i32_1 = arith.constant 0 : i32
    return %c0_i32, %c0_i32_0 : i32, i32
  }
  func.func @transform_15(%arg0: i32) -> (i32, i32) {
    %c0_i32 = arith.constant 0 : i32
    %c0_i32_0 = arith.constant 0 : i32
    %c0_i32_1 = arith.constant 0 : i32
    return %c0_i32, %c0_i32_0 : i32, i32
  }
  func.func @transform_16(%arg0: i32) -> (i32, i32) {
    %c0_i32 = arith.constant 0 : i32
    %c0_i32_0 = arith.constant 0 : i32
    %c0_i32_1 = arith.constant 0 : i32
    return %c0_i32, %c0_i32_0 : i32, i32
  }
  func.func @transform_17(%arg0: i32) -> (i32, i32) {
    %c0_i32 = arith.constant 0 : i32
    %c0_i32_0 = arith.constant 0 : i32
    %c0_i32_1 = arith.constant 0 : i32
    return %c0_i32, %c0_i32_0 : i32, i32
  }
  func.func @transform_18(%arg0: i32) -> (i32, i32) {
    %c0_i32 = arith.constant 0 : i32
    %c0_i32_0 = arith.constant 0 : i32
    %c0_i32_1 = arith.constant 0 : i32
    return %c0_i32, %c0_i32_0 : i32, i32
  }
  func.func @transform_19(%arg0: i32) -> (i32, i32) {
    %c0_i32 = arith.constant 0 : i32
    %c0_i32_0 = arith.constant 0 : i32
    %c0_i32_1 = arith.constant 0 : i32
    return %c0_i32, %c0_i32_0 : i32, i32
  }
  func.func @transform_20(%arg0: i32) -> (i32, i32) {
    %c0_i32 = arith.constant 0 : i32
    %c0_i32_0 = arith.constant 0 : i32
    %c0_i32_1 = arith.constant 0 : i32
    return %c0_i32, %c0_i32_0 : i32, i32
  }
  func.func @transform_21(%arg0: i32) -> (i32, i32) {
    %c0_i32 = arith.constant 0 : i32
    %c0_i32_0 = arith.constant 0 : i32
    %c0_i32_1 = arith.constant 0 : i32
    return %c0_i32, %c0_i32_0 : i32, i32
  }
  func.func @transform_22(%arg0: i32) -> (i32, i32) {
    %c0_i32 = arith.constant 0 : i32
    %c0_i32_0 = arith.constant 0 : i32
    %c0_i32_1 = arith.constant 0 : i32
    return %c0_i32, %c0_i32_0 : i32, i32
  }
  func.func @transform_23(%arg0: i32) -> (i32, i32) {
    %c0_i32 = arith.constant 0 : i32
    %c0_i32_0 = arith.constant 0 : i32
    %c0_i32_1 = arith.constant 0 : i32
    return %c0_i32, %c0_i32_0 : i32, i32
  }
  func.func @transform_24(%arg0: i32) -> (i32, i32) {
    %c0_i32 = arith.constant 0 : i32
    %c0_i32_0 = arith.constant 0 : i32
    %c0_i32_1 = arith.constant 0 : i32
    return %c0_i32, %c0_i32_0 : i32, i32
  }
  func.func @transform_25(%arg0: i32) -> (i32, i32) {
    %c0_i32 = arith.constant 0 : i32
    %c0_i32_0 = arith.constant 0 : i32
    %c0_i32_1 = arith.constant 0 : i32
    return %c0_i32, %c0_i32_0 : i32, i32
  }
  func.func @transform_26(%arg0: i32) -> (i32, i32) {
    %c0_i32 = arith.constant 0 : i32
    %c0_i32_0 = arith.constant 0 : i32
    %c0_i32_1 = arith.constant 0 : i32
    return %c0_i32, %c0_i32_0 : i32, i32
  }
  func.func @transform_27(%arg0: i32) -> (i32, i32) {
    %c0_i32 = arith.constant 0 : i32
    %c0_i32_0 = arith.constant 0 : i32
    %c0_i32_1 = arith.constant 0 : i32
    return %c0_i32, %c0_i32_0 : i32, i32
  }
  func.func @transform_28(%arg0: i32) -> (i32, i32) {
    %c0_i32 = arith.constant 0 : i32
    %c0_i32_0 = arith.constant 0 : i32
    %c0_i32_1 = arith.constant 0 : i32
    return %c0_i32, %c0_i32_0 : i32, i32
  }
  func.func @transform_29(%arg0: i32) -> (i32, i32) {
    %c0_i32 = arith.constant 0 : i32
    %c0_i32_0 = arith.constant 0 : i32
    %c0_i32_1 = arith.constant 0 : i32
    return %c0_i32, %c0_i32_0 : i32, i32
  }
  func.func @transform_30(%arg0: i32) -> (i32, i32) {
    %c0_i32 = arith.constant 0 : i32
    %c0_i32_0 = arith.constant 0 : i32
    %c0_i32_1 = arith.constant 0 : i32
    return %c0_i32, %c0_i32_0 : i32, i32
  }
  func.func @transform_31(%arg0: i32) -> (i32, i32) {
    %c0_i32 = arith.constant 0 : i32
    %c0_i32_0 = arith.constant 0 : i32
    %c0_i32_1 = arith.constant 0 : i32
    return %c0_i32, %c0_i32_0 : i32, i32
  }
  func.func @transform_32(%arg0: i32) -> (i32, i32) {
    %c0_i32 = arith.constant 0 : i32
    %c0_i32_0 = arith.constant 0 : i32
    %c0_i32_1 = arith.constant 0 : i32
    return %c0_i32, %c0_i32_0 : i32, i32
  }
  func.func @transform_33(%arg0: i32) -> (i32, i32) {
    %c0_i32 = arith.constant 0 : i32
    %c0_i32_0 = arith.constant 0 : i32
    %c0_i32_1 = arith.constant 0 : i32
    return %c0_i32, %c0_i32_0 : i32, i32
  }
  func.func @transform_34(%arg0: i32) -> (i32, i32) {
    %c0_i32 = arith.constant 0 : i32
    %c0_i32_0 = arith.constant 0 : i32
    %c0_i32_1 = arith.constant 0 : i32
    return %c0_i32, %c0_i32_0 : i32, i32
  }
  func.func @transform_35(%arg0: i32) -> (i32, i32) {
    %c0_i32 = arith.constant 0 : i32
    %c0_i32_0 = arith.constant 0 : i32
    %c0_i32_1 = arith.constant 0 : i32
    return %c0_i32, %c0_i32_0 : i32, i32
  }
  func.func @transform_36(%arg0: i32) -> (i32, i32) {
    %c0_i32 = arith.constant 0 : i32
    %c0_i32_0 = arith.constant 0 : i32
    %c0_i32_1 = arith.constant 0 : i32
    return %c0_i32, %c0_i32_0 : i32, i32
  }
  func.func @transform_37(%arg0: i32) -> (i32, i32, i32) {
    %c0_i32 = arith.constant 0 : i32
    %c0_i32_0 = arith.constant 0 : i32
    %c0_i32_1 = arith.constant 0 : i32
    return %arg0, %c0_i32, %c0_i32_0 : i32, i32, i32
  }
}

</mosaic_0001>

<sc_bundles>
// kernel: kernel.11.cloned.1.call-start
scs
__scs_entry_jumppad:
0x0: {  	(pc) =	sbr.rel $0x88, $3  }
0x1: {  	(tag) =	ssettag $0x0;
	lr =	simm.s32 $0x1  }
0x2: {  	[smem:$0x3F50] =	sst lr;
	_ =	strace $0xD0000000  }
0x3: {  	_ = 	snop  }
0x4: {  	_ = 	snop  }
0x5: {  	_ = 	snop  }
0x6: {  	_ = 	snop  }
0x7: {  	_ = 	snop  }
__scs_overlays_trampoline_lowered:
0x8: {  	[smem:$0x3F5F] =	sst s0  }
0x9: {  	[smem:$0x3F60] =	sst s1  }
0xa: {  	[smem:$0x3F61] =	sst s2  }
0xb: {  	[smem:$0x3F62] =	sst s3  }
0xc: {  	[smem:$0x3F63] =	sst s4  }
0xd: {  	[smem:$0x3F64] =	sst s5  }
0xe: {  	[smem:$0x3F65] =	sst s6  }
0xf: {  	[smem:$0x3F66] =	sst s7  }
0x10: {  	[smem:$0x3F67] =	sst s8  }
0x11: {  	[smem:$0x3F68] =	sst s9;
	s0 =	simm.s32 @!p0 $0x0  }
0x12: {  	s1 =	sld [smem:$0x3F4E];
	s0 =	simm.s32 @p0 $0x1  }
0x13: {  	[smem:$0x3F69] =	sst s0;
	s0 =	simm.s32 @!p1 $0x0  }
0x14: {  	s2 =	sld [smem:$0x3F4D];
	s0 =	simm.s32 @p1 $0x1  }
0x15: {  	[smem:$0x3F6A] =	sst s0;
	s0 =	simm.s32 @!p2 $0x0  }
0x16: {  	s3 =	sld [smem:$0x3FDB];
	s0 =	simm.s32 @p2 $0x1  }
0x17: {  	s4 =	simm.s32 $0x1BF5;
	[smem:$0x3F6C] =	sst s0  }
0x18: {  	s0 =	sld [smem:$0x3F4F];
	_ =	swait.ge [sflag:s4], $0x0  }
0x19: {  	s7 =	sld [smem:$0x3F50]  }
0x1a: {  	s8 =	sadd.s32 $0xFFFFE003, lr  }
0x1b: {  	s9 =	sadd.s32 $0xFFFFFEF7, lr;
	s5 =	simm.s32 $0xFFFFFFFF;
	p2 =	slt.u32 s8, $0xFFFFF086  }
0x1c: {  	p1 =	slt.u32 s9, $0xF7A;
	s5 =	simm.s32 @!p2 $0x0  }
0x1d: {  	s5 =	simm.s32 @p1 $0x1;
	p0 =	seq.s32 s7, s2  }
0x1e: {  	s7 =	smul.u32 @!p0 $0xF7A, s2;
	p2 =	seq.s32 @!p0 s5, $0x0  }
0x1f: {  	s9 =	smul.u32 $0xF7A, s1;
	s8 =	simm.s32 @!p0 $0x1BF5;
	p2 =	por !p2, p0  }
0x20: {  	[sflag:s8] =	ssyncset.s32 @!p0 $0xFFFFF086;
	s6 =	sadd.s32 @!p0 s3, s7;
	s7 =	simm.s32 @!p0 $0x108  }
0x21: {  	s3 =	sadd.s32 s3, s9;
	s6 =	sadd.s32 @!p0 $0x88, s6;
	s7 =	simm.s32 @p2 $0x1082  }
0x22: {  	[simem:s7], [sflag:s8] =	dma.local @!p0 [hbm:s6], $0xF7A  }
0x23: {  	s9 =	sor.u32 $0xD0000000, s2;
	s6 =	simm.s32 $0x108;
	_ =	swait.ge @!p0 [sflag:s8], $0x0  }
0x24: {  	s3 =	sadd.s32 $0x88, s3;
	s6 =	simm.s32 @!p1 $0x1082;
	[sflag:s4] =	ssyncset.s32 $0xFFFFF086  }
0x25: {  	[simem:s6], [sflag:s4] =	dma.local [hbm:s3], $0xF7A  }
0x26: {  	[smem:$0x3F50] =	sst s1;
	(tag) =	ssettag s2;
	_ =	strace s9  }
0x27: {  	s1 =	sld [smem:$0x3F60]  }
0x28: {  	s2 =	sld [smem:$0x3F61]  }
0x29: {  	s4 =	sld [smem:$0x3F63]  }
0x2a: {  	p0 =	seq.s32 s5, $0x0;
	s5 =	sld [smem:$0x3F64]  }
0x2b: {  	s6 =	sld [smem:$0x3F65]  }
0x2c: {  	s7 =	sld [smem:$0x3F66]  }
0x2d: {  	s3 =	simm.s32 $0x108;
	s8 =	sld [smem:$0x3F67]  }
0x2e: {  	s3 =	simm.s32 @!p0 $0x1082;
	s9 =	sld [smem:$0x3F68]  }
0x2f: {  	lr =	sadd.s32 s0, s3;
	s0 =	sld [smem:$0x3F5F]  }
0x30: {  	s3 =	sld [smem:$0x3F62]  }
0x31: {  	[smem:$0x3F6B] =	sst s10  }
0x32: {  	s10 =	sld [smem:$0x3F69];
	_ =	sdelay $0x3  }
0x33: {  	p0 =	seq.s32 s10, $0x1;
	s10 =	sld [smem:$0x3F6B];
	_ =	sdelay $0x3  }
0x34: {  	[smem:$0x3F6B] =	sst s10  }
0x35: {  	s10 =	sld [smem:$0x3F6A];
	_ =	sdelay $0x3  }
0x36: {  	p1 =	seq.s32 s10, $0x1;
	s10 =	sld [smem:$0x3F6B];
	_ =	sdelay $0x3  }
0x37: {  	[smem:$0x3F6B] =	sst s10  }
0x38: {  	s10 =	sld [smem:$0x3F6C]  }
0x39: {  	_ = 	snop;
	(pc) =	sbr.ind lr, $3  }
0x3a: {  	_ = 	snop  }
0x3b: {  	_ = 	snop  }
0x3c: {  	p2 =	seq.s32 s10, $0x1;
	s10 =	sld [smem:$0x3F6B]  }
0x3d: {  	_ =	shalt  }
0x3e: {  	_ =	shalt  }
0x3f: {  	_ =	shalt  }
0x40: {  	_ =	shalt  }
0x41: {  	_ =	shalt  }
0x42: {  	_ =	shalt  }
0x43: {  	_ =	shalt  }
0x44: {  	_ =	shalt  }
0x45: {  	_ =	shalt  }
0x46: {  	_ =	shalt  }
0x47: {  	_ =	shalt  }
0x48: {  	_ =	shalt  }
0x49: {  	_ =	shalt  }
0x4a: {  	_ =	shalt  }
0x4b: {  	_ =	shalt  }
0x4c: {  	_ =	shalt  }
0x4d: {  	_ =	shalt  }
0x4e: {  	_ =	shalt  }
0x4f: {  	_ =	shalt  }
0x50: {  	_ =	shalt  }
0x51: {  	_ =	shalt  }
0x52: {  	_ =	shalt  }
0x53: {  	_ =	shalt  }
0x54: {  	_ =	shalt  }
0x55: {  	_ =	shalt  }
0x56: {  	_ =	shalt  }
0x57: {  	_ =	shalt  }
0x58: {  	_ =	shalt  }
0x59: {  	_ =	shalt  }
0x5a: {  	_ =	shalt  }
0x5b: {  	_ =	shalt  }
0x5c: {  	_ =	shalt  }
0x5d: {  	_ =	shalt  }
0x5e: {  	_ =	shalt  }
0x5f: {  	_ =	shalt  }
0x60: {  	_ =	shalt  }
0x61: {  	_ =	shalt  }
0x62: {  	_ =	shalt  }
0x63: {  	_ =	shalt  }
0x64: {  	_ =	shalt  }
0x65: {  	_ =	shalt  }
0x66: {  	_ =	shalt  }
0x67: {  	_ =	shalt  }
0x68: {  	_ =	shalt  }
0x69: {  	_ =	shalt  }
0x6a: {  	_ =	shalt  }
0x6b: {  	_ =	shalt  }
0x6c: {  	_ =	shalt  }
0x6d: {  	_ =	shalt  }
0x6e: {  	_ =	shalt  }
0x6f: {  	_ =	shalt  }
0x70: {  	_ =	shalt  }
0x71: {  	_ =	shalt  }
0x72: {  	_ =	shalt  }
0x73: {  	_ =	shalt  }
0x74: {  	_ =	shalt  }
0x75: {  	_ =	shalt  }
0x76: {  	_ =	shalt  }
0x77: {  	_ =	shalt  }
0x78: {  	_ =	shalt  }
0x79: {  	_ =	shalt  }
0x7a: {  	_ =	shalt  }
0x7b: {  	_ =	shalt  }
0x7c: {  	_ =	shalt  }
0x7d: {  	_ =	shalt  }
0x7e: {  	_ =	shalt  }
0x7f: {  	_ =	shalt  }
0x80: {  	_ =	shalt  }
0x81: {  	_ =	shalt  }
0x82: {  	_ =	shalt  }
0x83: {  	_ =	shalt  }
0x84: {  	_ =	shalt  }
0x85: {  	_ =	shalt  }
0x86: {  	_ =	shalt  }
0x87: {  	_ =	shalt  }
.Lfunc_end0:
.L_simem_size_0:
called_computation_lowered:
.L_overlay_start_0:
0x88: {  	s2 =	sld [smem:$0x3FD9]  }
0x89: {  	s3 =	sld [smem:$0x3FFE];
	_ =	sdelay $0x1  }
0x8a: {  	s1 =	srdreg.scid  }
0x8b: {  	s0 =	sand.u32 $0x1, s1  }
0x8c: {  	s16 =	sshll.u32 s0, $0xA;
	s2 =	sadd.s32 s3, s2  }
0x8d: {  	s2 =	sadd.s32 s2, s16  }
0x8e: {  	[smem:$0x3F77] =	sst s2  }
0x8f: {  	_ = 	snop  }
0x90: {  	(tm) =	ssettm $0x1  }
0x91: {  	s17 =	sld [smem:$0x3FFB];
	_ =	sdelay $0x3  }
0x92: {  	_ =	strace s17  }
0x93: {  	s2 =	sld [smem:$0x3FFC];
	_ =	sdelay $0x3  }
0x94: {  	_ =	strace s2  }
0x95: {  	s2 =	sld [smem:$0x3FFD];
	_ =	sdelay $0x3  }
0x96: {  	_ =	strace s2  }
0x97: {  	_ =	strace $0x8FFFFFFF  }
0x98: {  	s18 =	sld [smem:$0x3FDB];
	_ =	sdelay $0x1  }
0x99: {  	s19 =	simm.s32 $_scs_section_size  }
0x9a: {  	s4 =	simm.s32 $_size__tile_overlayer_lowered;
	s5 =	simm.s32 $_tile_overlayer_lowered  }
0x9b: {  	s22 =	simm.s32 $0x1BFF;
	s21 =	sshll.u32 s5, $0x1;
	s2 =	sadd.s32 s19, s18  }
0x9c: {  	s6 =	simm.s32 $0x0;
	s20 =	sshll.u32 s4, $0x1;
	s4 =	sadd.s32 s21, s2  }
0x9d: {  	[timem:s6], [sflag:s22] =	dma.local [hbm:s4], s20  }
0x9e: {  	_ =	swait.ge [sflag:s22], s20  }
0x9f: {  	s3 =	ssub.s32 $0x0, s20;
	[sflag:s22] =	ssyncset.done $0x0  }
0xa0: {  	[sflag:s22] =	ssyncadd.s32 s3;
	_ =	sdelay $0x1  }
0xa1: {  	s23 =	simm.s32 $0x1B8B  }
0xa2: {  	_ =	swait.ge [sflag:s23], $0x1  }
0xa3: {  	[sflag:s23] =	ssyncset.done $0x0  }
0xa4: {  	s25 =	simm.s32 $0x1B8E;
	s24 =	sld [smem:$0x3FFE];
	[sflag:s23] =	ssyncadd.s32 $0xFFFFFFFF  }
0xa5: {  	s26 =	simm.s32 $execute0_lowered;
	[smem:$0x3FD2] =	sst s25  }
0xa6: {  	s4 =	sshll.u32 s26, $0x1;
	_ =	strace $0x80000046;
	[dreg:$0x1] =	wrdreg $0xFFFFFFFF  }
0xa7: {  	s28 =	simm.s32 $_size_execute0_lowered;
	s2 =	sadd.s32 s2, s4;
	[dreg:$0x0] =	wrdreg $0x0  }
0xa8: {  	s4 =	sshll.u32 s28, $0x1;
	[dreg:$0x2] =	wrdreg s2  }
0xa9: {  	[dreg:$0x3] =	wrdreg s4  }
0xaa: {  	[dreg:$0x4] =	wrdreg $0xC0  }
0xab: {  	_ =	task [dreg:s6], $0x5FFFF  }
0xac: {  	[dreg:$0x1] =	wrdreg $0xFFFFFFFF  }
0xad: {  	[dreg:$0x0] =	wrdreg $0x60  }
0xae: {  	[dreg:$0x2] =	wrdreg s24  }
0xaf: {  	[dreg:$0x3] =	wrdreg $0x9  }
0xb0: {  	_ =	task.clear_ibuf [dreg:s6], $0x4FFFF;
	_ =	strace $0x90000046  }
0xb1: {  	s29 =	simm.s32 $0x9;
	_ =	strace $0x80000048  }
0xb2: {  	_ =	swait.ge [sflag:s29], $0x1  }
0xb3: {  	[sflag:s29] =	ssyncadd.s32 $0xFFFFFFFF  }
0xb4: {  	_ =	strace $0x90000048  }
0xb5: {  	_ =	sfence  }
0xb6: {  	s30 =	sld [smem:$0x0];
	_ =	sdelay $0x2  }
0xb7: {  	s31 =	sshll.u32 s1, $0xD;
	s1 =	sshrl.u32 s1, $0x2  }
0xb8: {  	s3 =	sand.u32 $0x4000, s31;
	s1 =	sadd.s32 s1, s30  }
0xb9: {  	s0 =	sor.u32 s3, s0;
	s1 =	sshll.u32 s1, $0x11  }
0xba: {  	s0 =	sor.u32 s1, s0  }
0xbb: {  	s0 =	sadd.s32 $0x8F2B, s0  }
0xbc: {  	[sflag:s0] =	ssyncadd.remote.s32 $0x1  }
0xbd: {  	_ =	sfence.sel $0xFFFF  }
0xbe: {  	[dreg:$0x0] =	wrdreg $0xFFFFFFFF;
	(pc) =	sbr.abs _section_cstart, $3  }
0xbf: {  	[dreg:$0x1] =	wrdreg $0xFFFFFFFF  }
0xc0: {  	_ =	task.clear_ibuf [dreg:s6], $0x2FFFF;
	_ =	strace $0x9FFFFFFF  }
0xc1: {  	(tm) =	ssettm $0x7FFFFFFF  }
tec
execute0_lowered:
.L_overlay_start_1:
0x0: {  	(tag) =	ssettag $0x1  }
0x1: {  	s4 =	rddreg [dreg:$0x0]  }
0x2: {  	s0 =	rddreg [dreg:$0x1]  }
0x3: {  	s3 =	srdreg.scid;
	s2 =	simm.s32 $0x0;
	s1 =	stileid.u32  }
0x4: {  	s10 =	simm.s32 $0x1800;
	s11 =	simm.s32 $0x2000;
	s12 =	simm.s32 $0x2800  }
0x5: {  	s13 =	simm.s32 $0x1;
	s14 =	simm.s32 $0x2;
	s15 =	simm.s32 $0x3  }
0x6: {  	s16 =	simm.s32 $0x4;
	s17 =	simm.s32 $0x0;
	s5 =	sand.u32 $0x1, s3  }
0x7: {  	[smem:$0x7FF] =	sst s2;
	s29 =	sshll.u32 s1, $0xD;
	s3 =	sadd.s32 $0xF000, s4  }
0x8: {  	s8 =	sshll.u32 s1, $0xE;
	s6 =	sshll.u32 s5, $0xC;
	_ =	strace $0x80000047  }
0x9: {  	s7 =	ssub.s32 $0x2, s5;
	s8 =	sadd.s32 s8, s4;
	s30 =	sshll.u32 s5, $0xD  }
0xa: {  	s6 =	sor.u32 s6, s29;
	s9 =	sshrl.u32 s7, $0x1;
	s31 =	sadd.s32 s30, s8  }
0xb: {  	s8 =	simm.s32 $0x80;
	s6 =	sshrl.u32 s6, $0x3;
	s7 =	ssub.s32 s7, s9  }
0xc: {  	s9 =	simm.s32 $0x1000;
	s6 =	sadd.s32 s6, s4;
	s5 =	smax.u32 s7, $0x1  }
0xd: {  	s7 =	simm.s32 $0x5;
	s4 =	sadd.s32 $0x9E000, s6;
	s6 =	sadd.s32 $0xA2000, s31  }
.LBB2_1:
0xe: {  	[tilespmem:s2], [sflag:$0x5] =	stream.linear.gather [hbm4b:s4+s2], $0x1000, $0x38;
	[tilespmem:$0x3000] =	vst v63  }
0xf: {  	_ =	swait.ge [sflag:s7], $0x1000  }
0x10: {  	[sflag:s7] =	ssyncset.done $0x0  }
0x11: {  	[sflag:s7] =	ssyncadd.s32 $0xFFFFF000  }
0x12: {  	[tilespmem:s9], [sflag:$0x1] =	stream.indirect.gather [hbm4b:s3+s8], $0x10, s2, s8, $0xb8;
	[tilespmem:$0x3000] =	vst v63  }
0x13: {  	s18 =	simm.s32 $0x80  }
0x14: {  	[tilespmem:s10], [sflag:$0x2] =	stream.indirect.gather [hbm4b:s3+s8], $0x10, s18, s8, $0xb8;
	[tilespmem:$0x3000] =	vst v63  }
0x15: {  	s28 =	simm.s32 $0x100  }
0x16: {  	[tilespmem:s11], [sflag:$0x3] =	stream.indirect.gather [hbm4b:s3+s8], $0x10, s28, s8, $0xb8;
	[tilespmem:$0x3000] =	vst v63  }
0x17: {  	s29 =	simm.s32 $0x180  }
0x18: {  	[tilespmem:s12], [sflag:$0x4] =	stream.indirect.gather [hbm4b:s3+s8], $0x10, s29, s8, $0xb8;
	[tilespmem:$0x3000] =	vst v63  }
0x19: {  	_ =	swait.ge [sflag:s13], $0x800  }
0x1a: {  	[sflag:s13] =	ssyncset.done $0x0  }
0x1b: {  	s30 =	sadd.s32 $0x0, s6;
	[sflag:s13] =	ssyncadd.s32 $0xFFFFF800  }
0x1c: {  	[hbm4b:s30+s2] =	stream.linear.scatter [tilespmem:s9], [sflag:$0x5], $0x800, $0x38;
	[tilespmem:$0x3000] =	vst v63  }
0x1d: {  	_ =	swait.ge [sflag:s7], $0x800  }
0x1e: {  	[sflag:s7] =	ssyncset.done $0x0  }
0x1f: {  	[sflag:s7] =	ssyncadd.s32 $0xFFFFF800  }
0x20: {  	_ =	swait.ge [sflag:s14], $0x800  }
0x21: {  	[sflag:s14] =	ssyncset.done $0x0  }
0x22: {  	s19 =	sadd.s32 $0x100, s30;
	[sflag:s14] =	ssyncadd.s32 $0xFFFFF800  }
0x23: {  	[hbm4b:s19+s2] =	stream.linear.scatter [tilespmem:s10], [sflag:$0x5], $0x800, $0x38;
	[tilespmem:$0x3000] =	vst v63  }
0x24: {  	_ =	swait.ge [sflag:s7], $0x800  }
0x25: {  	[sflag:s7] =	ssyncset.done $0x0  }
0x26: {  	[sflag:s7] =	ssyncadd.s32 $0xFFFFF800  }
0x27: {  	_ =	swait.ge [sflag:s15], $0x800  }
0x28: {  	[sflag:s15] =	ssyncset.done $0x0  }
0x29: {  	s31 =	sadd.s32 $0x200, s30;
	[sflag:s15] =	ssyncadd.s32 $0xFFFFF800  }
0x2a: {  	[hbm4b:s31+s2] =	stream.linear.scatter [tilespmem:s11], [sflag:$0x5], $0x800, $0x38;
	[tilespmem:$0x3000] =	vst v63  }
0x2b: {  	_ =	swait.ge [sflag:s7], $0x800  }
0x2c: {  	[sflag:s7] =	ssyncset.done $0x0  }
0x2d: {  	[sflag:s7] =	ssyncadd.s32 $0xFFFFF800  }
0x2e: {  	_ =	swait.ge [sflag:s16], $0x800  }
0x2f: {  	[sflag:s16] =	ssyncset.done $0x0  }
0x30: {  	s18 =	sadd.s32 $0x300, s30;
	[sflag:s16] =	ssyncadd.s32 $0xFFFFF800  }
0x31: {  	[hbm4b:s18+s2] =	stream.linear.scatter [tilespmem:s12], [sflag:$0x5], $0x800, $0x38;
	[tilespmem:$0x3000] =	vst v63  }
0x32: {  	_ =	swait.ge [sflag:s7], $0x800  }
0x33: {  	s19 =	simm.s32 $0x0;
	s18 =	simm.s32 $0x400;
	[sflag:s7] =	ssyncset.done $0x0  }
.LBB2_2:
0x34: {  	p0 =	sne.s32 s18, $0x1C00;
	[sflag:s7] =	ssyncadd.s32 $0xFFFFF800;
	s19 =	sadd.s32 $0x200, s19  }
0x35: {  	[tilespmem:s9], [sflag:$0x1] =	stream.indirect.gather [hbm4b:s3+s8], $0x10, s19, s8, $0xb8;
	[tilespmem:$0x3000] =	vst v63  }
0x36: {  	s21 =	smov.u32 s18;
	s18 =	sadd.s32 $0x400, s18;
	s20 =	sadd.s32 $0x80, s19  }
0x37: {  	[tilespmem:s10], [sflag:$0x2] =	stream.indirect.gather [hbm4b:s3+s8], $0x10, s20, s8, $0xb8;
	[tilespmem:$0x3000] =	vst v63  }
0x38: {  	s20 =	sadd.s32 $0x100, s19  }
0x39: {  	[tilespmem:s11], [sflag:$0x3] =	stream.indirect.gather [hbm4b:s3+s8], $0x10, s20, s8, $0xb8;
	[tilespmem:$0x3000] =	vst v63  }
0x3a: {  	s20 =	sadd.s32 $0x180, s19  }
0x3b: {  	[tilespmem:s12], [sflag:$0x4] =	stream.indirect.gather [hbm4b:s3+s8], $0x10, s20, s8, $0xb8;
	[tilespmem:$0x3000] =	vst v63  }
0x3c: {  	_ =	swait.ge [sflag:s13], $0x800  }
0x3d: {  	[sflag:s13] =	ssyncset.done $0x0  }
0x3e: {  	s20 =	sadd.s32 s21, s6;
	[sflag:s13] =	ssyncadd.s32 $0xFFFFF800  }
0x3f: {  	[hbm4b:s20+s2] =	stream.linear.scatter [tilespmem:s9], [sflag:$0x5], $0x800, $0x38;
	[tilespmem:$0x3000] =	vst v63  }
0x40: {  	_ =	swait.ge [sflag:s7], $0x800  }
0x41: {  	[sflag:s7] =	ssyncset.done $0x0  }
0x42: {  	[sflag:s7] =	ssyncadd.s32 $0xFFFFF800  }
0x43: {  	_ =	swait.ge [sflag:s14], $0x800  }
0x44: {  	[sflag:s14] =	ssyncset.done $0x0  }
0x45: {  	s21 =	sadd.s32 $0x100, s20;
	[sflag:s14] =	ssyncadd.s32 $0xFFFFF800  }
0x46: {  	[hbm4b:s21+s2] =	stream.linear.scatter [tilespmem:s10], [sflag:$0x5], $0x800, $0x38;
	[tilespmem:$0x3000] =	vst v63  }
0x47: {  	_ =	swait.ge [sflag:s7], $0x800  }
0x48: {  	[sflag:s7] =	ssyncset.done $0x0  }
0x49: {  	[sflag:s7] =	ssyncadd.s32 $0xFFFFF800  }
0x4a: {  	_ =	swait.ge [sflag:s15], $0x800  }
0x4b: {  	[sflag:s15] =	ssyncset.done $0x0  }
0x4c: {  	s21 =	sadd.s32 $0x200, s20;
	[sflag:s15] =	ssyncadd.s32 $0xFFFFF800  }
0x4d: {  	[hbm4b:s21+s2] =	stream.linear.scatter [tilespmem:s11], [sflag:$0x5], $0x800, $0x38;
	[tilespmem:$0x3000] =	vst v63  }
0x4e: {  	_ =	swait.ge [sflag:s7], $0x800  }
0x4f: {  	[sflag:s7] =	ssyncset.done $0x0  }
0x50: {  	[sflag:s7] =	ssyncadd.s32 $0xFFFFF800  }
0x51: {  	_ =	swait.ge [sflag:s16], $0x800  }
.Ltmp0:
0x52: {  	[sflag:s16] =	ssyncset.done $0x0;
	(pc) =	sbr.rel @p0 .LBB2_2-.Ltmp0, $4  }
0x53: {  	s20 =	sadd.s32 $0x300, s20;
	[sflag:s16] =	ssyncadd.s32 $0xFFFFF800  }
0x54: {  	[hbm4b:s20+s2] =	stream.linear.scatter [tilespmem:s12], [sflag:$0x5], $0x800, $0x38;
	[tilespmem:$0x3000] =	vst v63  }
0x55: {  	_ =	swait.ge [sflag:s7], $0x800  }
0x56: {  	[sflag:s7] =	ssyncset.done $0x0  }
0x57: {  	s17 =	sadd.s32 $0x1, s17  }
0x58: {  	p0 =	sne.s32 s17, s5  }
.Ltmp1:
0x59: {  	_ = 	snop;
	(pc) =	sbr.rel @p0 .LBB2_1-.Ltmp1, $2  }
0x5a: {  	_ =	sdelay $0x2  }
0x5b: {  	[sflag:s7] =	ssyncadd.s32 $0xFFFFF800  }
0x5c: {  	_ =	sfence.sel $0x180000  }
0x5d: {  	[bflag:$0x0] =	sbarrier.arrive $0xFFFF  }
0x5e: {  	p0 =	sne.s32 s1, $0x0;
	_ =	strace $0x90000047  }
0x5f: {  	s0 =	sadd.s32 @!p0 $0x100000, s0;
	[bflag:$0x2] =	sbarrier.arrive $0xFFFF  }
0x60: {  	[sflag:s0] =	ssyncadd.tile.s32 @!p0 $0x1;
	_ =	shalt  }
.Lfunc_end2:
_tile_overlayer_lowered:
.L_overlay_start_2:
0x61: {  	(tag) =	ssettag $0x2  }
0x62: {  	s0 =	rddreg [dreg:$0x0];
	s2 =	stileid.u32  }
0x63: {  	s1 =	rddreg [dreg:$0x1];
	p0 =	sne.s32 s2, $0x0  }
0x64: {  	s3 =	rddreg [dreg:$0x2];
	[bflag:$0x3] =	sbarrier.arrive $0xFFFF;
	s2 =	simm.s32 @!p0 $0x1C05  }
0x65: {  	[timem:s3], [sflag:s2] =	dma.local @!p0 [hbm:s0], s1  }
0x66: {  	s0 =	simm.s32 @!p0 $0x5  }
0x67: {  	_ =	swait.ge @!p0 [sflag:s0], s1  }
0x68: {  	s1 =	ssub.s32 @!p0 $0x0, s1;
	[sflag:s0] =	ssyncset.done @!p0 $0x0  }
0x69: {  	[sflag:s0] =	ssyncadd.s32 @!p0 s1  }
0x6a: {  	[bflag:$0x3] =	sbarrier.arrive $0xFFFF  }
0x6b: {  	_ =	shalt  }

// kernel: kernel.14.cloned.1.call-start
scs
__scs_entry_jumppad:
0x0: {  	(pc) =	sbr.rel $0x88, $3  }
0x1: {  	(tag) =	ssettag $0x0;
	lr =	simm.s32 $0x1  }
0x2: {  	[smem:$0x3F50] =	sst lr;
	_ =	strace $0xD0000000  }
0x3: {  	_ = 	snop  }
0x4: {  	_ = 	snop  }
0x5: {  	_ = 	snop  }
0x6: {  	_ = 	snop  }
0x7: {  	_ = 	snop  }
__scs_overlays_trampoline_lowered:
0x8: {  	[smem:$0x3F5F] =	sst s0  }
0x9: {  	[smem:$0x3F60] =	sst s1  }
0xa: {  	[smem:$0x3F61] =	sst s2  }
0xb: {  	[smem:$0x3F62] =	sst s3  }
0xc: {  	[smem:$0x3F63] =	sst s4  }
0xd: {  	[smem:$0x3F64] =	sst s5  }
0xe: {  	[smem:$0x3F65] =	sst s6  }
0xf: {  	[smem:$0x3F66] =	sst s7  }
0x10: {  	[smem:$0x3F67] =	sst s8  }
0x11: {  	[smem:$0x3F68] =	sst s9;
	s0 =	simm.s32 @!p0 $0x0  }
0x12: {  	s1 =	sld [smem:$0x3F4E];
	s0 =	simm.s32 @p0 $0x1  }
0x13: {  	[smem:$0x3F69] =	sst s0;
	s0 =	simm.s32 @!p1 $0x0  }
0x14: {  	s2 =	sld [smem:$0x3F4D];
	s0 =	simm.s32 @p1 $0x1  }
0x15: {  	[smem:$0x3F6A] =	sst s0;
	s0 =	simm.s32 @!p2 $0x0  }
0x16: {  	s3 =	sld [smem:$0x3FDB];
	s0 =	simm.s32 @p2 $0x1  }
0x17: {  	s4 =	simm.s32 $0x1BF5;
	[smem:$0x3F6C] =	sst s0  }
0x18: {  	s0 =	sld [smem:$0x3F4F];
	_ =	swait.ge [sflag:s4], $0x0  }
0x19: {  	s7 =	sld [smem:$0x3F50]  }
0x1a: {  	s8 =	sadd.s32 $0xFFFFE003, lr  }
0x1b: {  	s9 =	sadd.s32 $0xFFFFFEF7, lr;
	s5 =	simm.s32 $0xFFFFFFFF;
	p2 =	slt.u32 s8, $0xFFFFF086  }
0x1c: {  	p1 =	slt.u32 s9, $0xF7A;
	s5 =	simm.s32 @!p2 $0x0  }
0x1d: {  	s5 =	simm.s32 @p1 $0x1;
	p0 =	seq.s32 s7, s2  }
0x1e: {  	s7 =	smul.u32 @!p0 $0xF7A, s2;
	p2 =	seq.s32 @!p0 s5, $0x0  }
0x1f: {  	s9 =	smul.u32 $0xF7A, s1;
	s8 =	simm.s32 @!p0 $0x1BF5;
	p2 =	por !p2, p0  }
0x20: {  	[sflag:s8] =	ssyncset.s32 @!p0 $0xFFFFF086;
	s6 =	sadd.s32 @!p0 s3, s7;
	s7 =	simm.s32 @!p0 $0x108  }
0x21: {  	s3 =	sadd.s32 s3, s9;
	s6 =	sadd.s32 @!p0 $0x88, s6;
	s7 =	simm.s32 @p2 $0x1082  }
0x22: {  	[simem:s7], [sflag:s8] =	dma.local @!p0 [hbm:s6], $0xF7A  }
0x23: {  	s9 =	sor.u32 $0xD0000000, s2;
	s6 =	simm.s32 $0x108;
	_ =	swait.ge @!p0 [sflag:s8], $0x0  }
0x24: {  	s3 =	sadd.s32 $0x88, s3;
	s6 =	simm.s32 @!p1 $0x1082;
	[sflag:s4] =	ssyncset.s32 $0xFFFFF086  }
0x25: {  	[simem:s6], [sflag:s4] =	dma.local [hbm:s3], $0xF7A  }
0x26: {  	[smem:$0x3F50] =	sst s1;
	(tag) =	ssettag s2;
	_ =	strace s9  }
0x27: {  	s1 =	sld [smem:$0x3F60]  }
0x28: {  	s2 =	sld [smem:$0x3F61]  }
0x29: {  	s4 =	sld [smem:$0x3F63]  }
0x2a: {  	p0 =	seq.s32 s5, $0x0;
	s5 =	sld [smem:$0x3F64]  }
0x2b: {  	s6 =	sld [smem:$0x3F65]  }
0x2c: {  	s7 =	sld [smem:$0x3F66]  }
0x2d: {  	s3 =	simm.s32 $0x108;
	s8 =	sld [smem:$0x3F67]  }
0x2e: {  	s3 =	simm.s32 @!p0 $0x1082;
	s9 =	sld [smem:$0x3F68]  }
0x2f: {  	lr =	sadd.s32 s0, s3;
	s0 =	sld [smem:$0x3F5F]  }
0x30: {  	s3 =	sld [smem:$0x3F62]  }
0x31: {  	[smem:$0x3F6B] =	sst s10  }
0x32: {  	s10 =	sld [smem:$0x3F69];
	_ =	sdelay $0x3  }
0x33: {  	p0 =	seq.s32 s10, $0x1;
	s10 =	sld [smem:$0x3F6B];
	_ =	sdelay $0x3  }
0x34: {  	[smem:$0x3F6B] =	sst s10  }
0x35: {  	s10 =	sld [smem:$0x3F6A];
	_ =	sdelay $0x3  }
0x36: {  	p1 =	seq.s32 s10, $0x1;
	s10 =	sld [smem:$0x3F6B];
	_ =	sdelay $0x3  }
0x37: {  	[smem:$0x3F6B] =	sst s10  }
0x38: {  	s10 =	sld [smem:$0x3F6C]  }
0x39: {  	_ = 	snop;
	(pc) =	sbr.ind lr, $3  }
0x3a: {  	_ = 	snop  }
0x3b: {  	_ = 	snop  }
0x3c: {  	p2 =	seq.s32 s10, $0x1;
	s10 =	sld [smem:$0x3F6B]  }
0x3d: {  	_ =	shalt  }
0x3e: {  	_ =	shalt  }
0x3f: {  	_ =	shalt  }
0x40: {  	_ =	shalt  }
0x41: {  	_ =	shalt  }
0x42: {  	_ =	shalt  }
0x43: {  	_ =	shalt  }
0x44: {  	_ =	shalt  }
0x45: {  	_ =	shalt  }
0x46: {  	_ =	shalt  }
0x47: {  	_ =	shalt  }
0x48: {  	_ =	shalt  }
0x49: {  	_ =	shalt  }
0x4a: {  	_ =	shalt  }
0x4b: {  	_ =	shalt  }
0x4c: {  	_ =	shalt  }
0x4d: {  	_ =	shalt  }
0x4e: {  	_ =	shalt  }
0x4f: {  	_ =	shalt  }
0x50: {  	_ =	shalt  }
0x51: {  	_ =	shalt  }
0x52: {  	_ =	shalt  }
0x53: {  	_ =	shalt  }
0x54: {  	_ =	shalt  }
0x55: {  	_ =	shalt  }
0x56: {  	_ =	shalt  }
0x57: {  	_ =	shalt  }
0x58: {  	_ =	shalt  }
0x59: {  	_ =	shalt  }
0x5a: {  	_ =	shalt  }
0x5b: {  	_ =	shalt  }
0x5c: {  	_ =	shalt  }
0x5d: {  	_ =	shalt  }
0x5e: {  	_ =	shalt  }
0x5f: {  	_ =	shalt  }
0x60: {  	_ =	shalt  }
0x61: {  	_ =	shalt  }
0x62: {  	_ =	shalt  }
0x63: {  	_ =	shalt  }
0x64: {  	_ =	shalt  }
0x65: {  	_ =	shalt  }
0x66: {  	_ =	shalt  }
0x67: {  	_ =	shalt  }
0x68: {  	_ =	shalt  }
0x69: {  	_ =	shalt  }
0x6a: {  	_ =	shalt  }
0x6b: {  	_ =	shalt  }
0x6c: {  	_ =	shalt  }
0x6d: {  	_ =	shalt  }
0x6e: {  	_ =	shalt  }
0x6f: {  	_ =	shalt  }
0x70: {  	_ =	shalt  }
0x71: {  	_ =	shalt  }
0x72: {  	_ =	shalt  }
0x73: {  	_ =	shalt  }
0x74: {  	_ =	shalt  }
0x75: {  	_ =	shalt  }
0x76: {  	_ =	shalt  }
0x77: {  	_ =	shalt  }
0x78: {  	_ =	shalt  }
0x79: {  	_ =	shalt  }
0x7a: {  	_ =	shalt  }
0x7b: {  	_ =	shalt  }
0x7c: {  	_ =	shalt  }
0x7d: {  	_ =	shalt  }
0x7e: {  	_ =	shalt  }
0x7f: {  	_ =	shalt  }
0x80: {  	_ =	shalt  }
0x81: {  	_ =	shalt  }
0x82: {  	_ =	shalt  }
0x83: {  	_ =	shalt  }
0x84: {  	_ =	shalt  }
0x85: {  	_ =	shalt  }
0x86: {  	_ =	shalt  }
0x87: {  	_ =	shalt  }
.Lfunc_end0:
.L_simem_size_0:
called_computation.1_lowered:
.L_overlay_start_0:
0x88: {  	s2 =	sld [smem:$0x3FD9]  }
0x89: {  	s3 =	sld [smem:$0x3FFE];
	_ =	sdelay $0x1  }
0x8a: {  	s1 =	srdreg.scid  }
0x8b: {  	s0 =	sand.u32 $0x1, s1  }
0x8c: {  	s16 =	sshll.u32 s0, $0xA;
	s2 =	sadd.s32 s3, s2  }
0x8d: {  	s2 =	sadd.s32 s2, s16  }
0x8e: {  	[smem:$0x3F77] =	sst s2  }
0x8f: {  	_ = 	snop  }
0x90: {  	(tm) =	ssettm $0x1  }
0x91: {  	s17 =	sld [smem:$0x3FFB];
	_ =	sdelay $0x3  }
0x92: {  	_ =	strace s17  }
0x93: {  	s2 =	sld [smem:$0x3FFC];
	_ =	sdelay $0x3  }
0x94: {  	_ =	strace s2  }
0x95: {  	s2 =	sld [smem:$0x3FFD];
	_ =	sdelay $0x3  }
0x96: {  	_ =	strace s2  }
0x97: {  	_ =	strace $0x8FFFFFFF  }
0x98: {  	s18 =	sld [smem:$0x3FDB];
	_ =	sdelay $0x1  }
0x99: {  	s19 =	simm.s32 $_scs_section_size  }
0x9a: {  	s4 =	simm.s32 $_size__tile_overlayer_lowered;
	s5 =	simm.s32 $_tile_overlayer_lowered  }
0x9b: {  	s22 =	simm.s32 $0x1BFF;
	s21 =	sshll.u32 s5, $0x1;
	s2 =	sadd.s32 s19, s18  }
0x9c: {  	s6 =	simm.s32 $0x0;
	s20 =	sshll.u32 s4, $0x1;
	s4 =	sadd.s32 s21, s2  }
0x9d: {  	[timem:s6], [sflag:s22] =	dma.local [hbm:s4], s20  }
0x9e: {  	_ =	swait.ge [sflag:s22], s20  }
0x9f: {  	s3 =	ssub.s32 $0x0, s20;
	[sflag:s22] =	ssyncset.done $0x0  }
0xa0: {  	[sflag:s22] =	ssyncadd.s32 s3;
	_ =	sdelay $0x1  }
0xa1: {  	s23 =	simm.s32 $0x1B8B  }
0xa2: {  	_ =	swait.ge [sflag:s23], $0x1  }
0xa3: {  	[sflag:s23] =	ssyncset.done $0x0  }
0xa4: {  	s25 =	simm.s32 $0x1B8E;
	s24 =	sld [smem:$0x3FFE];
	[sflag:s23] =	ssyncadd.s32 $0xFFFFFFFF  }
0xa5: {  	s26 =	simm.s32 $execute0_lowered;
	[smem:$0x3FD2] =	sst s25  }
0xa6: {  	s4 =	sshll.u32 s26, $0x1;
	_ =	strace $0x80000049;
	[dreg:$0x1] =	wrdreg $0xFFFFFFFF  }
0xa7: {  	s28 =	simm.s32 $_size_execute0_lowered;
	s2 =	sadd.s32 s2, s4;
	[dreg:$0x0] =	wrdreg $0x0  }
0xa8: {  	s4 =	sshll.u32 s28, $0x1;
	[dreg:$0x2] =	wrdreg s2  }
0xa9: {  	[dreg:$0x3] =	wrdreg s4  }
0xaa: {  	[dreg:$0x4] =	wrdreg $0xC0  }
0xab: {  	_ =	task [dreg:s6], $0x5FFFF  }
0xac: {  	[dreg:$0x1] =	wrdreg $0xFFFFFFFF  }
0xad: {  	[dreg:$0x0] =	wrdreg $0x60  }
0xae: {  	[dreg:$0x2] =	wrdreg s24  }
0xaf: {  	[dreg:$0x3] =	wrdreg $0x9  }
0xb0: {  	_ =	task.clear_ibuf [dreg:s6], $0x4FFFF;
	_ =	strace $0x90000049  }
0xb1: {  	s29 =	simm.s32 $0x9;
	_ =	strace $0x8000004B  }
0xb2: {  	_ =	swait.ge [sflag:s29], $0x1  }
0xb3: {  	[sflag:s29] =	ssyncadd.s32 $0xFFFFFFFF  }
0xb4: {  	_ =	strace $0x9000004B  }
0xb5: {  	_ =	sfence  }
0xb6: {  	s30 =	sld [smem:$0x0];
	_ =	sdelay $0x2  }
0xb7: {  	s31 =	sshll.u32 s1, $0xD;
	s1 =	sshrl.u32 s1, $0x2  }
0xb8: {  	s3 =	sand.u32 $0x4000, s31;
	s1 =	sadd.s32 s1, s30  }
0xb9: {  	s0 =	sor.u32 s3, s0;
	s1 =	sshll.u32 s1, $0x11  }
0xba: {  	s0 =	sor.u32 s1, s0  }
0xbb: {  	s0 =	sadd.s32 $0x8F2B, s0  }
0xbc: {  	[sflag:s0] =	ssyncadd.remote.s32 $0x1  }
0xbd: {  	_ =	sfence.sel $0xFFFF  }
0xbe: {  	[dreg:$0x0] =	wrdreg $0xFFFFFFFF;
	(pc) =	sbr.abs _section_cstart, $3  }
0xbf: {  	[dreg:$0x1] =	wrdreg $0xFFFFFFFF  }
0xc0: {  	_ =	task.clear_ibuf [dreg:s6], $0x2FFFF;
	_ =	strace $0x9FFFFFFF  }
0xc1: {  	(tm) =	ssettm $0x7FFFFFFF  }
tec
execute0_lowered:
.L_overlay_start_1:
0x0: {  	(tag) =	ssettag $0x1  }
0x1: {  	s4 =	rddreg [dreg:$0x0]  }
0x2: {  	s0 =	rddreg [dreg:$0x1]  }
0x3: {  	s2 =	simm.s32 $0x0;
	s3 =	srdreg.scid;
	s1 =	stileid.u32  }
0x4: {  	s11 =	simm.s32 $0x4000;
	s12 =	simm.s32 $0x5800;
	s13 =	simm.s32 $0x1  }
0x5: {  	s14 =	simm.s32 $0x2;
	s15 =	simm.s32 $0x3;
	s16 =	simm.s32 $0x4  }
0x6: {  	s17 =	simm.s32 $0x0;
	[smem:$0x7FF] =	sst s2;
	s5 =	sand.u32 $0x1, s3  }
0x7: {  	s3 =	sadd.s32 $0x1B000, s4;
	s6 =	sshll.u32 s1, $0xD;
	s28 =	smul.u32 $0xC000, s1  }
0x8: {  	_ =	strace $0x8000004A;
	s7 =	sshll.u32 s5, $0xC;
	s8 =	ssub.s32 $0x2, s5  }
0x9: {  	s10 =	smul.u32 $0x6000, s5;
	s6 =	sor.u32 s7, s6;
	s9 =	sshrl.u32 s8, $0x1  }
0xa: {  	s30 =	sadd.s32 s28, s4;
	s7 =	simm.s32 $0x5;
	s6 =	sshrl.u32 s6, $0x3  }
0xb: {  	s31 =	ssub.s32 s8, s9;
	s8 =	simm.s32 $0x80;
	s9 =	simm.s32 $0x1000  }
0xc: {  	s29 =	sadd.s32 s6, s4;
	s5 =	smax.u32 s31, $0x1;
	s6 =	sadd.s32 s10, s30  }
0xd: {  	s10 =	simm.s32 $0x2800;
	s4 =	sadd.s32 $0x17000, s29;
	s6 =	sadd.s32 $0x9E000, s6  }
.LBB2_1:
0xe: {  	[tilespmem:s2], [sflag:$0x5] =	stream.linear.gather [hbm4b:s4+s2], $0x1000, $0x38;
	[tilespmem:$0x7000] =	vst v63  }
0xf: {  	_ =	swait.ge [sflag:s7], $0x1000  }
0x10: {  	[sflag:s7] =	ssyncset.done $0x0  }
0x11: {  	s18 =	simm.s32 $0x0;
	[sflag:s7] =	ssyncadd.s32 $0xFFFFF000  }
0x12: {  	[tilespmem:s9], [sflag:$0x1] =	stream.indirect.gather [hbm4b:s3+s8], $0x30, s18, s8, $0xb8;
	[tilespmem:$0x7000] =	vst v63  }
0x13: {  	s25 =	simm.s32 $0x80  }
0x14: {  	[tilespmem:s10], [sflag:$0x2] =	stream.indirect.gather [hbm4b:s3+s8], $0x30, s25, s8, $0xb8;
	[tilespmem:$0x7000] =	vst v63  }
0x15: {  	s26 =	simm.s32 $0x100  }
0x16: {  	[tilespmem:s11], [sflag:$0x3] =	stream.indirect.gather [hbm4b:s3+s8], $0x30, s26, s8, $0xb8;
	[tilespmem:$0x7000] =	vst v63  }
0x17: {  	s28 =	simm.s32 $0x180  }
0x18: {  	[tilespmem:s12], [sflag:$0x4] =	stream.indirect.gather [hbm4b:s3+s8], $0x30, s28, s8, $0xb8;
	[tilespmem:$0x7000] =	vst v63  }
0x19: {  	_ =	swait.ge [sflag:s13], $0x1800  }
0x1a: {  	[sflag:s13] =	ssyncset.done $0x0  }
0x1b: {  	[sflag:s13] =	ssyncadd.s32 $0xFFFFE800  }
0x1c: {  	[hbm4b:s6+s2] =	stream.linear.scatter [tilespmem:s9], [sflag:$0x5], $0x1800, $0x38;
	[tilespmem:$0x7000] =	vst v63  }
0x1d: {  	_ =	swait.ge [sflag:s7], $0x1800  }
0x1e: {  	[sflag:s7] =	ssyncset.done $0x0  }
0x1f: {  	[sflag:s7] =	ssyncadd.s32 $0xFFFFE800  }
0x20: {  	_ =	swait.ge [sflag:s14], $0x1800  }
0x21: {  	[sflag:s14] =	ssyncset.done $0x0  }
0x22: {  	s29 =	sadd.s32 $0x300, s6;
	[sflag:s14] =	ssyncadd.s32 $0xFFFFE800  }
0x23: {  	[hbm4b:s29+s2] =	stream.linear.scatter [tilespmem:s10], [sflag:$0x5], $0x1800, $0x38;
	[tilespmem:$0x7000] =	vst v63  }
0x24: {  	_ =	swait.ge [sflag:s7], $0x1800  }
0x25: {  	[sflag:s7] =	ssyncset.done $0x0  }
0x26: {  	[sflag:s7] =	ssyncadd.s32 $0xFFFFE800  }
0x27: {  	_ =	swait.ge [sflag:s15], $0x1800  }
0x28: {  	[sflag:s15] =	ssyncset.done $0x0  }
0x29: {  	s30 =	sadd.s32 $0x600, s6;
	[sflag:s15] =	ssyncadd.s32 $0xFFFFE800  }
0x2a: {  	[hbm4b:s30+s2] =	stream.linear.scatter [tilespmem:s11], [sflag:$0x5], $0x1800, $0x38;
	[tilespmem:$0x7000] =	vst v63  }
0x2b: {  	_ =	swait.ge [sflag:s7], $0x1800  }
0x2c: {  	[sflag:s7] =	ssyncset.done $0x0  }
0x2d: {  	[sflag:s7] =	ssyncadd.s32 $0xFFFFE800  }
0x2e: {  	_ =	swait.ge [sflag:s16], $0x1800  }
0x2f: {  	[sflag:s16] =	ssyncset.done $0x0  }
0x30: {  	s31 =	sadd.s32 $0x900, s6;
	[sflag:s16] =	ssyncadd.s32 $0xFFFFE800  }
0x31: {  	[hbm4b:s31+s2] =	stream.linear.scatter [tilespmem:s12], [sflag:$0x5], $0x1800, $0x38;
	[tilespmem:$0x7000] =	vst v63  }
0x32: {  	s19 =	simm.s32 $0x800;
	_ =	swait.ge [sflag:s7], $0x1800  }
0x33: {  	s21 =	simm.s32 $0x1000;
	s18 =	sadd.s32 $0xC00, s6;
	[sflag:s7] =	ssyncset.done $0x0  }
.LBB2_2:
0x34: {  	s22 =	sshra.s32 s19, $0x2  }
0x35: {  	[sflag:s7] =	ssyncadd.s32 $0xFFFFE800;
	s19 =	smov.u32 s21;
	s20 =	sadd.s32 $0x800, s21  }
0x36: {  	[tilespmem:s9], [sflag:$0x1] =	stream.indirect.gather [hbm4b:s3+s8], $0x30, s22, s8, $0xb8;
	[tilespmem:$0x7000] =	vst v63  }
0x37: {  	p0 =	sne.s32 s21, $0x3800;
	s21 =	sadd.s32 $0x80, s22  }
0x38: {  	[tilespmem:s10], [sflag:$0x2] =	stream.indirect.gather [hbm4b:s3+s8], $0x30, s21, s8, $0xb8;
	[tilespmem:$0x7000] =	vst v63  }
0x39: {  	s21 =	sadd.s32 $0x100, s22  }
0x3a: {  	[tilespmem:s11], [sflag:$0x3] =	stream.indirect.gather [hbm4b:s3+s8], $0x30, s21, s8, $0xb8;
	[tilespmem:$0x7000] =	vst v63  }
0x3b: {  	s21 =	sadd.s32 $0x180, s22  }
0x3c: {  	[tilespmem:s12], [sflag:$0x4] =	stream.indirect.gather [hbm4b:s3+s8], $0x30, s21, s8, $0xb8;
	[tilespmem:$0x7000] =	vst v63  }
0x3d: {  	_ =	swait.ge [sflag:s13], $0x1800  }
0x3e: {  	[sflag:s13] =	ssyncset.done $0x0  }
0x3f: {  	[sflag:s13] =	ssyncadd.s32 $0xFFFFE800  }
0x40: {  	[hbm4b:s18+s2] =	stream.linear.scatter [tilespmem:s9], [sflag:$0x5], $0x1800, $0x38;
	[tilespmem:$0x7000] =	vst v63  }
0x41: {  	_ =	swait.ge [sflag:s7], $0x1800  }
0x42: {  	[sflag:s7] =	ssyncset.done $0x0  }
0x43: {  	[sflag:s7] =	ssyncadd.s32 $0xFFFFE800  }
0x44: {  	_ =	swait.ge [sflag:s14], $0x1800  }
0x45: {  	[sflag:s14] =	ssyncset.done $0x0  }
0x46: {  	s21 =	sadd.s32 $0x300, s18;
	[sflag:s14] =	ssyncadd.s32 $0xFFFFE800  }
0x47: {  	[hbm4b:s21+s2] =	stream.linear.scatter [tilespmem:s10], [sflag:$0x5], $0x1800, $0x38;
	[tilespmem:$0x7000] =	vst v63  }
0x48: {  	_ =	swait.ge [sflag:s7], $0x1800  }
0x49: {  	[sflag:s7] =	ssyncset.done $0x0  }
0x4a: {  	[sflag:s7] =	ssyncadd.s32 $0xFFFFE800  }
0x4b: {  	_ =	swait.ge [sflag:s15], $0x1800  }
0x4c: {  	[sflag:s15] =	ssyncset.done $0x0  }
0x4d: {  	s21 =	sadd.s32 $0x600, s18;
	[sflag:s15] =	ssyncadd.s32 $0xFFFFE800  }
0x4e: {  	[hbm4b:s21+s2] =	stream.linear.scatter [tilespmem:s11], [sflag:$0x5], $0x1800, $0x38;
	[tilespmem:$0x7000] =	vst v63  }
0x4f: {  	_ =	swait.ge [sflag:s7], $0x1800  }
0x50: {  	[sflag:s7] =	ssyncset.done $0x0  }
0x51: {  	[sflag:s7] =	ssyncadd.s32 $0xFFFFE800  }
0x52: {  	_ =	swait.ge [sflag:s16], $0x1800  }
.Ltmp0:
0x53: {  	[sflag:s16] =	ssyncset.done $0x0;
	(pc) =	sbr.rel @p0 .LBB2_2-.Ltmp0, $4  }
0x54: {  	s21 =	sadd.s32 $0x900, s18;
	[sflag:s16] =	ssyncadd.s32 $0xFFFFE800  }
0x55: {  	[hbm4b:s21+s2] =	stream.linear.scatter [tilespmem:s12], [sflag:$0x5], $0x1800, $0x38;
	[tilespmem:$0x7000] =	vst v63  }
0x56: {  	_ =	swait.ge [sflag:s7], $0x1800  }
0x57: {  	s18 =	sadd.s32 $0xC00, s18;
	s21 =	smov.u32 s20;
	[sflag:s7] =	ssyncset.done $0x0  }
0x58: {  	s19 =	sshra.s32 s19, $0x2;
	[sflag:s7] =	ssyncadd.s32 $0xFFFFE800  }
0x59: {  	[tilespmem:s9], [sflag:$0x1] =	stream.indirect.gather [hbm4b:s3+s8], $0x30, s19, s8, $0xb8;
	[tilespmem:$0x7000] =	vst v63  }
0x5a: {  	s20 =	sadd.s32 $0x80, s19  }
0x5b: {  	[tilespmem:s10], [sflag:$0x2] =	stream.indirect.gather [hbm4b:s3+s8], $0x30, s20, s8, $0xb8;
	[tilespmem:$0x7000] =	vst v63  }
0x5c: {  	s28 =	sadd.s32 $0x100, s19  }
0x5d: {  	[tilespmem:s11], [sflag:$0x3] =	stream.indirect.gather [hbm4b:s3+s8], $0x30, s28, s8, $0xb8;
	[tilespmem:$0x7000] =	vst v63  }
0x5e: {  	s19 =	sadd.s32 $0x180, s19  }
0x5f: {  	[tilespmem:s12], [sflag:$0x4] =	stream.indirect.gather [hbm4b:s3+s8], $0x30, s19, s8, $0xb8;
	[tilespmem:$0x7000] =	vst v63  }
0x60: {  	_ =	swait.ge [sflag:s13], $0x1800  }
0x61: {  	[sflag:s13] =	ssyncset.done $0x0  }
0x62: {  	[sflag:s13] =	ssyncadd.s32 $0xFFFFE800  }
0x63: {  	[hbm4b:s18+s2] =	stream.linear.scatter [tilespmem:s9], [sflag:$0x5], $0x1800, $0x38;
	[tilespmem:$0x7000] =	vst v63  }
0x64: {  	_ =	swait.ge [sflag:s7], $0x1800  }
0x65: {  	[sflag:s7] =	ssyncset.done $0x0  }
0x66: {  	[sflag:s7] =	ssyncadd.s32 $0xFFFFE800  }
0x67: {  	_ =	swait.ge [sflag:s14], $0x1800  }
0x68: {  	[sflag:s14] =	ssyncset.done $0x0  }
0x69: {  	s29 =	sadd.s32 $0x300, s18;
	[sflag:s14] =	ssyncadd.s32 $0xFFFFE800  }
0x6a: {  	[hbm4b:s29+s2] =	stream.linear.scatter [tilespmem:s10], [sflag:$0x5], $0x1800, $0x38;
	[tilespmem:$0x7000] =	vst v63  }
0x6b: {  	_ =	swait.ge [sflag:s7], $0x1800  }
0x6c: {  	[sflag:s7] =	ssyncset.done $0x0  }
0x6d: {  	[sflag:s7] =	ssyncadd.s32 $0xFFFFE800  }
0x6e: {  	_ =	swait.ge [sflag:s15], $0x1800  }
0x6f: {  	[sflag:s15] =	ssyncset.done $0x0  }
0x70: {  	s30 =	sadd.s32 $0x600, s18;
	[sflag:s15] =	ssyncadd.s32 $0xFFFFE800  }
0x71: {  	[hbm4b:s30+s2] =	stream.linear.scatter [tilespmem:s11], [sflag:$0x5], $0x1800, $0x38;
	[tilespmem:$0x7000] =	vst v63  }
0x72: {  	_ =	swait.ge [sflag:s7], $0x1800  }
0x73: {  	[sflag:s7] =	ssyncset.done $0x0  }
0x74: {  	[sflag:s7] =	ssyncadd.s32 $0xFFFFE800  }
0x75: {  	s17 =	sadd.s32 $0x1, s17;
	_ =	swait.ge [sflag:s16], $0x1800  }
0x76: {  	p0 =	sne.s32 s17, s5;
	[sflag:s16] =	ssyncset.done $0x0  }
.Ltmp1:
0x77: {  	s31 =	sadd.s32 $0x900, s18;
	[sflag:s16] =	ssyncadd.s32 $0xFFFFE800;
	(pc) =	sbr.rel @p0 .LBB2_1-.Ltmp1, $4  }
0x78: {  	[hbm4b:s31+s2] =	stream.linear.scatter [tilespmem:s12], [sflag:$0x5], $0x1800, $0x38;
	[tilespmem:$0x7000] =	vst v63  }
0x79: {  	_ =	swait.ge [sflag:s7], $0x1800  }
0x7a: {  	[sflag:s7] =	ssyncset.done $0x0  }
0x7b: {  	[sflag:s7] =	ssyncadd.s32 $0xFFFFE800  }
0x7c: {  	_ =	sfence.sel $0x180000  }
0x7d: {  	[bflag:$0x0] =	sbarrier.arrive $0xFFFF  }
0x7e: {  	p0 =	sne.s32 s1, $0x0;
	_ =	strace $0x9000004A  }
0x7f: {  	s0 =	sadd.s32 @!p0 $0x100000, s0;
	[bflag:$0x2] =	sbarrier.arrive $0xFFFF  }
0x80: {  	[sflag:s0] =	ssyncadd.tile.s32 @!p0 $0x1;
	_ =	shalt  }
.Lfunc_end2:
_tile_overlayer_lowered:
.L_overlay_start_2:
0x81: {  	(tag) =	ssettag $0x2  }
0x82: {  	s0 =	rddreg [dreg:$0x0];
	s2 =	stileid.u32  }
0x83: {  	s1 =	rddreg [dreg:$0x1];
	p0 =	sne.s32 s2, $0x0  }
0x84: {  	s3 =	rddreg [dreg:$0x2];
	[bflag:$0x3] =	sbarrier.arrive $0xFFFF;
	s2 =	simm.s32 @!p0 $0x1C05  }
0x85: {  	[timem:s3], [sflag:s2] =	dma.local @!p0 [hbm:s0], s1  }
0x86: {  	s0 =	simm.s32 @!p0 $0x5  }
0x87: {  	_ =	swait.ge @!p0 [sflag:s0], s1  }
0x88: {  	s1 =	ssub.s32 @!p0 $0x0, s1;
	[sflag:s0] =	ssyncset.done @!p0 $0x0  }
0x89: {  	[sflag:s0] =	ssyncadd.s32 @!p0 s1  }
0x8a: {  	[bflag:$0x3] =	sbarrier.arrive $0xFFFF  }
0x8b: {  	_ =	shalt  }

// kernel: kernel.17.cloned.1.call-start
scs
__scs_entry_jumppad:
0x0: {  	(pc) =	sbr.rel $0x88, $3  }
0x1: {  	(tag) =	ssettag $0x0;
	lr =	simm.s32 $0x1  }
0x2: {  	[smem:$0x3F50] =	sst lr;
	_ =	strace $0xD0000000  }
0x3: {  	_ = 	snop  }
0x4: {  	_ = 	snop  }
0x5: {  	_ = 	snop  }
0x6: {  	_ = 	snop  }
0x7: {  	_ = 	snop  }
__scs_overlays_trampoline_lowered:
0x8: {  	[smem:$0x3F5F] =	sst s0  }
0x9: {  	[smem:$0x3F60] =	sst s1  }
0xa: {  	[smem:$0x3F61] =	sst s2  }
0xb: {  	[smem:$0x3F62] =	sst s3  }
0xc: {  	[smem:$0x3F63] =	sst s4  }
0xd: {  	[smem:$0x3F64] =	sst s5  }
0xe: {  	[smem:$0x3F65] =	sst s6  }
0xf: {  	[smem:$0x3F66] =	sst s7  }
0x10: {  	[smem:$0x3F67] =	sst s8  }
0x11: {  	[smem:$0x3F68] =	sst s9;
	s0 =	simm.s32 @!p0 $0x0  }
0x12: {  	s1 =	sld [smem:$0x3F4E];
	s0 =	simm.s32 @p0 $0x1  }
0x13: {  	[smem:$0x3F69] =	sst s0;
	s0 =	simm.s32 @!p1 $0x0  }
0x14: {  	s2 =	sld [smem:$0x3F4D];
	s0 =	simm.s32 @p1 $0x1  }
0x15: {  	[smem:$0x3F6A] =	sst s0;
	s0 =	simm.s32 @!p2 $0x0  }
0x16: {  	s3 =	sld [smem:$0x3FDB];
	s0 =	simm.s32 @p2 $0x1  }
0x17: {  	s4 =	simm.s32 $0x1BF5;
	[smem:$0x3F6C] =	sst s0  }
0x18: {  	s0 =	sld [smem:$0x3F4F];
	_ =	swait.ge [sflag:s4], $0x0  }
0x19: {  	s7 =	sld [smem:$0x3F50]  }
0x1a: {  	s8 =	sadd.s32 $0xFFFFE003, lr  }
0x1b: {  	s9 =	sadd.s32 $0xFFFFFEF7, lr;
	s5 =	simm.s32 $0xFFFFFFFF;
	p2 =	slt.u32 s8, $0xFFFFF086  }
0x1c: {  	p1 =	slt.u32 s9, $0xF7A;
	s5 =	simm.s32 @!p2 $0x0  }
0x1d: {  	s5 =	simm.s32 @p1 $0x1;
	p0 =	seq.s32 s7, s2  }
0x1e: {  	s7 =	smul.u32 @!p0 $0xF7A, s2;
	p2 =	seq.s32 @!p0 s5, $0x0  }
0x1f: {  	s9 =	smul.u32 $0xF7A, s1;
	s8 =	simm.s32 @!p0 $0x1BF5;
	p2 =	por !p2, p0  }
0x20: {  	[sflag:s8] =	ssyncset.s32 @!p0 $0xFFFFF086;
	s6 =	sadd.s32 @!p0 s3, s7;
	s7 =	simm.s32 @!p0 $0x108  }
0x21: {  	s3 =	sadd.s32 s3, s9;
	s6 =	sadd.s32 @!p0 $0x88, s6;
	s7 =	simm.s32 @p2 $0x1082  }
0x22: {  	[simem:s7], [sflag:s8] =	dma.local @!p0 [hbm:s6], $0xF7A  }
0x23: {  	s9 =	sor.u32 $0xD0000000, s2;
	s6 =	simm.s32 $0x108;
	_ =	swait.ge @!p0 [sflag:s8], $0x0  }
0x24: {  	s3 =	sadd.s32 $0x88, s3;
	s6 =	simm.s32 @!p1 $0x1082;
	[sflag:s4] =	ssyncset.s32 $0xFFFFF086  }
0x25: {  	[simem:s6], [sflag:s4] =	dma.local [hbm:s3], $0xF7A  }
0x26: {  	[smem:$0x3F50] =	sst s1;
	(tag) =	ssettag s2;
	_ =	strace s9  }
0x27: {  	s1 =	sld [smem:$0x3F60]  }
0x28: {  	s2 =	sld [smem:$0x3F61]  }
0x29: {  	s4 =	sld [smem:$0x3F63]  }
0x2a: {  	p0 =	seq.s32 s5, $0x0;
	s5 =	sld [smem:$0x3F64]  }
0x2b: {  	s6 =	sld [smem:$0x3F65]  }
0x2c: {  	s7 =	sld [smem:$0x3F66]  }
0x2d: {  	s3 =	simm.s32 $0x108;
	s8 =	sld [smem:$0x3F67]  }
0x2e: {  	s3 =	simm.s32 @!p0 $0x1082;
	s9 =	sld [smem:$0x3F68]  }
0x2f: {  	lr =	sadd.s32 s0, s3;
	s0 =	sld [smem:$0x3F5F]  }
0x30: {  	s3 =	sld [smem:$0x3F62]  }
0x31: {  	[smem:$0x3F6B] =	sst s10  }
0x32: {  	s10 =	sld [smem:$0x3F69];
	_ =	sdelay $0x3  }
0x33: {  	p0 =	seq.s32 s10, $0x1;
	s10 =	sld [smem:$0x3F6B];
	_ =	sdelay $0x3  }
0x34: {  	[smem:$0x3F6B] =	sst s10  }
0x35: {  	s10 =	sld [smem:$0x3F6A];
	_ =	sdelay $0x3  }
0x36: {  	p1 =	seq.s32 s10, $0x1;
	s10 =	sld [smem:$0x3F6B];
	_ =	sdelay $0x3  }
0x37: {  	[smem:$0x3F6B] =	sst s10  }
0x38: {  	s10 =	sld [smem:$0x3F6C]  }
0x39: {  	_ = 	snop;
	(pc) =	sbr.ind lr, $3  }
0x3a: {  	_ = 	snop  }
0x3b: {  	_ = 	snop  }
0x3c: {  	p2 =	seq.s32 s10, $0x1;
	s10 =	sld [smem:$0x3F6B]  }
0x3d: {  	_ =	shalt  }
0x3e: {  	_ =	shalt  }
0x3f: {  	_ =	shalt  }
0x40: {  	_ =	shalt  }
0x41: {  	_ =	shalt  }
0x42: {  	_ =	shalt  }
0x43: {  	_ =	shalt  }
0x44: {  	_ =	shalt  }
0x45: {  	_ =	shalt  }
0x46: {  	_ =	shalt  }
0x47: {  	_ =	shalt  }
0x48: {  	_ =	shalt  }
0x49: {  	_ =	shalt  }
0x4a: {  	_ =	shalt  }
0x4b: {  	_ =	shalt  }
0x4c: {  	_ =	shalt  }
0x4d: {  	_ =	shalt  }
0x4e: {  	_ =	shalt  }
0x4f: {  	_ =	shalt  }
0x50: {  	_ =	shalt  }
0x51: {  	_ =	shalt  }
0x52: {  	_ =	shalt  }
0x53: {  	_ =	shalt  }
0x54: {  	_ =	shalt  }
0x55: {  	_ =	shalt  }
0x56: {  	_ =	shalt  }
0x57: {  	_ =	shalt  }
0x58: {  	_ =	shalt  }
0x59: {  	_ =	shalt  }
0x5a: {  	_ =	shalt  }
0x5b: {  	_ =	shalt  }
0x5c: {  	_ =	shalt  }
0x5d: {  	_ =	shalt  }
0x5e: {  	_ =	shalt  }
0x5f: {  	_ =	shalt  }
0x60: {  	_ =	shalt  }
0x61: {  	_ =	shalt  }
0x62: {  	_ =	shalt  }
0x63: {  	_ =	shalt  }
0x64: {  	_ =	shalt  }
0x65: {  	_ =	shalt  }
0x66: {  	_ =	shalt  }
0x67: {  	_ =	shalt  }
0x68: {  	_ =	shalt  }
0x69: {  	_ =	shalt  }
0x6a: {  	_ =	shalt  }
0x6b: {  	_ =	shalt  }
0x6c: {  	_ =	shalt  }
0x6d: {  	_ =	shalt  }
0x6e: {  	_ =	shalt  }
0x6f: {  	_ =	shalt  }
0x70: {  	_ =	shalt  }
0x71: {  	_ =	shalt  }
0x72: {  	_ =	shalt  }
0x73: {  	_ =	shalt  }
0x74: {  	_ =	shalt  }
0x75: {  	_ =	shalt  }
0x76: {  	_ =	shalt  }
0x77: {  	_ =	shalt  }
0x78: {  	_ =	shalt  }
0x79: {  	_ =	shalt  }
0x7a: {  	_ =	shalt  }
0x7b: {  	_ =	shalt  }
0x7c: {  	_ =	shalt  }
0x7d: {  	_ =	shalt  }
0x7e: {  	_ =	shalt  }
0x7f: {  	_ =	shalt  }
0x80: {  	_ =	shalt  }
0x81: {  	_ =	shalt  }
0x82: {  	_ =	shalt  }
0x83: {  	_ =	shalt  }
0x84: {  	_ =	shalt  }
0x85: {  	_ =	shalt  }
0x86: {  	_ =	shalt  }
0x87: {  	_ =	shalt  }
.Lfunc_end0:
.L_simem_size_0:
called_computation.2_lowered:
.L_overlay_start_0:
0x88: {  	s2 =	sld [smem:$0x3FD9]  }
0x89: {  	s3 =	sld [smem:$0x3FFE];
	_ =	sdelay $0x1  }
0x8a: {  	s1 =	srdreg.scid  }
0x8b: {  	s0 =	sand.u32 $0x1, s1  }
0x8c: {  	s16 =	sshll.u32 s0, $0xA;
	s2 =	sadd.s32 s3, s2  }
0x8d: {  	s2 =	sadd.s32 s2, s16  }
0x8e: {  	[smem:$0x3F77] =	sst s2  }
0x8f: {  	_ = 	snop  }
0x90: {  	(tm) =	ssettm $0x1  }
0x91: {  	s17 =	sld [smem:$0x3FFB];
	_ =	sdelay $0x3  }
0x92: {  	_ =	strace s17  }
0x93: {  	s2 =	sld [smem:$0x3FFC];
	_ =	sdelay $0x3  }
0x94: {  	_ =	strace s2  }
0x95: {  	s2 =	sld [smem:$0x3FFD];
	_ =	sdelay $0x3  }
0x96: {  	_ =	strace s2  }
0x97: {  	_ =	strace $0x8FFFFFFF  }
0x98: {  	s18 =	sld [smem:$0x3FDB];
	_ =	sdelay $0x1  }
0x99: {  	s19 =	simm.s32 $_scs_section_size  }
0x9a: {  	s4 =	simm.s32 $_size__tile_overlayer_lowered;
	s5 =	simm.s32 $_tile_overlayer_lowered  }
0x9b: {  	s22 =	simm.s32 $0x1BFF;
	s21 =	sshll.u32 s5, $0x1;
	s2 =	sadd.s32 s19, s18  }
0x9c: {  	s6 =	simm.s32 $0x0;
	s20 =	sshll.u32 s4, $0x1;
	s4 =	sadd.s32 s21, s2  }
0x9d: {  	[timem:s6], [sflag:s22] =	dma.local [hbm:s4], s20  }
0x9e: {  	_ =	swait.ge [sflag:s22], s20  }
0x9f: {  	s3 =	ssub.s32 $0x0, s20;
	[sflag:s22] =	ssyncset.done $0x0  }
0xa0: {  	[sflag:s22] =	ssyncadd.s32 s3;
	_ =	sdelay $0x1  }
0xa1: {  	s23 =	simm.s32 $0x1B8B  }
0xa2: {  	_ =	swait.ge [sflag:s23], $0x1  }
0xa3: {  	[sflag:s23] =	ssyncset.done $0x0  }
0xa4: {  	s25 =	simm.s32 $0x1B8E;
	s24 =	sld [smem:$0x3FFE];
	[sflag:s23] =	ssyncadd.s32 $0xFFFFFFFF  }
0xa5: {  	s26 =	simm.s32 $execute0_lowered;
	[smem:$0x3FD2] =	sst s25  }
0xa6: {  	s4 =	sshll.u32 s26, $0x1;
	_ =	strace $0x8000004C;
	[dreg:$0x1] =	wrdreg $0xFFFFFFFF  }
0xa7: {  	s28 =	simm.s32 $_size_execute0_lowered;
	s2 =	sadd.s32 s2, s4;
	[dreg:$0x0] =	wrdreg $0x0  }
0xa8: {  	s4 =	sshll.u32 s28, $0x1;
	[dreg:$0x2] =	wrdreg s2  }
0xa9: {  	[dreg:$0x3] =	wrdreg s4  }
0xaa: {  	[dreg:$0x4] =	wrdreg $0xC0  }
0xab: {  	_ =	task [dreg:s6], $0x5FFFF  }
0xac: {  	[dreg:$0x1] =	wrdreg $0xFFFFFFFF  }
0xad: {  	[dreg:$0x0] =	wrdreg $0x60  }
0xae: {  	[dreg:$0x2] =	wrdreg s24  }
0xaf: {  	[dreg:$0x3] =	wrdreg $0x9  }
0xb0: {  	_ =	task.clear_ibuf [dreg:s6], $0x4FFFF;
	_ =	strace $0x9000004C  }
0xb1: {  	s29 =	simm.s32 $0x9;
	_ =	strace $0x8000004E  }
0xb2: {  	_ =	swait.ge [sflag:s29], $0x1  }
0xb3: {  	[sflag:s29] =	ssyncadd.s32 $0xFFFFFFFF  }
0xb4: {  	_ =	strace $0x9000004E  }
0xb5: {  	_ =	sfence  }
0xb6: {  	s30 =	sld [smem:$0x0];
	_ =	sdelay $0x2  }
0xb7: {  	s31 =	sshll.u32 s1, $0xD;
	s1 =	sshrl.u32 s1, $0x2  }
0xb8: {  	s3 =	sand.u32 $0x4000, s31;
	s1 =	sadd.s32 s1, s30  }
0xb9: {  	s0 =	sor.u32 s3, s0;
	s1 =	sshll.u32 s1, $0x11  }
0xba: {  	s0 =	sor.u32 s1, s0  }
0xbb: {  	s0 =	sadd.s32 $0x8F2B, s0  }
0xbc: {  	[sflag:s0] =	ssyncadd.remote.s32 $0x1  }
0xbd: {  	_ =	sfence.sel $0xFFFF  }
0xbe: {  	[dreg:$0x0] =	wrdreg $0xFFFFFFFF;
	(pc) =	sbr.abs _section_cstart, $3  }
0xbf: {  	[dreg:$0x1] =	wrdreg $0xFFFFFFFF  }
0xc0: {  	_ =	task.clear_ibuf [dreg:s6], $0x2FFFF;
	_ =	strace $0x9FFFFFFF  }
0xc1: {  	(tm) =	ssettm $0x7FFFFFFF  }
tec
execute0_lowered:
.L_overlay_start_1:
0x0: {  	(tag) =	ssettag $0x1  }
0x1: {  	s4 =	rddreg [dreg:$0x0]  }
0x2: {  	s0 =	rddreg [dreg:$0x1]  }
0x3: {  	s3 =	srdreg.scid;
	s2 =	simm.s32 $0x0;
	s1 =	stileid.u32  }
0x4: {  	s10 =	simm.s32 $0x3000;
	s11 =	simm.s32 $0x5000;
	s12 =	simm.s32 $0x7000  }
0x5: {  	s13 =	simm.s32 $0x1;
	s14 =	simm.s32 $0x2;
	s15 =	simm.s32 $0x3  }
0x6: {  	s16 =	simm.s32 $0x4;
	s17 =	simm.s32 $0x0;
	s5 =	sand.u32 $0x1, s3  }
0x7: {  	[smem:$0x7FF] =	sst s2;
	s29 =	sshll.u32 s1, $0xD;
	s3 =	sadd.s32 $0x13000, s4  }
0x8: {  	s8 =	sshll.u32 s1, $0x10;
	s6 =	sshll.u32 s5, $0xC;
	_ =	strace $0x8000004D  }
0x9: {  	s7 =	ssub.s32 $0x2, s5;
	s8 =	sadd.s32 s8, s4;
	s30 =	sshll.u32 s5, $0xF  }
0xa: {  	s6 =	sor.u32 s6, s29;
	s9 =	sshrl.u32 s7, $0x1;
	s31 =	sadd.s32 s30, s8  }
0xb: {  	s8 =	simm.s32 $0x80;
	s6 =	sshrl.u32 s6, $0x3;
	s7 =	ssub.s32 s7, s9  }
0xc: {  	s9 =	simm.s32 $0x1000;
	s6 =	sadd.s32 s6, s4;
	s5 =	smax.u32 s7, $0x1  }
0xd: {  	s7 =	simm.s32 $0x5;
	s4 =	sadd.s32 $0xF000, s6;
	s6 =	sadd.s32 $0x9E000, s31  }
.LBB2_1:
0xe: {  	[tilespmem:s2], [sflag:$0x5] =	stream.linear.gather [hbm4b:s4+s2], $0x1000, $0x38;
	[tilespmem:$0x9000] =	vst v63  }
0xf: {  	_ =	swait.ge [sflag:s7], $0x1000  }
0x10: {  	[sflag:s7] =	ssyncset.done $0x0  }
0x11: {  	[sflag:s7] =	ssyncadd.s32 $0xFFFFF000  }
0x12: {  	[tilespmem:s9], [sflag:$0x1] =	stream.indirect.gather [hbm4b:s3+s8], $0x40, s2, s8, $0xb8;
	[tilespmem:$0x9000] =	vst v63  }
0x13: {  	s18 =	simm.s32 $0x80  }
0x14: {  	[tilespmem:s10], [sflag:$0x2] =	stream.indirect.gather [hbm4b:s3+s8], $0x40, s18, s8, $0xb8;
	[tilespmem:$0x9000] =	vst v63  }
0x15: {  	s28 =	simm.s32 $0x100  }
0x16: {  	[tilespmem:s11], [sflag:$0x3] =	stream.indirect.gather [hbm4b:s3+s8], $0x40, s28, s8, $0xb8;
	[tilespmem:$0x9000] =	vst v63  }
0x17: {  	s29 =	simm.s32 $0x180  }
0x18: {  	[tilespmem:s12], [sflag:$0x4] =	stream.indirect.gather [hbm4b:s3+s8], $0x40, s29, s8, $0xb8;
	[tilespmem:$0x9000] =	vst v63  }
0x19: {  	_ =	swait.ge [sflag:s13], $0x2000  }
0x1a: {  	[sflag:s13] =	ssyncset.done $0x0  }
0x1b: {  	s30 =	sadd.s32 $0x0, s6;
	[sflag:s13] =	ssyncadd.s32 $0xFFFFE000  }
0x1c: {  	[hbm4b:s30+s2] =	stream.linear.scatter [tilespmem:s9], [sflag:$0x5], $0x2000, $0x38;
	[tilespmem:$0x9000] =	vst v63  }
0x1d: {  	_ =	swait.ge [sflag:s7], $0x2000  }
0x1e: {  	[sflag:s7] =	ssyncset.done $0x0  }
0x1f: {  	[sflag:s7] =	ssyncadd.s32 $0xFFFFE000  }
0x20: {  	_ =	swait.ge [sflag:s14], $0x2000  }
0x21: {  	[sflag:s14] =	ssyncset.done $0x0  }
0x22: {  	s19 =	sadd.s32 $0x400, s30;
	[sflag:s14] =	ssyncadd.s32 $0xFFFFE000  }
0x23: {  	[hbm4b:s19+s2] =	stream.linear.scatter [tilespmem:s10], [sflag:$0x5], $0x2000, $0x38;
	[tilespmem:$0x9000] =	vst v63  }
0x24: {  	_ =	swait.ge [sflag:s7], $0x2000  }
0x25: {  	[sflag:s7] =	ssyncset.done $0x0  }
0x26: {  	[sflag:s7] =	ssyncadd.s32 $0xFFFFE000  }
0x27: {  	_ =	swait.ge [sflag:s15], $0x2000  }
0x28: {  	[sflag:s15] =	ssyncset.done $0x0  }
0x29: {  	s31 =	sadd.s32 $0x800, s30;
	[sflag:s15] =	ssyncadd.s32 $0xFFFFE000  }
0x2a: {  	[hbm4b:s31+s2] =	stream.linear.scatter [tilespmem:s11], [sflag:$0x5], $0x2000, $0x38;
	[tilespmem:$0x9000] =	vst v63  }
0x2b: {  	_ =	swait.ge [sflag:s7], $0x2000  }
0x2c: {  	[sflag:s7] =	ssyncset.done $0x0  }
0x2d: {  	[sflag:s7] =	ssyncadd.s32 $0xFFFFE000  }
0x2e: {  	_ =	swait.ge [sflag:s16], $0x2000  }
0x2f: {  	[sflag:s16] =	ssyncset.done $0x0  }
0x30: {  	s18 =	sadd.s32 $0xC00, s30;
	[sflag:s16] =	ssyncadd.s32 $0xFFFFE000  }
0x31: {  	[hbm4b:s18+s2] =	stream.linear.scatter [tilespmem:s12], [sflag:$0x5], $0x2000, $0x38;
	[tilespmem:$0x9000] =	vst v63  }
0x32: {  	_ =	swait.ge [sflag:s7], $0x2000  }
0x33: {  	s19 =	simm.s32 $0x0;
	s18 =	simm.s32 $0x1000;
	[sflag:s7] =	ssyncset.done $0x0  }
.LBB2_2:
0x34: {  	p0 =	sne.s32 s18, $0x7000;
	[sflag:s7] =	ssyncadd.s32 $0xFFFFE000;
	s19 =	sadd.s32 $0x200, s19  }
0x35: {  	[tilespmem:s9], [sflag:$0x1] =	stream.indirect.gather [hbm4b:s3+s8], $0x40, s19, s8, $0xb8;
	[tilespmem:$0x9000] =	vst v63  }
0x36: {  	s21 =	smov.u32 s18;
	s18 =	sadd.s32 $0x1000, s18;
	s20 =	sadd.s32 $0x80, s19  }
0x37: {  	[tilespmem:s10], [sflag:$0x2] =	stream.indirect.gather [hbm4b:s3+s8], $0x40, s20, s8, $0xb8;
	[tilespmem:$0x9000] =	vst v63  }
0x38: {  	s20 =	sadd.s32 $0x100, s19  }
0x39: {  	[tilespmem:s11], [sflag:$0x3] =	stream.indirect.gather [hbm4b:s3+s8], $0x40, s20, s8, $0xb8;
	[tilespmem:$0x9000] =	vst v63  }
0x3a: {  	s20 =	sadd.s32 $0x180, s19  }
0x3b: {  	[tilespmem:s12], [sflag:$0x4] =	stream.indirect.gather [hbm4b:s3+s8], $0x40, s20, s8, $0xb8;
	[tilespmem:$0x9000] =	vst v63  }
0x3c: {  	_ =	swait.ge [sflag:s13], $0x2000  }
0x3d: {  	[sflag:s13] =	ssyncset.done $0x0  }
0x3e: {  	s20 =	sadd.s32 s21, s6;
	[sflag:s13] =	ssyncadd.s32 $0xFFFFE000  }
0x3f: {  	[hbm4b:s20+s2] =	stream.linear.scatter [tilespmem:s9], [sflag:$0x5], $0x2000, $0x38;
	[tilespmem:$0x9000] =	vst v63  }
0x40: {  	_ =	swait.ge [sflag:s7], $0x2000  }
0x41: {  	[sflag:s7] =	ssyncset.done $0x0  }
0x42: {  	[sflag:s7] =	ssyncadd.s32 $0xFFFFE000  }
0x43: {  	_ =	swait.ge [sflag:s14], $0x2000  }
0x44: {  	[sflag:s14] =	ssyncset.done $0x0  }
0x45: {  	s21 =	sadd.s32 $0x400, s20;
	[sflag:s14] =	ssyncadd.s32 $0xFFFFE000  }
0x46: {  	[hbm4b:s21+s2] =	stream.linear.scatter [tilespmem:s10], [sflag:$0x5], $0x2000, $0x38;
	[tilespmem:$0x9000] =	vst v63  }
0x47: {  	_ =	swait.ge [sflag:s7], $0x2000  }
0x48: {  	[sflag:s7] =	ssyncset.done $0x0  }
0x49: {  	[sflag:s7] =	ssyncadd.s32 $0xFFFFE000  }
0x4a: {  	_ =	swait.ge [sflag:s15], $0x2000  }
0x4b: {  	[sflag:s15] =	ssyncset.done $0x0  }
0x4c: {  	s21 =	sadd.s32 $0x800, s20;
	[sflag:s15] =	ssyncadd.s32 $0xFFFFE000  }
0x4d: {  	[hbm4b:s21+s2] =	stream.linear.scatter [tilespmem:s11], [sflag:$0x5], $0x2000, $0x38;
	[tilespmem:$0x9000] =	vst v63  }
0x4e: {  	_ =	swait.ge [sflag:s7], $0x2000  }
0x4f: {  	[sflag:s7] =	ssyncset.done $0x0  }
0x50: {  	[sflag:s7] =	ssyncadd.s32 $0xFFFFE000  }
0x51: {  	_ =	swait.ge [sflag:s16], $0x2000  }
.Ltmp0:
0x52: {  	[sflag:s16] =	ssyncset.done $0x0;
	(pc) =	sbr.rel @p0 .LBB2_2-.Ltmp0, $4  }
0x53: {  	s20 =	sadd.s32 $0xC00, s20;
	[sflag:s16] =	ssyncadd.s32 $0xFFFFE000  }
0x54: {  	[hbm4b:s20+s2] =	stream.linear.scatter [tilespmem:s12], [sflag:$0x5], $0x2000, $0x38;
	[tilespmem:$0x9000] =	vst v63  }
0x55: {  	_ =	swait.ge [sflag:s7], $0x2000  }
0x56: {  	[sflag:s7] =	ssyncset.done $0x0  }
0x57: {  	s17 =	sadd.s32 $0x1, s17  }
0x58: {  	p0 =	sne.s32 s17, s5  }
.Ltmp1:
0x59: {  	_ = 	snop;
	(pc) =	sbr.rel @p0 .LBB2_1-.Ltmp1, $2  }
0x5a: {  	_ =	sdelay $0x2  }
0x5b: {  	[sflag:s7] =	ssyncadd.s32 $0xFFFFE000  }
0x5c: {  	_ =	sfence.sel $0x180000  }
0x5d: {  	[bflag:$0x0] =	sbarrier.arrive $0xFFFF  }
0x5e: {  	p0 =	sne.s32 s1, $0x0;
	_ =	strace $0x9000004D  }
0x5f: {  	s0 =	sadd.s32 @!p0 $0x100000, s0;
	[bflag:$0x2] =	sbarrier.arrive $0xFFFF  }
0x60: {  	[sflag:s0] =	ssyncadd.tile.s32 @!p0 $0x1;
	_ =	shalt  }
.Lfunc_end2:
_tile_overlayer_lowered:
.L_overlay_start_2:
0x61: {  	(tag) =	ssettag $0x2  }
0x62: {  	s0 =	rddreg [dreg:$0x0];
	s2 =	stileid.u32  }
0x63: {  	s1 =	rddreg [dreg:$0x1];
	p0 =	sne.s32 s2, $0x0  }
0x64: {  	s3 =	rddreg [dreg:$0x2];
	[bflag:$0x3] =	sbarrier.arrive $0xFFFF;
	s2 =	simm.s32 @!p0 $0x1C05  }
0x65: {  	[timem:s3], [sflag:s2] =	dma.local @!p0 [hbm:s0], s1  }
0x66: {  	s0 =	simm.s32 @!p0 $0x5  }
0x67: {  	_ =	swait.ge @!p0 [sflag:s0], s1  }
0x68: {  	s1 =	ssub.s32 @!p0 $0x0, s1;
	[sflag:s0] =	ssyncset.done @!p0 $0x0  }
0x69: {  	[sflag:s0] =	ssyncadd.s32 @!p0 s1  }
0x6a: {  	[bflag:$0x3] =	sbarrier.arrive $0xFFFF  }
0x6b: {  	_ =	shalt  }

// kernel: kernel.20.cloned.1.call-start
scs
__scs_entry_jumppad:
0x0: {  	(pc) =	sbr.rel $0x88, $3  }
0x1: {  	(tag) =	ssettag $0x0;
	lr =	simm.s32 $0x1  }
0x2: {  	[smem:$0x3F50] =	sst lr;
	_ =	strace $0xD0000000  }
0x3: {  	_ = 	snop  }
0x4: {  	_ = 	snop  }
0x5: {  	_ = 	snop  }
0x6: {  	_ = 	snop  }
0x7: {  	_ = 	snop  }
__scs_overlays_trampoline_lowered:
0x8: {  	[smem:$0x3F5F] =	sst s0  }
0x9: {  	[smem:$0x3F60] =	sst s1  }
0xa: {  	[smem:$0x3F61] =	sst s2  }
0xb: {  	[smem:$0x3F62] =	sst s3  }
0xc: {  	[smem:$0x3F63] =	sst s4  }
0xd: {  	[smem:$0x3F64] =	sst s5  }
0xe: {  	[smem:$0x3F65] =	sst s6  }
0xf: {  	[smem:$0x3F66] =	sst s7  }
0x10: {  	[smem:$0x3F67] =	sst s8  }
0x11: {  	[smem:$0x3F68] =	sst s9;
	s0 =	simm.s32 @!p0 $0x0  }
0x12: {  	s1 =	sld [smem:$0x3F4E];
	s0 =	simm.s32 @p0 $0x1  }
0x13: {  	[smem:$0x3F69] =	sst s0;
	s0 =	simm.s32 @!p1 $0x0  }
0x14: {  	s2 =	sld [smem:$0x3F4D];
	s0 =	simm.s32 @p1 $0x1  }
0x15: {  	[smem:$0x3F6A] =	sst s0;
	s0 =	simm.s32 @!p2 $0x0  }
0x16: {  	s3 =	sld [smem:$0x3FDB];
	s0 =	simm.s32 @p2 $0x1  }
0x17: {  	s4 =	simm.s32 $0x1BF5;
	[smem:$0x3F6C] =	sst s0  }
0x18: {  	s0 =	sld [smem:$0x3F4F];
	_ =	swait.ge [sflag:s4], $0x0  }
0x19: {  	s7 =	sld [smem:$0x3F50]  }
0x1a: {  	s8 =	sadd.s32 $0xFFFFE003, lr  }
0x1b: {  	s9 =	sadd.s32 $0xFFFFFEF7, lr;
	s5 =	simm.s32 $0xFFFFFFFF;
	p2 =	slt.u32 s8, $0xFFFFF086  }
0x1c: {  	p1 =	slt.u32 s9, $0xF7A;
	s5 =	simm.s32 @!p2 $0x0  }
0x1d: {  	s5 =	simm.s32 @p1 $0x1;
	p0 =	seq.s32 s7, s2  }
0x1e: {  	s7 =	smul.u32 @!p0 $0xF7A, s2;
	p2 =	seq.s32 @!p0 s5, $0x0  }
0x1f: {  	s9 =	smul.u32 $0xF7A, s1;
	s8 =	simm.s32 @!p0 $0x1BF5;
	p2 =	por !p2, p0  }
0x20: {  	[sflag:s8] =	ssyncset.s32 @!p0 $0xFFFFF086;
	s6 =	sadd.s32 @!p0 s3, s7;
	s7 =	simm.s32 @!p0 $0x108  }
0x21: {  	s3 =	sadd.s32 s3, s9;
	s6 =	sadd.s32 @!p0 $0x88, s6;
	s7 =	simm.s32 @p2 $0x1082  }
0x22: {  	[simem:s7], [sflag:s8] =	dma.local @!p0 [hbm:s6], $0xF7A  }
0x23: {  	s9 =	sor.u32 $0xD0000000, s2;
	s6 =	simm.s32 $0x108;
	_ =	swait.ge @!p0 [sflag:s8], $0x0  }
0x24: {  	s3 =	sadd.s32 $0x88, s3;
	s6 =	simm.s32 @!p1 $0x1082;
	[sflag:s4] =	ssyncset.s32 $0xFFFFF086  }
0x25: {  	[simem:s6], [sflag:s4] =	dma.local [hbm:s3], $0xF7A  }
0x26: {  	[smem:$0x3F50] =	sst s1;
	(tag) =	ssettag s2;
	_ =	strace s9  }
0x27: {  	s1 =	sld [smem:$0x3F60]  }
0x28: {  	s2 =	sld [smem:$0x3F61]  }
0x29: {  	s4 =	sld [smem:$0x3F63]  }
0x2a: {  	p0 =	seq.s32 s5, $0x0;
	s5 =	sld [smem:$0x3F64]  }
0x2b: {  	s6 =	sld [smem:$0x3F65]  }
0x2c: {  	s7 =	sld [smem:$0x3F66]  }
0x2d: {  	s3 =	simm.s32 $0x108;
	s8 =	sld [smem:$0x3F67]  }
0x2e: {  	s3 =	simm.s32 @!p0 $0x1082;
	s9 =	sld [smem:$0x3F68]  }
0x2f: {  	lr =	sadd.s32 s0, s3;
	s0 =	sld [smem:$0x3F5F]  }
0x30: {  	s3 =	sld [smem:$0x3F62]  }
0x31: {  	[smem:$0x3F6B] =	sst s10  }
0x32: {  	s10 =	sld [smem:$0x3F69];
	_ =	sdelay $0x3  }
0x33: {  	p0 =	seq.s32 s10, $0x1;
	s10 =	sld [smem:$0x3F6B];
	_ =	sdelay $0x3  }
0x34: {  	[smem:$0x3F6B] =	sst s10  }
0x35: {  	s10 =	sld [smem:$0x3F6A];
	_ =	sdelay $0x3  }
0x36: {  	p1 =	seq.s32 s10, $0x1;
	s10 =	sld [smem:$0x3F6B];
	_ =	sdelay $0x3  }
0x37: {  	[smem:$0x3F6B] =	sst s10  }
0x38: {  	s10 =	sld [smem:$0x3F6C]  }
0x39: {  	_ = 	snop;
	(pc) =	sbr.ind lr, $3  }
0x3a: {  	_ = 	snop  }
0x3b: {  	_ = 	snop  }
0x3c: {  	p2 =	seq.s32 s10, $0x1;
	s10 =	sld [smem:$0x3F6B]  }
0x3d: {  	_ =	shalt  }
0x3e: {  	_ =	shalt  }
0x3f: {  	_ =	shalt  }
0x40: {  	_ =	shalt  }
0x41: {  	_ =	shalt  }
0x42: {  	_ =	shalt  }
0x43: {  	_ =	shalt  }
0x44: {  	_ =	shalt  }
0x45: {  	_ =	shalt  }
0x46: {  	_ =	shalt  }
0x47: {  	_ =	shalt  }
0x48: {  	_ =	shalt  }
0x49: {  	_ =	shalt  }
0x4a: {  	_ =	shalt  }
0x4b: {  	_ =	shalt  }
0x4c: {  	_ =	shalt  }
0x4d: {  	_ =	shalt  }
0x4e: {  	_ =	shalt  }
0x4f: {  	_ =	shalt  }
0x50: {  	_ =	shalt  }
0x51: {  	_ =	shalt  }
0x52: {  	_ =	shalt  }
0x53: {  	_ =	shalt  }
0x54: {  	_ =	shalt  }
0x55: {  	_ =	shalt  }
0x56: {  	_ =	shalt  }
0x57: {  	_ =	shalt  }
0x58: {  	_ =	shalt  }
0x59: {  	_ =	shalt  }
0x5a: {  	_ =	shalt  }
0x5b: {  	_ =	shalt  }
0x5c: {  	_ =	shalt  }
0x5d: {  	_ =	shalt  }
0x5e: {  	_ =	shalt  }
0x5f: {  	_ =	shalt  }
0x60: {  	_ =	shalt  }
0x61: {  	_ =	shalt  }
0x62: {  	_ =	shalt  }
0x63: {  	_ =	shalt  }
0x64: {  	_ =	shalt  }
0x65: {  	_ =	shalt  }
0x66: {  	_ =	shalt  }
0x67: {  	_ =	shalt  }
0x68: {  	_ =	shalt  }
0x69: {  	_ =	shalt  }
0x6a: {  	_ =	shalt  }
0x6b: {  	_ =	shalt  }
0x6c: {  	_ =	shalt  }
0x6d: {  	_ =	shalt  }
0x6e: {  	_ =	shalt  }
0x6f: {  	_ =	shalt  }
0x70: {  	_ =	shalt  }
0x71: {  	_ =	shalt  }
0x72: {  	_ =	shalt  }
0x73: {  	_ =	shalt  }
0x74: {  	_ =	shalt  }
0x75: {  	_ =	shalt  }
0x76: {  	_ =	shalt  }
0x77: {  	_ =	shalt  }
0x78: {  	_ =	shalt  }
0x79: {  	_ =	shalt  }
0x7a: {  	_ =	shalt  }
0x7b: {  	_ =	shalt  }
0x7c: {  	_ =	shalt  }
0x7d: {  	_ =	shalt  }
0x7e: {  	_ =	shalt  }
0x7f: {  	_ =	shalt  }
0x80: {  	_ =	shalt  }
0x81: {  	_ =	shalt  }
0x82: {  	_ =	shalt  }
0x83: {  	_ =	shalt  }
0x84: {  	_ =	shalt  }
0x85: {  	_ =	shalt  }
0x86: {  	_ =	shalt  }
0x87: {  	_ =	shalt  }
.Lfunc_end0:
.L_simem_size_0:
called_computation.3_lowered:
.L_overlay_start_0:
0x88: {  	s2 =	sld [smem:$0x3FD9]  }
0x89: {  	s3 =	sld [smem:$0x3FFE];
	_ =	sdelay $0x1  }
0x8a: {  	s1 =	srdreg.scid  }
0x8b: {  	s0 =	sand.u32 $0x1, s1  }
0x8c: {  	s16 =	sshll.u32 s0, $0xA;
	s2 =	sadd.s32 s3, s2  }
0x8d: {  	s2 =	sadd.s32 s2, s16  }
0x8e: {  	[smem:$0x3F77] =	sst s2  }
0x8f: {  	_ = 	snop  }
0x90: {  	(tm) =	ssettm $0x1  }
0x91: {  	s17 =	sld [smem:$0x3FFB];
	_ =	sdelay $0x3  }
0x92: {  	_ =	strace s17  }
0x93: {  	s2 =	sld [smem:$0x3FFC];
	_ =	sdelay $0x3  }
0x94: {  	_ =	strace s2  }
0x95: {  	s2 =	sld [smem:$0x3FFD];
	_ =	sdelay $0x3  }
0x96: {  	_ =	strace s2  }
0x97: {  	_ =	strace $0x8FFFFFFF  }
0x98: {  	s18 =	sld [smem:$0x3FDB];
	_ =	sdelay $0x1  }
0x99: {  	s19 =	simm.s32 $_scs_section_size  }
0x9a: {  	s4 =	simm.s32 $_size__tile_overlayer_lowered;
	s5 =	simm.s32 $_tile_overlayer_lowered  }
0x9b: {  	s22 =	simm.s32 $0x1BFF;
	s21 =	sshll.u32 s5, $0x1;
	s2 =	sadd.s32 s19, s18  }
0x9c: {  	s6 =	simm.s32 $0x0;
	s20 =	sshll.u32 s4, $0x1;
	s4 =	sadd.s32 s21, s2  }
0x9d: {  	[timem:s6], [sflag:s22] =	dma.local [hbm:s4], s20  }
0x9e: {  	_ =	swait.ge [sflag:s22], s20  }
0x9f: {  	s3 =	ssub.s32 $0x0, s20;
	[sflag:s22] =	ssyncset.done $0x0  }
0xa0: {  	[sflag:s22] =	ssyncadd.s32 s3;
	_ =	sdelay $0x1  }
0xa1: {  	s23 =	simm.s32 $0x1B8B  }
0xa2: {  	_ =	swait.ge [sflag:s23], $0x1  }
0xa3: {  	[sflag:s23] =	ssyncset.done $0x0  }
0xa4: {  	s25 =	simm.s32 $0x1B8E;
	s24 =	sld [smem:$0x3FFE];
	[sflag:s23] =	ssyncadd.s32 $0xFFFFFFFF  }
0xa5: {  	s26 =	simm.s32 $execute0_lowered;
	[smem:$0x3FD2] =	sst s25  }
0xa6: {  	s4 =	sshll.u32 s26, $0x1;
	_ =	strace $0x8000004F;
	[dreg:$0x1] =	wrdreg $0xFFFFFFFF  }
0xa7: {  	s28 =	simm.s32 $_size_execute0_lowered;
	s2 =	sadd.s32 s2, s4;
	[dreg:$0x0] =	wrdreg $0x0  }
0xa8: {  	s4 =	sshll.u32 s28, $0x1;
	[dreg:$0x2] =	wrdreg s2  }
0xa9: {  	[dreg:$0x3] =	wrdreg s4  }
0xaa: {  	[dreg:$0x4] =	wrdreg $0xC0  }
0xab: {  	_ =	task [dreg:s6], $0x5FFFF  }
0xac: {  	[dreg:$0x1] =	wrdreg $0xFFFFFFFF  }
0xad: {  	[dreg:$0x0] =	wrdreg $0x60  }
0xae: {  	[dreg:$0x2] =	wrdreg s24  }
0xaf: {  	[dreg:$0x3] =	wrdreg $0x9  }
0xb0: {  	_ =	task.clear_ibuf [dreg:s6], $0x4FFFF;
	_ =	strace $0x9000004F  }
0xb1: {  	s29 =	simm.s32 $0x9;
	_ =	strace $0x80000051  }
0xb2: {  	_ =	swait.ge [sflag:s29], $0x1  }
0xb3: {  	[sflag:s29] =	ssyncadd.s32 $0xFFFFFFFF  }
0xb4: {  	_ =	strace $0x90000051  }
0xb5: {  	_ =	sfence  }
0xb6: {  	s30 =	sld [smem:$0x0];
	_ =	sdelay $0x2  }
0xb7: {  	s31 =	sshll.u32 s1, $0xD;
	s1 =	sshrl.u32 s1, $0x2  }
0xb8: {  	s3 =	sand.u32 $0x4000, s31;
	s1 =	sadd.s32 s1, s30  }
0xb9: {  	s0 =	sor.u32 s3, s0;
	s1 =	sshll.u32 s1, $0x11  }
0xba: {  	s0 =	sor.u32 s1, s0  }
0xbb: {  	s0 =	sadd.s32 $0x8F2B, s0  }
0xbc: {  	[sflag:s0] =	ssyncadd.remote.s32 $0x1  }
0xbd: {  	_ =	sfence.sel $0xFFFF  }
0xbe: {  	[dreg:$0x0] =	wrdreg $0xFFFFFFFF;
	(pc) =	sbr.abs _section_cstart, $3  }
0xbf: {  	[dreg:$0x1] =	wrdreg $0xFFFFFFFF  }
0xc0: {  	_ =	task.clear_ibuf [dreg:s6], $0x2FFFF;
	_ =	strace $0x9FFFFFFF  }
0xc1: {  	(tm) =	ssettm $0x7FFFFFFF  }
tec
execute0_lowered:
.L_overlay_start_1:
0x0: {  	(tag) =	ssettag $0x1  }
0x1: {  	s1 =	srdreg.scid;
	s0 =	stileid.u32  }
0x2: {  	s20 =	sand.u32 $0x1, s1;
	s31 =	sshll.u32 s0, $0x1  }
0x3: {  	s8 =	sor.u32 s20, s31  }
0x4: {  	s10 =	rddreg [dreg:$0x0];
	s3 =	smul.u32 $0x60, s8  }
0x5: {  	s2 =	simm.s32 $0x0;
	s1 =	rddreg [dreg:$0x1]  }
0x6: {  	[smem:$0x7FF] =	sst s2;
	s3 =	sadd.s32 s3, s10  }
0x7: {  	_ =	strace $0x80000050;
	s4 =	sadd.s32 $0x96800, s3;
	s3 =	simm.s32 $0x3  }
0x8: {  	[tilespmem:s2], [sflag:$0x3] =	stream.linear.gather [hbm4b:s4+s2], $0x300, $0x38;
	[tilespmem:$0x5300] =	vst v63  }
0x9: {  	_ =	swait.ge [sflag:s3], $0x300  }
0xa: {  	s6 =	simm.s32 $0x80;
	[sflag:s3] =	ssyncset.done $0x0  }
0xb: {  	s7 =	simm.s32 $0x300;
	s5 =	sadd.s32 $0xF000, s10;
	[sflag:s3] =	ssyncadd.s32 $0xFFFFFD00  }
0xc: {  	[tilespmem:s7], [sflag:$0x1] =	stream.indirect.gather [hbm4b:s5+s6], $0x50, s2, s6, $0xb8;
	[tilespmem:$0x5300] =	vst v63  }
0xd: {  	s9 =	simm.s32 $0x1;
	s11 =	smul.u32 $0x1E00, s8;
	s8 =	simm.s32 $0x2B00  }
0xe: {  	[tilespmem:s8], [sflag:$0x2] =	stream.indirect.gather [hbm4b:s5+s6], $0x50, s6, s6, $0xb8;
	[tilespmem:$0x5300] =	vst v63  }
0xf: {  	_ =	swait.ge [sflag:s9], $0x2800  }
0x10: {  	s21 =	sadd.s32 s11, s10;
	[sflag:s9] =	ssyncset.done $0x0  }
0x11: {  	s10 =	sadd.s32 $0x37000, s21;
	[sflag:s9] =	ssyncadd.s32 $0xFFFFD800  }
0x12: {  	[hbm4b:s10+s2] =	stream.linear.scatter [tilespmem:s7], [sflag:$0x3], $0x2800, $0x38;
	[tilespmem:$0x5300] =	vst v63  }
0x13: {  	_ =	swait.ge [sflag:s3], $0x2800  }
0x14: {  	[sflag:s3] =	ssyncset.done $0x0  }
0x15: {  	s11 =	simm.s32 $0x2;
	[sflag:s3] =	ssyncadd.s32 $0xFFFFD800  }
0x16: {  	_ =	swait.ge [sflag:s11], $0x2800  }
0x17: {  	[sflag:s11] =	ssyncset.done $0x0  }
0x18: {  	s12 =	sadd.s32 $0x37500, s21;
	[sflag:s11] =	ssyncadd.s32 $0xFFFFD800  }
0x19: {  	[hbm4b:s12+s2] =	stream.linear.scatter [tilespmem:s8], [sflag:$0x3], $0x2800, $0x38;
	[tilespmem:$0x5300] =	vst v63  }
0x1a: {  	_ =	swait.ge [sflag:s3], $0x2800  }
0x1b: {  	[sflag:s3] =	ssyncset.done $0x0  }
0x1c: {  	s13 =	simm.s32 $0x100;
	[sflag:s3] =	ssyncadd.s32 $0xFFFFD800  }
0x1d: {  	[tilespmem:s7], [sflag:$0x1] =	stream.indirect.gather [hbm4b:s5+s6], $0x50, s13, s6, $0xb8;
	[tilespmem:$0x5300] =	vst v63  }
0x1e: {  	s14 =	simm.s32 $0x180  }
0x1f: {  	[tilespmem:s8], [sflag:$0x2] =	stream.indirect.gather [hbm4b:s5+s6], $0x50, s14, s6, $0xb8;
	[tilespmem:$0x5300] =	vst v63  }
0x20: {  	_ =	swait.ge [sflag:s9], $0x2800  }
0x21: {  	[sflag:s9] =	ssyncset.done $0x0  }
0x22: {  	s15 =	sadd.s32 $0x37A00, s21;
	[sflag:s9] =	ssyncadd.s32 $0xFFFFD800  }
0x23: {  	[hbm4b:s15+s2] =	stream.linear.scatter [tilespmem:s7], [sflag:$0x3], $0x2800, $0x38;
	[tilespmem:$0x5300] =	vst v63  }
0x24: {  	_ =	swait.ge [sflag:s3], $0x2800  }
0x25: {  	[sflag:s3] =	ssyncset.done $0x0  }
0x26: {  	[sflag:s3] =	ssyncadd.s32 $0xFFFFD800  }
0x27: {  	_ =	swait.ge [sflag:s11], $0x2800  }
0x28: {  	[sflag:s11] =	ssyncset.done $0x0  }
0x29: {  	s16 =	sadd.s32 $0x37F00, s21;
	[sflag:s11] =	ssyncadd.s32 $0xFFFFD800  }
0x2a: {  	[hbm4b:s16+s2] =	stream.linear.scatter [tilespmem:s8], [sflag:$0x3], $0x2800, $0x38;
	[tilespmem:$0x5300] =	vst v63  }
0x2b: {  	_ =	swait.ge [sflag:s3], $0x2800  }
0x2c: {  	[sflag:s3] =	ssyncset.done $0x0  }
0x2d: {  	s17 =	simm.s32 $0x200;
	[sflag:s3] =	ssyncadd.s32 $0xFFFFD800  }
0x2e: {  	[tilespmem:s7], [sflag:$0x1] =	stream.indirect.gather [hbm4b:s5+s6], $0x50, s17, s6, $0xb8;
	[tilespmem:$0x5300] =	vst v63  }
0x2f: {  	s18 =	simm.s32 $0x280  }
0x30: {  	[tilespmem:s8], [sflag:$0x2] =	stream.indirect.gather [hbm4b:s5+s6], $0x50, s18, s6, $0xb8;
	[tilespmem:$0x5300] =	vst v63  }
0x31: {  	_ =	swait.ge [sflag:s9], $0x2800  }
0x32: {  	[sflag:s9] =	ssyncset.done $0x0  }
0x33: {  	s20 =	ssub.s32 $0x2, s20;
	s19 =	sadd.s32 $0x38400, s21;
	[sflag:s9] =	ssyncadd.s32 $0xFFFFD800  }
0x34: {  	[hbm4b:s19+s2] =	stream.linear.scatter [tilespmem:s7], [sflag:$0x3], $0x2800, $0x38;
	[tilespmem:$0x5300] =	vst v63  }
0x35: {  	s22 =	sshrl.u32 s20, $0x1;
	_ =	swait.ge [sflag:s3], $0x2800  }
0x36: {  	s20 =	ssub.s32 s20, s22;
	[sflag:s3] =	ssyncset.done $0x0  }
0x37: {  	s22 =	smax.u32 s20, $0x1;
	[sflag:s3] =	ssyncadd.s32 $0xFFFFD800  }
0x38: {  	p0 =	sne.s32 s22, $0x1;
	_ =	swait.ge [sflag:s11], $0x2800  }
.Ltmp0:
0x39: {  	[sflag:s11] =	ssyncset.done $0x0;
	(pc) =	sbr.rel @!p0 .LBB2_2-.Ltmp0, $4  }
0x3a: {  	s20 =	sadd.s32 $0x38900, s21;
	[sflag:s11] =	ssyncadd.s32 $0xFFFFD800  }
0x3b: {  	[hbm4b:s20+s2] =	stream.linear.scatter [tilespmem:s8], [sflag:$0x3], $0x2800, $0x38;
	[tilespmem:$0x5300] =	vst v63  }
0x3c: {  	_ =	swait.ge [sflag:s3], $0x2800  }
0x3d: {  	s21 =	sadd.s32 $0xFFFFFFFF, s22;
	[sflag:s3] =	ssyncset.done $0x0  }
.LBB2_1:
0x3e: {  	p0 =	sne.s32 s21, $0x1;
	s21 =	sadd.s32 $0xFFFFFFFF, s21;
	[sflag:s3] =	ssyncadd.s32 $0xFFFFD800  }
0x3f: {  	[tilespmem:s2], [sflag:$0x3] =	stream.linear.gather [hbm4b:s4+s2], $0x300, $0x38;
	[tilespmem:$0x5300] =	vst v63  }
0x40: {  	_ =	swait.ge [sflag:s3], $0x300  }
0x41: {  	[sflag:s3] =	ssyncset.done $0x0  }
0x42: {  	[sflag:s3] =	ssyncadd.s32 $0xFFFFFD00  }
0x43: {  	[tilespmem:s7], [sflag:$0x1] =	stream.indirect.gather [hbm4b:s5+s6], $0x50, s2, s6, $0xb8;
	[tilespmem:$0x5300] =	vst v63  }
0x44: {  	_ = 	snop  }
0x45: {  	[tilespmem:s8], [sflag:$0x2] =	stream.indirect.gather [hbm4b:s5+s6], $0x50, s6, s6, $0xb8;
	[tilespmem:$0x5300] =	vst v63  }
0x46: {  	_ =	swait.ge [sflag:s9], $0x2800  }
0x47: {  	[sflag:s9] =	ssyncset.done $0x0  }
0x48: {  	[sflag:s9] =	ssyncadd.s32 $0xFFFFD800  }
0x49: {  	[hbm4b:s10+s2] =	stream.linear.scatter [tilespmem:s7], [sflag:$0x3], $0x2800, $0x38;
	[tilespmem:$0x5300] =	vst v63  }
0x4a: {  	_ =	swait.ge [sflag:s3], $0x2800  }
0x4b: {  	[sflag:s3] =	ssyncset.done $0x0  }
0x4c: {  	[sflag:s3] =	ssyncadd.s32 $0xFFFFD800  }
0x4d: {  	_ =	swait.ge [sflag:s11], $0x2800  }
0x4e: {  	[sflag:s11] =	ssyncset.done $0x0  }
0x4f: {  	[sflag:s11] =	ssyncadd.s32 $0xFFFFD800  }
0x50: {  	[hbm4b:s12+s2] =	stream.linear.scatter [tilespmem:s8], [sflag:$0x3], $0x2800, $0x38;
	[tilespmem:$0x5300] =	vst v63  }
0x51: {  	_ =	swait.ge [sflag:s3], $0x2800  }
0x52: {  	[sflag:s3] =	ssyncset.done $0x0  }
0x53: {  	[sflag:s3] =	ssyncadd.s32 $0xFFFFD800  }
0x54: {  	[tilespmem:s7], [sflag:$0x1] =	stream.indirect.gather [hbm4b:s5+s6], $0x50, s13, s6, $0xb8;
	[tilespmem:$0x5300] =	vst v63  }
0x55: {  	_ = 	snop  }
0x56: {  	[tilespmem:s8], [sflag:$0x2] =	stream.indirect.gather [hbm4b:s5+s6], $0x50, s14, s6, $0xb8;
	[tilespmem:$0x5300] =	vst v63  }
0x57: {  	_ =	swait.ge [sflag:s9], $0x2800  }
0x58: {  	[sflag:s9] =	ssyncset.done $0x0  }
0x59: {  	[sflag:s9] =	ssyncadd.s32 $0xFFFFD800  }
0x5a: {  	[hbm4b:s15+s2] =	stream.linear.scatter [tilespmem:s7], [sflag:$0x3], $0x2800, $0x38;
	[tilespmem:$0x5300] =	vst v63  }
0x5b: {  	_ =	swait.ge [sflag:s3], $0x2800  }
0x5c: {  	[sflag:s3] =	ssyncset.done $0x0  }
0x5d: {  	[sflag:s3] =	ssyncadd.s32 $0xFFFFD800  }
0x5e: {  	_ =	swait.ge [sflag:s11], $0x2800  }
0x5f: {  	[sflag:s11] =	ssyncset.done $0x0  }
0x60: {  	[sflag:s11] =	ssyncadd.s32 $0xFFFFD800  }
0x61: {  	[hbm4b:s16+s2] =	stream.linear.scatter [tilespmem:s8], [sflag:$0x3], $0x2800, $0x38;
	[tilespmem:$0x5300] =	vst v63  }
0x62: {  	_ =	swait.ge [sflag:s3], $0x2800  }
0x63: {  	[sflag:s3] =	ssyncset.done $0x0  }
0x64: {  	[sflag:s3] =	ssyncadd.s32 $0xFFFFD800  }
0x65: {  	[tilespmem:s7], [sflag:$0x1] =	stream.indirect.gather [hbm4b:s5+s6], $0x50, s17, s6, $0xb8;
	[tilespmem:$0x5300] =	vst v63  }
0x66: {  	_ = 	snop  }
0x67: {  	[tilespmem:s8], [sflag:$0x2] =	stream.indirect.gather [hbm4b:s5+s6], $0x50, s18, s6, $0xb8;
	[tilespmem:$0x5300] =	vst v63  }
0x68: {  	_ =	swait.ge [sflag:s9], $0x2800  }
0x69: {  	[sflag:s9] =	ssyncset.done $0x0  }
0x6a: {  	[sflag:s9] =	ssyncadd.s32 $0xFFFFD800  }
0x6b: {  	[hbm4b:s19+s2] =	stream.linear.scatter [tilespmem:s7], [sflag:$0x3], $0x2800, $0x38;
	[tilespmem:$0x5300] =	vst v63  }
0x6c: {  	_ =	swait.ge [sflag:s3], $0x2800  }
0x6d: {  	[sflag:s3] =	ssyncset.done $0x0  }
0x6e: {  	[sflag:s3] =	ssyncadd.s32 $0xFFFFD800  }
0x6f: {  	_ =	swait.ge [sflag:s11], $0x2800  }
.Ltmp1:
0x70: {  	[sflag:s11] =	ssyncset.done $0x0;
	(pc) =	sbr.rel @p0 .LBB2_1-.Ltmp1, $4  }
0x71: {  	[sflag:s11] =	ssyncadd.s32 $0xFFFFD800  }
0x72: {  	[hbm4b:s20+s2] =	stream.linear.scatter [tilespmem:s8], [sflag:$0x3], $0x2800, $0x38;
	[tilespmem:$0x5300] =	vst v63  }
0x73: {  	_ =	swait.ge [sflag:s3], $0x2800  }
0x74: {  	[sflag:s3] =	ssyncset.done $0x0  }
.LBB2_2:
0x75: {  	[sflag:s3] =	ssyncadd.s32 $0xFFFFD800  }
0x76: {  	_ =	sfence.sel $0x180000  }
0x77: {  	[bflag:$0x0] =	sbarrier.arrive $0xFFFF  }
0x78: {  	p0 =	sne.s32 s0, $0x0;
	_ =	strace $0x90000050  }
0x79: {  	s0 =	sadd.s32 @!p0 $0x100000, s1;
	[bflag:$0x2] =	sbarrier.arrive $0xFFFF  }
0x7a: {  	[sflag:s0] =	ssyncadd.tile.s32 @!p0 $0x1;
	_ =	shalt  }
.Lfunc_end2:
_tile_overlayer_lowered:
.L_overlay_start_2:
0x7b: {  	(tag) =	ssettag $0x2  }
0x7c: {  	s0 =	rddreg [dreg:$0x0];
	s2 =	stileid.u32  }
0x7d: {  	s1 =	rddreg [dreg:$0x1];
	p0 =	sne.s32 s2, $0x0  }
0x7e: {  	s3 =	rddreg [dreg:$0x2];
	[bflag:$0x3] =	sbarrier.arrive $0xFFFF;
	s2 =	simm.s32 @!p0 $0x1C03  }
0x7f: {  	[timem:s3], [sflag:s2] =	dma.local @!p0 [hbm:s0], s1  }
0x80: {  	s0 =	simm.s32 @!p0 $0x3  }
0x81: {  	_ =	swait.ge @!p0 [sflag:s0], s1  }
0x82: {  	s1 =	ssub.s32 @!p0 $0x0, s1;
	[sflag:s0] =	ssyncset.done @!p0 $0x0  }
0x83: {  	[sflag:s0] =	ssyncadd.s32 @!p0 s1  }
0x84: {  	[bflag:$0x3] =	sbarrier.arrive $0xFFFF  }
0x85: {  	_ =	shalt  }

</sc_bundles>
